<compile_context>
chip_gen: v7x
topology: tpu7x:2x2x1
jax: 0.10.2.dev20260603
libtpu: 0.0.44.dev20260713+nightly
codegen_flags: <defaults>
</compile_context>

<pallas_src>
import functools

import jax
import jax.numpy as jnp
from jax import lax
from jax.experimental import pallas as pl
from jax.experimental.pallas import tpu as pltpu
from jax.experimental.pallas import tpu_sc as plsc

N_TILE = 512
SC_B = 1

_NC, _NS, _NL = 2, 16, 16
_NW = _NC * _NS


def _tc_body(x1_ref, x2t_ref, dist1_ref, dist2_ref):
    i = pl.program_id(1)
    x1 = x1_ref[0]
    x2t = x2t_ref[0]

    sq1 = jnp.sum(x1 * x1, axis=1, keepdims=True)
    sq1_hi = sq1.astype(jnp.bfloat16)
    sq1_lo = (sq1 - sq1_hi.astype(jnp.float32)).astype(jnp.bfloat16)
    n = x1.shape[0]
    lhs = jnp.concatenate(
        [
            (-2.0 * x1).astype(jnp.bfloat16),
            sq1_hi,
            sq1_lo,
            jnp.ones((n, 2), jnp.bfloat16),
            jnp.zeros((n, 1), jnp.bfloat16),
        ],
        axis=1,
    )

    sq2 = jnp.sum(x2t * x2t, axis=0, keepdims=True)
    sq2_hi = sq2.astype(jnp.bfloat16)
    sq2_lo = (sq2 - sq2_hi.astype(jnp.float32)).astype(jnp.bfloat16)
    m = x2t.shape[1]
    rhs = jnp.concatenate(
        [
            x2t.astype(jnp.bfloat16),
            jnp.ones((2, m), jnp.bfloat16),
            sq2_hi,
            sq2_lo,
            jnp.zeros((1, m), jnp.bfloat16),
        ],
        axis=0,
    )

    d = jax.lax.dot_general(
        lhs, rhs, (((1,), (0,)), ((), ())),
        preferred_element_type=jnp.float32,
    )

    dist1_ref[0, 0] = jnp.maximum(jnp.min(d, axis=1), 0.0)
    part2 = jnp.maximum(jnp.min(d, axis=0), 0.0)

    @pl.when(i == 0)
    def _init():
        dist2_ref[0, 0] = part2

    @pl.when(i > 0)
    def _acc():
        dist2_ref[0, 0] = jnp.minimum(dist2_ref[0, 0], part2)


def _tc_chamfer(x1, x2t):
    B, N, D = x1.shape
    M = x2t.shape[2]
    NT = N // N_TILE
    dist1, dist2 = pl.pallas_call(
        _tc_body,
        grid=(B, NT),
        in_specs=[
            pl.BlockSpec((1, N_TILE, D), lambda b, i: (b, i, 0)),
            pl.BlockSpec((1, D, M), lambda b, i: (b, 0, 0)),
        ],
        out_specs=[
            pl.BlockSpec((1, 1, N_TILE), lambda b, i: (b * NT + i, 0, 0)),
            pl.BlockSpec((1, 1, M), lambda b, i: (b, 0, 0)),
        ],
        out_shape=[
            jax.ShapeDtypeStruct((B * NT, 1, N_TILE), jnp.float32),
            jax.ShapeDtypeStruct((B, 1, M), jnp.float32),
        ],
        compiler_params=pltpu.CompilerParams(
            dimension_semantics=("arbitrary", "arbitrary"),
        ),
    )(x1, x2t)
    return dist1.reshape(B, N), dist2.reshape(B, M)


def _rne_bf16(x):
    u = lax.bitcast_convert_type(x, jnp.uint32)
    lsb = (u >> jnp.uint32(16)) & jnp.uint32(1)
    r = (u + jnp.uint32(0x7FFF) + lsb) & jnp.uint32(0xFFFF0000)
    return lax.bitcast_convert_type(r, jnp.float32)


def _sc_build_rounded(raw_ref, ax, ay, az, asq, npts):

    def body(j, _):
        s = pl.ds(j * _NL, _NL)
        x = raw_ref[0, s]
        y = raw_ref[1, s]
        z = raw_ref[2, s]
        ax[s] = _rne_bf16(x) * 2.0
        ay[s] = _rne_bf16(y) * 2.0
        az[s] = _rne_bf16(z) * 2.0
        asq[s] = x * x + y * y + z * z
        return 0

    lax.fori_loop(0, npts // _NL, body, 0)


def _sc_direction(qx_a, qy_a, qz_a, qs_a, rx_a, ry_a, rz_a, rs_a,
                  out_v, out_hbm, b, base, nref):
    idxs = [jnp.full((_NL,), k, jnp.int32) for k in range(_NL)]
    lane = lax.iota(jnp.int32, _NL)
    rot_consts = [(lane + s) & (_NL - 1) for s in (8, 4, 2, 1)]
    nblk = nref // _NL
    ngrp = out_v.shape[0] // _NL
    big = jnp.full((_NL,), 3.0e38, jnp.float32)

    def qgroup(g, _):
        qs = pl.ds(base + g * _NL, _NL)
        qbx = qx_a[qs] * 0.5
        qby = qy_a[qs] * 0.5
        qbz = qz_a[qs] * 0.5
        res = big
        for half in range(2):
            qvec = [
                (qbx[idxs[half * 8 + k]],
                 qby[idxs[half * 8 + k]],
                 qbz[idxs[half * 8 + k]])
                for k in range(8)
            ]

            @plsc.parallel_loop(0, nblk, step=1, unroll=2, carry=(big,) * 8)
            def ms(jb, carry):
                s = pl.ds(jb * _NL, _NL)
                bx = rx_a[s]
                by = ry_a[s]
                bz = rz_a[s]
                bs = rs_a[s]
                return tuple(
                    jnp.minimum(
                        carry[k],
                        bs - bx * qvec[k][0] - by * qvec[k][1] - bz * qvec[k][2],
                    )
                    for k in range(8)
                )
            for k in range(8):
                m = ms[k]
                for rv in rot_consts:
                    m = jnp.minimum(m, m[rv])
                res = jnp.where(lane == (half * 8 + k), m, res)
        out_v[pl.ds(g * _NL, _NL)] = jnp.maximum(res + qs_a[qs], 0.0)
        return 0

    lax.fori_loop(0, ngrp, qgroup, 0)
    pltpu.sync_copy(out_v, out_hbm.at[b, pl.ds(base, out_v.shape[0])])


def _sc_kernel_body(x1t_hbm, x2t_hbm, d1_hbm, d2_hbm,
                    x1v, x2v,
                    a1x, a1y, a1z, a1s,
                    a2x, a2y, a2z, a2s,
                    o1v, o2v):
    wid = lax.axis_index("s") * _NC + lax.axis_index("c")
    N = x1t_hbm.shape[2]
    M = x2t_hbm.shape[2]
    qpw1 = N // _NW
    qpw2 = M // _NW
    for b in range(SC_B):
        pltpu.sync_copy(x1t_hbm.at[b], x1v)
        pltpu.sync_copy(x2t_hbm.at[b], x2v)
        _sc_build_rounded(x1v, a1x, a1y, a1z, a1s, N)
        _sc_build_rounded(x2v, a2x, a2y, a2z, a2s, M)
        _sc_direction(a1x, a1y, a1z, a1s, a2x, a2y, a2z, a2s,
                      o1v, d1_hbm, b, wid * qpw1, M)
        _sc_direction(a2x, a2y, a2z, a2s, a1x, a1y, a1z, a1s,
                      o2v, d2_hbm, b, wid * qpw2, N)


def _sc_chamfer(x1t, x2t):
    SB, D, N = x1t.shape
    M = x2t.shape[2]
    mesh = plsc.VectorSubcoreMesh(core_axis_name="c", subcore_axis_name="s")
    run = pl.kernel(
        _sc_kernel_body,
        out_type=[
            jax.ShapeDtypeStruct((SB, N), jnp.float32),
            jax.ShapeDtypeStruct((SB, M), jnp.float32),
        ],
        mesh=mesh,
        scratch_types=[
            pltpu.VMEM((D, N), jnp.float32),
            pltpu.VMEM((D, M), jnp.float32),
            pltpu.VMEM((N,), jnp.float32),
            pltpu.VMEM((N,), jnp.float32),
            pltpu.VMEM((N,), jnp.float32),
            pltpu.VMEM((N,), jnp.float32),
            pltpu.VMEM((M,), jnp.float32),
            pltpu.VMEM((M,), jnp.float32),
            pltpu.VMEM((M,), jnp.float32),
            pltpu.VMEM((M,), jnp.float32),
            pltpu.VMEM((N // _NW,), jnp.float32),
            pltpu.VMEM((M // _NW,), jnp.float32),
        ],
    )
    return run(x1t, x2t)


@jax.jit
def kernel(input1, input2):
    B, N, D = input1.shape
    M = input2.shape[1]
    bt = B - SC_B
    x2t = input2.transpose(0, 2, 1)
    if SC_B:
        x1t_sc = input1[bt:].transpose(0, 2, 1)
        d1_sc, d2_sc = _sc_chamfer(x1t_sc, x2t[bt:])
    d1_tc, d2_tc = _tc_chamfer(input1[:bt], x2t[:bt])
    if SC_B:
        dist1 = jnp.concatenate([d1_tc, d1_sc], axis=0)
        dist2 = jnp.concatenate([d2_tc, d2_sc], axis=0)
    else:
        dist1, dist2 = d1_tc, d2_tc
    return (dist1, dist2)

# --- scband reference (transcript-rebuilt; emitter-appended) ---
"""Pipeline reference for scband-chamfer-dist-86517821211631 (READ-ONLY COPY).

The authoritative reference and input builder live on the scoring server;
editing this copy changes nothing except your own understanding.
"""

import jax, jax.numpy as jnp
import numpy as np


def setup_inputs(seed: int = 0) -> dict:
    key = jax.random.key(seed)
    k1, k2 = jax.random.split(key)
    input1 = jax.random.normal(k1, (8, 4096, 3), dtype=jnp.float32)
    input2 = jax.random.normal(k2, (8, 4096, 3), dtype=jnp.float32)
    return {"input1": input1, "input2": input2}


def reference(input1, input2):
    # Chamfer: for each point in input1, squared distance to nearest point in input2, and vice versa.
    # Pairwise squared distances via ||x||^2 + ||y||^2 - 2 x.y, computed per batch.
    sq1 = jnp.sum(input1 * input1, axis=-1)  # [B, N]
    sq2 = jnp.sum(input2 * input2, axis=-1)  # [B, M]
    inner = jnp.einsum('bnd,bmd->bnm', input1, input2)  # [B, N, M]
    d = sq1[:, :, None] + sq2[:, None, :] - 2.0 * inner  # [B, N, M]
    d = jnp.maximum(d, 0.0)
    dist1 = jnp.min(d, axis=2)  # [B, N]
    dist2 = jnp.min(d, axis=1)  # [B, M]
    return (dist1, dist2)

if __name__ == "__main__":
    import jax
    _d = setup_inputs()
    print(jax.jit(kernel)(*tuple(_d.values())))

</pallas_src>

<mosaic_0001>
#map = affine_map<(d0, d1) -> (0, 0, 0)>
#map1 = affine_map<(d0, d1) -> (0, 0)>
module attributes {stable_mosaic.version = 14 : i64} {
  func.func @_sc_kernel_body(%arg0: i32, %arg1: i32, %arg2: memref<1x3x4096xf32, #tpu.memory_space<hbm>>, %arg3: memref<1x3x4096xf32, #tpu.memory_space<hbm>>, %arg4: memref<1x4096xf32, #tpu.memory_space<hbm>>, %arg5: memref<1x4096xf32, #tpu.memory_space<hbm>>, %arg6: memref<3x4096xf32, #tpu.memory_space<vmem>>, %arg7: memref<3x4096xf32, #tpu.memory_space<vmem>>, %arg8: memref<4096xf32, #tpu.memory_space<vmem>>, %arg9: memref<4096xf32, #tpu.memory_space<vmem>>, %arg10: memref<4096xf32, #tpu.memory_space<vmem>>, %arg11: memref<4096xf32, #tpu.memory_space<vmem>>, %arg12: memref<4096xf32, #tpu.memory_space<vmem>>, %arg13: memref<4096xf32, #tpu.memory_space<vmem>>, %arg14: memref<4096xf32, #tpu.memory_space<vmem>>, %arg15: memref<4096xf32, #tpu.memory_space<vmem>>, %arg16: memref<128xf32, #tpu.memory_space<vmem>>, %arg17: memref<128xf32, #tpu.memory_space<vmem>>) attributes {dimension_semantics = [#tpu.dimension_semantics<core_parallel>, #tpu.dimension_semantics<subcore_parallel>], iteration_bounds = array<i64: 2, 16>, scalar_prefetch = 0 : i64, scratch_operands = 12 : i64, tpu.core_type = #tpu.core_type<sc_vector_subcore>, window_params = [{transform_indices = #map}, {transform_indices = #map}, {transform_indices = #map1}, {transform_indices = #map1}]} {
    %mul3A = arith.constant 2 : i32
    %mul3A_0 = arith.muli %arg1, %mul3A : i32
    %add3A = arith.addi %mul3A_0, %arg0 : i32
    %run_scoped3A = arith.constant 0 : i32
    "tpu.region"() ({
      %run_scoped3A_150 = tpu.sem_alloc : memref<!tpu.dma_semaphore, #tpu.memory_space<semaphore_mem>>
      %dma_start3A = arith.constant 0 : i32
      %dma_start3A_151 = arith.constant 0 : i32
      %dma_start3A_152 = tpu.memref_slice %arg2[%run_scoped3A, %dma_start3A, %dma_start3A_151] : memref<1x3x4096xf32, #tpu.memory_space<hbm>> -> memref<1x3x4096xf32, #tpu.memory_space<hbm>>
      %dma_start3A_153 = tpu.memref_squeeze %dma_start3A_152 : memref<1x3x4096xf32, #tpu.memory_space<hbm>> -> memref<3x4096xf32, #tpu.memory_space<hbm>>
      %dma_start3A_154 = arith.constant 0 : i32
      %dma_start3A_155 = arith.constant 0 : i32
      %dma_start3A_156 = tpu.memref_slice %arg2[%run_scoped3A, %dma_start3A_154, %dma_start3A_155] : memref<1x3x4096xf32, #tpu.memory_space<hbm>> -> memref<1x3x4096xf32, #tpu.memory_space<hbm>>
      %dma_start3A_157 = tpu.memref_squeeze %dma_start3A_156 : memref<1x3x4096xf32, #tpu.memory_space<hbm>> -> memref<3x4096xf32, #tpu.memory_space<hbm>>
      tpu.enqueue_dma source(%dma_start3A_157 : memref<3x4096xf32, #tpu.memory_space<hbm>>) target(%arg6 : memref<3x4096xf32, #tpu.memory_space<vmem>>) target_semaphore(%run_scoped3A_150 : memref<!tpu.dma_semaphore, #tpu.memory_space<semaphore_mem>>)
      %dma_wait3A = arith.constant 0 : i32
      %dma_wait3A_158 = arith.constant 0 : i32
      %dma_wait3A_159 = tpu.memref_slice %arg2[%run_scoped3A, %dma_wait3A, %dma_wait3A_158] : memref<1x3x4096xf32, #tpu.memory_space<hbm>> -> memref<1x3x4096xf32, #tpu.memory_space<hbm>>
      %dma_wait3A_160 = tpu.memref_squeeze %dma_wait3A_159 : memref<1x3x4096xf32, #tpu.memory_space<hbm>> -> memref<3x4096xf32, #tpu.memory_space<hbm>>
      %dma_wait3A_161 = arith.constant 0 : i32
      %dma_wait3A_162 = arith.constant 0 : i32
      %dma_wait3A_163 = tpu.memref_slice %arg2[%run_scoped3A, %dma_wait3A_161, %dma_wait3A_162] : memref<1x3x4096xf32, #tpu.memory_space<hbm>> -> memref<1x3x4096xf32, #tpu.memory_space<hbm>>
      %dma_wait3A_164 = tpu.memref_squeeze %dma_wait3A_163 : memref<1x3x4096xf32, #tpu.memory_space<hbm>> -> memref<3x4096xf32, #tpu.memory_space<hbm>>
      tpu.wait_dma2 semaphore(%run_scoped3A_150 : memref<!tpu.dma_semaphore, #tpu.memory_space<semaphore_mem>>) src(%dma_wait3A_164 : memref<3x4096xf32, #tpu.memory_space<hbm>>) dst(%arg6 : memref<3x4096xf32, #tpu.memory_space<vmem>>)
      tpu.yield
    }) : () -> ()
    %run_scoped3A_1 = arith.constant 0 : i32
    "tpu.region"() ({
      %run_scoped3A_150 = tpu.sem_alloc : memref<!tpu.dma_semaphore, #tpu.memory_space<semaphore_mem>>
      %dma_start3A = arith.constant 0 : i32
      %dma_start3A_151 = arith.constant 0 : i32
      %dma_start3A_152 = tpu.memref_slice %arg3[%run_scoped3A_1, %dma_start3A, %dma_start3A_151] : memref<1x3x4096xf32, #tpu.memory_space<hbm>> -> memref<1x3x4096xf32, #tpu.memory_space<hbm>>
      %dma_start3A_153 = tpu.memref_squeeze %dma_start3A_152 : memref<1x3x4096xf32, #tpu.memory_space<hbm>> -> memref<3x4096xf32, #tpu.memory_space<hbm>>
      %dma_start3A_154 = arith.constant 0 : i32
      %dma_start3A_155 = arith.constant 0 : i32
      %dma_start3A_156 = tpu.memref_slice %arg3[%run_scoped3A_1, %dma_start3A_154, %dma_start3A_155] : memref<1x3x4096xf32, #tpu.memory_space<hbm>> -> memref<1x3x4096xf32, #tpu.memory_space<hbm>>
      %dma_start3A_157 = tpu.memref_squeeze %dma_start3A_156 : memref<1x3x4096xf32, #tpu.memory_space<hbm>> -> memref<3x4096xf32, #tpu.memory_space<hbm>>
      tpu.enqueue_dma source(%dma_start3A_157 : memref<3x4096xf32, #tpu.memory_space<hbm>>) target(%arg7 : memref<3x4096xf32, #tpu.memory_space<vmem>>) target_semaphore(%run_scoped3A_150 : memref<!tpu.dma_semaphore, #tpu.memory_space<semaphore_mem>>)
      %dma_wait3A = arith.constant 0 : i32
      %dma_wait3A_158 = arith.constant 0 : i32
      %dma_wait3A_159 = tpu.memref_slice %arg3[%run_scoped3A_1, %dma_wait3A, %dma_wait3A_158] : memref<1x3x4096xf32, #tpu.memory_space<hbm>> -> memref<1x3x4096xf32, #tpu.memory_space<hbm>>
      %dma_wait3A_160 = tpu.memref_squeeze %dma_wait3A_159 : memref<1x3x4096xf32, #tpu.memory_space<hbm>> -> memref<3x4096xf32, #tpu.memory_space<hbm>>
      %dma_wait3A_161 = arith.constant 0 : i32
      %dma_wait3A_162 = arith.constant 0 : i32
      %dma_wait3A_163 = tpu.memref_slice %arg3[%run_scoped3A_1, %dma_wait3A_161, %dma_wait3A_162] : memref<1x3x4096xf32, #tpu.memory_space<hbm>> -> memref<1x3x4096xf32, #tpu.memory_space<hbm>>
      %dma_wait3A_164 = tpu.memref_squeeze %dma_wait3A_163 : memref<1x3x4096xf32, #tpu.memory_space<hbm>> -> memref<3x4096xf32, #tpu.memory_space<hbm>>
      tpu.wait_dma2 semaphore(%run_scoped3A_150 : memref<!tpu.dma_semaphore, #tpu.memory_space<semaphore_mem>>) src(%dma_wait3A_164 : memref<3x4096xf32, #tpu.memory_space<hbm>>) dst(%arg7 : memref<3x4096xf32, #tpu.memory_space<vmem>>)
      tpu.yield
    }) : () -> ()
    %scan3A = arith.constant 0 : i32
    %scan3A_2 = arith.constant 0 : i32
    %scan3A_3 = arith.constant 256 : i32
    %scan3A_4 = arith.addi %scan3A_2, %scan3A_3 : i32
    %scan3A_5 = arith.constant 1 : i32
    %scan3A_6 = scf.for %scan3A_150 = %scan3A_2 to %scan3A_4 step %scan3A_5 iter_args(%scan3A_151 = %scan3A) -> (i32)  : i32 {
      %mul3A_152 = arith.constant 16 : i32
      %mul3A_153 = arith.muli %scan3A_150, %mul3A_152 : i32
      %get3A = arith.constant 0 : i32
      %get3A_154 = arith.index_cast %get3A : i32 to index
      %get3A_155 = arith.index_cast %mul3A_153 : i32 to index
      %get3A_156 = tpu.vector_load %arg6[%get3A_154, %get3A_155] {strides = array<i32>} : memref<3x4096xf32, #tpu.memory_space<vmem>>, vector<1x16xf32>,
      %get3A_157 = vector.shape_cast %get3A_156 : vector<1x16xf32> to vector<16xf32>
      %get3A_158 = arith.constant 1 : i32
      %get3A_159 = arith.index_cast %get3A_158 : i32 to index
      %get3A_160 = arith.index_cast %mul3A_153 : i32 to index
      %get3A_161 = tpu.vector_load %arg6[%get3A_159, %get3A_160] {strides = array<i32>} : memref<3x4096xf32, #tpu.memory_space<vmem>>, vector<1x16xf32>,
      %get3A_162 = vector.shape_cast %get3A_161 : vector<1x16xf32> to vector<16xf32>
      %get3A_163 = arith.constant 2 : i32
      %get3A_164 = arith.index_cast %get3A_163 : i32 to index
      %get3A_165 = arith.index_cast %mul3A_153 : i32 to index
      %get3A_166 = tpu.vector_load %arg6[%get3A_164, %get3A_165] {strides = array<i32>} : memref<3x4096xf32, #tpu.memory_space<vmem>>, vector<1x16xf32>,
      %get3A_167 = vector.shape_cast %get3A_166 : vector<1x16xf32> to vector<16xf32>
      %bitcast_convert_type3A = tpu.bitcast %get3A_157 : vector<16xf32> -> vector<16xi32>
      %shift_right_logical3A = arith.constant 16 : i32
      %shift_right_logical3A_168 = vector.broadcast %shift_right_logical3A : i32 to vector<16xi32>
      %shift_right_logical3A_169 = arith.shrui %bitcast_convert_type3A, %shift_right_logical3A_168 : vector<16xi32>
      %and3A_170 = arith.constant 1 : i32
      %and3A_171 = vector.broadcast %and3A_170 : i32 to vector<16xi32>
      %and3A_172 = arith.andi %shift_right_logical3A_169, %and3A_171 : vector<16xi32>
      %add3A_173 = arith.constant 32767 : i32
      %add3A_174 = vector.broadcast %add3A_173 : i32 to vector<16xi32>
      %add3A_175 = arith.addi %bitcast_convert_type3A, %add3A_174 : vector<16xi32>
      %add3A_176 = arith.addi %add3A_175, %and3A_172 : vector<16xi32>
      %and3A_177 = arith.constant -65536 : i32
      %and3A_178 = vector.broadcast %and3A_177 : i32 to vector<16xi32>
      %and3A_179 = arith.andi %add3A_176, %and3A_178 : vector<16xi32>
      %bitcast_convert_type3A_180 = tpu.bitcast %and3A_179 : vector<16xi32> -> vector<16xf32>
      %mul3A_181 = arith.constant 2.000000e+00 : f32
      %mul3A_182 = vector.broadcast %mul3A_181 : f32 to vector<16xf32>
      %mul3A_183 = arith.mulf %bitcast_convert_type3A_180, %mul3A_182 : vector<16xf32>
      %swap3A = arith.index_cast %mul3A_153 : i32 to index
      %swap3A_184 = tpu.vector_load %arg8[%swap3A] {strides = array<i32>} : memref<4096xf32, #tpu.memory_space<vmem>>, vector<16xf32>,
      %swap3A_185 = vector.shape_cast %swap3A_184 : vector<16xf32> to vector<16xf32>
      %swap3A_186 = vector.shape_cast %mul3A_183 : vector<16xf32> to vector<16xf32>
      tpu.vector_store %arg8[%swap3A], %swap3A_186 {strides = array<i32>} : memref<4096xf32, #tpu.memory_space<vmem>>, vector<16xf32>,
      %bitcast_convert_type3A_187 = tpu.bitcast %get3A_162 : vector<16xf32> -> vector<16xi32>
      %shift_right_logical3A_188 = arith.constant 16 : i32
      %shift_right_logical3A_189 = vector.broadcast %shift_right_logical3A_188 : i32 to vector<16xi32>
      %shift_right_logical3A_190 = arith.shrui %bitcast_convert_type3A_187, %shift_right_logical3A_189 : vector<16xi32>
      %and3A_191 = arith.constant 1 : i32
      %and3A_192 = vector.broadcast %and3A_191 : i32 to vector<16xi32>
      %and3A_193 = arith.andi %shift_right_logical3A_190, %and3A_192 : vector<16xi32>
      %add3A_194 = arith.constant 32767 : i32
      %add3A_195 = vector.broadcast %add3A_194 : i32 to vector<16xi32>
      %add3A_196 = arith.addi %bitcast_convert_type3A_187, %add3A_195 : vector<16xi32>
      %add3A_197 = arith.addi %add3A_196, %and3A_193 : vector<16xi32>
      %and3A_198 = arith.constant -65536 : i32
      %and3A_199 = vector.broadcast %and3A_198 : i32 to vector<16xi32>
      %and3A_200 = arith.andi %add3A_197, %and3A_199 : vector<16xi32>
      %bitcast_convert_type3A_201 = tpu.bitcast %and3A_200 : vector<16xi32> -> vector<16xf32>
      %mul3A_202 = arith.constant 2.000000e+00 : f32
      %mul3A_203 = vector.broadcast %mul3A_202 : f32 to vector<16xf32>
      %mul3A_204 = arith.mulf %bitcast_convert_type3A_201, %mul3A_203 : vector<16xf32>
      %swap3A_205 = arith.index_cast %mul3A_153 : i32 to index
      %swap3A_206 = tpu.vector_load %arg9[%swap3A_205] {strides = array<i32>} : memref<4096xf32, #tpu.memory_space<vmem>>, vector<16xf32>,
      %swap3A_207 = vector.shape_cast %swap3A_206 : vector<16xf32> to vector<16xf32>
      %swap3A_208 = vector.shape_cast %mul3A_204 : vector<16xf32> to vector<16xf32>
      tpu.vector_store %arg9[%swap3A_205], %swap3A_208 {strides = array<i32>} : memref<4096xf32, #tpu.memory_space<vmem>>, vector<16xf32>,
      %bitcast_convert_type3A_209 = tpu.bitcast %get3A_167 : vector<16xf32> -> vector<16xi32>
      %shift_right_logical3A_210 = arith.constant 16 : i32
      %shift_right_logical3A_211 = vector.broadcast %shift_right_logical3A_210 : i32 to vector<16xi32>
      %shift_right_logical3A_212 = arith.shrui %bitcast_convert_type3A_209, %shift_right_logical3A_211 : vector<16xi32>
      %and3A_213 = arith.constant 1 : i32
      %and3A_214 = vector.broadcast %and3A_213 : i32 to vector<16xi32>
      %and3A_215 = arith.andi %shift_right_logical3A_212, %and3A_214 : vector<16xi32>
      %add3A_216 = arith.constant 32767 : i32
      %add3A_217 = vector.broadcast %add3A_216 : i32 to vector<16xi32>
      %add3A_218 = arith.addi %bitcast_convert_type3A_209, %add3A_217 : vector<16xi32>
      %add3A_219 = arith.addi %add3A_218, %and3A_215 : vector<16xi32>
      %and3A_220 = arith.constant -65536 : i32
      %and3A_221 = vector.broadcast %and3A_220 : i32 to vector<16xi32>
      %and3A_222 = arith.andi %add3A_219, %and3A_221 : vector<16xi32>
      %bitcast_convert_type3A_223 = tpu.bitcast %and3A_222 : vector<16xi32> -> vector<16xf32>
      %mul3A_224 = arith.constant 2.000000e+00 : f32
      %mul3A_225 = vector.broadcast %mul3A_224 : f32 to vector<16xf32>
      %mul3A_226 = arith.mulf %bitcast_convert_type3A_223, %mul3A_225 : vector<16xf32>
      %swap3A_227 = arith.index_cast %mul3A_153 : i32 to index
      %swap3A_228 = tpu.vector_load %arg10[%swap3A_227] {strides = array<i32>} : memref<4096xf32, #tpu.memory_space<vmem>>, vector<16xf32>,
      %swap3A_229 = vector.shape_cast %swap3A_228 : vector<16xf32> to vector<16xf32>
      %swap3A_230 = vector.shape_cast %mul3A_226 : vector<16xf32> to vector<16xf32>
      tpu.vector_store %arg10[%swap3A_227], %swap3A_230 {strides = array<i32>} : memref<4096xf32, #tpu.memory_space<vmem>>, vector<16xf32>,
      %mul3A_231 = arith.mulf %get3A_157, %get3A_157 : vector<16xf32>
      %mul3A_232 = arith.mulf %get3A_162, %get3A_162 : vector<16xf32>
      %add3A_233 = arith.addf %mul3A_231, %mul3A_232 : vector<16xf32>
      %mul3A_234 = arith.mulf %get3A_167, %get3A_167 : vector<16xf32>
      %add3A_235 = arith.addf %add3A_233, %mul3A_234 : vector<16xf32>
      %swap3A_236 = arith.index_cast %mul3A_153 : i32 to index
      %swap3A_237 = tpu.vector_load %arg11[%swap3A_236] {strides = array<i32>} : memref<4096xf32, #tpu.memory_space<vmem>>, vector<16xf32>,
      %swap3A_238 = vector.shape_cast %swap3A_237 : vector<16xf32> to vector<16xf32>
      %swap3A_239 = vector.shape_cast %add3A_235 : vector<16xf32> to vector<16xf32>
      tpu.vector_store %arg11[%swap3A_236], %swap3A_239 {strides = array<i32>} : memref<4096xf32, #tpu.memory_space<vmem>>, vector<16xf32>,
      %scan3A_240 = arith.constant 0 : i32
      scf.yield %scan3A_240 : i32
    }
    %scan3A_7 = arith.constant 256 : i32
    %scan3A_8 = arith.constant 0 : i32
    %scan3A_9 = arith.constant 0 : i32
    %scan3A_10 = arith.constant 256 : i32
    %scan3A_11 = arith.addi %scan3A_9, %scan3A_10 : i32
    %scan3A_12 = arith.constant 1 : i32
    %scan3A_13 = scf.for %scan3A_150 = %scan3A_9 to %scan3A_11 step %scan3A_12 iter_args(%scan3A_151 = %scan3A_8) -> (i32)  : i32 {
      %mul3A_152 = arith.constant 16 : i32
      %mul3A_153 = arith.muli %scan3A_150, %mul3A_152 : i32
      %get3A = arith.constant 0 : i32
      %get3A_154 = arith.index_cast %get3A : i32 to index
      %get3A_155 = arith.index_cast %mul3A_153 : i32 to index
      %get3A_156 = tpu.vector_load %arg7[%get3A_154, %get3A_155] {strides = array<i32>} : memref<3x4096xf32, #tpu.memory_space<vmem>>, vector<1x16xf32>,
      %get3A_157 = vector.shape_cast %get3A_156 : vector<1x16xf32> to vector<16xf32>
      %get3A_158 = arith.constant 1 : i32
      %get3A_159 = arith.index_cast %get3A_158 : i32 to index
      %get3A_160 = arith.index_cast %mul3A_153 : i32 to index
      %get3A_161 = tpu.vector_load %arg7[%get3A_159, %get3A_160] {strides = array<i32>} : memref<3x4096xf32, #tpu.memory_space<vmem>>, vector<1x16xf32>,
      %get3A_162 = vector.shape_cast %get3A_161 : vector<1x16xf32> to vector<16xf32>
      %get3A_163 = arith.constant 2 : i32
      %get3A_164 = arith.index_cast %get3A_163 : i32 to index
      %get3A_165 = arith.index_cast %mul3A_153 : i32 to index
      %get3A_166 = tpu.vector_load %arg7[%get3A_164, %get3A_165] {strides = array<i32>} : memref<3x4096xf32, #tpu.memory_space<vmem>>, vector<1x16xf32>,
      %get3A_167 = vector.shape_cast %get3A_166 : vector<1x16xf32> to vector<16xf32>
      %bitcast_convert_type3A = tpu.bitcast %get3A_157 : vector<16xf32> -> vector<16xi32>
      %shift_right_logical3A = arith.constant 16 : i32
      %shift_right_logical3A_168 = vector.broadcast %shift_right_logical3A : i32 to vector<16xi32>
      %shift_right_logical3A_169 = arith.shrui %bitcast_convert_type3A, %shift_right_logical3A_168 : vector<16xi32>
      %and3A_170 = arith.constant 1 : i32
      %and3A_171 = vector.broadcast %and3A_170 : i32 to vector<16xi32>
      %and3A_172 = arith.andi %shift_right_logical3A_169, %and3A_171 : vector<16xi32>
      %add3A_173 = arith.constant 32767 : i32
      %add3A_174 = vector.broadcast %add3A_173 : i32 to vector<16xi32>
      %add3A_175 = arith.addi %bitcast_convert_type3A, %add3A_174 : vector<16xi32>
      %add3A_176 = arith.addi %add3A_175, %and3A_172 : vector<16xi32>
      %and3A_177 = arith.constant -65536 : i32
      %and3A_178 = vector.broadcast %and3A_177 : i32 to vector<16xi32>
      %and3A_179 = arith.andi %add3A_176, %and3A_178 : vector<16xi32>
      %bitcast_convert_type3A_180 = tpu.bitcast %and3A_179 : vector<16xi32> -> vector<16xf32>
      %mul3A_181 = arith.constant 2.000000e+00 : f32
      %mul3A_182 = vector.broadcast %mul3A_181 : f32 to vector<16xf32>
      %mul3A_183 = arith.mulf %bitcast_convert_type3A_180, %mul3A_182 : vector<16xf32>
      %swap3A = arith.index_cast %mul3A_153 : i32 to index
      %swap3A_184 = tpu.vector_load %arg12[%swap3A] {strides = array<i32>} : memref<4096xf32, #tpu.memory_space<vmem>>, vector<16xf32>,
      %swap3A_185 = vector.shape_cast %swap3A_184 : vector<16xf32> to vector<16xf32>
      %swap3A_186 = vector.shape_cast %mul3A_183 : vector<16xf32> to vector<16xf32>
      tpu.vector_store %arg12[%swap3A], %swap3A_186 {strides = array<i32>} : memref<4096xf32, #tpu.memory_space<vmem>>, vector<16xf32>,
      %bitcast_convert_type3A_187 = tpu.bitcast %get3A_162 : vector<16xf32> -> vector<16xi32>
      %shift_right_logical3A_188 = arith.constant 16 : i32
      %shift_right_logical3A_189 = vector.broadcast %shift_right_logical3A_188 : i32 to vector<16xi32>
      %shift_right_logical3A_190 = arith.shrui %bitcast_convert_type3A_187, %shift_right_logical3A_189 : vector<16xi32>
      %and3A_191 = arith.constant 1 : i32
      %and3A_192 = vector.broadcast %and3A_191 : i32 to vector<16xi32>
      %and3A_193 = arith.andi %shift_right_logical3A_190, %and3A_192 : vector<16xi32>
      %add3A_194 = arith.constant 32767 : i32
      %add3A_195 = vector.broadcast %add3A_194 : i32 to vector<16xi32>
      %add3A_196 = arith.addi %bitcast_convert_type3A_187, %add3A_195 : vector<16xi32>
      %add3A_197 = arith.addi %add3A_196, %and3A_193 : vector<16xi32>
      %and3A_198 = arith.constant -65536 : i32
      %and3A_199 = vector.broadcast %and3A_198 : i32 to vector<16xi32>
      %and3A_200 = arith.andi %add3A_197, %and3A_199 : vector<16xi32>
      %bitcast_convert_type3A_201 = tpu.bitcast %and3A_200 : vector<16xi32> -> vector<16xf32>
      %mul3A_202 = arith.constant 2.000000e+00 : f32
      %mul3A_203 = vector.broadcast %mul3A_202 : f32 to vector<16xf32>
      %mul3A_204 = arith.mulf %bitcast_convert_type3A_201, %mul3A_203 : vector<16xf32>
      %swap3A_205 = arith.index_cast %mul3A_153 : i32 to index
      %swap3A_206 = tpu.vector_load %arg13[%swap3A_205] {strides = array<i32>} : memref<4096xf32, #tpu.memory_space<vmem>>, vector<16xf32>,
      %swap3A_207 = vector.shape_cast %swap3A_206 : vector<16xf32> to vector<16xf32>
      %swap3A_208 = vector.shape_cast %mul3A_204 : vector<16xf32> to vector<16xf32>
      tpu.vector_store %arg13[%swap3A_205], %swap3A_208 {strides = array<i32>} : memref<4096xf32, #tpu.memory_space<vmem>>, vector<16xf32>,
      %bitcast_convert_type3A_209 = tpu.bitcast %get3A_167 : vector<16xf32> -> vector<16xi32>
      %shift_right_logical3A_210 = arith.constant 16 : i32
      %shift_right_logical3A_211 = vector.broadcast %shift_right_logical3A_210 : i32 to vector<16xi32>
      %shift_right_logical3A_212 = arith.shrui %bitcast_convert_type3A_209, %shift_right_logical3A_211 : vector<16xi32>
      %and3A_213 = arith.constant 1 : i32
      %and3A_214 = vector.broadcast %and3A_213 : i32 to vector<16xi32>
      %and3A_215 = arith.andi %shift_right_logical3A_212, %and3A_214 : vector<16xi32>
      %add3A_216 = arith.constant 32767 : i32
      %add3A_217 = vector.broadcast %add3A_216 : i32 to vector<16xi32>
      %add3A_218 = arith.addi %bitcast_convert_type3A_209, %add3A_217 : vector<16xi32>
      %add3A_219 = arith.addi %add3A_218, %and3A_215 : vector<16xi32>
      %and3A_220 = arith.constant -65536 : i32
      %and3A_221 = vector.broadcast %and3A_220 : i32 to vector<16xi32>
      %and3A_222 = arith.andi %add3A_219, %and3A_221 : vector<16xi32>
      %bitcast_convert_type3A_223 = tpu.bitcast %and3A_222 : vector<16xi32> -> vector<16xf32>
      %mul3A_224 = arith.constant 2.000000e+00 : f32
      %mul3A_225 = vector.broadcast %mul3A_224 : f32 to vector<16xf32>
      %mul3A_226 = arith.mulf %bitcast_convert_type3A_223, %mul3A_225 : vector<16xf32>
      %swap3A_227 = arith.index_cast %mul3A_153 : i32 to index
      %swap3A_228 = tpu.vector_load %arg14[%swap3A_227] {strides = array<i32>} : memref<4096xf32, #tpu.memory_space<vmem>>, vector<16xf32>,
      %swap3A_229 = vector.shape_cast %swap3A_228 : vector<16xf32> to vector<16xf32>
      %swap3A_230 = vector.shape_cast %mul3A_226 : vector<16xf32> to vector<16xf32>
      tpu.vector_store %arg14[%swap3A_227], %swap3A_230 {strides = array<i32>} : memref<4096xf32, #tpu.memory_space<vmem>>, vector<16xf32>,
      %mul3A_231 = arith.mulf %get3A_157, %get3A_157 : vector<16xf32>
      %mul3A_232 = arith.mulf %get3A_162, %get3A_162 : vector<16xf32>
      %add3A_233 = arith.addf %mul3A_231, %mul3A_232 : vector<16xf32>
      %mul3A_234 = arith.mulf %get3A_167, %get3A_167 : vector<16xf32>
      %add3A_235 = arith.addf %add3A_233, %mul3A_234 : vector<16xf32>
      %swap3A_236 = arith.index_cast %mul3A_153 : i32 to index
      %swap3A_237 = tpu.vector_load %arg15[%swap3A_236] {strides = array<i32>} : memref<4096xf32, #tpu.memory_space<vmem>>, vector<16xf32>,
      %swap3A_238 = vector.shape_cast %swap3A_237 : vector<16xf32> to vector<16xf32>
      %swap3A_239 = vector.shape_cast %add3A_235 : vector<16xf32> to vector<16xf32>
      tpu.vector_store %arg15[%swap3A_236], %swap3A_239 {strides = array<i32>} : memref<4096xf32, #tpu.memory_space<vmem>>, vector<16xf32>,
      %scan3A_240 = arith.constant 0 : i32
      scf.yield %scan3A_240 : i32
    }
    %scan3A_14 = arith.constant 256 : i32
    %mul3A_15 = arith.constant 128 : i32
    %mul3A_16 = arith.muli %add3A, %mul3A_15 : i32
    %broadcast_in_dim3A = arith.constant 0 : i32
    %broadcast_in_dim3A_17 = vector.broadcast %broadcast_in_dim3A : i32 to vector<16xi32>
    %broadcast_in_dim3A_18 = arith.constant 1 : i32
    %broadcast_in_dim3A_19 = vector.broadcast %broadcast_in_dim3A_18 : i32 to vector<16xi32>
    %broadcast_in_dim3A_20 = arith.constant 2 : i32
    %broadcast_in_dim3A_21 = vector.broadcast %broadcast_in_dim3A_20 : i32 to vector<16xi32>
    %broadcast_in_dim3A_22 = arith.constant 3 : i32
    %broadcast_in_dim3A_23 = vector.broadcast %broadcast_in_dim3A_22 : i32 to vector<16xi32>
    %broadcast_in_dim3A_24 = arith.constant 4 : i32
    %broadcast_in_dim3A_25 = vector.broadcast %broadcast_in_dim3A_24 : i32 to vector<16xi32>
    %broadcast_in_dim3A_26 = arith.constant 5 : i32
    %broadcast_in_dim3A_27 = vector.broadcast %broadcast_in_dim3A_26 : i32 to vector<16xi32>
    %broadcast_in_dim3A_28 = arith.constant 6 : i32
    %broadcast_in_dim3A_29 = vector.broadcast %broadcast_in_dim3A_28 : i32 to vector<16xi32>
    %broadcast_in_dim3A_30 = arith.constant 7 : i32
    %broadcast_in_dim3A_31 = vector.broadcast %broadcast_in_dim3A_30 : i32 to vector<16xi32>
    %broadcast_in_dim3A_32 = arith.constant 8 : i32
    %broadcast_in_dim3A_33 = vector.broadcast %broadcast_in_dim3A_32 : i32 to vector<16xi32>
    %broadcast_in_dim3A_34 = arith.constant 9 : i32
    %broadcast_in_dim3A_35 = vector.broadcast %broadcast_in_dim3A_34 : i32 to vector<16xi32>
    %broadcast_in_dim3A_36 = arith.constant 10 : i32
    %broadcast_in_dim3A_37 = vector.broadcast %broadcast_in_dim3A_36 : i32 to vector<16xi32>
    %broadcast_in_dim3A_38 = arith.constant 11 : i32
    %broadcast_in_dim3A_39 = vector.broadcast %broadcast_in_dim3A_38 : i32 to vector<16xi32>
    %broadcast_in_dim3A_40 = arith.constant 12 : i32
    %broadcast_in_dim3A_41 = vector.broadcast %broadcast_in_dim3A_40 : i32 to vector<16xi32>
    %broadcast_in_dim3A_42 = arith.constant 13 : i32
    %broadcast_in_dim3A_43 = vector.broadcast %broadcast_in_dim3A_42 : i32 to vector<16xi32>
    %broadcast_in_dim3A_44 = arith.constant 14 : i32
    %broadcast_in_dim3A_45 = vector.broadcast %broadcast_in_dim3A_44 : i32 to vector<16xi32>
    %broadcast_in_dim3A_46 = arith.constant 15 : i32
    %broadcast_in_dim3A_47 = vector.broadcast %broadcast_in_dim3A_46 : i32 to vector<16xi32>
    %iota3A = tpu.iota {dimensions = array<i32: 0>} : vector<16xi32>
    %add3A_48 = arith.constant 8 : i32
    %add3A_49 = vector.broadcast %add3A_48 : i32 to vector<16xi32>
    %add3A_50 = arith.addi %iota3A, %add3A_49 : vector<16xi32>
    %and3A = arith.constant 15 : i32
    %and3A_51 = vector.broadcast %and3A : i32 to vector<16xi32>
    %and3A_52 = arith.andi %add3A_50, %and3A_51 : vector<16xi32>
    %add3A_53 = arith.constant 4 : i32
    %add3A_54 = vector.broadcast %add3A_53 : i32 to vector<16xi32>
    %add3A_55 = arith.addi %iota3A, %add3A_54 : vector<16xi32>
    %and3A_56 = arith.constant 15 : i32
    %and3A_57 = vector.broadcast %and3A_56 : i32 to vector<16xi32>
    %and3A_58 = arith.andi %add3A_55, %and3A_57 : vector<16xi32>
    %add3A_59 = arith.constant 2 : i32
    %add3A_60 = vector.broadcast %add3A_59 : i32 to vector<16xi32>
    %add3A_61 = arith.addi %iota3A, %add3A_60 : vector<16xi32>
    %and3A_62 = arith.constant 15 : i32
    %and3A_63 = vector.broadcast %and3A_62 : i32 to vector<16xi32>
    %and3A_64 = arith.andi %add3A_61, %and3A_63 : vector<16xi32>
    %add3A_65 = arith.constant 1 : i32
    %add3A_66 = vector.broadcast %add3A_65 : i32 to vector<16xi32>
    %add3A_67 = arith.addi %iota3A, %add3A_66 : vector<16xi32>
    %and3A_68 = arith.constant 15 : i32
    %and3A_69 = vector.broadcast %and3A_68 : i32 to vector<16xi32>
    %and3A_70 = arith.andi %add3A_67, %and3A_69 : vector<16xi32>
    %broadcast_in_dim3A_71 = arith.constant 3.000000e+38 : f32
    %broadcast_in_dim3A_72 = vector.broadcast %broadcast_in_dim3A_71 : f32 to vector<16xf32>
    %scan3A_73 = arith.constant 0 : i32
    %scan3A_74 = arith.constant 0 : i32
    %scan3A_75 = arith.constant 8 : i32
    %scan3A_76 = arith.addi %scan3A_74, %scan3A_75 : i32
    %scan3A_77 = arith.constant 1 : i32
    %scan3A_78 = scf.for %scan3A_150 = %scan3A_74 to %scan3A_76 step %scan3A_77 iter_args(%scan3A_151 = %scan3A_73) -> (i32)  : i32 {
      %mul3A_152 = arith.constant 16 : i32
      %mul3A_153 = arith.muli %scan3A_150, %mul3A_152 : i32
      %add3A_154 = arith.addi %mul3A_16, %mul3A_153 : i32
      %get3A = arith.index_cast %add3A_154 : i32 to index
      %get3A_155 = tpu.vector_load %arg8[%get3A] {strides = array<i32>} : memref<4096xf32, #tpu.memory_space<vmem>>, vector<16xf32>,
      %get3A_156 = vector.shape_cast %get3A_155 : vector<16xf32> to vector<16xf32>
      %mul3A_157 = arith.constant 5.000000e-01 : f32
      %mul3A_158 = vector.broadcast %mul3A_157 : f32 to vector<16xf32>
      %mul3A_159 = arith.mulf %get3A_156, %mul3A_158 : vector<16xf32>
      %get3A_160 = arith.index_cast %add3A_154 : i32 to index
      %get3A_161 = tpu.vector_load %arg9[%get3A_160] {strides = array<i32>} : memref<4096xf32, #tpu.memory_space<vmem>>, vector<16xf32>,
      %get3A_162 = vector.shape_cast %get3A_161 : vector<16xf32> to vector<16xf32>
      %mul3A_163 = arith.constant 5.000000e-01 : f32
      %mul3A_164 = vector.broadcast %mul3A_163 : f32 to vector<16xf32>
      %mul3A_165 = arith.mulf %get3A_162, %mul3A_164 : vector<16xf32>
      %get3A_166 = arith.index_cast %add3A_154 : i32 to index
      %get3A_167 = tpu.vector_load %arg10[%get3A_166] {strides = array<i32>} : memref<4096xf32, #tpu.memory_space<vmem>>, vector<16xf32>,
      %get3A_168 = vector.shape_cast %get3A_167 : vector<16xf32> to vector<16xf32>
      %mul3A_169 = arith.constant 5.000000e-01 : f32
      %mul3A_170 = vector.broadcast %mul3A_169 : f32 to vector<16xf32>
      %mul3A_171 = arith.mulf %get3A_168, %mul3A_170 : vector<16xf32>
      %lt3A = arith.constant 0 : i32
      %lt3A_172 = vector.broadcast %lt3A : i32 to vector<16xi32>
      %lt3A_173 = arith.cmpi slt, %broadcast_in_dim3A_17, %lt3A_172 : vector<16xi32>
      %add3A_174 = arith.constant 16 : i32
      %add3A_175 = vector.broadcast %add3A_174 : i32 to vector<16xi32>
      %add3A_176 = arith.addi %broadcast_in_dim3A_17, %add3A_175 : vector<16xi32>
      %select_n3A = arith.select %lt3A_173, %add3A_176, %broadcast_in_dim3A_17 : vector<16xi1>, vector<16xi32>
      %broadcast_in_dim3A_177 = vector.shape_cast %select_n3A : vector<16xi32> to vector<16x1xi32>
      %gather3A = vector.shape_cast %broadcast_in_dim3A_177 : vector<16x1xi32> to vector<16xi32>
      %gather3A_178 = tpu.dynamic_gather %mul3A_159[%gather3A] in [0] : vector<16xf32>, vector<16xi32> -> vector<16xf32>
      %lt3A_179 = arith.constant 0 : i32
      %lt3A_180 = vector.broadcast %lt3A_179 : i32 to vector<16xi32>
      %lt3A_181 = arith.cmpi slt, %broadcast_in_dim3A_17, %lt3A_180 : vector<16xi32>
      %add3A_182 = arith.constant 16 : i32
      %add3A_183 = vector.broadcast %add3A_182 : i32 to vector<16xi32>
      %add3A_184 = arith.addi %broadcast_in_dim3A_17, %add3A_183 : vector<16xi32>
      %select_n3A_185 = arith.select %lt3A_181, %add3A_184, %broadcast_in_dim3A_17 : vector<16xi1>, vector<16xi32>
      %broadcast_in_dim3A_186 = vector.shape_cast %select_n3A_185 : vector<16xi32> to vector<16x1xi32>
      %gather3A_187 = vector.shape_cast %broadcast_in_dim3A_186 : vector<16x1xi32> to vector<16xi32>
      %gather3A_188 = tpu.dynamic_gather %mul3A_165[%gather3A_187] in [0] : vector<16xf32>, vector<16xi32> -> vector<16xf32>
      %lt3A_189 = arith.constant 0 : i32
      %lt3A_190 = vector.broadcast %lt3A_189 : i32 to vector<16xi32>
      %lt3A_191 = arith.cmpi slt, %broadcast_in_dim3A_17, %lt3A_190 : vector<16xi32>
      %add3A_192 = arith.constant 16 : i32
      %add3A_193 = vector.broadcast %add3A_192 : i32 to vector<16xi32>
      %add3A_194 = arith.addi %broadcast_in_dim3A_17, %add3A_193 : vector<16xi32>
      %select_n3A_195 = arith.select %lt3A_191, %add3A_194, %broadcast_in_dim3A_17 : vector<16xi1>, vector<16xi32>
      %broadcast_in_dim3A_196 = vector.shape_cast %select_n3A_195 : vector<16xi32> to vector<16x1xi32>
      %gather3A_197 = vector.shape_cast %broadcast_in_dim3A_196 : vector<16x1xi32> to vector<16xi32>
      %gather3A_198 = tpu.dynamic_gather %mul3A_171[%gather3A_197] in [0] : vector<16xf32>, vector<16xi32> -> vector<16xf32>
      %lt3A_199 = arith.constant 0 : i32
      %lt3A_200 = vector.broadcast %lt3A_199 : i32 to vector<16xi32>
      %lt3A_201 = arith.cmpi slt, %broadcast_in_dim3A_19, %lt3A_200 : vector<16xi32>
      %add3A_202 = arith.constant 16 : i32
      %add3A_203 = vector.broadcast %add3A_202 : i32 to vector<16xi32>
      %add3A_204 = arith.addi %broadcast_in_dim3A_19, %add3A_203 : vector<16xi32>
      %select_n3A_205 = arith.select %lt3A_201, %add3A_204, %broadcast_in_dim3A_19 : vector<16xi1>, vector<16xi32>
      %broadcast_in_dim3A_206 = vector.shape_cast %select_n3A_205 : vector<16xi32> to vector<16x1xi32>
      %gather3A_207 = vector.shape_cast %broadcast_in_dim3A_206 : vector<16x1xi32> to vector<16xi32>
      %gather3A_208 = tpu.dynamic_gather %mul3A_159[%gather3A_207] in [0] : vector<16xf32>, vector<16xi32> -> vector<16xf32>
      %lt3A_209 = arith.constant 0 : i32
      %lt3A_210 = vector.broadcast %lt3A_209 : i32 to vector<16xi32>
      %lt3A_211 = arith.cmpi slt, %broadcast_in_dim3A_19, %lt3A_210 : vector<16xi32>
      %add3A_212 = arith.constant 16 : i32
      %add3A_213 = vector.broadcast %add3A_212 : i32 to vector<16xi32>
      %add3A_214 = arith.addi %broadcast_in_dim3A_19, %add3A_213 : vector<16xi32>
      %select_n3A_215 = arith.select %lt3A_211, %add3A_214, %broadcast_in_dim3A_19 : vector<16xi1>, vector<16xi32>
      %broadcast_in_dim3A_216 = vector.shape_cast %select_n3A_215 : vector<16xi32> to vector<16x1xi32>
      %gather3A_217 = vector.shape_cast %broadcast_in_dim3A_216 : vector<16x1xi32> to vector<16xi32>
      %gather3A_218 = tpu.dynamic_gather %mul3A_165[%gather3A_217] in [0] : vector<16xf32>, vector<16xi32> -> vector<16xf32>
      %lt3A_219 = arith.constant 0 : i32
      %lt3A_220 = vector.broadcast %lt3A_219 : i32 to vector<16xi32>
      %lt3A_221 = arith.cmpi slt, %broadcast_in_dim3A_19, %lt3A_220 : vector<16xi32>
      %add3A_222 = arith.constant 16 : i32
      %add3A_223 = vector.broadcast %add3A_222 : i32 to vector<16xi32>
      %add3A_224 = arith.addi %broadcast_in_dim3A_19, %add3A_223 : vector<16xi32>
      %select_n3A_225 = arith.select %lt3A_221, %add3A_224, %broadcast_in_dim3A_19 : vector<16xi1>, vector<16xi32>
      %broadcast_in_dim3A_226 = vector.shape_cast %select_n3A_225 : vector<16xi32> to vector<16x1xi32>
      %gather3A_227 = vector.shape_cast %broadcast_in_dim3A_226 : vector<16x1xi32> to vector<16xi32>
      %gather3A_228 = tpu.dynamic_gather %mul3A_171[%gather3A_227] in [0] : vector<16xf32>, vector<16xi32> -> vector<16xf32>
      %lt3A_229 = arith.constant 0 : i32
      %lt3A_230 = vector.broadcast %lt3A_229 : i32 to vector<16xi32>
      %lt3A_231 = arith.cmpi slt, %broadcast_in_dim3A_21, %lt3A_230 : vector<16xi32>
      %add3A_232 = arith.constant 16 : i32
      %add3A_233 = vector.broadcast %add3A_232 : i32 to vector<16xi32>
      %add3A_234 = arith.addi %broadcast_in_dim3A_21, %add3A_233 : vector<16xi32>
      %select_n3A_235 = arith.select %lt3A_231, %add3A_234, %broadcast_in_dim3A_21 : vector<16xi1>, vector<16xi32>
      %broadcast_in_dim3A_236 = vector.shape_cast %select_n3A_235 : vector<16xi32> to vector<16x1xi32>
      %gather3A_237 = vector.shape_cast %broadcast_in_dim3A_236 : vector<16x1xi32> to vector<16xi32>
      %gather3A_238 = tpu.dynamic_gather %mul3A_159[%gather3A_237] in [0] : vector<16xf32>, vector<16xi32> -> vector<16xf32>
      %lt3A_239 = arith.constant 0 : i32
      %lt3A_240 = vector.broadcast %lt3A_239 : i32 to vector<16xi32>
      %lt3A_241 = arith.cmpi slt, %broadcast_in_dim3A_21, %lt3A_240 : vector<16xi32>
      %add3A_242 = arith.constant 16 : i32
      %add3A_243 = vector.broadcast %add3A_242 : i32 to vector<16xi32>
      %add3A_244 = arith.addi %broadcast_in_dim3A_21, %add3A_243 : vector<16xi32>
      %select_n3A_245 = arith.select %lt3A_241, %add3A_244, %broadcast_in_dim3A_21 : vector<16xi1>, vector<16xi32>
      %broadcast_in_dim3A_246 = vector.shape_cast %select_n3A_245 : vector<16xi32> to vector<16x1xi32>
      %gather3A_247 = vector.shape_cast %broadcast_in_dim3A_246 : vector<16x1xi32> to vector<16xi32>
      %gather3A_248 = tpu.dynamic_gather %mul3A_165[%gather3A_247] in [0] : vector<16xf32>, vector<16xi32> -> vector<16xf32>
      %lt3A_249 = arith.constant 0 : i32
      %lt3A_250 = vector.broadcast %lt3A_249 : i32 to vector<16xi32>
      %lt3A_251 = arith.cmpi slt, %broadcast_in_dim3A_21, %lt3A_250 : vector<16xi32>
      %add3A_252 = arith.constant 16 : i32
      %add3A_253 = vector.broadcast %add3A_252 : i32 to vector<16xi32>
      %add3A_254 = arith.addi %broadcast_in_dim3A_21, %add3A_253 : vector<16xi32>
      %select_n3A_255 = arith.select %lt3A_251, %add3A_254, %broadcast_in_dim3A_21 : vector<16xi1>, vector<16xi32>
      %broadcast_in_dim3A_256 = vector.shape_cast %select_n3A_255 : vector<16xi32> to vector<16x1xi32>
      %gather3A_257 = vector.shape_cast %broadcast_in_dim3A_256 : vector<16x1xi32> to vector<16xi32>
      %gather3A_258 = tpu.dynamic_gather %mul3A_171[%gather3A_257] in [0] : vector<16xf32>, vector<16xi32> -> vector<16xf32>
      %lt3A_259 = arith.constant 0 : i32
      %lt3A_260 = vector.broadcast %lt3A_259 : i32 to vector<16xi32>
      %lt3A_261 = arith.cmpi slt, %broadcast_in_dim3A_23, %lt3A_260 : vector<16xi32>
      %add3A_262 = arith.constant 16 : i32
      %add3A_263 = vector.broadcast %add3A_262 : i32 to vector<16xi32>
      %add3A_264 = arith.addi %broadcast_in_dim3A_23, %add3A_263 : vector<16xi32>
      %select_n3A_265 = arith.select %lt3A_261, %add3A_264, %broadcast_in_dim3A_23 : vector<16xi1>, vector<16xi32>
      %broadcast_in_dim3A_266 = vector.shape_cast %select_n3A_265 : vector<16xi32> to vector<16x1xi32>
      %gather3A_267 = vector.shape_cast %broadcast_in_dim3A_266 : vector<16x1xi32> to vector<16xi32>
      %gather3A_268 = tpu.dynamic_gather %mul3A_159[%gather3A_267] in [0] : vector<16xf32>, vector<16xi32> -> vector<16xf32>
      %lt3A_269 = arith.constant 0 : i32
      %lt3A_270 = vector.broadcast %lt3A_269 : i32 to vector<16xi32>
      %lt3A_271 = arith.cmpi slt, %broadcast_in_dim3A_23, %lt3A_270 : vector<16xi32>
      %add3A_272 = arith.constant 16 : i32
      %add3A_273 = vector.broadcast %add3A_272 : i32 to vector<16xi32>
      %add3A_274 = arith.addi %broadcast_in_dim3A_23, %add3A_273 : vector<16xi32>
      %select_n3A_275 = arith.select %lt3A_271, %add3A_274, %broadcast_in_dim3A_23 : vector<16xi1>, vector<16xi32>
      %broadcast_in_dim3A_276 = vector.shape_cast %select_n3A_275 : vector<16xi32> to vector<16x1xi32>
      %gather3A_277 = vector.shape_cast %broadcast_in_dim3A_276 : vector<16x1xi32> to vector<16xi32>
      %gather3A_278 = tpu.dynamic_gather %mul3A_165[%gather3A_277] in [0] : vector<16xf32>, vector<16xi32> -> vector<16xf32>
      %lt3A_279 = arith.constant 0 : i32
      %lt3A_280 = vector.broadcast %lt3A_279 : i32 to vector<16xi32>
      %lt3A_281 = arith.cmpi slt, %broadcast_in_dim3A_23, %lt3A_280 : vector<16xi32>
      %add3A_282 = arith.constant 16 : i32
      %add3A_283 = vector.broadcast %add3A_282 : i32 to vector<16xi32>
      %add3A_284 = arith.addi %broadcast_in_dim3A_23, %add3A_283 : vector<16xi32>
      %select_n3A_285 = arith.select %lt3A_281, %add3A_284, %broadcast_in_dim3A_23 : vector<16xi1>, vector<16xi32>
      %broadcast_in_dim3A_286 = vector.shape_cast %select_n3A_285 : vector<16xi32> to vector<16x1xi32>
      %gather3A_287 = vector.shape_cast %broadcast_in_dim3A_286 : vector<16x1xi32> to vector<16xi32>
      %gather3A_288 = tpu.dynamic_gather %mul3A_171[%gather3A_287] in [0] : vector<16xf32>, vector<16xi32> -> vector<16xf32>
      %lt3A_289 = arith.constant 0 : i32
      %lt3A_290 = vector.broadcast %lt3A_289 : i32 to vector<16xi32>
      %lt3A_291 = arith.cmpi slt, %broadcast_in_dim3A_25, %lt3A_290 : vector<16xi32>
      %add3A_292 = arith.constant 16 : i32
      %add3A_293 = vector.broadcast %add3A_292 : i32 to vector<16xi32>
      %add3A_294 = arith.addi %broadcast_in_dim3A_25, %add3A_293 : vector<16xi32>
      %select_n3A_295 = arith.select %lt3A_291, %add3A_294, %broadcast_in_dim3A_25 : vector<16xi1>, vector<16xi32>
      %broadcast_in_dim3A_296 = vector.shape_cast %select_n3A_295 : vector<16xi32> to vector<16x1xi32>
      %gather3A_297 = vector.shape_cast %broadcast_in_dim3A_296 : vector<16x1xi32> to vector<16xi32>
      %gather3A_298 = tpu.dynamic_gather %mul3A_159[%gather3A_297] in [0] : vector<16xf32>, vector<16xi32> -> vector<16xf32>
      %lt3A_299 = arith.constant 0 : i32
      %lt3A_300 = vector.broadcast %lt3A_299 : i32 to vector<16xi32>
      %lt3A_301 = arith.cmpi slt, %broadcast_in_dim3A_25, %lt3A_300 : vector<16xi32>
      %add3A_302 = arith.constant 16 : i32
      %add3A_303 = vector.broadcast %add3A_302 : i32 to vector<16xi32>
      %add3A_304 = arith.addi %broadcast_in_dim3A_25, %add3A_303 : vector<16xi32>
      %select_n3A_305 = arith.select %lt3A_301, %add3A_304, %broadcast_in_dim3A_25 : vector<16xi1>, vector<16xi32>
      %broadcast_in_dim3A_306 = vector.shape_cast %select_n3A_305 : vector<16xi32> to vector<16x1xi32>
      %gather3A_307 = vector.shape_cast %broadcast_in_dim3A_306 : vector<16x1xi32> to vector<16xi32>
      %gather3A_308 = tpu.dynamic_gather %mul3A_165[%gather3A_307] in [0] : vector<16xf32>, vector<16xi32> -> vector<16xf32>
      %lt3A_309 = arith.constant 0 : i32
      %lt3A_310 = vector.broadcast %lt3A_309 : i32 to vector<16xi32>
      %lt3A_311 = arith.cmpi slt, %broadcast_in_dim3A_25, %lt3A_310 : vector<16xi32>
      %add3A_312 = arith.constant 16 : i32
      %add3A_313 = vector.broadcast %add3A_312 : i32 to vector<16xi32>
      %add3A_314 = arith.addi %broadcast_in_dim3A_25, %add3A_313 : vector<16xi32>
      %select_n3A_315 = arith.select %lt3A_311, %add3A_314, %broadcast_in_dim3A_25 : vector<16xi1>, vector<16xi32>
      %broadcast_in_dim3A_316 = vector.shape_cast %select_n3A_315 : vector<16xi32> to vector<16x1xi32>
      %gather3A_317 = vector.shape_cast %broadcast_in_dim3A_316 : vector<16x1xi32> to vector<16xi32>
      %gather3A_318 = tpu.dynamic_gather %mul3A_171[%gather3A_317] in [0] : vector<16xf32>, vector<16xi32> -> vector<16xf32>
      %lt3A_319 = arith.constant 0 : i32
      %lt3A_320 = vector.broadcast %lt3A_319 : i32 to vector<16xi32>
      %lt3A_321 = arith.cmpi slt, %broadcast_in_dim3A_27, %lt3A_320 : vector<16xi32>
      %add3A_322 = arith.constant 16 : i32
      %add3A_323 = vector.broadcast %add3A_322 : i32 to vector<16xi32>
      %add3A_324 = arith.addi %broadcast_in_dim3A_27, %add3A_323 : vector<16xi32>
      %select_n3A_325 = arith.select %lt3A_321, %add3A_324, %broadcast_in_dim3A_27 : vector<16xi1>, vector<16xi32>
      %broadcast_in_dim3A_326 = vector.shape_cast %select_n3A_325 : vector<16xi32> to vector<16x1xi32>
      %gather3A_327 = vector.shape_cast %broadcast_in_dim3A_326 : vector<16x1xi32> to vector<16xi32>
      %gather3A_328 = tpu.dynamic_gather %mul3A_159[%gather3A_327] in [0] : vector<16xf32>, vector<16xi32> -> vector<16xf32>
      %lt3A_329 = arith.constant 0 : i32
      %lt3A_330 = vector.broadcast %lt3A_329 : i32 to vector<16xi32>
      %lt3A_331 = arith.cmpi slt, %broadcast_in_dim3A_27, %lt3A_330 : vector<16xi32>
      %add3A_332 = arith.constant 16 : i32
      %add3A_333 = vector.broadcast %add3A_332 : i32 to vector<16xi32>
      %add3A_334 = arith.addi %broadcast_in_dim3A_27, %add3A_333 : vector<16xi32>
      %select_n3A_335 = arith.select %lt3A_331, %add3A_334, %broadcast_in_dim3A_27 : vector<16xi1>, vector<16xi32>
      %broadcast_in_dim3A_336 = vector.shape_cast %select_n3A_335 : vector<16xi32> to vector<16x1xi32>
      %gather3A_337 = vector.shape_cast %broadcast_in_dim3A_336 : vector<16x1xi32> to vector<16xi32>
      %gather3A_338 = tpu.dynamic_gather %mul3A_165[%gather3A_337] in [0] : vector<16xf32>, vector<16xi32> -> vector<16xf32>
      %lt3A_339 = arith.constant 0 : i32
      %lt3A_340 = vector.broadcast %lt3A_339 : i32 to vector<16xi32>
      %lt3A_341 = arith.cmpi slt, %broadcast_in_dim3A_27, %lt3A_340 : vector<16xi32>
      %add3A_342 = arith.constant 16 : i32
      %add3A_343 = vector.broadcast %add3A_342 : i32 to vector<16xi32>
      %add3A_344 = arith.addi %broadcast_in_dim3A_27, %add3A_343 : vector<16xi32>
      %select_n3A_345 = arith.select %lt3A_341, %add3A_344, %broadcast_in_dim3A_27 : vector<16xi1>, vector<16xi32>
      %broadcast_in_dim3A_346 = vector.shape_cast %select_n3A_345 : vector<16xi32> to vector<16x1xi32>
      %gather3A_347 = vector.shape_cast %broadcast_in_dim3A_346 : vector<16x1xi32> to vector<16xi32>
      %gather3A_348 = tpu.dynamic_gather %mul3A_171[%gather3A_347] in [0] : vector<16xf32>, vector<16xi32> -> vector<16xf32>
      %lt3A_349 = arith.constant 0 : i32
      %lt3A_350 = vector.broadcast %lt3A_349 : i32 to vector<16xi32>
      %lt3A_351 = arith.cmpi slt, %broadcast_in_dim3A_29, %lt3A_350 : vector<16xi32>
      %add3A_352 = arith.constant 16 : i32
      %add3A_353 = vector.broadcast %add3A_352 : i32 to vector<16xi32>
      %add3A_354 = arith.addi %broadcast_in_dim3A_29, %add3A_353 : vector<16xi32>
      %select_n3A_355 = arith.select %lt3A_351, %add3A_354, %broadcast_in_dim3A_29 : vector<16xi1>, vector<16xi32>
      %broadcast_in_dim3A_356 = vector.shape_cast %select_n3A_355 : vector<16xi32> to vector<16x1xi32>
      %gather3A_357 = vector.shape_cast %broadcast_in_dim3A_356 : vector<16x1xi32> to vector<16xi32>
      %gather3A_358 = tpu.dynamic_gather %mul3A_159[%gather3A_357] in [0] : vector<16xf32>, vector<16xi32> -> vector<16xf32>
      %lt3A_359 = arith.constant 0 : i32
      %lt3A_360 = vector.broadcast %lt3A_359 : i32 to vector<16xi32>
      %lt3A_361 = arith.cmpi slt, %broadcast_in_dim3A_29, %lt3A_360 : vector<16xi32>
      %add3A_362 = arith.constant 16 : i32
      %add3A_363 = vector.broadcast %add3A_362 : i32 to vector<16xi32>
      %add3A_364 = arith.addi %broadcast_in_dim3A_29, %add3A_363 : vector<16xi32>
      %select_n3A_365 = arith.select %lt3A_361, %add3A_364, %broadcast_in_dim3A_29 : vector<16xi1>, vector<16xi32>
      %broadcast_in_dim3A_366 = vector.shape_cast %select_n3A_365 : vector<16xi32> to vector<16x1xi32>
      %gather3A_367 = vector.shape_cast %broadcast_in_dim3A_366 : vector<16x1xi32> to vector<16xi32>
      %gather3A_368 = tpu.dynamic_gather %mul3A_165[%gather3A_367] in [0] : vector<16xf32>, vector<16xi32> -> vector<16xf32>
      %lt3A_369 = arith.constant 0 : i32
      %lt3A_370 = vector.broadcast %lt3A_369 : i32 to vector<16xi32>
      %lt3A_371 = arith.cmpi slt, %broadcast_in_dim3A_29, %lt3A_370 : vector<16xi32>
      %add3A_372 = arith.constant 16 : i32
      %add3A_373 = vector.broadcast %add3A_372 : i32 to vector<16xi32>
      %add3A_374 = arith.addi %broadcast_in_dim3A_29, %add3A_373 : vector<16xi32>
      %select_n3A_375 = arith.select %lt3A_371, %add3A_374, %broadcast_in_dim3A_29 : vector<16xi1>, vector<16xi32>
      %broadcast_in_dim3A_376 = vector.shape_cast %select_n3A_375 : vector<16xi32> to vector<16x1xi32>
      %gather3A_377 = vector.shape_cast %broadcast_in_dim3A_376 : vector<16x1xi32> to vector<16xi32>
      %gather3A_378 = tpu.dynamic_gather %mul3A_171[%gather3A_377] in [0] : vector<16xf32>, vector<16xi32> -> vector<16xf32>
      %lt3A_379 = arith.constant 0 : i32
      %lt3A_380 = vector.broadcast %lt3A_379 : i32 to vector<16xi32>
      %lt3A_381 = arith.cmpi slt, %broadcast_in_dim3A_31, %lt3A_380 : vector<16xi32>
      %add3A_382 = arith.constant 16 : i32
      %add3A_383 = vector.broadcast %add3A_382 : i32 to vector<16xi32>
      %add3A_384 = arith.addi %broadcast_in_dim3A_31, %add3A_383 : vector<16xi32>
      %select_n3A_385 = arith.select %lt3A_381, %add3A_384, %broadcast_in_dim3A_31 : vector<16xi1>, vector<16xi32>
      %broadcast_in_dim3A_386 = vector.shape_cast %select_n3A_385 : vector<16xi32> to vector<16x1xi32>
      %gather3A_387 = vector.shape_cast %broadcast_in_dim3A_386 : vector<16x1xi32> to vector<16xi32>
      %gather3A_388 = tpu.dynamic_gather %mul3A_159[%gather3A_387] in [0] : vector<16xf32>, vector<16xi32> -> vector<16xf32>
      %lt3A_389 = arith.constant 0 : i32
      %lt3A_390 = vector.broadcast %lt3A_389 : i32 to vector<16xi32>
      %lt3A_391 = arith.cmpi slt, %broadcast_in_dim3A_31, %lt3A_390 : vector<16xi32>
      %add3A_392 = arith.constant 16 : i32
      %add3A_393 = vector.broadcast %add3A_392 : i32 to vector<16xi32>
      %add3A_394 = arith.addi %broadcast_in_dim3A_31, %add3A_393 : vector<16xi32>
      %select_n3A_395 = arith.select %lt3A_391, %add3A_394, %broadcast_in_dim3A_31 : vector<16xi1>, vector<16xi32>
      %broadcast_in_dim3A_396 = vector.shape_cast %select_n3A_395 : vector<16xi32> to vector<16x1xi32>
      %gather3A_397 = vector.shape_cast %broadcast_in_dim3A_396 : vector<16x1xi32> to vector<16xi32>
      %gather3A_398 = tpu.dynamic_gather %mul3A_165[%gather3A_397] in [0] : vector<16xf32>, vector<16xi32> -> vector<16xf32>
      %lt3A_399 = arith.constant 0 : i32
      %lt3A_400 = vector.broadcast %lt3A_399 : i32 to vector<16xi32>
      %lt3A_401 = arith.cmpi slt, %broadcast_in_dim3A_31, %lt3A_400 : vector<16xi32>
      %add3A_402 = arith.constant 16 : i32
      %add3A_403 = vector.broadcast %add3A_402 : i32 to vector<16xi32>
      %add3A_404 = arith.addi %broadcast_in_dim3A_31, %add3A_403 : vector<16xi32>
      %select_n3A_405 = arith.select %lt3A_401, %add3A_404, %broadcast_in_dim3A_31 : vector<16xi1>, vector<16xi32>
      %broadcast_in_dim3A_406 = vector.shape_cast %select_n3A_405 : vector<16xi32> to vector<16x1xi32>
      %gather3A_407 = vector.shape_cast %broadcast_in_dim3A_406 : vector<16x1xi32> to vector<16xi32>
      %gather3A_408 = tpu.dynamic_gather %mul3A_171[%gather3A_407] in [0] : vector<16xf32>, vector<16xi32> -> vector<16xf32>
      %parallel_loop3A = arith.constant 0 : i32
      %parallel_loop3A_409 = arith.constant 256 : i32
      %parallel_loop3A_410 = arith.constant 1 : i32
      %parallel_loop3A_411:8 = scf.for %parallel_loop3A_1434 = %parallel_loop3A to %parallel_loop3A_409 step %parallel_loop3A_410 iter_args(%parallel_loop3A_1435 = %broadcast_in_dim3A_72, %parallel_loop3A_1436 = %broadcast_in_dim3A_72, %parallel_loop3A_1437 = %broadcast_in_dim3A_72, %parallel_loop3A_1438 = %broadcast_in_dim3A_72, %parallel_loop3A_1439 = %broadcast_in_dim3A_72, %parallel_loop3A_1440 = %broadcast_in_dim3A_72, %parallel_loop3A_1441 = %broadcast_in_dim3A_72, %parallel_loop3A_1442 = %broadcast_in_dim3A_72) -> (vector<16xf32>, vector<16xf32>, vector<16xf32>, vector<16xf32>, vector<16xf32>, vector<16xf32>, vector<16xf32>, vector<16xf32>)  : i32 {
        %parallel_loop3A_1443 = arith.constant 16 : i32
        %parallel_loop3A_1444 = arith.muli %parallel_loop3A_1434, %parallel_loop3A_1443 : i32
        %parallel_loop3A_1445 = arith.index_cast %parallel_loop3A_1444 : i32 to index
        %parallel_loop3A_1446 = tpu.vector_load %arg12[%parallel_loop3A_1445] {strides = array<i32>} : memref<4096xf32, #tpu.memory_space<vmem>>, vector<16xf32>,
        %parallel_loop3A_1447 = vector.shape_cast %parallel_loop3A_1446 : vector<16xf32> to vector<16xf32>
        %parallel_loop3A_1448 = arith.index_cast %parallel_loop3A_1444 : i32 to index
        %parallel_loop3A_1449 = tpu.vector_load %arg13[%parallel_loop3A_1448] {strides = array<i32>} : memref<4096xf32, #tpu.memory_space<vmem>>, vector<16xf32>,
        %parallel_loop3A_1450 = vector.shape_cast %parallel_loop3A_1449 : vector<16xf32> to vector<16xf32>
        %parallel_loop3A_1451 = arith.index_cast %parallel_loop3A_1444 : i32 to index
        %parallel_loop3A_1452 = tpu.vector_load %arg14[%parallel_loop3A_1451] {strides = array<i32>} : memref<4096xf32, #tpu.memory_space<vmem>>, vector<16xf32>,
        %parallel_loop3A_1453 = vector.shape_cast %parallel_loop3A_1452 : vector<16xf32> to vector<16xf32>
        %parallel_loop3A_1454 = arith.index_cast %parallel_loop3A_1444 : i32 to index
        %parallel_loop3A_1455 = tpu.vector_load %arg15[%parallel_loop3A_1454] {strides = array<i32>} : memref<4096xf32, #tpu.memory_space<vmem>>, vector<16xf32>,
        %parallel_loop3A_1456 = vector.shape_cast %parallel_loop3A_1455 : vector<16xf32> to vector<16xf32>
        %parallel_loop3A_1457 = arith.mulf %parallel_loop3A_1447, %gather3A_178 : vector<16xf32>
        %parallel_loop3A_1458 = arith.subf %parallel_loop3A_1456, %parallel_loop3A_1457 : vector<16xf32>
        %parallel_loop3A_1459 = arith.mulf %parallel_loop3A_1450, %gather3A_188 : vector<16xf32>
        %parallel_loop3A_1460 = arith.subf %parallel_loop3A_1458, %parallel_loop3A_1459 : vector<16xf32>
        %parallel_loop3A_1461 = arith.mulf %parallel_loop3A_1453, %gather3A_198 : vector<16xf32>
        %parallel_loop3A_1462 = arith.subf %parallel_loop3A_1460, %parallel_loop3A_1461 : vector<16xf32>
        %parallel_loop3A_1463 = arith.minimumf %parallel_loop3A_1435, %parallel_loop3A_1462 : vector<16xf32>
        %parallel_loop3A_1464 = arith.mulf %parallel_loop3A_1447, %gather3A_208 : vector<16xf32>
        %parallel_loop3A_1465 = arith.subf %parallel_loop3A_1456, %parallel_loop3A_1464 : vector<16xf32>
        %parallel_loop3A_1466 = arith.mulf %parallel_loop3A_1450, %gather3A_218 : vector<16xf32>
        %parallel_loop3A_1467 = arith.subf %parallel_loop3A_1465, %parallel_loop3A_1466 : vector<16xf32>
        %parallel_loop3A_1468 = arith.mulf %parallel_loop3A_1453, %gather3A_228 : vector<16xf32>
        %parallel_loop3A_1469 = arith.subf %parallel_loop3A_1467, %parallel_loop3A_1468 : vector<16xf32>
        %parallel_loop3A_1470 = arith.minimumf %parallel_loop3A_1436, %parallel_loop3A_1469 : vector<16xf32>
        %parallel_loop3A_1471 = arith.mulf %parallel_loop3A_1447, %gather3A_238 : vector<16xf32>
        %parallel_loop3A_1472 = arith.subf %parallel_loop3A_1456, %parallel_loop3A_1471 : vector<16xf32>
        %parallel_loop3A_1473 = arith.mulf %parallel_loop3A_1450, %gather3A_248 : vector<16xf32>
        %parallel_loop3A_1474 = arith.subf %parallel_loop3A_1472, %parallel_loop3A_1473 : vector<16xf32>
        %parallel_loop3A_1475 = arith.mulf %parallel_loop3A_1453, %gather3A_258 : vector<16xf32>
        %parallel_loop3A_1476 = arith.subf %parallel_loop3A_1474, %parallel_loop3A_1475 : vector<16xf32>
        %parallel_loop3A_1477 = arith.minimumf %parallel_loop3A_1437, %parallel_loop3A_1476 : vector<16xf32>
        %parallel_loop3A_1478 = arith.mulf %parallel_loop3A_1447, %gather3A_268 : vector<16xf32>
        %parallel_loop3A_1479 = arith.subf %parallel_loop3A_1456, %parallel_loop3A_1478 : vector<16xf32>
        %parallel_loop3A_1480 = arith.mulf %parallel_loop3A_1450, %gather3A_278 : vector<16xf32>
        %parallel_loop3A_1481 = arith.subf %parallel_loop3A_1479, %parallel_loop3A_1480 : vector<16xf32>
        %parallel_loop3A_1482 = arith.mulf %parallel_loop3A_1453, %gather3A_288 : vector<16xf32>
        %parallel_loop3A_1483 = arith.subf %parallel_loop3A_1481, %parallel_loop3A_1482 : vector<16xf32>
        %parallel_loop3A_1484 = arith.minimumf %parallel_loop3A_1438, %parallel_loop3A_1483 : vector<16xf32>
        %parallel_loop3A_1485 = arith.mulf %parallel_loop3A_1447, %gather3A_298 : vector<16xf32>
        %parallel_loop3A_1486 = arith.subf %parallel_loop3A_1456, %parallel_loop3A_1485 : vector<16xf32>
        %parallel_loop3A_1487 = arith.mulf %parallel_loop3A_1450, %gather3A_308 : vector<16xf32>
        %parallel_loop3A_1488 = arith.subf %parallel_loop3A_1486, %parallel_loop3A_1487 : vector<16xf32>
        %parallel_loop3A_1489 = arith.mulf %parallel_loop3A_1453, %gather3A_318 : vector<16xf32>
        %parallel_loop3A_1490 = arith.subf %parallel_loop3A_1488, %parallel_loop3A_1489 : vector<16xf32>
        %parallel_loop3A_1491 = arith.minimumf %parallel_loop3A_1439, %parallel_loop3A_1490 : vector<16xf32>
        %parallel_loop3A_1492 = arith.mulf %parallel_loop3A_1447, %gather3A_328 : vector<16xf32>
        %parallel_loop3A_1493 = arith.subf %parallel_loop3A_1456, %parallel_loop3A_1492 : vector<16xf32>
        %parallel_loop3A_1494 = arith.mulf %parallel_loop3A_1450, %gather3A_338 : vector<16xf32>
        %parallel_loop3A_1495 = arith.subf %parallel_loop3A_1493, %parallel_loop3A_1494 : vector<16xf32>
        %parallel_loop3A_1496 = arith.mulf %parallel_loop3A_1453, %gather3A_348 : vector<16xf32>
        %parallel_loop3A_1497 = arith.subf %parallel_loop3A_1495, %parallel_loop3A_1496 : vector<16xf32>
        %parallel_loop3A_1498 = arith.minimumf %parallel_loop3A_1440, %parallel_loop3A_1497 : vector<16xf32>
        %parallel_loop3A_1499 = arith.mulf %parallel_loop3A_1447, %gather3A_358 : vector<16xf32>
        %parallel_loop3A_1500 = arith.subf %parallel_loop3A_1456, %parallel_loop3A_1499 : vector<16xf32>
        %parallel_loop3A_1501 = arith.mulf %parallel_loop3A_1450, %gather3A_368 : vector<16xf32>
        %parallel_loop3A_1502 = arith.subf %parallel_loop3A_1500, %parallel_loop3A_1501 : vector<16xf32>
        %parallel_loop3A_1503 = arith.mulf %parallel_loop3A_1453, %gather3A_378 : vector<16xf32>
        %parallel_loop3A_1504 = arith.subf %parallel_loop3A_1502, %parallel_loop3A_1503 : vector<16xf32>
        %parallel_loop3A_1505 = arith.minimumf %parallel_loop3A_1441, %parallel_loop3A_1504 : vector<16xf32>
        %parallel_loop3A_1506 = arith.mulf %parallel_loop3A_1447, %gather3A_388 : vector<16xf32>
        %parallel_loop3A_1507 = arith.subf %parallel_loop3A_1456, %parallel_loop3A_1506 : vector<16xf32>
        %parallel_loop3A_1508 = arith.mulf %parallel_loop3A_1450, %gather3A_398 : vector<16xf32>
        %parallel_loop3A_1509 = arith.subf %parallel_loop3A_1507, %parallel_loop3A_1508 : vector<16xf32>
        %parallel_loop3A_1510 = arith.mulf %parallel_loop3A_1453, %gather3A_408 : vector<16xf32>
        %parallel_loop3A_1511 = arith.subf %parallel_loop3A_1509, %parallel_loop3A_1510 : vector<16xf32>
        %parallel_loop3A_1512 = arith.minimumf %parallel_loop3A_1442, %parallel_loop3A_1511 : vector<16xf32>
        scf.yield %parallel_loop3A_1463, %parallel_loop3A_1470, %parallel_loop3A_1477, %parallel_loop3A_1484, %parallel_loop3A_1491, %parallel_loop3A_1498, %parallel_loop3A_1505, %parallel_loop3A_1512 : vector<16xf32>, vector<16xf32>, vector<16xf32>, vector<16xf32>, vector<16xf32>, vector<16xf32>, vector<16xf32>, vector<16xf32>
      } {sc.loop_unroll_factor = 2 : i64, sc.parallel_access}
      %lt3A_412 = arith.constant 0 : i32
      %lt3A_413 = vector.broadcast %lt3A_412 : i32 to vector<16xi32>
      %lt3A_414 = arith.cmpi slt, %and3A_52, %lt3A_413 : vector<16xi32>
      %add3A_415 = arith.constant 16 : i32
      %add3A_416 = vector.broadcast %add3A_415 : i32 to vector<16xi32>
      %add3A_417 = arith.addi %and3A_52, %add3A_416 : vector<16xi32>
      %select_n3A_418 = arith.select %lt3A_414, %add3A_417, %and3A_52 : vector<16xi1>, vector<16xi32>
      %broadcast_in_dim3A_419 = vector.shape_cast %select_n3A_418 : vector<16xi32> to vector<16x1xi32>
      %gather3A_420 = vector.shape_cast %broadcast_in_dim3A_419 : vector<16x1xi32> to vector<16xi32>
      %gather3A_421 = tpu.dynamic_gather %parallel_loop3A_411#0[%gather3A_420] in [0] : vector<16xf32>, vector<16xi32> -> vector<16xf32>
      %min3A = arith.minimumf %parallel_loop3A_411#0, %gather3A_421 : vector<16xf32>
      %lt3A_422 = arith.constant 0 : i32
      %lt3A_423 = vector.broadcast %lt3A_422 : i32 to vector<16xi32>
      %lt3A_424 = arith.cmpi slt, %and3A_58, %lt3A_423 : vector<16xi32>
      %add3A_425 = arith.constant 16 : i32
      %add3A_426 = vector.broadcast %add3A_425 : i32 to vector<16xi32>
      %add3A_427 = arith.addi %and3A_58, %add3A_426 : vector<16xi32>
      %select_n3A_428 = arith.select %lt3A_424, %add3A_427, %and3A_58 : vector<16xi1>, vector<16xi32>
      %broadcast_in_dim3A_429 = vector.shape_cast %select_n3A_428 : vector<16xi32> to vector<16x1xi32>
      %gather3A_430 = vector.shape_cast %broadcast_in_dim3A_429 : vector<16x1xi32> to vector<16xi32>
      %gather3A_431 = tpu.dynamic_gather %min3A[%gather3A_430] in [0] : vector<16xf32>, vector<16xi32> -> vector<16xf32>
      %min3A_432 = arith.minimumf %min3A, %gather3A_431 : vector<16xf32>
      %lt3A_433 = arith.constant 0 : i32
      %lt3A_434 = vector.broadcast %lt3A_433 : i32 to vector<16xi32>
      %lt3A_435 = arith.cmpi slt, %and3A_64, %lt3A_434 : vector<16xi32>
      %add3A_436 = arith.constant 16 : i32
      %add3A_437 = vector.broadcast %add3A_436 : i32 to vector<16xi32>
      %add3A_438 = arith.addi %and3A_64, %add3A_437 : vector<16xi32>
      %select_n3A_439 = arith.select %lt3A_435, %add3A_438, %and3A_64 : vector<16xi1>, vector<16xi32>
      %broadcast_in_dim3A_440 = vector.shape_cast %select_n3A_439 : vector<16xi32> to vector<16x1xi32>
      %gather3A_441 = vector.shape_cast %broadcast_in_dim3A_440 : vector<16x1xi32> to vector<16xi32>
      %gather3A_442 = tpu.dynamic_gather %min3A_432[%gather3A_441] in [0] : vector<16xf32>, vector<16xi32> -> vector<16xf32>
      %min3A_443 = arith.minimumf %min3A_432, %gather3A_442 : vector<16xf32>
      %lt3A_444 = arith.constant 0 : i32
      %lt3A_445 = vector.broadcast %lt3A_444 : i32 to vector<16xi32>
      %lt3A_446 = arith.cmpi slt, %and3A_70, %lt3A_445 : vector<16xi32>
      %add3A_447 = arith.constant 16 : i32
      %add3A_448 = vector.broadcast %add3A_447 : i32 to vector<16xi32>
      %add3A_449 = arith.addi %and3A_70, %add3A_448 : vector<16xi32>
      %select_n3A_450 = arith.select %lt3A_446, %add3A_449, %and3A_70 : vector<16xi1>, vector<16xi32>
      %broadcast_in_dim3A_451 = vector.shape_cast %select_n3A_450 : vector<16xi32> to vector<16x1xi32>
      %gather3A_452 = vector.shape_cast %broadcast_in_dim3A_451 : vector<16x1xi32> to vector<16xi32>
      %gather3A_453 = tpu.dynamic_gather %min3A_443[%gather3A_452] in [0] : vector<16xf32>, vector<16xi32> -> vector<16xf32>
      %min3A_454 = arith.minimumf %min3A_443, %gather3A_453 : vector<16xf32>
      %eq3A = arith.constant 0 : i32
      %eq3A_455 = vector.broadcast %eq3A : i32 to vector<16xi32>
      %eq3A_456 = arith.cmpi eq, %iota3A, %eq3A_455 : vector<16xi32>
      %select_n3A_457 = arith.select %eq3A_456, %min3A_454, %broadcast_in_dim3A_72 : vector<16xi1>, vector<16xf32>
      %lt3A_458 = arith.constant 0 : i32
      %lt3A_459 = vector.broadcast %lt3A_458 : i32 to vector<16xi32>
      %lt3A_460 = arith.cmpi slt, %and3A_52, %lt3A_459 : vector<16xi32>
      %add3A_461 = arith.constant 16 : i32
      %add3A_462 = vector.broadcast %add3A_461 : i32 to vector<16xi32>
      %add3A_463 = arith.addi %and3A_52, %add3A_462 : vector<16xi32>
      %select_n3A_464 = arith.select %lt3A_460, %add3A_463, %and3A_52 : vector<16xi1>, vector<16xi32>
      %broadcast_in_dim3A_465 = vector.shape_cast %select_n3A_464 : vector<16xi32> to vector<16x1xi32>
      %gather3A_466 = vector.shape_cast %broadcast_in_dim3A_465 : vector<16x1xi32> to vector<16xi32>
      %gather3A_467 = tpu.dynamic_gather %parallel_loop3A_411#1[%gather3A_466] in [0] : vector<16xf32>, vector<16xi32> -> vector<16xf32>
      %min3A_468 = arith.minimumf %parallel_loop3A_411#1, %gather3A_467 : vector<16xf32>
      %lt3A_469 = arith.constant 0 : i32
      %lt3A_470 = vector.broadcast %lt3A_469 : i32 to vector<16xi32>
      %lt3A_471 = arith.cmpi slt, %and3A_58, %lt3A_470 : vector<16xi32>
      %add3A_472 = arith.constant 16 : i32
      %add3A_473 = vector.broadcast %add3A_472 : i32 to vector<16xi32>
      %add3A_474 = arith.addi %and3A_58, %add3A_473 : vector<16xi32>
      %select_n3A_475 = arith.select %lt3A_471, %add3A_474, %and3A_58 : vector<16xi1>, vector<16xi32>
      %broadcast_in_dim3A_476 = vector.shape_cast %select_n3A_475 : vector<16xi32> to vector<16x1xi32>
      %gather3A_477 = vector.shape_cast %broadcast_in_dim3A_476 : vector<16x1xi32> to vector<16xi32>
      %gather3A_478 = tpu.dynamic_gather %min3A_468[%gather3A_477] in [0] : vector<16xf32>, vector<16xi32> -> vector<16xf32>
      %min3A_479 = arith.minimumf %min3A_468, %gather3A_478 : vector<16xf32>
      %lt3A_480 = arith.constant 0 : i32
      %lt3A_481 = vector.broadcast %lt3A_480 : i32 to vector<16xi32>
      %lt3A_482 = arith.cmpi slt, %and3A_64, %lt3A_481 : vector<16xi32>
      %add3A_483 = arith.constant 16 : i32
      %add3A_484 = vector.broadcast %add3A_483 : i32 to vector<16xi32>
      %add3A_485 = arith.addi %and3A_64, %add3A_484 : vector<16xi32>
      %select_n3A_486 = arith.select %lt3A_482, %add3A_485, %and3A_64 : vector<16xi1>, vector<16xi32>
      %broadcast_in_dim3A_487 = vector.shape_cast %select_n3A_486 : vector<16xi32> to vector<16x1xi32>
      %gather3A_488 = vector.shape_cast %broadcast_in_dim3A_487 : vector<16x1xi32> to vector<16xi32>
      %gather3A_489 = tpu.dynamic_gather %min3A_479[%gather3A_488] in [0] : vector<16xf32>, vector<16xi32> -> vector<16xf32>
      %min3A_490 = arith.minimumf %min3A_479, %gather3A_489 : vector<16xf32>
      %lt3A_491 = arith.constant 0 : i32
      %lt3A_492 = vector.broadcast %lt3A_491 : i32 to vector<16xi32>
      %lt3A_493 = arith.cmpi slt, %and3A_70, %lt3A_492 : vector<16xi32>
      %add3A_494 = arith.constant 16 : i32
      %add3A_495 = vector.broadcast %add3A_494 : i32 to vector<16xi32>
      %add3A_496 = arith.addi %and3A_70, %add3A_495 : vector<16xi32>
      %select_n3A_497 = arith.select %lt3A_493, %add3A_496, %and3A_70 : vector<16xi1>, vector<16xi32>
      %broadcast_in_dim3A_498 = vector.shape_cast %select_n3A_497 : vector<16xi32> to vector<16x1xi32>
      %gather3A_499 = vector.shape_cast %broadcast_in_dim3A_498 : vector<16x1xi32> to vector<16xi32>
      %gather3A_500 = tpu.dynamic_gather %min3A_490[%gather3A_499] in [0] : vector<16xf32>, vector<16xi32> -> vector<16xf32>
      %min3A_501 = arith.minimumf %min3A_490, %gather3A_500 : vector<16xf32>
      %eq3A_502 = arith.constant 1 : i32
      %eq3A_503 = vector.broadcast %eq3A_502 : i32 to vector<16xi32>
      %eq3A_504 = arith.cmpi eq, %iota3A, %eq3A_503 : vector<16xi32>
      %select_n3A_505 = arith.select %eq3A_504, %min3A_501, %select_n3A_457 : vector<16xi1>, vector<16xf32>
      %lt3A_506 = arith.constant 0 : i32
      %lt3A_507 = vector.broadcast %lt3A_506 : i32 to vector<16xi32>
      %lt3A_508 = arith.cmpi slt, %and3A_52, %lt3A_507 : vector<16xi32>
      %add3A_509 = arith.constant 16 : i32
      %add3A_510 = vector.broadcast %add3A_509 : i32 to vector<16xi32>
      %add3A_511 = arith.addi %and3A_52, %add3A_510 : vector<16xi32>
      %select_n3A_512 = arith.select %lt3A_508, %add3A_511, %and3A_52 : vector<16xi1>, vector<16xi32>
      %broadcast_in_dim3A_513 = vector.shape_cast %select_n3A_512 : vector<16xi32> to vector<16x1xi32>
      %gather3A_514 = vector.shape_cast %broadcast_in_dim3A_513 : vector<16x1xi32> to vector<16xi32>
      %gather3A_515 = tpu.dynamic_gather %parallel_loop3A_411#2[%gather3A_514] in [0] : vector<16xf32>, vector<16xi32> -> vector<16xf32>
      %min3A_516 = arith.minimumf %parallel_loop3A_411#2, %gather3A_515 : vector<16xf32>
      %lt3A_517 = arith.constant 0 : i32
      %lt3A_518 = vector.broadcast %lt3A_517 : i32 to vector<16xi32>
      %lt3A_519 = arith.cmpi slt, %and3A_58, %lt3A_518 : vector<16xi32>
      %add3A_520 = arith.constant 16 : i32
      %add3A_521 = vector.broadcast %add3A_520 : i32 to vector<16xi32>
      %add3A_522 = arith.addi %and3A_58, %add3A_521 : vector<16xi32>
      %select_n3A_523 = arith.select %lt3A_519, %add3A_522, %and3A_58 : vector<16xi1>, vector<16xi32>
      %broadcast_in_dim3A_524 = vector.shape_cast %select_n3A_523 : vector<16xi32> to vector<16x1xi32>
      %gather3A_525 = vector.shape_cast %broadcast_in_dim3A_524 : vector<16x1xi32> to vector<16xi32>
      %gather3A_526 = tpu.dynamic_gather %min3A_516[%gather3A_525] in [0] : vector<16xf32>, vector<16xi32> -> vector<16xf32>
      %min3A_527 = arith.minimumf %min3A_516, %gather3A_526 : vector<16xf32>
      %lt3A_528 = arith.constant 0 : i32
      %lt3A_529 = vector.broadcast %lt3A_528 : i32 to vector<16xi32>
      %lt3A_530 = arith.cmpi slt, %and3A_64, %lt3A_529 : vector<16xi32>
      %add3A_531 = arith.constant 16 : i32
      %add3A_532 = vector.broadcast %add3A_531 : i32 to vector<16xi32>
      %add3A_533 = arith.addi %and3A_64, %add3A_532 : vector<16xi32>
      %select_n3A_534 = arith.select %lt3A_530, %add3A_533, %and3A_64 : vector<16xi1>, vector<16xi32>
      %broadcast_in_dim3A_535 = vector.shape_cast %select_n3A_534 : vector<16xi32> to vector<16x1xi32>
      %gather3A_536 = vector.shape_cast %broadcast_in_dim3A_535 : vector<16x1xi32> to vector<16xi32>
      %gather3A_537 = tpu.dynamic_gather %min3A_527[%gather3A_536] in [0] : vector<16xf32>, vector<16xi32> -> vector<16xf32>
      %min3A_538 = arith.minimumf %min3A_527, %gather3A_537 : vector<16xf32>
      %lt3A_539 = arith.constant 0 : i32
      %lt3A_540 = vector.broadcast %lt3A_539 : i32 to vector<16xi32>
      %lt3A_541 = arith.cmpi slt, %and3A_70, %lt3A_540 : vector<16xi32>
      %add3A_542 = arith.constant 16 : i32
      %add3A_543 = vector.broadcast %add3A_542 : i32 to vector<16xi32>
      %add3A_544 = arith.addi %and3A_70, %add3A_543 : vector<16xi32>
      %select_n3A_545 = arith.select %lt3A_541, %add3A_544, %and3A_70 : vector<16xi1>, vector<16xi32>
      %broadcast_in_dim3A_546 = vector.shape_cast %select_n3A_545 : vector<16xi32> to vector<16x1xi32>
      %gather3A_547 = vector.shape_cast %broadcast_in_dim3A_546 : vector<16x1xi32> to vector<16xi32>
      %gather3A_548 = tpu.dynamic_gather %min3A_538[%gather3A_547] in [0] : vector<16xf32>, vector<16xi32> -> vector<16xf32>
      %min3A_549 = arith.minimumf %min3A_538, %gather3A_548 : vector<16xf32>
      %eq3A_550 = arith.constant 2 : i32
      %eq3A_551 = vector.broadcast %eq3A_550 : i32 to vector<16xi32>
      %eq3A_552 = arith.cmpi eq, %iota3A, %eq3A_551 : vector<16xi32>
      %select_n3A_553 = arith.select %eq3A_552, %min3A_549, %select_n3A_505 : vector<16xi1>, vector<16xf32>
      %lt3A_554 = arith.constant 0 : i32
      %lt3A_555 = vector.broadcast %lt3A_554 : i32 to vector<16xi32>
      %lt3A_556 = arith.cmpi slt, %and3A_52, %lt3A_555 : vector<16xi32>
      %add3A_557 = arith.constant 16 : i32
      %add3A_558 = vector.broadcast %add3A_557 : i32 to vector<16xi32>
      %add3A_559 = arith.addi %and3A_52, %add3A_558 : vector<16xi32>
      %select_n3A_560 = arith.select %lt3A_556, %add3A_559, %and3A_52 : vector<16xi1>, vector<16xi32>
      %broadcast_in_dim3A_561 = vector.shape_cast %select_n3A_560 : vector<16xi32> to vector<16x1xi32>
      %gather3A_562 = vector.shape_cast %broadcast_in_dim3A_561 : vector<16x1xi32> to vector<16xi32>
      %gather3A_563 = tpu.dynamic_gather %parallel_loop3A_411#3[%gather3A_562] in [0] : vector<16xf32>, vector<16xi32> -> vector<16xf32>
      %min3A_564 = arith.minimumf %parallel_loop3A_411#3, %gather3A_563 : vector<16xf32>
      %lt3A_565 = arith.constant 0 : i32
      %lt3A_566 = vector.broadcast %lt3A_565 : i32 to vector<16xi32>
      %lt3A_567 = arith.cmpi slt, %and3A_58, %lt3A_566 : vector<16xi32>
      %add3A_568 = arith.constant 16 : i32
      %add3A_569 = vector.broadcast %add3A_568 : i32 to vector<16xi32>
      %add3A_570 = arith.addi %and3A_58, %add3A_569 : vector<16xi32>
      %select_n3A_571 = arith.select %lt3A_567, %add3A_570, %and3A_58 : vector<16xi1>, vector<16xi32>
      %broadcast_in_dim3A_572 = vector.shape_cast %select_n3A_571 : vector<16xi32> to vector<16x1xi32>
      %gather3A_573 = vector.shape_cast %broadcast_in_dim3A_572 : vector<16x1xi32> to vector<16xi32>
      %gather3A_574 = tpu.dynamic_gather %min3A_564[%gather3A_573] in [0] : vector<16xf32>, vector<16xi32> -> vector<16xf32>
      %min3A_575 = arith.minimumf %min3A_564, %gather3A_574 : vector<16xf32>
      %lt3A_576 = arith.constant 0 : i32
      %lt3A_577 = vector.broadcast %lt3A_576 : i32 to vector<16xi32>
      %lt3A_578 = arith.cmpi slt, %and3A_64, %lt3A_577 : vector<16xi32>
      %add3A_579 = arith.constant 16 : i32
      %add3A_580 = vector.broadcast %add3A_579 : i32 to vector<16xi32>
      %add3A_581 = arith.addi %and3A_64, %add3A_580 : vector<16xi32>
      %select_n3A_582 = arith.select %lt3A_578, %add3A_581, %and3A_64 : vector<16xi1>, vector<16xi32>
      %broadcast_in_dim3A_583 = vector.shape_cast %select_n3A_582 : vector<16xi32> to vector<16x1xi32>
      %gather3A_584 = vector.shape_cast %broadcast_in_dim3A_583 : vector<16x1xi32> to vector<16xi32>
      %gather3A_585 = tpu.dynamic_gather %min3A_575[%gather3A_584] in [0] : vector<16xf32>, vector<16xi32> -> vector<16xf32>
      %min3A_586 = arith.minimumf %min3A_575, %gather3A_585 : vector<16xf32>
      %lt3A_587 = arith.constant 0 : i32
      %lt3A_588 = vector.broadcast %lt3A_587 : i32 to vector<16xi32>
      %lt3A_589 = arith.cmpi slt, %and3A_70, %lt3A_588 : vector<16xi32>
      %add3A_590 = arith.constant 16 : i32
      %add3A_591 = vector.broadcast %add3A_590 : i32 to vector<16xi32>
      %add3A_592 = arith.addi %and3A_70, %add3A_591 : vector<16xi32>
      %select_n3A_593 = arith.select %lt3A_589, %add3A_592, %and3A_70 : vector<16xi1>, vector<16xi32>
      %broadcast_in_dim3A_594 = vector.shape_cast %select_n3A_593 : vector<16xi32> to vector<16x1xi32>
      %gather3A_595 = vector.shape_cast %broadcast_in_dim3A_594 : vector<16x1xi32> to vector<16xi32>
      %gather3A_596 = tpu.dynamic_gather %min3A_586[%gather3A_595] in [0] : vector<16xf32>, vector<16xi32> -> vector<16xf32>
      %min3A_597 = arith.minimumf %min3A_586, %gather3A_596 : vector<16xf32>
      %eq3A_598 = arith.constant 3 : i32
      %eq3A_599 = vector.broadcast %eq3A_598 : i32 to vector<16xi32>
      %eq3A_600 = arith.cmpi eq, %iota3A, %eq3A_599 : vector<16xi32>
      %select_n3A_601 = arith.select %eq3A_600, %min3A_597, %select_n3A_553 : vector<16xi1>, vector<16xf32>
      %lt3A_602 = arith.constant 0 : i32
      %lt3A_603 = vector.broadcast %lt3A_602 : i32 to vector<16xi32>
      %lt3A_604 = arith.cmpi slt, %and3A_52, %lt3A_603 : vector<16xi32>
      %add3A_605 = arith.constant 16 : i32
      %add3A_606 = vector.broadcast %add3A_605 : i32 to vector<16xi32>
      %add3A_607 = arith.addi %and3A_52, %add3A_606 : vector<16xi32>
      %select_n3A_608 = arith.select %lt3A_604, %add3A_607, %and3A_52 : vector<16xi1>, vector<16xi32>
      %broadcast_in_dim3A_609 = vector.shape_cast %select_n3A_608 : vector<16xi32> to vector<16x1xi32>
      %gather3A_610 = vector.shape_cast %broadcast_in_dim3A_609 : vector<16x1xi32> to vector<16xi32>
      %gather3A_611 = tpu.dynamic_gather %parallel_loop3A_411#4[%gather3A_610] in [0] : vector<16xf32>, vector<16xi32> -> vector<16xf32>
      %min3A_612 = arith.minimumf %parallel_loop3A_411#4, %gather3A_611 : vector<16xf32>
      %lt3A_613 = arith.constant 0 : i32
      %lt3A_614 = vector.broadcast %lt3A_613 : i32 to vector<16xi32>
      %lt3A_615 = arith.cmpi slt, %and3A_58, %lt3A_614 : vector<16xi32>
      %add3A_616 = arith.constant 16 : i32
      %add3A_617 = vector.broadcast %add3A_616 : i32 to vector<16xi32>
      %add3A_618 = arith.addi %and3A_58, %add3A_617 : vector<16xi32>
      %select_n3A_619 = arith.select %lt3A_615, %add3A_618, %and3A_58 : vector<16xi1>, vector<16xi32>
      %broadcast_in_dim3A_620 = vector.shape_cast %select_n3A_619 : vector<16xi32> to vector<16x1xi32>
      %gather3A_621 = vector.shape_cast %broadcast_in_dim3A_620 : vector<16x1xi32> to vector<16xi32>
      %gather3A_622 = tpu.dynamic_gather %min3A_612[%gather3A_621] in [0] : vector<16xf32>, vector<16xi32> -> vector<16xf32>
      %min3A_623 = arith.minimumf %min3A_612, %gather3A_622 : vector<16xf32>
      %lt3A_624 = arith.constant 0 : i32
      %lt3A_625 = vector.broadcast %lt3A_624 : i32 to vector<16xi32>
      %lt3A_626 = arith.cmpi slt, %and3A_64, %lt3A_625 : vector<16xi32>
      %add3A_627 = arith.constant 16 : i32
      %add3A_628 = vector.broadcast %add3A_627 : i32 to vector<16xi32>
      %add3A_629 = arith.addi %and3A_64, %add3A_628 : vector<16xi32>
      %select_n3A_630 = arith.select %lt3A_626, %add3A_629, %and3A_64 : vector<16xi1>, vector<16xi32>
      %broadcast_in_dim3A_631 = vector.shape_cast %select_n3A_630 : vector<16xi32> to vector<16x1xi32>
      %gather3A_632 = vector.shape_cast %broadcast_in_dim3A_631 : vector<16x1xi32> to vector<16xi32>
      %gather3A_633 = tpu.dynamic_gather %min3A_623[%gather3A_632] in [0] : vector<16xf32>, vector<16xi32> -> vector<16xf32>
      %min3A_634 = arith.minimumf %min3A_623, %gather3A_633 : vector<16xf32>
      %lt3A_635 = arith.constant 0 : i32
      %lt3A_636 = vector.broadcast %lt3A_635 : i32 to vector<16xi32>
      %lt3A_637 = arith.cmpi slt, %and3A_70, %lt3A_636 : vector<16xi32>
      %add3A_638 = arith.constant 16 : i32
      %add3A_639 = vector.broadcast %add3A_638 : i32 to vector<16xi32>
      %add3A_640 = arith.addi %and3A_70, %add3A_639 : vector<16xi32>
      %select_n3A_641 = arith.select %lt3A_637, %add3A_640, %and3A_70 : vector<16xi1>, vector<16xi32>
      %broadcast_in_dim3A_642 = vector.shape_cast %select_n3A_641 : vector<16xi32> to vector<16x1xi32>
      %gather3A_643 = vector.shape_cast %broadcast_in_dim3A_642 : vector<16x1xi32> to vector<16xi32>
      %gather3A_644 = tpu.dynamic_gather %min3A_634[%gather3A_643] in [0] : vector<16xf32>, vector<16xi32> -> vector<16xf32>
      %min3A_645 = arith.minimumf %min3A_634, %gather3A_644 : vector<16xf32>
      %eq3A_646 = arith.constant 4 : i32
      %eq3A_647 = vector.broadcast %eq3A_646 : i32 to vector<16xi32>
      %eq3A_648 = arith.cmpi eq, %iota3A, %eq3A_647 : vector<16xi32>
      %select_n3A_649 = arith.select %eq3A_648, %min3A_645, %select_n3A_601 : vector<16xi1>, vector<16xf32>
      %lt3A_650 = arith.constant 0 : i32
      %lt3A_651 = vector.broadcast %lt3A_650 : i32 to vector<16xi32>
      %lt3A_652 = arith.cmpi slt, %and3A_52, %lt3A_651 : vector<16xi32>
      %add3A_653 = arith.constant 16 : i32
      %add3A_654 = vector.broadcast %add3A_653 : i32 to vector<16xi32>
      %add3A_655 = arith.addi %and3A_52, %add3A_654 : vector<16xi32>
      %select_n3A_656 = arith.select %lt3A_652, %add3A_655, %and3A_52 : vector<16xi1>, vector<16xi32>
      %broadcast_in_dim3A_657 = vector.shape_cast %select_n3A_656 : vector<16xi32> to vector<16x1xi32>
      %gather3A_658 = vector.shape_cast %broadcast_in_dim3A_657 : vector<16x1xi32> to vector<16xi32>
      %gather3A_659 = tpu.dynamic_gather %parallel_loop3A_411#5[%gather3A_658] in [0] : vector<16xf32>, vector<16xi32> -> vector<16xf32>
      %min3A_660 = arith.minimumf %parallel_loop3A_411#5, %gather3A_659 : vector<16xf32>
      %lt3A_661 = arith.constant 0 : i32
      %lt3A_662 = vector.broadcast %lt3A_661 : i32 to vector<16xi32>
      %lt3A_663 = arith.cmpi slt, %and3A_58, %lt3A_662 : vector<16xi32>
      %add3A_664 = arith.constant 16 : i32
      %add3A_665 = vector.broadcast %add3A_664 : i32 to vector<16xi32>
      %add3A_666 = arith.addi %and3A_58, %add3A_665 : vector<16xi32>
      %select_n3A_667 = arith.select %lt3A_663, %add3A_666, %and3A_58 : vector<16xi1>, vector<16xi32>
      %broadcast_in_dim3A_668 = vector.shape_cast %select_n3A_667 : vector<16xi32> to vector<16x1xi32>
      %gather3A_669 = vector.shape_cast %broadcast_in_dim3A_668 : vector<16x1xi32> to vector<16xi32>
      %gather3A_670 = tpu.dynamic_gather %min3A_660[%gather3A_669] in [0] : vector<16xf32>, vector<16xi32> -> vector<16xf32>
      %min3A_671 = arith.minimumf %min3A_660, %gather3A_670 : vector<16xf32>
      %lt3A_672 = arith.constant 0 : i32
      %lt3A_673 = vector.broadcast %lt3A_672 : i32 to vector<16xi32>
      %lt3A_674 = arith.cmpi slt, %and3A_64, %lt3A_673 : vector<16xi32>
      %add3A_675 = arith.constant 16 : i32
      %add3A_676 = vector.broadcast %add3A_675 : i32 to vector<16xi32>
      %add3A_677 = arith.addi %and3A_64, %add3A_676 : vector<16xi32>
      %select_n3A_678 = arith.select %lt3A_674, %add3A_677, %and3A_64 : vector<16xi1>, vector<16xi32>
      %broadcast_in_dim3A_679 = vector.shape_cast %select_n3A_678 : vector<16xi32> to vector<16x1xi32>
      %gather3A_680 = vector.shape_cast %broadcast_in_dim3A_679 : vector<16x1xi32> to vector<16xi32>
      %gather3A_681 = tpu.dynamic_gather %min3A_671[%gather3A_680] in [0] : vector<16xf32>, vector<16xi32> -> vector<16xf32>
      %min3A_682 = arith.minimumf %min3A_671, %gather3A_681 : vector<16xf32>
      %lt3A_683 = arith.constant 0 : i32
      %lt3A_684 = vector.broadcast %lt3A_683 : i32 to vector<16xi32>
      %lt3A_685 = arith.cmpi slt, %and3A_70, %lt3A_684 : vector<16xi32>
      %add3A_686 = arith.constant 16 : i32
      %add3A_687 = vector.broadcast %add3A_686 : i32 to vector<16xi32>
      %add3A_688 = arith.addi %and3A_70, %add3A_687 : vector<16xi32>
      %select_n3A_689 = arith.select %lt3A_685, %add3A_688, %and3A_70 : vector<16xi1>, vector<16xi32>
      %broadcast_in_dim3A_690 = vector.shape_cast %select_n3A_689 : vector<16xi32> to vector<16x1xi32>
      %gather3A_691 = vector.shape_cast %broadcast_in_dim3A_690 : vector<16x1xi32> to vector<16xi32>
      %gather3A_692 = tpu.dynamic_gather %min3A_682[%gather3A_691] in [0] : vector<16xf32>, vector<16xi32> -> vector<16xf32>
      %min3A_693 = arith.minimumf %min3A_682, %gather3A_692 : vector<16xf32>
      %eq3A_694 = arith.constant 5 : i32
      %eq3A_695 = vector.broadcast %eq3A_694 : i32 to vector<16xi32>
      %eq3A_696 = arith.cmpi eq, %iota3A, %eq3A_695 : vector<16xi32>
      %select_n3A_697 = arith.select %eq3A_696, %min3A_693, %select_n3A_649 : vector<16xi1>, vector<16xf32>
      %lt3A_698 = arith.constant 0 : i32
      %lt3A_699 = vector.broadcast %lt3A_698 : i32 to vector<16xi32>
      %lt3A_700 = arith.cmpi slt, %and3A_52, %lt3A_699 : vector<16xi32>
      %add3A_701 = arith.constant 16 : i32
      %add3A_702 = vector.broadcast %add3A_701 : i32 to vector<16xi32>
      %add3A_703 = arith.addi %and3A_52, %add3A_702 : vector<16xi32>
      %select_n3A_704 = arith.select %lt3A_700, %add3A_703, %and3A_52 : vector<16xi1>, vector<16xi32>
      %broadcast_in_dim3A_705 = vector.shape_cast %select_n3A_704 : vector<16xi32> to vector<16x1xi32>
      %gather3A_706 = vector.shape_cast %broadcast_in_dim3A_705 : vector<16x1xi32> to vector<16xi32>
      %gather3A_707 = tpu.dynamic_gather %parallel_loop3A_411#6[%gather3A_706] in [0] : vector<16xf32>, vector<16xi32> -> vector<16xf32>
      %min3A_708 = arith.minimumf %parallel_loop3A_411#6, %gather3A_707 : vector<16xf32>
      %lt3A_709 = arith.constant 0 : i32
      %lt3A_710 = vector.broadcast %lt3A_709 : i32 to vector<16xi32>
      %lt3A_711 = arith.cmpi slt, %and3A_58, %lt3A_710 : vector<16xi32>
      %add3A_712 = arith.constant 16 : i32
      %add3A_713 = vector.broadcast %add3A_712 : i32 to vector<16xi32>
      %add3A_714 = arith.addi %and3A_58, %add3A_713 : vector<16xi32>
      %select_n3A_715 = arith.select %lt3A_711, %add3A_714, %and3A_58 : vector<16xi1>, vector<16xi32>
      %broadcast_in_dim3A_716 = vector.shape_cast %select_n3A_715 : vector<16xi32> to vector<16x1xi32>
      %gather3A_717 = vector.shape_cast %broadcast_in_dim3A_716 : vector<16x1xi32> to vector<16xi32>
      %gather3A_718 = tpu.dynamic_gather %min3A_708[%gather3A_717] in [0] : vector<16xf32>, vector<16xi32> -> vector<16xf32>
      %min3A_719 = arith.minimumf %min3A_708, %gather3A_718 : vector<16xf32>
      %lt3A_720 = arith.constant 0 : i32
      %lt3A_721 = vector.broadcast %lt3A_720 : i32 to vector<16xi32>
      %lt3A_722 = arith.cmpi slt, %and3A_64, %lt3A_721 : vector<16xi32>
      %add3A_723 = arith.constant 16 : i32
      %add3A_724 = vector.broadcast %add3A_723 : i32 to vector<16xi32>
      %add3A_725 = arith.addi %and3A_64, %add3A_724 : vector<16xi32>
      %select_n3A_726 = arith.select %lt3A_722, %add3A_725, %and3A_64 : vector<16xi1>, vector<16xi32>
      %broadcast_in_dim3A_727 = vector.shape_cast %select_n3A_726 : vector<16xi32> to vector<16x1xi32>
      %gather3A_728 = vector.shape_cast %broadcast_in_dim3A_727 : vector<16x1xi32> to vector<16xi32>
      %gather3A_729 = tpu.dynamic_gather %min3A_719[%gather3A_728] in [0] : vector<16xf32>, vector<16xi32> -> vector<16xf32>
      %min3A_730 = arith.minimumf %min3A_719, %gather3A_729 : vector<16xf32>
      %lt3A_731 = arith.constant 0 : i32
      %lt3A_732 = vector.broadcast %lt3A_731 : i32 to vector<16xi32>
      %lt3A_733 = arith.cmpi slt, %and3A_70, %lt3A_732 : vector<16xi32>
      %add3A_734 = arith.constant 16 : i32
      %add3A_735 = vector.broadcast %add3A_734 : i32 to vector<16xi32>
      %add3A_736 = arith.addi %and3A_70, %add3A_735 : vector<16xi32>
      %select_n3A_737 = arith.select %lt3A_733, %add3A_736, %and3A_70 : vector<16xi1>, vector<16xi32>
      %broadcast_in_dim3A_738 = vector.shape_cast %select_n3A_737 : vector<16xi32> to vector<16x1xi32>
      %gather3A_739 = vector.shape_cast %broadcast_in_dim3A_738 : vector<16x1xi32> to vector<16xi32>
      %gather3A_740 = tpu.dynamic_gather %min3A_730[%gather3A_739] in [0] : vector<16xf32>, vector<16xi32> -> vector<16xf32>
      %min3A_741 = arith.minimumf %min3A_730, %gather3A_740 : vector<16xf32>
      %eq3A_742 = arith.constant 6 : i32
      %eq3A_743 = vector.broadcast %eq3A_742 : i32 to vector<16xi32>
      %eq3A_744 = arith.cmpi eq, %iota3A, %eq3A_743 : vector<16xi32>
      %select_n3A_745 = arith.select %eq3A_744, %min3A_741, %select_n3A_697 : vector<16xi1>, vector<16xf32>
      %lt3A_746 = arith.constant 0 : i32
      %lt3A_747 = vector.broadcast %lt3A_746 : i32 to vector<16xi32>
      %lt3A_748 = arith.cmpi slt, %and3A_52, %lt3A_747 : vector<16xi32>
      %add3A_749 = arith.constant 16 : i32
      %add3A_750 = vector.broadcast %add3A_749 : i32 to vector<16xi32>
      %add3A_751 = arith.addi %and3A_52, %add3A_750 : vector<16xi32>
      %select_n3A_752 = arith.select %lt3A_748, %add3A_751, %and3A_52 : vector<16xi1>, vector<16xi32>
      %broadcast_in_dim3A_753 = vector.shape_cast %select_n3A_752 : vector<16xi32> to vector<16x1xi32>
      %gather3A_754 = vector.shape_cast %broadcast_in_dim3A_753 : vector<16x1xi32> to vector<16xi32>
      %gather3A_755 = tpu.dynamic_gather %parallel_loop3A_411#7[%gather3A_754] in [0] : vector<16xf32>, vector<16xi32> -> vector<16xf32>
      %min3A_756 = arith.minimumf %parallel_loop3A_411#7, %gather3A_755 : vector<16xf32>
      %lt3A_757 = arith.constant 0 : i32
      %lt3A_758 = vector.broadcast %lt3A_757 : i32 to vector<16xi32>
      %lt3A_759 = arith.cmpi slt, %and3A_58, %lt3A_758 : vector<16xi32>
      %add3A_760 = arith.constant 16 : i32
      %add3A_761 = vector.broadcast %add3A_760 : i32 to vector<16xi32>
      %add3A_762 = arith.addi %and3A_58, %add3A_761 : vector<16xi32>
      %select_n3A_763 = arith.select %lt3A_759, %add3A_762, %and3A_58 : vector<16xi1>, vector<16xi32>
      %broadcast_in_dim3A_764 = vector.shape_cast %select_n3A_763 : vector<16xi32> to vector<16x1xi32>
      %gather3A_765 = vector.shape_cast %broadcast_in_dim3A_764 : vector<16x1xi32> to vector<16xi32>
      %gather3A_766 = tpu.dynamic_gather %min3A_756[%gather3A_765] in [0] : vector<16xf32>, vector<16xi32> -> vector<16xf32>
      %min3A_767 = arith.minimumf %min3A_756, %gather3A_766 : vector<16xf32>
      %lt3A_768 = arith.constant 0 : i32
      %lt3A_769 = vector.broadcast %lt3A_768 : i32 to vector<16xi32>
      %lt3A_770 = arith.cmpi slt, %and3A_64, %lt3A_769 : vector<16xi32>
      %add3A_771 = arith.constant 16 : i32
      %add3A_772 = vector.broadcast %add3A_771 : i32 to vector<16xi32>
      %add3A_773 = arith.addi %and3A_64, %add3A_772 : vector<16xi32>
      %select_n3A_774 = arith.select %lt3A_770, %add3A_773, %and3A_64 : vector<16xi1>, vector<16xi32>
      %broadcast_in_dim3A_775 = vector.shape_cast %select_n3A_774 : vector<16xi32> to vector<16x1xi32>
      %gather3A_776 = vector.shape_cast %broadcast_in_dim3A_775 : vector<16x1xi32> to vector<16xi32>
      %gather3A_777 = tpu.dynamic_gather %min3A_767[%gather3A_776] in [0] : vector<16xf32>, vector<16xi32> -> vector<16xf32>
      %min3A_778 = arith.minimumf %min3A_767, %gather3A_777 : vector<16xf32>
      %lt3A_779 = arith.constant 0 : i32
      %lt3A_780 = vector.broadcast %lt3A_779 : i32 to vector<16xi32>
      %lt3A_781 = arith.cmpi slt, %and3A_70, %lt3A_780 : vector<16xi32>
      %add3A_782 = arith.constant 16 : i32
      %add3A_783 = vector.broadcast %add3A_782 : i32 to vector<16xi32>
      %add3A_784 = arith.addi %and3A_70, %add3A_783 : vector<16xi32>
      %select_n3A_785 = arith.select %lt3A_781, %add3A_784, %and3A_70 : vector<16xi1>, vector<16xi32>
      %broadcast_in_dim3A_786 = vector.shape_cast %select_n3A_785 : vector<16xi32> to vector<16x1xi32>
      %gather3A_787 = vector.shape_cast %broadcast_in_dim3A_786 : vector<16x1xi32> to vector<16xi32>
      %gather3A_788 = tpu.dynamic_gather %min3A_778[%gather3A_787] in [0] : vector<16xf32>, vector<16xi32> -> vector<16xf32>
      %min3A_789 = arith.minimumf %min3A_778, %gather3A_788 : vector<16xf32>
      %eq3A_790 = arith.constant 7 : i32
      %eq3A_791 = vector.broadcast %eq3A_790 : i32 to vector<16xi32>
      %eq3A_792 = arith.cmpi eq, %iota3A, %eq3A_791 : vector<16xi32>
      %select_n3A_793 = arith.select %eq3A_792, %min3A_789, %select_n3A_745 : vector<16xi1>, vector<16xf32>
      %lt3A_794 = arith.constant 0 : i32
      %lt3A_795 = vector.broadcast %lt3A_794 : i32 to vector<16xi32>
      %lt3A_796 = arith.cmpi slt, %broadcast_in_dim3A_33, %lt3A_795 : vector<16xi32>
      %add3A_797 = arith.constant 16 : i32
      %add3A_798 = vector.broadcast %add3A_797 : i32 to vector<16xi32>
      %add3A_799 = arith.addi %broadcast_in_dim3A_33, %add3A_798 : vector<16xi32>
      %select_n3A_800 = arith.select %lt3A_796, %add3A_799, %broadcast_in_dim3A_33 : vector<16xi1>, vector<16xi32>
      %broadcast_in_dim3A_801 = vector.shape_cast %select_n3A_800 : vector<16xi32> to vector<16x1xi32>
      %gather3A_802 = vector.shape_cast %broadcast_in_dim3A_801 : vector<16x1xi32> to vector<16xi32>
      %gather3A_803 = tpu.dynamic_gather %mul3A_159[%gather3A_802] in [0] : vector<16xf32>, vector<16xi32> -> vector<16xf32>
      %lt3A_804 = arith.constant 0 : i32
      %lt3A_805 = vector.broadcast %lt3A_804 : i32 to vector<16xi32>
      %lt3A_806 = arith.cmpi slt, %broadcast_in_dim3A_33, %lt3A_805 : vector<16xi32>
      %add3A_807 = arith.constant 16 : i32
      %add3A_808 = vector.broadcast %add3A_807 : i32 to vector<16xi32>
      %add3A_809 = arith.addi %broadcast_in_dim3A_33, %add3A_808 : vector<16xi32>
      %select_n3A_810 = arith.select %lt3A_806, %add3A_809, %broadcast_in_dim3A_33 : vector<16xi1>, vector<16xi32>
      %broadcast_in_dim3A_811 = vector.shape_cast %select_n3A_810 : vector<16xi32> to vector<16x1xi32>
      %gather3A_812 = vector.shape_cast %broadcast_in_dim3A_811 : vector<16x1xi32> to vector<16xi32>
      %gather3A_813 = tpu.dynamic_gather %mul3A_165[%gather3A_812] in [0] : vector<16xf32>, vector<16xi32> -> vector<16xf32>
      %lt3A_814 = arith.constant 0 : i32
      %lt3A_815 = vector.broadcast %lt3A_814 : i32 to vector<16xi32>
      %lt3A_816 = arith.cmpi slt, %broadcast_in_dim3A_33, %lt3A_815 : vector<16xi32>
      %add3A_817 = arith.constant 16 : i32
      %add3A_818 = vector.broadcast %add3A_817 : i32 to vector<16xi32>
      %add3A_819 = arith.addi %broadcast_in_dim3A_33, %add3A_818 : vector<16xi32>
      %select_n3A_820 = arith.select %lt3A_816, %add3A_819, %broadcast_in_dim3A_33 : vector<16xi1>, vector<16xi32>
      %broadcast_in_dim3A_821 = vector.shape_cast %select_n3A_820 : vector<16xi32> to vector<16x1xi32>
      %gather3A_822 = vector.shape_cast %broadcast_in_dim3A_821 : vector<16x1xi32> to vector<16xi32>
      %gather3A_823 = tpu.dynamic_gather %mul3A_171[%gather3A_822] in [0] : vector<16xf32>, vector<16xi32> -> vector<16xf32>
      %lt3A_824 = arith.constant 0 : i32
      %lt3A_825 = vector.broadcast %lt3A_824 : i32 to vector<16xi32>
      %lt3A_826 = arith.cmpi slt, %broadcast_in_dim3A_35, %lt3A_825 : vector<16xi32>
      %add3A_827 = arith.constant 16 : i32
      %add3A_828 = vector.broadcast %add3A_827 : i32 to vector<16xi32>
      %add3A_829 = arith.addi %broadcast_in_dim3A_35, %add3A_828 : vector<16xi32>
      %select_n3A_830 = arith.select %lt3A_826, %add3A_829, %broadcast_in_dim3A_35 : vector<16xi1>, vector<16xi32>
      %broadcast_in_dim3A_831 = vector.shape_cast %select_n3A_830 : vector<16xi32> to vector<16x1xi32>
      %gather3A_832 = vector.shape_cast %broadcast_in_dim3A_831 : vector<16x1xi32> to vector<16xi32>
      %gather3A_833 = tpu.dynamic_gather %mul3A_159[%gather3A_832] in [0] : vector<16xf32>, vector<16xi32> -> vector<16xf32>
      %lt3A_834 = arith.constant 0 : i32
      %lt3A_835 = vector.broadcast %lt3A_834 : i32 to vector<16xi32>
      %lt3A_836 = arith.cmpi slt, %broadcast_in_dim3A_35, %lt3A_835 : vector<16xi32>
      %add3A_837 = arith.constant 16 : i32
      %add3A_838 = vector.broadcast %add3A_837 : i32 to vector<16xi32>
      %add3A_839 = arith.addi %broadcast_in_dim3A_35, %add3A_838 : vector<16xi32>
      %select_n3A_840 = arith.select %lt3A_836, %add3A_839, %broadcast_in_dim3A_35 : vector<16xi1>, vector<16xi32>
      %broadcast_in_dim3A_841 = vector.shape_cast %select_n3A_840 : vector<16xi32> to vector<16x1xi32>
      %gather3A_842 = vector.shape_cast %broadcast_in_dim3A_841 : vector<16x1xi32> to vector<16xi32>
      %gather3A_843 = tpu.dynamic_gather %mul3A_165[%gather3A_842] in [0] : vector<16xf32>, vector<16xi32> -> vector<16xf32>
      %lt3A_844 = arith.constant 0 : i32
      %lt3A_845 = vector.broadcast %lt3A_844 : i32 to vector<16xi32>
      %lt3A_846 = arith.cmpi slt, %broadcast_in_dim3A_35, %lt3A_845 : vector<16xi32>
      %add3A_847 = arith.constant 16 : i32
      %add3A_848 = vector.broadcast %add3A_847 : i32 to vector<16xi32>
      %add3A_849 = arith.addi %broadcast_in_dim3A_35, %add3A_848 : vector<16xi32>
      %select_n3A_850 = arith.select %lt3A_846, %add3A_849, %broadcast_in_dim3A_35 : vector<16xi1>, vector<16xi32>
      %broadcast_in_dim3A_851 = vector.shape_cast %select_n3A_850 : vector<16xi32> to vector<16x1xi32>
      %gather3A_852 = vector.shape_cast %broadcast_in_dim3A_851 : vector<16x1xi32> to vector<16xi32>
      %gather3A_853 = tpu.dynamic_gather %mul3A_171[%gather3A_852] in [0] : vector<16xf32>, vector<16xi32> -> vector<16xf32>
      %lt3A_854 = arith.constant 0 : i32
      %lt3A_855 = vector.broadcast %lt3A_854 : i32 to vector<16xi32>
      %lt3A_856 = arith.cmpi slt, %broadcast_in_dim3A_37, %lt3A_855 : vector<16xi32>
      %add3A_857 = arith.constant 16 : i32
      %add3A_858 = vector.broadcast %add3A_857 : i32 to vector<16xi32>
      %add3A_859 = arith.addi %broadcast_in_dim3A_37, %add3A_858 : vector<16xi32>
      %select_n3A_860 = arith.select %lt3A_856, %add3A_859, %broadcast_in_dim3A_37 : vector<16xi1>, vector<16xi32>
      %broadcast_in_dim3A_861 = vector.shape_cast %select_n3A_860 : vector<16xi32> to vector<16x1xi32>
      %gather3A_862 = vector.shape_cast %broadcast_in_dim3A_861 : vector<16x1xi32> to vector<16xi32>
      %gather3A_863 = tpu.dynamic_gather %mul3A_159[%gather3A_862] in [0] : vector<16xf32>, vector<16xi32> -> vector<16xf32>
      %lt3A_864 = arith.constant 0 : i32
      %lt3A_865 = vector.broadcast %lt3A_864 : i32 to vector<16xi32>
      %lt3A_866 = arith.cmpi slt, %broadcast_in_dim3A_37, %lt3A_865 : vector<16xi32>
      %add3A_867 = arith.constant 16 : i32
      %add3A_868 = vector.broadcast %add3A_867 : i32 to vector<16xi32>
      %add3A_869 = arith.addi %broadcast_in_dim3A_37, %add3A_868 : vector<16xi32>
      %select_n3A_870 = arith.select %lt3A_866, %add3A_869, %broadcast_in_dim3A_37 : vector<16xi1>, vector<16xi32>
      %broadcast_in_dim3A_871 = vector.shape_cast %select_n3A_870 : vector<16xi32> to vector<16x1xi32>
      %gather3A_872 = vector.shape_cast %broadcast_in_dim3A_871 : vector<16x1xi32> to vector<16xi32>
      %gather3A_873 = tpu.dynamic_gather %mul3A_165[%gather3A_872] in [0] : vector<16xf32>, vector<16xi32> -> vector<16xf32>
      %lt3A_874 = arith.constant 0 : i32
      %lt3A_875 = vector.broadcast %lt3A_874 : i32 to vector<16xi32>
      %lt3A_876 = arith.cmpi slt, %broadcast_in_dim3A_37, %lt3A_875 : vector<16xi32>
      %add3A_877 = arith.constant 16 : i32
      %add3A_878 = vector.broadcast %add3A_877 : i32 to vector<16xi32>
      %add3A_879 = arith.addi %broadcast_in_dim3A_37, %add3A_878 : vector<16xi32>
      %select_n3A_880 = arith.select %lt3A_876, %add3A_879, %broadcast_in_dim3A_37 : vector<16xi1>, vector<16xi32>
      %broadcast_in_dim3A_881 = vector.shape_cast %select_n3A_880 : vector<16xi32> to vector<16x1xi32>
      %gather3A_882 = vector.shape_cast %broadcast_in_dim3A_881 : vector<16x1xi32> to vector<16xi32>
      %gather3A_883 = tpu.dynamic_gather %mul3A_171[%gather3A_882] in [0] : vector<16xf32>, vector<16xi32> -> vector<16xf32>
      %lt3A_884 = arith.constant 0 : i32
      %lt3A_885 = vector.broadcast %lt3A_884 : i32 to vector<16xi32>
      %lt3A_886 = arith.cmpi slt, %broadcast_in_dim3A_39, %lt3A_885 : vector<16xi32>
      %add3A_887 = arith.constant 16 : i32
      %add3A_888 = vector.broadcast %add3A_887 : i32 to vector<16xi32>
      %add3A_889 = arith.addi %broadcast_in_dim3A_39, %add3A_888 : vector<16xi32>
      %select_n3A_890 = arith.select %lt3A_886, %add3A_889, %broadcast_in_dim3A_39 : vector<16xi1>, vector<16xi32>
      %broadcast_in_dim3A_891 = vector.shape_cast %select_n3A_890 : vector<16xi32> to vector<16x1xi32>
      %gather3A_892 = vector.shape_cast %broadcast_in_dim3A_891 : vector<16x1xi32> to vector<16xi32>
      %gather3A_893 = tpu.dynamic_gather %mul3A_159[%gather3A_892] in [0] : vector<16xf32>, vector<16xi32> -> vector<16xf32>
      %lt3A_894 = arith.constant 0 : i32
      %lt3A_895 = vector.broadcast %lt3A_894 : i32 to vector<16xi32>
      %lt3A_896 = arith.cmpi slt, %broadcast_in_dim3A_39, %lt3A_895 : vector<16xi32>
      %add3A_897 = arith.constant 16 : i32
      %add3A_898 = vector.broadcast %add3A_897 : i32 to vector<16xi32>
      %add3A_899 = arith.addi %broadcast_in_dim3A_39, %add3A_898 : vector<16xi32>
      %select_n3A_900 = arith.select %lt3A_896, %add3A_899, %broadcast_in_dim3A_39 : vector<16xi1>, vector<16xi32>
      %broadcast_in_dim3A_901 = vector.shape_cast %select_n3A_900 : vector<16xi32> to vector<16x1xi32>
      %gather3A_902 = vector.shape_cast %broadcast_in_dim3A_901 : vector<16x1xi32> to vector<16xi32>
      %gather3A_903 = tpu.dynamic_gather %mul3A_165[%gather3A_902] in [0] : vector<16xf32>, vector<16xi32> -> vector<16xf32>
      %lt3A_904 = arith.constant 0 : i32
      %lt3A_905 = vector.broadcast %lt3A_904 : i32 to vector<16xi32>
      %lt3A_906 = arith.cmpi slt, %broadcast_in_dim3A_39, %lt3A_905 : vector<16xi32>
      %add3A_907 = arith.constant 16 : i32
      %add3A_908 = vector.broadcast %add3A_907 : i32 to vector<16xi32>
      %add3A_909 = arith.addi %broadcast_in_dim3A_39, %add3A_908 : vector<16xi32>
      %select_n3A_910 = arith.select %lt3A_906, %add3A_909, %broadcast_in_dim3A_39 : vector<16xi1>, vector<16xi32>
      %broadcast_in_dim3A_911 = vector.shape_cast %select_n3A_910 : vector<16xi32> to vector<16x1xi32>
      %gather3A_912 = vector.shape_cast %broadcast_in_dim3A_911 : vector<16x1xi32> to vector<16xi32>
      %gather3A_913 = tpu.dynamic_gather %mul3A_171[%gather3A_912] in [0] : vector<16xf32>, vector<16xi32> -> vector<16xf32>
      %lt3A_914 = arith.constant 0 : i32
      %lt3A_915 = vector.broadcast %lt3A_914 : i32 to vector<16xi32>
      %lt3A_916 = arith.cmpi slt, %broadcast_in_dim3A_41, %lt3A_915 : vector<16xi32>
      %add3A_917 = arith.constant 16 : i32
      %add3A_918 = vector.broadcast %add3A_917 : i32 to vector<16xi32>
      %add3A_919 = arith.addi %broadcast_in_dim3A_41, %add3A_918 : vector<16xi32>
      %select_n3A_920 = arith.select %lt3A_916, %add3A_919, %broadcast_in_dim3A_41 : vector<16xi1>, vector<16xi32>
      %broadcast_in_dim3A_921 = vector.shape_cast %select_n3A_920 : vector<16xi32> to vector<16x1xi32>
      %gather3A_922 = vector.shape_cast %broadcast_in_dim3A_921 : vector<16x1xi32> to vector<16xi32>
      %gather3A_923 = tpu.dynamic_gather %mul3A_159[%gather3A_922] in [0] : vector<16xf32>, vector<16xi32> -> vector<16xf32>
      %lt3A_924 = arith.constant 0 : i32
      %lt3A_925 = vector.broadcast %lt3A_924 : i32 to vector<16xi32>
      %lt3A_926 = arith.cmpi slt, %broadcast_in_dim3A_41, %lt3A_925 : vector<16xi32>
      %add3A_927 = arith.constant 16 : i32
      %add3A_928 = vector.broadcast %add3A_927 : i32 to vector<16xi32>
      %add3A_929 = arith.addi %broadcast_in_dim3A_41, %add3A_928 : vector<16xi32>
      %select_n3A_930 = arith.select %lt3A_926, %add3A_929, %broadcast_in_dim3A_41 : vector<16xi1>, vector<16xi32>
      %broadcast_in_dim3A_931 = vector.shape_cast %select_n3A_930 : vector<16xi32> to vector<16x1xi32>
      %gather3A_932 = vector.shape_cast %broadcast_in_dim3A_931 : vector<16x1xi32> to vector<16xi32>
      %gather3A_933 = tpu.dynamic_gather %mul3A_165[%gather3A_932] in [0] : vector<16xf32>, vector<16xi32> -> vector<16xf32>
      %lt3A_934 = arith.constant 0 : i32
      %lt3A_935 = vector.broadcast %lt3A_934 : i32 to vector<16xi32>
      %lt3A_936 = arith.cmpi slt, %broadcast_in_dim3A_41, %lt3A_935 : vector<16xi32>
      %add3A_937 = arith.constant 16 : i32
      %add3A_938 = vector.broadcast %add3A_937 : i32 to vector<16xi32>
      %add3A_939 = arith.addi %broadcast_in_dim3A_41, %add3A_938 : vector<16xi32>
      %select_n3A_940 = arith.select %lt3A_936, %add3A_939, %broadcast_in_dim3A_41 : vector<16xi1>, vector<16xi32>
      %broadcast_in_dim3A_941 = vector.shape_cast %select_n3A_940 : vector<16xi32> to vector<16x1xi32>
      %gather3A_942 = vector.shape_cast %broadcast_in_dim3A_941 : vector<16x1xi32> to vector<16xi32>
      %gather3A_943 = tpu.dynamic_gather %mul3A_171[%gather3A_942] in [0] : vector<16xf32>, vector<16xi32> -> vector<16xf32>
      %lt3A_944 = arith.constant 0 : i32
      %lt3A_945 = vector.broadcast %lt3A_944 : i32 to vector<16xi32>
      %lt3A_946 = arith.cmpi slt, %broadcast_in_dim3A_43, %lt3A_945 : vector<16xi32>
      %add3A_947 = arith.constant 16 : i32
      %add3A_948 = vector.broadcast %add3A_947 : i32 to vector<16xi32>
      %add3A_949 = arith.addi %broadcast_in_dim3A_43, %add3A_948 : vector<16xi32>
      %select_n3A_950 = arith.select %lt3A_946, %add3A_949, %broadcast_in_dim3A_43 : vector<16xi1>, vector<16xi32>
      %broadcast_in_dim3A_951 = vector.shape_cast %select_n3A_950 : vector<16xi32> to vector<16x1xi32>
      %gather3A_952 = vector.shape_cast %broadcast_in_dim3A_951 : vector<16x1xi32> to vector<16xi32>
      %gather3A_953 = tpu.dynamic_gather %mul3A_159[%gather3A_952] in [0] : vector<16xf32>, vector<16xi32> -> vector<16xf32>
      %lt3A_954 = arith.constant 0 : i32
      %lt3A_955 = vector.broadcast %lt3A_954 : i32 to vector<16xi32>
      %lt3A_956 = arith.cmpi slt, %broadcast_in_dim3A_43, %lt3A_955 : vector<16xi32>
      %add3A_957 = arith.constant 16 : i32
      %add3A_958 = vector.broadcast %add3A_957 : i32 to vector<16xi32>
      %add3A_959 = arith.addi %broadcast_in_dim3A_43, %add3A_958 : vector<16xi32>
      %select_n3A_960 = arith.select %lt3A_956, %add3A_959, %broadcast_in_dim3A_43 : vector<16xi1>, vector<16xi32>
      %broadcast_in_dim3A_961 = vector.shape_cast %select_n3A_960 : vector<16xi32> to vector<16x1xi32>
      %gather3A_962 = vector.shape_cast %broadcast_in_dim3A_961 : vector<16x1xi32> to vector<16xi32>
      %gather3A_963 = tpu.dynamic_gather %mul3A_165[%gather3A_962] in [0] : vector<16xf32>, vector<16xi32> -> vector<16xf32>
      %lt3A_964 = arith.constant 0 : i32
      %lt3A_965 = vector.broadcast %lt3A_964 : i32 to vector<16xi32>
      %lt3A_966 = arith.cmpi slt, %broadcast_in_dim3A_43, %lt3A_965 : vector<16xi32>
      %add3A_967 = arith.constant 16 : i32
      %add3A_968 = vector.broadcast %add3A_967 : i32 to vector<16xi32>
      %add3A_969 = arith.addi %broadcast_in_dim3A_43, %add3A_968 : vector<16xi32>
      %select_n3A_970 = arith.select %lt3A_966, %add3A_969, %broadcast_in_dim3A_43 : vector<16xi1>, vector<16xi32>
      %broadcast_in_dim3A_971 = vector.shape_cast %select_n3A_970 : vector<16xi32> to vector<16x1xi32>
      %gather3A_972 = vector.shape_cast %broadcast_in_dim3A_971 : vector<16x1xi32> to vector<16xi32>
      %gather3A_973 = tpu.dynamic_gather %mul3A_171[%gather3A_972] in [0] : vector<16xf32>, vector<16xi32> -> vector<16xf32>
      %lt3A_974 = arith.constant 0 : i32
      %lt3A_975 = vector.broadcast %lt3A_974 : i32 to vector<16xi32>
      %lt3A_976 = arith.cmpi slt, %broadcast_in_dim3A_45, %lt3A_975 : vector<16xi32>
      %add3A_977 = arith.constant 16 : i32
      %add3A_978 = vector.broadcast %add3A_977 : i32 to vector<16xi32>
      %add3A_979 = arith.addi %broadcast_in_dim3A_45, %add3A_978 : vector<16xi32>
      %select_n3A_980 = arith.select %lt3A_976, %add3A_979, %broadcast_in_dim3A_45 : vector<16xi1>, vector<16xi32>
      %broadcast_in_dim3A_981 = vector.shape_cast %select_n3A_980 : vector<16xi32> to vector<16x1xi32>
      %gather3A_982 = vector.shape_cast %broadcast_in_dim3A_981 : vector<16x1xi32> to vector<16xi32>
      %gather3A_983 = tpu.dynamic_gather %mul3A_159[%gather3A_982] in [0] : vector<16xf32>, vector<16xi32> -> vector<16xf32>
      %lt3A_984 = arith.constant 0 : i32
      %lt3A_985 = vector.broadcast %lt3A_984 : i32 to vector<16xi32>
      %lt3A_986 = arith.cmpi slt, %broadcast_in_dim3A_45, %lt3A_985 : vector<16xi32>
      %add3A_987 = arith.constant 16 : i32
      %add3A_988 = vector.broadcast %add3A_987 : i32 to vector<16xi32>
      %add3A_989 = arith.addi %broadcast_in_dim3A_45, %add3A_988 : vector<16xi32>
      %select_n3A_990 = arith.select %lt3A_986, %add3A_989, %broadcast_in_dim3A_45 : vector<16xi1>, vector<16xi32>
      %broadcast_in_dim3A_991 = vector.shape_cast %select_n3A_990 : vector<16xi32> to vector<16x1xi32>
      %gather3A_992 = vector.shape_cast %broadcast_in_dim3A_991 : vector<16x1xi32> to vector<16xi32>
      %gather3A_993 = tpu.dynamic_gather %mul3A_165[%gather3A_992] in [0] : vector<16xf32>, vector<16xi32> -> vector<16xf32>
      %lt3A_994 = arith.constant 0 : i32
      %lt3A_995 = vector.broadcast %lt3A_994 : i32 to vector<16xi32>
      %lt3A_996 = arith.cmpi slt, %broadcast_in_dim3A_45, %lt3A_995 : vector<16xi32>
      %add3A_997 = arith.constant 16 : i32
      %add3A_998 = vector.broadcast %add3A_997 : i32 to vector<16xi32>
      %add3A_999 = arith.addi %broadcast_in_dim3A_45, %add3A_998 : vector<16xi32>
      %select_n3A_1000 = arith.select %lt3A_996, %add3A_999, %broadcast_in_dim3A_45 : vector<16xi1>, vector<16xi32>
      %broadcast_in_dim3A_1001 = vector.shape_cast %select_n3A_1000 : vector<16xi32> to vector<16x1xi32>
      %gather3A_1002 = vector.shape_cast %broadcast_in_dim3A_1001 : vector<16x1xi32> to vector<16xi32>
      %gather3A_1003 = tpu.dynamic_gather %mul3A_171[%gather3A_1002] in [0] : vector<16xf32>, vector<16xi32> -> vector<16xf32>
      %lt3A_1004 = arith.constant 0 : i32
      %lt3A_1005 = vector.broadcast %lt3A_1004 : i32 to vector<16xi32>
      %lt3A_1006 = arith.cmpi slt, %broadcast_in_dim3A_47, %lt3A_1005 : vector<16xi32>
      %add3A_1007 = arith.constant 16 : i32
      %add3A_1008 = vector.broadcast %add3A_1007 : i32 to vector<16xi32>
      %add3A_1009 = arith.addi %broadcast_in_dim3A_47, %add3A_1008 : vector<16xi32>
      %select_n3A_1010 = arith.select %lt3A_1006, %add3A_1009, %broadcast_in_dim3A_47 : vector<16xi1>, vector<16xi32>
      %broadcast_in_dim3A_1011 = vector.shape_cast %select_n3A_1010 : vector<16xi32> to vector<16x1xi32>
      %gather3A_1012 = vector.shape_cast %broadcast_in_dim3A_1011 : vector<16x1xi32> to vector<16xi32>
      %gather3A_1013 = tpu.dynamic_gather %mul3A_159[%gather3A_1012] in [0] : vector<16xf32>, vector<16xi32> -> vector<16xf32>
      %lt3A_1014 = arith.constant 0 : i32
      %lt3A_1015 = vector.broadcast %lt3A_1014 : i32 to vector<16xi32>
      %lt3A_1016 = arith.cmpi slt, %broadcast_in_dim3A_47, %lt3A_1015 : vector<16xi32>
      %add3A_1017 = arith.constant 16 : i32
      %add3A_1018 = vector.broadcast %add3A_1017 : i32 to vector<16xi32>
      %add3A_1019 = arith.addi %broadcast_in_dim3A_47, %add3A_1018 : vector<16xi32>
      %select_n3A_1020 = arith.select %lt3A_1016, %add3A_1019, %broadcast_in_dim3A_47 : vector<16xi1>, vector<16xi32>
      %broadcast_in_dim3A_1021 = vector.shape_cast %select_n3A_1020 : vector<16xi32> to vector<16x1xi32>
      %gather3A_1022 = vector.shape_cast %broadcast_in_dim3A_1021 : vector<16x1xi32> to vector<16xi32>
      %gather3A_1023 = tpu.dynamic_gather %mul3A_165[%gather3A_1022] in [0] : vector<16xf32>, vector<16xi32> -> vector<16xf32>
      %lt3A_1024 = arith.constant 0 : i32
      %lt3A_1025 = vector.broadcast %lt3A_1024 : i32 to vector<16xi32>
      %lt3A_1026 = arith.cmpi slt, %broadcast_in_dim3A_47, %lt3A_1025 : vector<16xi32>
      %add3A_1027 = arith.constant 16 : i32
      %add3A_1028 = vector.broadcast %add3A_1027 : i32 to vector<16xi32>
      %add3A_1029 = arith.addi %broadcast_in_dim3A_47, %add3A_1028 : vector<16xi32>
      %select_n3A_1030 = arith.select %lt3A_1026, %add3A_1029, %broadcast_in_dim3A_47 : vector<16xi1>, vector<16xi32>
      %broadcast_in_dim3A_1031 = vector.shape_cast %select_n3A_1030 : vector<16xi32> to vector<16x1xi32>
      %gather3A_1032 = vector.shape_cast %broadcast_in_dim3A_1031 : vector<16x1xi32> to vector<16xi32>
      %gather3A_1033 = tpu.dynamic_gather %mul3A_171[%gather3A_1032] in [0] : vector<16xf32>, vector<16xi32> -> vector<16xf32>
      %parallel_loop3A_1034 = arith.constant 0 : i32
      %parallel_loop3A_1035 = arith.constant 256 : i32
      %parallel_loop3A_1036 = arith.constant 1 : i32
      %parallel_loop3A_1037:8 = scf.for %parallel_loop3A_1434 = %parallel_loop3A_1034 to %parallel_loop3A_1035 step %parallel_loop3A_1036 iter_args(%parallel_loop3A_1435 = %broadcast_in_dim3A_72, %parallel_loop3A_1436 = %broadcast_in_dim3A_72, %parallel_loop3A_1437 = %broadcast_in_dim3A_72, %parallel_loop3A_1438 = %broadcast_in_dim3A_72, %parallel_loop3A_1439 = %broadcast_in_dim3A_72, %parallel_loop3A_1440 = %broadcast_in_dim3A_72, %parallel_loop3A_1441 = %broadcast_in_dim3A_72, %parallel_loop3A_1442 = %broadcast_in_dim3A_72) -> (vector<16xf32>, vector<16xf32>, vector<16xf32>, vector<16xf32>, vector<16xf32>, vector<16xf32>, vector<16xf32>, vector<16xf32>)  : i32 {
        %parallel_loop3A_1443 = arith.constant 16 : i32
        %parallel_loop3A_1444 = arith.muli %parallel_loop3A_1434, %parallel_loop3A_1443 : i32
        %parallel_loop3A_1445 = arith.index_cast %parallel_loop3A_1444 : i32 to index
        %parallel_loop3A_1446 = tpu.vector_load %arg12[%parallel_loop3A_1445] {strides = array<i32>} : memref<4096xf32, #tpu.memory_space<vmem>>, vector<16xf32>,
        %parallel_loop3A_1447 = vector.shape_cast %parallel_loop3A_1446 : vector<16xf32> to vector<16xf32>
        %parallel_loop3A_1448 = arith.index_cast %parallel_loop3A_1444 : i32 to index
        %parallel_loop3A_1449 = tpu.vector_load %arg13[%parallel_loop3A_1448] {strides = array<i32>} : memref<4096xf32, #tpu.memory_space<vmem>>, vector<16xf32>,
        %parallel_loop3A_1450 = vector.shape_cast %parallel_loop3A_1449 : vector<16xf32> to vector<16xf32>
        %parallel_loop3A_1451 = arith.index_cast %parallel_loop3A_1444 : i32 to index
        %parallel_loop3A_1452 = tpu.vector_load %arg14[%parallel_loop3A_1451] {strides = array<i32>} : memref<4096xf32, #tpu.memory_space<vmem>>, vector<16xf32>,
        %parallel_loop3A_1453 = vector.shape_cast %parallel_loop3A_1452 : vector<16xf32> to vector<16xf32>
        %parallel_loop3A_1454 = arith.index_cast %parallel_loop3A_1444 : i32 to index
        %parallel_loop3A_1455 = tpu.vector_load %arg15[%parallel_loop3A_1454] {strides = array<i32>} : memref<4096xf32, #tpu.memory_space<vmem>>, vector<16xf32>,
        %parallel_loop3A_1456 = vector.shape_cast %parallel_loop3A_1455 : vector<16xf32> to vector<16xf32>
        %parallel_loop3A_1457 = arith.mulf %parallel_loop3A_1447, %gather3A_803 : vector<16xf32>
        %parallel_loop3A_1458 = arith.subf %parallel_loop3A_1456, %parallel_loop3A_1457 : vector<16xf32>
        %parallel_loop3A_1459 = arith.mulf %parallel_loop3A_1450, %gather3A_813 : vector<16xf32>
        %parallel_loop3A_1460 = arith.subf %parallel_loop3A_1458, %parallel_loop3A_1459 : vector<16xf32>
        %parallel_loop3A_1461 = arith.mulf %parallel_loop3A_1453, %gather3A_823 : vector<16xf32>
        %parallel_loop3A_1462 = arith.subf %parallel_loop3A_1460, %parallel_loop3A_1461 : vector<16xf32>
        %parallel_loop3A_1463 = arith.minimumf %parallel_loop3A_1435, %parallel_loop3A_1462 : vector<16xf32>
        %parallel_loop3A_1464 = arith.mulf %parallel_loop3A_1447, %gather3A_833 : vector<16xf32>
        %parallel_loop3A_1465 = arith.subf %parallel_loop3A_1456, %parallel_loop3A_1464 : vector<16xf32>
        %parallel_loop3A_1466 = arith.mulf %parallel_loop3A_1450, %gather3A_843 : vector<16xf32>
        %parallel_loop3A_1467 = arith.subf %parallel_loop3A_1465, %parallel_loop3A_1466 : vector<16xf32>
        %parallel_loop3A_1468 = arith.mulf %parallel_loop3A_1453, %gather3A_853 : vector<16xf32>
        %parallel_loop3A_1469 = arith.subf %parallel_loop3A_1467, %parallel_loop3A_1468 : vector<16xf32>
        %parallel_loop3A_1470 = arith.minimumf %parallel_loop3A_1436, %parallel_loop3A_1469 : vector<16xf32>
        %parallel_loop3A_1471 = arith.mulf %parallel_loop3A_1447, %gather3A_863 : vector<16xf32>
        %parallel_loop3A_1472 = arith.subf %parallel_loop3A_1456, %parallel_loop3A_1471 : vector<16xf32>
        %parallel_loop3A_1473 = arith.mulf %parallel_loop3A_1450, %gather3A_873 : vector<16xf32>
        %parallel_loop3A_1474 = arith.subf %parallel_loop3A_1472, %parallel_loop3A_1473 : vector<16xf32>
        %parallel_loop3A_1475 = arith.mulf %parallel_loop3A_1453, %gather3A_883 : vector<16xf32>
        %parallel_loop3A_1476 = arith.subf %parallel_loop3A_1474, %parallel_loop3A_1475 : vector<16xf32>
        %parallel_loop3A_1477 = arith.minimumf %parallel_loop3A_1437, %parallel_loop3A_1476 : vector<16xf32>
        %parallel_loop3A_1478 = arith.mulf %parallel_loop3A_1447, %gather3A_893 : vector<16xf32>
        %parallel_loop3A_1479 = arith.subf %parallel_loop3A_1456, %parallel_loop3A_1478 : vector<16xf32>
        %parallel_loop3A_1480 = arith.mulf %parallel_loop3A_1450, %gather3A_903 : vector<16xf32>
        %parallel_loop3A_1481 = arith.subf %parallel_loop3A_1479, %parallel_loop3A_1480 : vector<16xf32>
        %parallel_loop3A_1482 = arith.mulf %parallel_loop3A_1453, %gather3A_913 : vector<16xf32>
        %parallel_loop3A_1483 = arith.subf %parallel_loop3A_1481, %parallel_loop3A_1482 : vector<16xf32>
        %parallel_loop3A_1484 = arith.minimumf %parallel_loop3A_1438, %parallel_loop3A_1483 : vector<16xf32>
        %parallel_loop3A_1485 = arith.mulf %parallel_loop3A_1447, %gather3A_923 : vector<16xf32>
        %parallel_loop3A_1486 = arith.subf %parallel_loop3A_1456, %parallel_loop3A_1485 : vector<16xf32>
        %parallel_loop3A_1487 = arith.mulf %parallel_loop3A_1450, %gather3A_933 : vector<16xf32>
        %parallel_loop3A_1488 = arith.subf %parallel_loop3A_1486, %parallel_loop3A_1487 : vector<16xf32>
        %parallel_loop3A_1489 = arith.mulf %parallel_loop3A_1453, %gather3A_943 : vector<16xf32>
        %parallel_loop3A_1490 = arith.subf %parallel_loop3A_1488, %parallel_loop3A_1489 : vector<16xf32>
        %parallel_loop3A_1491 = arith.minimumf %parallel_loop3A_1439, %parallel_loop3A_1490 : vector<16xf32>
        %parallel_loop3A_1492 = arith.mulf %parallel_loop3A_1447, %gather3A_953 : vector<16xf32>
        %parallel_loop3A_1493 = arith.subf %parallel_loop3A_1456, %parallel_loop3A_1492 : vector<16xf32>
        %parallel_loop3A_1494 = arith.mulf %parallel_loop3A_1450, %gather3A_963 : vector<16xf32>
        %parallel_loop3A_1495 = arith.subf %parallel_loop3A_1493, %parallel_loop3A_1494 : vector<16xf32>
        %parallel_loop3A_1496 = arith.mulf %parallel_loop3A_1453, %gather3A_973 : vector<16xf32>
        %parallel_loop3A_1497 = arith.subf %parallel_loop3A_1495, %parallel_loop3A_1496 : vector<16xf32>
        %parallel_loop3A_1498 = arith.minimumf %parallel_loop3A_1440, %parallel_loop3A_1497 : vector<16xf32>
        %parallel_loop3A_1499 = arith.mulf %parallel_loop3A_1447, %gather3A_983 : vector<16xf32>
        %parallel_loop3A_1500 = arith.subf %parallel_loop3A_1456, %parallel_loop3A_1499 : vector<16xf32>
        %parallel_loop3A_1501 = arith.mulf %parallel_loop3A_1450, %gather3A_993 : vector<16xf32>
        %parallel_loop3A_1502 = arith.subf %parallel_loop3A_1500, %parallel_loop3A_1501 : vector<16xf32>
        %parallel_loop3A_1503 = arith.mulf %parallel_loop3A_1453, %gather3A_1003 : vector<16xf32>
        %parallel_loop3A_1504 = arith.subf %parallel_loop3A_1502, %parallel_loop3A_1503 : vector<16xf32>
        %parallel_loop3A_1505 = arith.minimumf %parallel_loop3A_1441, %parallel_loop3A_1504 : vector<16xf32>
        %parallel_loop3A_1506 = arith.mulf %parallel_loop3A_1447, %gather3A_1013 : vector<16xf32>
        %parallel_loop3A_1507 = arith.subf %parallel_loop3A_1456, %parallel_loop3A_1506 : vector<16xf32>
        %parallel_loop3A_1508 = arith.mulf %parallel_loop3A_1450, %gather3A_1023 : vector<16xf32>
        %parallel_loop3A_1509 = arith.subf %parallel_loop3A_1507, %parallel_loop3A_1508 : vector<16xf32>
        %parallel_loop3A_1510 = arith.mulf %parallel_loop3A_1453, %gather3A_1033 : vector<16xf32>
        %parallel_loop3A_1511 = arith.subf %parallel_loop3A_1509, %parallel_loop3A_1510 : vector<16xf32>
        %parallel_loop3A_1512 = arith.minimumf %parallel_loop3A_1442, %parallel_loop3A_1511 : vector<16xf32>
        scf.yield %parallel_loop3A_1463, %parallel_loop3A_1470, %parallel_loop3A_1477, %parallel_loop3A_1484, %parallel_loop3A_1491, %parallel_loop3A_1498, %parallel_loop3A_1505, %parallel_loop3A_1512 : vector<16xf32>, vector<16xf32>, vector<16xf32>, vector<16xf32>, vector<16xf32>, vector<16xf32>, vector<16xf32>, vector<16xf32>
      } {sc.loop_unroll_factor = 2 : i64, sc.parallel_access}
      %lt3A_1038 = arith.constant 0 : i32
      %lt3A_1039 = vector.broadcast %lt3A_1038 : i32 to vector<16xi32>
      %lt3A_1040 = arith.cmpi slt, %and3A_52, %lt3A_1039 : vector<16xi32>
      %add3A_1041 = arith.constant 16 : i32
      %add3A_1042 = vector.broadcast %add3A_1041 : i32 to vector<16xi32>
      %add3A_1043 = arith.addi %and3A_52, %add3A_1042 : vector<16xi32>
      %select_n3A_1044 = arith.select %lt3A_1040, %add3A_1043, %and3A_52 : vector<16xi1>, vector<16xi32>
      %broadcast_in_dim3A_1045 = vector.shape_cast %select_n3A_1044 : vector<16xi32> to vector<16x1xi32>
      %gather3A_1046 = vector.shape_cast %broadcast_in_dim3A_1045 : vector<16x1xi32> to vector<16xi32>
      %gather3A_1047 = tpu.dynamic_gather %parallel_loop3A_1037#0[%gather3A_1046] in [0] : vector<16xf32>, vector<16xi32> -> vector<16xf32>
      %min3A_1048 = arith.minimumf %parallel_loop3A_1037#0, %gather3A_1047 : vector<16xf32>
      %lt3A_1049 = arith.constant 0 : i32
      %lt3A_1050 = vector.broadcast %lt3A_1049 : i32 to vector<16xi32>
      %lt3A_1051 = arith.cmpi slt, %and3A_58, %lt3A_1050 : vector<16xi32>
      %add3A_1052 = arith.constant 16 : i32
      %add3A_1053 = vector.broadcast %add3A_1052 : i32 to vector<16xi32>
      %add3A_1054 = arith.addi %and3A_58, %add3A_1053 : vector<16xi32>
      %select_n3A_1055 = arith.select %lt3A_1051, %add3A_1054, %and3A_58 : vector<16xi1>, vector<16xi32>
      %broadcast_in_dim3A_1056 = vector.shape_cast %select_n3A_1055 : vector<16xi32> to vector<16x1xi32>
      %gather3A_1057 = vector.shape_cast %broadcast_in_dim3A_1056 : vector<16x1xi32> to vector<16xi32>
      %gather3A_1058 = tpu.dynamic_gather %min3A_1048[%gather3A_1057] in [0] : vector<16xf32>, vector<16xi32> -> vector<16xf32>
      %min3A_1059 = arith.minimumf %min3A_1048, %gather3A_1058 : vector<16xf32>
      %lt3A_1060 = arith.constant 0 : i32
      %lt3A_1061 = vector.broadcast %lt3A_1060 : i32 to vector<16xi32>
      %lt3A_1062 = arith.cmpi slt, %and3A_64, %lt3A_1061 : vector<16xi32>
      %add3A_1063 = arith.constant 16 : i32
      %add3A_1064 = vector.broadcast %add3A_1063 : i32 to vector<16xi32>
      %add3A_1065 = arith.addi %and3A_64, %add3A_1064 : vector<16xi32>
      %select_n3A_1066 = arith.select %lt3A_1062, %add3A_1065, %and3A_64 : vector<16xi1>, vector<16xi32>
      %broadcast_in_dim3A_1067 = vector.shape_cast %select_n3A_1066 : vector<16xi32> to vector<16x1xi32>
      %gather3A_1068 = vector.shape_cast %broadcast_in_dim3A_1067 : vector<16x1xi32> to vector<16xi32>
      %gather3A_1069 = tpu.dynamic_gather %min3A_1059[%gather3A_1068] in [0] : vector<16xf32>, vector<16xi32> -> vector<16xf32>
      %min3A_1070 = arith.minimumf %min3A_1059, %gather3A_1069 : vector<16xf32>
      %lt3A_1071 = arith.constant 0 : i32
      %lt3A_1072 = vector.broadcast %lt3A_1071 : i32 to vector<16xi32>
      %lt3A_1073 = arith.cmpi slt, %and3A_70, %lt3A_1072 : vector<16xi32>
      %add3A_1074 = arith.constant 16 : i32
      %add3A_1075 = vector.broadcast %add3A_1074 : i32 to vector<16xi32>
      %add3A_1076 = arith.addi %and3A_70, %add3A_1075 : vector<16xi32>
      %select_n3A_1077 = arith.select %lt3A_1073, %add3A_1076, %and3A_70 : vector<16xi1>, vector<16xi32>
      %broadcast_in_dim3A_1078 = vector.shape_cast %select_n3A_1077 : vector<16xi32> to vector<16x1xi32>
      %gather3A_1079 = vector.shape_cast %broadcast_in_dim3A_1078 : vector<16x1xi32> to vector<16xi32>
      %gather3A_1080 = tpu.dynamic_gather %min3A_1070[%gather3A_1079] in [0] : vector<16xf32>, vector<16xi32> -> vector<16xf32>
      %min3A_1081 = arith.minimumf %min3A_1070, %gather3A_1080 : vector<16xf32>
      %eq3A_1082 = arith.constant 8 : i32
      %eq3A_1083 = vector.broadcast %eq3A_1082 : i32 to vector<16xi32>
      %eq3A_1084 = arith.cmpi eq, %iota3A, %eq3A_1083 : vector<16xi32>
      %select_n3A_1085 = arith.select %eq3A_1084, %min3A_1081, %select_n3A_793 : vector<16xi1>, vector<16xf32>
      %lt3A_1086 = arith.constant 0 : i32
      %lt3A_1087 = vector.broadcast %lt3A_1086 : i32 to vector<16xi32>
      %lt3A_1088 = arith.cmpi slt, %and3A_52, %lt3A_1087 : vector<16xi32>
      %add3A_1089 = arith.constant 16 : i32
      %add3A_1090 = vector.broadcast %add3A_1089 : i32 to vector<16xi32>
      %add3A_1091 = arith.addi %and3A_52, %add3A_1090 : vector<16xi32>
      %select_n3A_1092 = arith.select %lt3A_1088, %add3A_1091, %and3A_52 : vector<16xi1>, vector<16xi32>
      %broadcast_in_dim3A_1093 = vector.shape_cast %select_n3A_1092 : vector<16xi32> to vector<16x1xi32>
      %gather3A_1094 = vector.shape_cast %broadcast_in_dim3A_1093 : vector<16x1xi32> to vector<16xi32>
      %gather3A_1095 = tpu.dynamic_gather %parallel_loop3A_1037#1[%gather3A_1094] in [0] : vector<16xf32>, vector<16xi32> -> vector<16xf32>
      %min3A_1096 = arith.minimumf %parallel_loop3A_1037#1, %gather3A_1095 : vector<16xf32>
      %lt3A_1097 = arith.constant 0 : i32
      %lt3A_1098 = vector.broadcast %lt3A_1097 : i32 to vector<16xi32>
      %lt3A_1099 = arith.cmpi slt, %and3A_58, %lt3A_1098 : vector<16xi32>
      %add3A_1100 = arith.constant 16 : i32
      %add3A_1101 = vector.broadcast %add3A_1100 : i32 to vector<16xi32>
      %add3A_1102 = arith.addi %and3A_58, %add3A_1101 : vector<16xi32>
      %select_n3A_1103 = arith.select %lt3A_1099, %add3A_1102, %and3A_58 : vector<16xi1>, vector<16xi32>
      %broadcast_in_dim3A_1104 = vector.shape_cast %select_n3A_1103 : vector<16xi32> to vector<16x1xi32>
      %gather3A_1105 = vector.shape_cast %broadcast_in_dim3A_1104 : vector<16x1xi32> to vector<16xi32>
      %gather3A_1106 = tpu.dynamic_gather %min3A_1096[%gather3A_1105] in [0] : vector<16xf32>, vector<16xi32> -> vector<16xf32>
      %min3A_1107 = arith.minimumf %min3A_1096, %gather3A_1106 : vector<16xf32>
      %lt3A_1108 = arith.constant 0 : i32
      %lt3A_1109 = vector.broadcast %lt3A_1108 : i32 to vector<16xi32>
      %lt3A_1110 = arith.cmpi slt, %and3A_64, %lt3A_1109 : vector<16xi32>
      %add3A_1111 = arith.constant 16 : i32
      %add3A_1112 = vector.broadcast %add3A_1111 : i32 to vector<16xi32>
      %add3A_1113 = arith.addi %and3A_64, %add3A_1112 : vector<16xi32>
      %select_n3A_1114 = arith.select %lt3A_1110, %add3A_1113, %and3A_64 : vector<16xi1>, vector<16xi32>
      %broadcast_in_dim3A_1115 = vector.shape_cast %select_n3A_1114 : vector<16xi32> to vector<16x1xi32>
      %gather3A_1116 = vector.shape_cast %broadcast_in_dim3A_1115 : vector<16x1xi32> to vector<16xi32>
      %gather3A_1117 = tpu.dynamic_gather %min3A_1107[%gather3A_1116] in [0] : vector<16xf32>, vector<16xi32> -> vector<16xf32>
      %min3A_1118 = arith.minimumf %min3A_1107, %gather3A_1117 : vector<16xf32>
      %lt3A_1119 = arith.constant 0 : i32
      %lt3A_1120 = vector.broadcast %lt3A_1119 : i32 to vector<16xi32>
      %lt3A_1121 = arith.cmpi slt, %and3A_70, %lt3A_1120 : vector<16xi32>
      %add3A_1122 = arith.constant 16 : i32
      %add3A_1123 = vector.broadcast %add3A_1122 : i32 to vector<16xi32>
      %add3A_1124 = arith.addi %and3A_70, %add3A_1123 : vector<16xi32>
      %select_n3A_1125 = arith.select %lt3A_1121, %add3A_1124, %and3A_70 : vector<16xi1>, vector<16xi32>
      %broadcast_in_dim3A_1126 = vector.shape_cast %select_n3A_1125 : vector<16xi32> to vector<16x1xi32>
      %gather3A_1127 = vector.shape_cast %broadcast_in_dim3A_1126 : vector<16x1xi32> to vector<16xi32>
      %gather3A_1128 = tpu.dynamic_gather %min3A_1118[%gather3A_1127] in [0] : vector<16xf32>, vector<16xi32> -> vector<16xf32>
      %min3A_1129 = arith.minimumf %min3A_1118, %gather3A_1128 : vector<16xf32>
      %eq3A_1130 = arith.constant 9 : i32
      %eq3A_1131 = vector.broadcast %eq3A_1130 : i32 to vector<16xi32>
      %eq3A_1132 = arith.cmpi eq, %iota3A, %eq3A_1131 : vector<16xi32>
      %select_n3A_1133 = arith.select %eq3A_1132, %min3A_1129, %select_n3A_1085 : vector<16xi1>, vector<16xf32>
      %lt3A_1134 = arith.constant 0 : i32
      %lt3A_1135 = vector.broadcast %lt3A_1134 : i32 to vector<16xi32>
      %lt3A_1136 = arith.cmpi slt, %and3A_52, %lt3A_1135 : vector<16xi32>
      %add3A_1137 = arith.constant 16 : i32
      %add3A_1138 = vector.broadcast %add3A_1137 : i32 to vector<16xi32>
      %add3A_1139 = arith.addi %and3A_52, %add3A_1138 : vector<16xi32>
      %select_n3A_1140 = arith.select %lt3A_1136, %add3A_1139, %and3A_52 : vector<16xi1>, vector<16xi32>
      %broadcast_in_dim3A_1141 = vector.shape_cast %select_n3A_1140 : vector<16xi32> to vector<16x1xi32>
      %gather3A_1142 = vector.shape_cast %broadcast_in_dim3A_1141 : vector<16x1xi32> to vector<16xi32>
      %gather3A_1143 = tpu.dynamic_gather %parallel_loop3A_1037#2[%gather3A_1142] in [0] : vector<16xf32>, vector<16xi32> -> vector<16xf32>
      %min3A_1144 = arith.minimumf %parallel_loop3A_1037#2, %gather3A_1143 : vector<16xf32>
      %lt3A_1145 = arith.constant 0 : i32
      %lt3A_1146 = vector.broadcast %lt3A_1145 : i32 to vector<16xi32>
      %lt3A_1147 = arith.cmpi slt, %and3A_58, %lt3A_1146 : vector<16xi32>
      %add3A_1148 = arith.constant 16 : i32
      %add3A_1149 = vector.broadcast %add3A_1148 : i32 to vector<16xi32>
      %add3A_1150 = arith.addi %and3A_58, %add3A_1149 : vector<16xi32>
      %select_n3A_1151 = arith.select %lt3A_1147, %add3A_1150, %and3A_58 : vector<16xi1>, vector<16xi32>
      %broadcast_in_dim3A_1152 = vector.shape_cast %select_n3A_1151 : vector<16xi32> to vector<16x1xi32>
      %gather3A_1153 = vector.shape_cast %broadcast_in_dim3A_1152 : vector<16x1xi32> to vector<16xi32>
      %gather3A_1154 = tpu.dynamic_gather %min3A_1144[%gather3A_1153] in [0] : vector<16xf32>, vector<16xi32> -> vector<16xf32>
      %min3A_1155 = arith.minimumf %min3A_1144, %gather3A_1154 : vector<16xf32>
      %lt3A_1156 = arith.constant 0 : i32
      %lt3A_1157 = vector.broadcast %lt3A_1156 : i32 to vector<16xi32>
      %lt3A_1158 = arith.cmpi slt, %and3A_64, %lt3A_1157 : vector<16xi32>
      %add3A_1159 = arith.constant 16 : i32
      %add3A_1160 = vector.broadcast %add3A_1159 : i32 to vector<16xi32>
      %add3A_1161 = arith.addi %and3A_64, %add3A_1160 : vector<16xi32>
      %select_n3A_1162 = arith.select %lt3A_1158, %add3A_1161, %and3A_64 : vector<16xi1>, vector<16xi32>
      %broadcast_in_dim3A_1163 = vector.shape_cast %select_n3A_1162 : vector<16xi32> to vector<16x1xi32>
      %gather3A_1164 = vector.shape_cast %broadcast_in_dim3A_1163 : vector<16x1xi32> to vector<16xi32>
      %gather3A_1165 = tpu.dynamic_gather %min3A_1155[%gather3A_1164] in [0] : vector<16xf32>, vector<16xi32> -> vector<16xf32>
      %min3A_1166 = arith.minimumf %min3A_1155, %gather3A_1165 : vector<16xf32>
      %lt3A_1167 = arith.constant 0 : i32
      %lt3A_1168 = vector.broadcast %lt3A_1167 : i32 to vector<16xi32>
      %lt3A_1169 = arith.cmpi slt, %and3A_70, %lt3A_1168 : vector<16xi32>
      %add3A_1170 = arith.constant 16 : i32
      %add3A_1171 = vector.broadcast %add3A_1170 : i32 to vector<16xi32>
      %add3A_1172 = arith.addi %and3A_70, %add3A_1171 : vector<16xi32>
      %select_n3A_1173 = arith.select %lt3A_1169, %add3A_1172, %and3A_70 : vector<16xi1>, vector<16xi32>
      %broadcast_in_dim3A_1174 = vector.shape_cast %select_n3A_1173 : vector<16xi32> to vector<16x1xi32>
      %gather3A_1175 = vector.shape_cast %broadcast_in_dim3A_1174 : vector<16x1xi32> to vector<16xi32>
      %gather3A_1176 = tpu.dynamic_gather %min3A_1166[%gather3A_1175] in [0] : vector<16xf32>, vector<16xi32> -> vector<16xf32>
      %min3A_1177 = arith.minimumf %min3A_1166, %gather3A_1176 : vector<16xf32>
      %eq3A_1178 = arith.constant 10 : i32
      %eq3A_1179 = vector.broadcast %eq3A_1178 : i32 to vector<16xi32>
      %eq3A_1180 = arith.cmpi eq, %iota3A, %eq3A_1179 : vector<16xi32>
      %select_n3A_1181 = arith.select %eq3A_1180, %min3A_1177, %select_n3A_1133 : vector<16xi1>, vector<16xf32>
      %lt3A_1182 = arith.constant 0 : i32
      %lt3A_1183 = vector.broadcast %lt3A_1182 : i32 to vector<16xi32>
      %lt3A_1184 = arith.cmpi slt, %and3A_52, %lt3A_1183 : vector<16xi32>
      %add3A_1185 = arith.constant 16 : i32
      %add3A_1186 = vector.broadcast %add3A_1185 : i32 to vector<16xi32>
      %add3A_1187 = arith.addi %and3A_52, %add3A_1186 : vector<16xi32>
      %select_n3A_1188 = arith.select %lt3A_1184, %add3A_1187, %and3A_52 : vector<16xi1>, vector<16xi32>
      %broadcast_in_dim3A_1189 = vector.shape_cast %select_n3A_1188 : vector<16xi32> to vector<16x1xi32>
      %gather3A_1190 = vector.shape_cast %broadcast_in_dim3A_1189 : vector<16x1xi32> to vector<16xi32>
      %gather3A_1191 = tpu.dynamic_gather %parallel_loop3A_1037#3[%gather3A_1190] in [0] : vector<16xf32>, vector<16xi32> -> vector<16xf32>
      %min3A_1192 = arith.minimumf %parallel_loop3A_1037#3, %gather3A_1191 : vector<16xf32>
      %lt3A_1193 = arith.constant 0 : i32
      %lt3A_1194 = vector.broadcast %lt3A_1193 : i32 to vector<16xi32>
      %lt3A_1195 = arith.cmpi slt, %and3A_58, %lt3A_1194 : vector<16xi32>
      %add3A_1196 = arith.constant 16 : i32
      %add3A_1197 = vector.broadcast %add3A_1196 : i32 to vector<16xi32>
      %add3A_1198 = arith.addi %and3A_58, %add3A_1197 : vector<16xi32>
      %select_n3A_1199 = arith.select %lt3A_1195, %add3A_1198, %and3A_58 : vector<16xi1>, vector<16xi32>
      %broadcast_in_dim3A_1200 = vector.shape_cast %select_n3A_1199 : vector<16xi32> to vector<16x1xi32>
      %gather3A_1201 = vector.shape_cast %broadcast_in_dim3A_1200 : vector<16x1xi32> to vector<16xi32>
      %gather3A_1202 = tpu.dynamic_gather %min3A_1192[%gather3A_1201] in [0] : vector<16xf32>, vector<16xi32> -> vector<16xf32>
      %min3A_1203 = arith.minimumf %min3A_1192, %gather3A_1202 : vector<16xf32>
      %lt3A_1204 = arith.constant 0 : i32
      %lt3A_1205 = vector.broadcast %lt3A_1204 : i32 to vector<16xi32>
      %lt3A_1206 = arith.cmpi slt, %and3A_64, %lt3A_1205 : vector<16xi32>
      %add3A_1207 = arith.constant 16 : i32
      %add3A_1208 = vector.broadcast %add3A_1207 : i32 to vector<16xi32>
      %add3A_1209 = arith.addi %and3A_64, %add3A_1208 : vector<16xi32>
      %select_n3A_1210 = arith.select %lt3A_1206, %add3A_1209, %and3A_64 : vector<16xi1>, vector<16xi32>
      %broadcast_in_dim3A_1211 = vector.shape_cast %select_n3A_1210 : vector<16xi32> to vector<16x1xi32>
      %gather3A_1212 = vector.shape_cast %broadcast_in_dim3A_1211 : vector<16x1xi32> to vector<16xi32>
      %gather3A_1213 = tpu.dynamic_gather %min3A_1203[%gather3A_1212] in [0] : vector<16xf32>, vector<16xi32> -> vector<16xf32>
      %min3A_1214 = arith.minimumf %min3A_1203, %gather3A_1213 : vector<16xf32>
      %lt3A_1215 = arith.constant 0 : i32
      %lt3A_1216 = vector.broadcast %lt3A_1215 : i32 to vector<16xi32>
      %lt3A_1217 = arith.cmpi slt, %and3A_70, %lt3A_1216 : vector<16xi32>
      %add3A_1218 = arith.constant 16 : i32
      %add3A_1219 = vector.broadcast %add3A_1218 : i32 to vector<16xi32>
      %add3A_1220 = arith.addi %and3A_70, %add3A_1219 : vector<16xi32>
      %select_n3A_1221 = arith.select %lt3A_1217, %add3A_1220, %and3A_70 : vector<16xi1>, vector<16xi32>
      %broadcast_in_dim3A_1222 = vector.shape_cast %select_n3A_1221 : vector<16xi32> to vector<16x1xi32>
      %gather3A_1223 = vector.shape_cast %broadcast_in_dim3A_1222 : vector<16x1xi32> to vector<16xi32>
      %gather3A_1224 = tpu.dynamic_gather %min3A_1214[%gather3A_1223] in [0] : vector<16xf32>, vector<16xi32> -> vector<16xf32>
      %min3A_1225 = arith.minimumf %min3A_1214, %gather3A_1224 : vector<16xf32>
      %eq3A_1226 = arith.constant 11 : i32
      %eq3A_1227 = vector.broadcast %eq3A_1226 : i32 to vector<16xi32>
      %eq3A_1228 = arith.cmpi eq, %iota3A, %eq3A_1227 : vector<16xi32>
      %select_n3A_1229 = arith.select %eq3A_1228, %min3A_1225, %select_n3A_1181 : vector<16xi1>, vector<16xf32>
      %lt3A_1230 = arith.constant 0 : i32
      %lt3A_1231 = vector.broadcast %lt3A_1230 : i32 to vector<16xi32>
      %lt3A_1232 = arith.cmpi slt, %and3A_52, %lt3A_1231 : vector<16xi32>
      %add3A_1233 = arith.constant 16 : i32
      %add3A_1234 = vector.broadcast %add3A_1233 : i32 to vector<16xi32>
      %add3A_1235 = arith.addi %and3A_52, %add3A_1234 : vector<16xi32>
      %select_n3A_1236 = arith.select %lt3A_1232, %add3A_1235, %and3A_52 : vector<16xi1>, vector<16xi32>
      %broadcast_in_dim3A_1237 = vector.shape_cast %select_n3A_1236 : vector<16xi32> to vector<16x1xi32>
      %gather3A_1238 = vector.shape_cast %broadcast_in_dim3A_1237 : vector<16x1xi32> to vector<16xi32>
      %gather3A_1239 = tpu.dynamic_gather %parallel_loop3A_1037#4[%gather3A_1238] in [0] : vector<16xf32>, vector<16xi32> -> vector<16xf32>
      %min3A_1240 = arith.minimumf %parallel_loop3A_1037#4, %gather3A_1239 : vector<16xf32>
      %lt3A_1241 = arith.constant 0 : i32
      %lt3A_1242 = vector.broadcast %lt3A_1241 : i32 to vector<16xi32>
      %lt3A_1243 = arith.cmpi slt, %and3A_58, %lt3A_1242 : vector<16xi32>
      %add3A_1244 = arith.constant 16 : i32
      %add3A_1245 = vector.broadcast %add3A_1244 : i32 to vector<16xi32>
      %add3A_1246 = arith.addi %and3A_58, %add3A_1245 : vector<16xi32>
      %select_n3A_1247 = arith.select %lt3A_1243, %add3A_1246, %and3A_58 : vector<16xi1>, vector<16xi32>
      %broadcast_in_dim3A_1248 = vector.shape_cast %select_n3A_1247 : vector<16xi32> to vector<16x1xi32>
      %gather3A_1249 = vector.shape_cast %broadcast_in_dim3A_1248 : vector<16x1xi32> to vector<16xi32>
      %gather3A_1250 = tpu.dynamic_gather %min3A_1240[%gather3A_1249] in [0] : vector<16xf32>, vector<16xi32> -> vector<16xf32>
      %min3A_1251 = arith.minimumf %min3A_1240, %gather3A_1250 : vector<16xf32>
      %lt3A_1252 = arith.constant 0 : i32
      %lt3A_1253 = vector.broadcast %lt3A_1252 : i32 to vector<16xi32>
      %lt3A_1254 = arith.cmpi slt, %and3A_64, %lt3A_1253 : vector<16xi32>
      %add3A_1255 = arith.constant 16 : i32
      %add3A_1256 = vector.broadcast %add3A_1255 : i32 to vector<16xi32>
      %add3A_1257 = arith.addi %and3A_64, %add3A_1256 : vector<16xi32>
      %select_n3A_1258 = arith.select %lt3A_1254, %add3A_1257, %and3A_64 : vector<16xi1>, vector<16xi32>
      %broadcast_in_dim3A_1259 = vector.shape_cast %select_n3A_1258 : vector<16xi32> to vector<16x1xi32>
      %gather3A_1260 = vector.shape_cast %broadcast_in_dim3A_1259 : vector<16x1xi32> to vector<16xi32>
      %gather3A_1261 = tpu.dynamic_gather %min3A_1251[%gather3A_1260] in [0] : vector<16xf32>, vector<16xi32> -> vector<16xf32>
      %min3A_1262 = arith.minimumf %min3A_1251, %gather3A_1261 : vector<16xf32>
      %lt3A_1263 = arith.constant 0 : i32
      %lt3A_1264 = vector.broadcast %lt3A_1263 : i32 to vector<16xi32>
      %lt3A_1265 = arith.cmpi slt, %and3A_70, %lt3A_1264 : vector<16xi32>
      %add3A_1266 = arith.constant 16 : i32
      %add3A_1267 = vector.broadcast %add3A_1266 : i32 to vector<16xi32>
      %add3A_1268 = arith.addi %and3A_70, %add3A_1267 : vector<16xi32>
      %select_n3A_1269 = arith.select %lt3A_1265, %add3A_1268, %and3A_70 : vector<16xi1>, vector<16xi32>
      %broadcast_in_dim3A_1270 = vector.shape_cast %select_n3A_1269 : vector<16xi32> to vector<16x1xi32>
      %gather3A_1271 = vector.shape_cast %broadcast_in_dim3A_1270 : vector<16x1xi32> to vector<16xi32>
      %gather3A_1272 = tpu.dynamic_gather %min3A_1262[%gather3A_1271] in [0] : vector<16xf32>, vector<16xi32> -> vector<16xf32>
      %min3A_1273 = arith.minimumf %min3A_1262, %gather3A_1272 : vector<16xf32>
      %eq3A_1274 = arith.constant 12 : i32
      %eq3A_1275 = vector.broadcast %eq3A_1274 : i32 to vector<16xi32>
      %eq3A_1276 = arith.cmpi eq, %iota3A, %eq3A_1275 : vector<16xi32>
      %select_n3A_1277 = arith.select %eq3A_1276, %min3A_1273, %select_n3A_1229 : vector<16xi1>, vector<16xf32>
      %lt3A_1278 = arith.constant 0 : i32
      %lt3A_1279 = vector.broadcast %lt3A_1278 : i32 to vector<16xi32>
      %lt3A_1280 = arith.cmpi slt, %and3A_52, %lt3A_1279 : vector<16xi32>
      %add3A_1281 = arith.constant 16 : i32
      %add3A_1282 = vector.broadcast %add3A_1281 : i32 to vector<16xi32>
      %add3A_1283 = arith.addi %and3A_52, %add3A_1282 : vector<16xi32>
      %select_n3A_1284 = arith.select %lt3A_1280, %add3A_1283, %and3A_52 : vector<16xi1>, vector<16xi32>
      %broadcast_in_dim3A_1285 = vector.shape_cast %select_n3A_1284 : vector<16xi32> to vector<16x1xi32>
      %gather3A_1286 = vector.shape_cast %broadcast_in_dim3A_1285 : vector<16x1xi32> to vector<16xi32>
      %gather3A_1287 = tpu.dynamic_gather %parallel_loop3A_1037#5[%gather3A_1286] in [0] : vector<16xf32>, vector<16xi32> -> vector<16xf32>
      %min3A_1288 = arith.minimumf %parallel_loop3A_1037#5, %gather3A_1287 : vector<16xf32>
      %lt3A_1289 = arith.constant 0 : i32
      %lt3A_1290 = vector.broadcast %lt3A_1289 : i32 to vector<16xi32>
      %lt3A_1291 = arith.cmpi slt, %and3A_58, %lt3A_1290 : vector<16xi32>
      %add3A_1292 = arith.constant 16 : i32
      %add3A_1293 = vector.broadcast %add3A_1292 : i32 to vector<16xi32>
      %add3A_1294 = arith.addi %and3A_58, %add3A_1293 : vector<16xi32>
      %select_n3A_1295 = arith.select %lt3A_1291, %add3A_1294, %and3A_58 : vector<16xi1>, vector<16xi32>
      %broadcast_in_dim3A_1296 = vector.shape_cast %select_n3A_1295 : vector<16xi32> to vector<16x1xi32>
      %gather3A_1297 = vector.shape_cast %broadcast_in_dim3A_1296 : vector<16x1xi32> to vector<16xi32>
      %gather3A_1298 = tpu.dynamic_gather %min3A_1288[%gather3A_1297] in [0] : vector<16xf32>, vector<16xi32> -> vector<16xf32>
      %min3A_1299 = arith.minimumf %min3A_1288, %gather3A_1298 : vector<16xf32>
      %lt3A_1300 = arith.constant 0 : i32
      %lt3A_1301 = vector.broadcast %lt3A_1300 : i32 to vector<16xi32>
      %lt3A_1302 = arith.cmpi slt, %and3A_64, %lt3A_1301 : vector<16xi32>
      %add3A_1303 = arith.constant 16 : i32
      %add3A_1304 = vector.broadcast %add3A_1303 : i32 to vector<16xi32>
      %add3A_1305 = arith.addi %and3A_64, %add3A_1304 : vector<16xi32>
      %select_n3A_1306 = arith.select %lt3A_1302, %add3A_1305, %and3A_64 : vector<16xi1>, vector<16xi32>
      %broadcast_in_dim3A_1307 = vector.shape_cast %select_n3A_1306 : vector<16xi32> to vector<16x1xi32>
      %gather3A_1308 = vector.shape_cast %broadcast_in_dim3A_1307 : vector<16x1xi32> to vector<16xi32>
      %gather3A_1309 = tpu.dynamic_gather %min3A_1299[%gather3A_1308] in [0] : vector<16xf32>, vector<16xi32> -> vector<16xf32>
      %min3A_1310 = arith.minimumf %min3A_1299, %gather3A_1309 : vector<16xf32>
      %lt3A_1311 = arith.constant 0 : i32
      %lt3A_1312 = vector.broadcast %lt3A_1311 : i32 to vector<16xi32>
      %lt3A_1313 = arith.cmpi slt, %and3A_70, %lt3A_1312 : vector<16xi32>
      %add3A_1314 = arith.constant 16 : i32
      %add3A_1315 = vector.broadcast %add3A_1314 : i32 to vector<16xi32>
      %add3A_1316 = arith.addi %and3A_70, %add3A_1315 : vector<16xi32>
      %select_n3A_1317 = arith.select %lt3A_1313, %add3A_1316, %and3A_70 : vector<16xi1>, vector<16xi32>
      %broadcast_in_dim3A_1318 = vector.shape_cast %select_n3A_1317 : vector<16xi32> to vector<16x1xi32>
      %gather3A_1319 = vector.shape_cast %broadcast_in_dim3A_1318 : vector<16x1xi32> to vector<16xi32>
      %gather3A_1320 = tpu.dynamic_gather %min3A_1310[%gather3A_1319] in [0] : vector<16xf32>, vector<16xi32> -> vector<16xf32>
      %min3A_1321 = arith.minimumf %min3A_1310, %gather3A_1320 : vector<16xf32>
      %eq3A_1322 = arith.constant 13 : i32
      %eq3A_1323 = vector.broadcast %eq3A_1322 : i32 to vector<16xi32>
      %eq3A_1324 = arith.cmpi eq, %iota3A, %eq3A_1323 : vector<16xi32>
      %select_n3A_1325 = arith.select %eq3A_1324, %min3A_1321, %select_n3A_1277 : vector<16xi1>, vector<16xf32>
      %lt3A_1326 = arith.constant 0 : i32
      %lt3A_1327 = vector.broadcast %lt3A_1326 : i32 to vector<16xi32>
      %lt3A_1328 = arith.cmpi slt, %and3A_52, %lt3A_1327 : vector<16xi32>
      %add3A_1329 = arith.constant 16 : i32
      %add3A_1330 = vector.broadcast %add3A_1329 : i32 to vector<16xi32>
      %add3A_1331 = arith.addi %and3A_52, %add3A_1330 : vector<16xi32>
      %select_n3A_1332 = arith.select %lt3A_1328, %add3A_1331, %and3A_52 : vector<16xi1>, vector<16xi32>
      %broadcast_in_dim3A_1333 = vector.shape_cast %select_n3A_1332 : vector<16xi32> to vector<16x1xi32>
      %gather3A_1334 = vector.shape_cast %broadcast_in_dim3A_1333 : vector<16x1xi32> to vector<16xi32>
      %gather3A_1335 = tpu.dynamic_gather %parallel_loop3A_1037#6[%gather3A_1334] in [0] : vector<16xf32>, vector<16xi32> -> vector<16xf32>
      %min3A_1336 = arith.minimumf %parallel_loop3A_1037#6, %gather3A_1335 : vector<16xf32>
      %lt3A_1337 = arith.constant 0 : i32
      %lt3A_1338 = vector.broadcast %lt3A_1337 : i32 to vector<16xi32>
      %lt3A_1339 = arith.cmpi slt, %and3A_58, %lt3A_1338 : vector<16xi32>
      %add3A_1340 = arith.constant 16 : i32
      %add3A_1341 = vector.broadcast %add3A_1340 : i32 to vector<16xi32>
      %add3A_1342 = arith.addi %and3A_58, %add3A_1341 : vector<16xi32>
      %select_n3A_1343 = arith.select %lt3A_1339, %add3A_1342, %and3A_58 : vector<16xi1>, vector<16xi32>
      %broadcast_in_dim3A_1344 = vector.shape_cast %select_n3A_1343 : vector<16xi32> to vector<16x1xi32>
      %gather3A_1345 = vector.shape_cast %broadcast_in_dim3A_1344 : vector<16x1xi32> to vector<16xi32>
      %gather3A_1346 = tpu.dynamic_gather %min3A_1336[%gather3A_1345] in [0] : vector<16xf32>, vector<16xi32> -> vector<16xf32>
      %min3A_1347 = arith.minimumf %min3A_1336, %gather3A_1346 : vector<16xf32>
      %lt3A_1348 = arith.constant 0 : i32
      %lt3A_1349 = vector.broadcast %lt3A_1348 : i32 to vector<16xi32>
      %lt3A_1350 = arith.cmpi slt, %and3A_64, %lt3A_1349 : vector<16xi32>
      %add3A_1351 = arith.constant 16 : i32
      %add3A_1352 = vector.broadcast %add3A_1351 : i32 to vector<16xi32>
      %add3A_1353 = arith.addi %and3A_64, %add3A_1352 : vector<16xi32>
      %select_n3A_1354 = arith.select %lt3A_1350, %add3A_1353, %and3A_64 : vector<16xi1>, vector<16xi32>
      %broadcast_in_dim3A_1355 = vector.shape_cast %select_n3A_1354 : vector<16xi32> to vector<16x1xi32>
      %gather3A_1356 = vector.shape_cast %broadcast_in_dim3A_1355 : vector<16x1xi32> to vector<16xi32>
      %gather3A_1357 = tpu.dynamic_gather %min3A_1347[%gather3A_1356] in [0] : vector<16xf32>, vector<16xi32> -> vector<16xf32>
      %min3A_1358 = arith.minimumf %min3A_1347, %gather3A_1357 : vector<16xf32>
      %lt3A_1359 = arith.constant 0 : i32
      %lt3A_1360 = vector.broadcast %lt3A_1359 : i32 to vector<16xi32>
      %lt3A_1361 = arith.cmpi slt, %and3A_70, %lt3A_1360 : vector<16xi32>
      %add3A_1362 = arith.constant 16 : i32
      %add3A_1363 = vector.broadcast %add3A_1362 : i32 to vector<16xi32>
      %add3A_1364 = arith.addi %and3A_70, %add3A_1363 : vector<16xi32>
      %select_n3A_1365 = arith.select %lt3A_1361, %add3A_1364, %and3A_70 : vector<16xi1>, vector<16xi32>
      %broadcast_in_dim3A_1366 = vector.shape_cast %select_n3A_1365 : vector<16xi32> to vector<16x1xi32>
      %gather3A_1367 = vector.shape_cast %broadcast_in_dim3A_1366 : vector<16x1xi32> to vector<16xi32>
      %gather3A_1368 = tpu.dynamic_gather %min3A_1358[%gather3A_1367] in [0] : vector<16xf32>, vector<16xi32> -> vector<16xf32>
      %min3A_1369 = arith.minimumf %min3A_1358, %gather3A_1368 : vector<16xf32>
      %eq3A_1370 = arith.constant 14 : i32
      %eq3A_1371 = vector.broadcast %eq3A_1370 : i32 to vector<16xi32>
      %eq3A_1372 = arith.cmpi eq, %iota3A, %eq3A_1371 : vector<16xi32>
      %select_n3A_1373 = arith.select %eq3A_1372, %min3A_1369, %select_n3A_1325 : vector<16xi1>, vector<16xf32>
      %lt3A_1374 = arith.constant 0 : i32
      %lt3A_1375 = vector.broadcast %lt3A_1374 : i32 to vector<16xi32>
      %lt3A_1376 = arith.cmpi slt, %and3A_52, %lt3A_1375 : vector<16xi32>
      %add3A_1377 = arith.constant 16 : i32
      %add3A_1378 = vector.broadcast %add3A_1377 : i32 to vector<16xi32>
      %add3A_1379 = arith.addi %and3A_52, %add3A_1378 : vector<16xi32>
      %select_n3A_1380 = arith.select %lt3A_1376, %add3A_1379, %and3A_52 : vector<16xi1>, vector<16xi32>
      %broadcast_in_dim3A_1381 = vector.shape_cast %select_n3A_1380 : vector<16xi32> to vector<16x1xi32>
      %gather3A_1382 = vector.shape_cast %broadcast_in_dim3A_1381 : vector<16x1xi32> to vector<16xi32>
      %gather3A_1383 = tpu.dynamic_gather %parallel_loop3A_1037#7[%gather3A_1382] in [0] : vector<16xf32>, vector<16xi32> -> vector<16xf32>
      %min3A_1384 = arith.minimumf %parallel_loop3A_1037#7, %gather3A_1383 : vector<16xf32>
      %lt3A_1385 = arith.constant 0 : i32
      %lt3A_1386 = vector.broadcast %lt3A_1385 : i32 to vector<16xi32>
      %lt3A_1387 = arith.cmpi slt, %and3A_58, %lt3A_1386 : vector<16xi32>
      %add3A_1388 = arith.constant 16 : i32
      %add3A_1389 = vector.broadcast %add3A_1388 : i32 to vector<16xi32>
      %add3A_1390 = arith.addi %and3A_58, %add3A_1389 : vector<16xi32>
      %select_n3A_1391 = arith.select %lt3A_1387, %add3A_1390, %and3A_58 : vector<16xi1>, vector<16xi32>
      %broadcast_in_dim3A_1392 = vector.shape_cast %select_n3A_1391 : vector<16xi32> to vector<16x1xi32>
      %gather3A_1393 = vector.shape_cast %broadcast_in_dim3A_1392 : vector<16x1xi32> to vector<16xi32>
      %gather3A_1394 = tpu.dynamic_gather %min3A_1384[%gather3A_1393] in [0] : vector<16xf32>, vector<16xi32> -> vector<16xf32>
      %min3A_1395 = arith.minimumf %min3A_1384, %gather3A_1394 : vector<16xf32>
      %lt3A_1396 = arith.constant 0 : i32
      %lt3A_1397 = vector.broadcast %lt3A_1396 : i32 to vector<16xi32>
      %lt3A_1398 = arith.cmpi slt, %and3A_64, %lt3A_1397 : vector<16xi32>
      %add3A_1399 = arith.constant 16 : i32
      %add3A_1400 = vector.broadcast %add3A_1399 : i32 to vector<16xi32>
      %add3A_1401 = arith.addi %and3A_64, %add3A_1400 : vector<16xi32>
      %select_n3A_1402 = arith.select %lt3A_1398, %add3A_1401, %and3A_64 : vector<16xi1>, vector<16xi32>
      %broadcast_in_dim3A_1403 = vector.shape_cast %select_n3A_1402 : vector<16xi32> to vector<16x1xi32>
      %gather3A_1404 = vector.shape_cast %broadcast_in_dim3A_1403 : vector<16x1xi32> to vector<16xi32>
      %gather3A_1405 = tpu.dynamic_gather %min3A_1395[%gather3A_1404] in [0] : vector<16xf32>, vector<16xi32> -> vector<16xf32>
      %min3A_1406 = arith.minimumf %min3A_1395, %gather3A_1405 : vector<16xf32>
      %lt3A_1407 = arith.constant 0 : i32
      %lt3A_1408 = vector.broadcast %lt3A_1407 : i32 to vector<16xi32>
      %lt3A_1409 = arith.cmpi slt, %and3A_70, %lt3A_1408 : vector<16xi32>
      %add3A_1410 = arith.constant 16 : i32
      %add3A_1411 = vector.broadcast %add3A_1410 : i32 to vector<16xi32>
      %add3A_1412 = arith.addi %and3A_70, %add3A_1411 : vector<16xi32>
      %select_n3A_1413 = arith.select %lt3A_1409, %add3A_1412, %and3A_70 : vector<16xi1>, vector<16xi32>
      %broadcast_in_dim3A_1414 = vector.shape_cast %select_n3A_1413 : vector<16xi32> to vector<16x1xi32>
      %gather3A_1415 = vector.shape_cast %broadcast_in_dim3A_1414 : vector<16x1xi32> to vector<16xi32>
      %gather3A_1416 = tpu.dynamic_gather %min3A_1406[%gather3A_1415] in [0] : vector<16xf32>, vector<16xi32> -> vector<16xf32>
      %min3A_1417 = arith.minimumf %min3A_1406, %gather3A_1416 : vector<16xf32>
      %eq3A_1418 = arith.constant 15 : i32
      %eq3A_1419 = vector.broadcast %eq3A_1418 : i32 to vector<16xi32>
      %eq3A_1420 = arith.cmpi eq, %iota3A, %eq3A_1419 : vector<16xi32>
      %select_n3A_1421 = arith.select %eq3A_1420, %min3A_1417, %select_n3A_1373 : vector<16xi1>, vector<16xf32>
      %get3A_1422 = arith.index_cast %add3A_154 : i32 to index
      %get3A_1423 = tpu.vector_load %arg11[%get3A_1422] {strides = array<i32>} : memref<4096xf32, #tpu.memory_space<vmem>>, vector<16xf32>,
      %get3A_1424 = vector.shape_cast %get3A_1423 : vector<16xf32> to vector<16xf32>
      %add3A_1425 = arith.addf %select_n3A_1421, %get3A_1424 : vector<16xf32>
      %max3A = arith.constant 0.000000e+00 : f32
      %max3A_1426 = vector.broadcast %max3A : f32 to vector<16xf32>
      %max3A_1427 = arith.maximumf %add3A_1425, %max3A_1426 : vector<16xf32>
      %mul3A_1428 = arith.constant 16 : i32
      %mul3A_1429 = arith.muli %scan3A_150, %mul3A_1428 : i32
      %swap3A = arith.index_cast %mul3A_1429 : i32 to index
      %swap3A_1430 = tpu.vector_load %arg16[%swap3A] {strides = array<i32>} : memref<128xf32, #tpu.memory_space<vmem>>, vector<16xf32>,
      %swap3A_1431 = vector.shape_cast %swap3A_1430 : vector<16xf32> to vector<16xf32>
      %swap3A_1432 = vector.shape_cast %max3A_1427 : vector<16xf32> to vector<16xf32>
      tpu.vector_store %arg16[%swap3A], %swap3A_1432 {strides = array<i32>} : memref<128xf32, #tpu.memory_space<vmem>>, vector<16xf32>,
      %scan3A_1433 = arith.constant 0 : i32
      scf.yield %scan3A_1433 : i32
    }
    %scan3A_79 = arith.constant 8 : i32
    %run_scoped3A_80 = arith.constant 0 : i32
    "tpu.region"() ({
      %run_scoped3A_150 = tpu.sem_alloc : memref<!tpu.dma_semaphore, #tpu.memory_space<semaphore_mem>>
      %dma_start3A = tpu.memref_slice %arg4[%run_scoped3A_80, %mul3A_16] : memref<1x4096xf32, #tpu.memory_space<hbm>> -> memref<1x128xf32, #tpu.memory_space<hbm>>
      %dma_start3A_151 = tpu.memref_squeeze %dma_start3A : memref<1x128xf32, #tpu.memory_space<hbm>> -> memref<128xf32, #tpu.memory_space<hbm>>
      %dma_start3A_152 = tpu.memref_slice %arg4[%run_scoped3A_80, %mul3A_16] : memref<1x4096xf32, #tpu.memory_space<hbm>> -> memref<1x128xf32, #tpu.memory_space<hbm>>
      %dma_start3A_153 = tpu.memref_squeeze %dma_start3A_152 : memref<1x128xf32, #tpu.memory_space<hbm>> -> memref<128xf32, #tpu.memory_space<hbm>>
      tpu.enqueue_dma source(%arg16 : memref<128xf32, #tpu.memory_space<vmem>>) target(%dma_start3A_153 : memref<128xf32, #tpu.memory_space<hbm>>) target_semaphore(%run_scoped3A_150 : memref<!tpu.dma_semaphore, #tpu.memory_space<semaphore_mem>>)
      %dma_wait3A = tpu.memref_slice %arg4[%run_scoped3A_80, %mul3A_16] : memref<1x4096xf32, #tpu.memory_space<hbm>> -> memref<1x128xf32, #tpu.memory_space<hbm>>
      %dma_wait3A_154 = tpu.memref_squeeze %dma_wait3A : memref<1x128xf32, #tpu.memory_space<hbm>> -> memref<128xf32, #tpu.memory_space<hbm>>
      %dma_wait3A_155 = tpu.memref_slice %arg4[%run_scoped3A_80, %mul3A_16] : memref<1x4096xf32, #tpu.memory_space<hbm>> -> memref<1x128xf32, #tpu.memory_space<hbm>>
      %dma_wait3A_156 = tpu.memref_squeeze %dma_wait3A_155 : memref<1x128xf32, #tpu.memory_space<hbm>> -> memref<128xf32, #tpu.memory_space<hbm>>
      tpu.wait_dma2 semaphore(%run_scoped3A_150 : memref<!tpu.dma_semaphore, #tpu.memory_space<semaphore_mem>>) src(%arg16 : memref<128xf32, #tpu.memory_space<vmem>>) dst(%dma_wait3A_156 : memref<128xf32, #tpu.memory_space<hbm>>)
      tpu.yield
    }) : () -> ()
    %mul3A_81 = arith.constant 128 : i32
    %mul3A_82 = arith.muli %add3A, %mul3A_81 : i32
    %broadcast_in_dim3A_83 = arith.constant 0 : i32
    %broadcast_in_dim3A_84 = vector.broadcast %broadcast_in_dim3A_83 : i32 to vector<16xi32>
    %broadcast_in_dim3A_85 = arith.constant 1 : i32
    %broadcast_in_dim3A_86 = vector.broadcast %broadcast_in_dim3A_85 : i32 to vector<16xi32>
    %broadcast_in_dim3A_87 = arith.constant 2 : i32
    %broadcast_in_dim3A_88 = vector.broadcast %broadcast_in_dim3A_87 : i32 to vector<16xi32>
    %broadcast_in_dim3A_89 = arith.constant 3 : i32
    %broadcast_in_dim3A_90 = vector.broadcast %broadcast_in_dim3A_89 : i32 to vector<16xi32>
    %broadcast_in_dim3A_91 = arith.constant 4 : i32
    %broadcast_in_dim3A_92 = vector.broadcast %broadcast_in_dim3A_91 : i32 to vector<16xi32>
    %broadcast_in_dim3A_93 = arith.constant 5 : i32
    %broadcast_in_dim3A_94 = vector.broadcast %broadcast_in_dim3A_93 : i32 to vector<16xi32>
    %broadcast_in_dim3A_95 = arith.constant 6 : i32
    %broadcast_in_dim3A_96 = vector.broadcast %broadcast_in_dim3A_95 : i32 to vector<16xi32>
    %broadcast_in_dim3A_97 = arith.constant 7 : i32
    %broadcast_in_dim3A_98 = vector.broadcast %broadcast_in_dim3A_97 : i32 to vector<16xi32>
    %broadcast_in_dim3A_99 = arith.constant 8 : i32
    %broadcast_in_dim3A_100 = vector.broadcast %broadcast_in_dim3A_99 : i32 to vector<16xi32>
    %broadcast_in_dim3A_101 = arith.constant 9 : i32
    %broadcast_in_dim3A_102 = vector.broadcast %broadcast_in_dim3A_101 : i32 to vector<16xi32>
    %broadcast_in_dim3A_103 = arith.constant 10 : i32
    %broadcast_in_dim3A_104 = vector.broadcast %broadcast_in_dim3A_103 : i32 to vector<16xi32>
    %broadcast_in_dim3A_105 = arith.constant 11 : i32
    %broadcast_in_dim3A_106 = vector.broadcast %broadcast_in_dim3A_105 : i32 to vector<16xi32>
    %broadcast_in_dim3A_107 = arith.constant 12 : i32
    %broadcast_in_dim3A_108 = vector.broadcast %broadcast_in_dim3A_107 : i32 to vector<16xi32>
    %broadcast_in_dim3A_109 = arith.constant 13 : i32
    %broadcast_in_dim3A_110 = vector.broadcast %broadcast_in_dim3A_109 : i32 to vector<16xi32>
    %broadcast_in_dim3A_111 = arith.constant 14 : i32
    %broadcast_in_dim3A_112 = vector.broadcast %broadcast_in_dim3A_111 : i32 to vector<16xi32>
    %broadcast_in_dim3A_113 = arith.constant 15 : i32
    %broadcast_in_dim3A_114 = vector.broadcast %broadcast_in_dim3A_113 : i32 to vector<16xi32>
    %iota3A_115 = tpu.iota {dimensions = array<i32: 0>} : vector<16xi32>
    %add3A_116 = arith.constant 8 : i32
    %add3A_117 = vector.broadcast %add3A_116 : i32 to vector<16xi32>
    %add3A_118 = arith.addi %iota3A_115, %add3A_117 : vector<16xi32>
    %and3A_119 = arith.constant 15 : i32
    %and3A_120 = vector.broadcast %and3A_119 : i32 to vector<16xi32>
    %and3A_121 = arith.andi %add3A_118, %and3A_120 : vector<16xi32>
    %add3A_122 = arith.constant 4 : i32
    %add3A_123 = vector.broadcast %add3A_122 : i32 to vector<16xi32>
    %add3A_124 = arith.addi %iota3A_115, %add3A_123 : vector<16xi32>
    %and3A_125 = arith.constant 15 : i32
    %and3A_126 = vector.broadcast %and3A_125 : i32 to vector<16xi32>
    %and3A_127 = arith.andi %add3A_124, %and3A_126 : vector<16xi32>
    %add3A_128 = arith.constant 2 : i32
    %add3A_129 = vector.broadcast %add3A_128 : i32 to vector<16xi32>
    %add3A_130 = arith.addi %iota3A_115, %add3A_129 : vector<16xi32>
    %and3A_131 = arith.constant 15 : i32
    %and3A_132 = vector.broadcast %and3A_131 : i32 to vector<16xi32>
    %and3A_133 = arith.andi %add3A_130, %and3A_132 : vector<16xi32>
    %add3A_134 = arith.constant 1 : i32
    %add3A_135 = vector.broadcast %add3A_134 : i32 to vector<16xi32>
    %add3A_136 = arith.addi %iota3A_115, %add3A_135 : vector<16xi32>
    %and3A_137 = arith.constant 15 : i32
    %and3A_138 = vector.broadcast %and3A_137 : i32 to vector<16xi32>
    %and3A_139 = arith.andi %add3A_136, %and3A_138 : vector<16xi32>
    %broadcast_in_dim3A_140 = arith.constant 3.000000e+38 : f32
    %broadcast_in_dim3A_141 = vector.broadcast %broadcast_in_dim3A_140 : f32 to vector<16xf32>
    %scan3A_142 = arith.constant 0 : i32
    %scan3A_143 = arith.constant 0 : i32
    %scan3A_144 = arith.constant 8 : i32
    %scan3A_145 = arith.addi %scan3A_143, %scan3A_144 : i32
    %scan3A_146 = arith.constant 1 : i32
    %scan3A_147 = scf.for %scan3A_150 = %scan3A_143 to %scan3A_145 step %scan3A_146 iter_args(%scan3A_151 = %scan3A_142) -> (i32)  : i32 {
      %mul3A_152 = arith.constant 16 : i32
      %mul3A_153 = arith.muli %scan3A_150, %mul3A_152 : i32
      %add3A_154 = arith.addi %mul3A_82, %mul3A_153 : i32
      %get3A = arith.index_cast %add3A_154 : i32 to index
      %get3A_155 = tpu.vector_load %arg12[%get3A] {strides = array<i32>} : memref<4096xf32, #tpu.memory_space<vmem>>, vector<16xf32>,
      %get3A_156 = vector.shape_cast %get3A_155 : vector<16xf32> to vector<16xf32>
      %mul3A_157 = arith.constant 5.000000e-01 : f32
      %mul3A_158 = vector.broadcast %mul3A_157 : f32 to vector<16xf32>
      %mul3A_159 = arith.mulf %get3A_156, %mul3A_158 : vector<16xf32>
      %get3A_160 = arith.index_cast %add3A_154 : i32 to index
      %get3A_161 = tpu.vector_load %arg13[%get3A_160] {strides = array<i32>} : memref<4096xf32, #tpu.memory_space<vmem>>, vector<16xf32>,
      %get3A_162 = vector.shape_cast %get3A_161 : vector<16xf32> to vector<16xf32>
      %mul3A_163 = arith.constant 5.000000e-01 : f32
      %mul3A_164 = vector.broadcast %mul3A_163 : f32 to vector<16xf32>
      %mul3A_165 = arith.mulf %get3A_162, %mul3A_164 : vector<16xf32>
      %get3A_166 = arith.index_cast %add3A_154 : i32 to index
      %get3A_167 = tpu.vector_load %arg14[%get3A_166] {strides = array<i32>} : memref<4096xf32, #tpu.memory_space<vmem>>, vector<16xf32>,
      %get3A_168 = vector.shape_cast %get3A_167 : vector<16xf32> to vector<16xf32>
      %mul3A_169 = arith.constant 5.000000e-01 : f32
      %mul3A_170 = vector.broadcast %mul3A_169 : f32 to vector<16xf32>
      %mul3A_171 = arith.mulf %get3A_168, %mul3A_170 : vector<16xf32>
      %lt3A = arith.constant 0 : i32
      %lt3A_172 = vector.broadcast %lt3A : i32 to vector<16xi32>
      %lt3A_173 = arith.cmpi slt, %broadcast_in_dim3A_84, %lt3A_172 : vector<16xi32>
      %add3A_174 = arith.constant 16 : i32
      %add3A_175 = vector.broadcast %add3A_174 : i32 to vector<16xi32>
      %add3A_176 = arith.addi %broadcast_in_dim3A_84, %add3A_175 : vector<16xi32>
      %select_n3A = arith.select %lt3A_173, %add3A_176, %broadcast_in_dim3A_84 : vector<16xi1>, vector<16xi32>
      %broadcast_in_dim3A_177 = vector.shape_cast %select_n3A : vector<16xi32> to vector<16x1xi32>
      %gather3A = vector.shape_cast %broadcast_in_dim3A_177 : vector<16x1xi32> to vector<16xi32>
      %gather3A_178 = tpu.dynamic_gather %mul3A_159[%gather3A] in [0] : vector<16xf32>, vector<16xi32> -> vector<16xf32>
      %lt3A_179 = arith.constant 0 : i32
      %lt3A_180 = vector.broadcast %lt3A_179 : i32 to vector<16xi32>
      %lt3A_181 = arith.cmpi slt, %broadcast_in_dim3A_84, %lt3A_180 : vector<16xi32>
      %add3A_182 = arith.constant 16 : i32
      %add3A_183 = vector.broadcast %add3A_182 : i32 to vector<16xi32>
      %add3A_184 = arith.addi %broadcast_in_dim3A_84, %add3A_183 : vector<16xi32>
      %select_n3A_185 = arith.select %lt3A_181, %add3A_184, %broadcast_in_dim3A_84 : vector<16xi1>, vector<16xi32>
      %broadcast_in_dim3A_186 = vector.shape_cast %select_n3A_185 : vector<16xi32> to vector<16x1xi32>
      %gather3A_187 = vector.shape_cast %broadcast_in_dim3A_186 : vector<16x1xi32> to vector<16xi32>
      %gather3A_188 = tpu.dynamic_gather %mul3A_165[%gather3A_187] in [0] : vector<16xf32>, vector<16xi32> -> vector<16xf32>
      %lt3A_189 = arith.constant 0 : i32
      %lt3A_190 = vector.broadcast %lt3A_189 : i32 to vector<16xi32>
      %lt3A_191 = arith.cmpi slt, %broadcast_in_dim3A_84, %lt3A_190 : vector<16xi32>
      %add3A_192 = arith.constant 16 : i32
      %add3A_193 = vector.broadcast %add3A_192 : i32 to vector<16xi32>
      %add3A_194 = arith.addi %broadcast_in_dim3A_84, %add3A_193 : vector<16xi32>
      %select_n3A_195 = arith.select %lt3A_191, %add3A_194, %broadcast_in_dim3A_84 : vector<16xi1>, vector<16xi32>
      %broadcast_in_dim3A_196 = vector.shape_cast %select_n3A_195 : vector<16xi32> to vector<16x1xi32>
      %gather3A_197 = vector.shape_cast %broadcast_in_dim3A_196 : vector<16x1xi32> to vector<16xi32>
      %gather3A_198 = tpu.dynamic_gather %mul3A_171[%gather3A_197] in [0] : vector<16xf32>, vector<16xi32> -> vector<16xf32>
      %lt3A_199 = arith.constant 0 : i32
      %lt3A_200 = vector.broadcast %lt3A_199 : i32 to vector<16xi32>
      %lt3A_201 = arith.cmpi slt, %broadcast_in_dim3A_86, %lt3A_200 : vector<16xi32>
      %add3A_202 = arith.constant 16 : i32
      %add3A_203 = vector.broadcast %add3A_202 : i32 to vector<16xi32>
      %add3A_204 = arith.addi %broadcast_in_dim3A_86, %add3A_203 : vector<16xi32>
      %select_n3A_205 = arith.select %lt3A_201, %add3A_204, %broadcast_in_dim3A_86 : vector<16xi1>, vector<16xi32>
      %broadcast_in_dim3A_206 = vector.shape_cast %select_n3A_205 : vector<16xi32> to vector<16x1xi32>
      %gather3A_207 = vector.shape_cast %broadcast_in_dim3A_206 : vector<16x1xi32> to vector<16xi32>
      %gather3A_208 = tpu.dynamic_gather %mul3A_159[%gather3A_207] in [0] : vector<16xf32>, vector<16xi32> -> vector<16xf32>
      %lt3A_209 = arith.constant 0 : i32
      %lt3A_210 = vector.broadcast %lt3A_209 : i32 to vector<16xi32>
      %lt3A_211 = arith.cmpi slt, %broadcast_in_dim3A_86, %lt3A_210 : vector<16xi32>
      %add3A_212 = arith.constant 16 : i32
      %add3A_213 = vector.broadcast %add3A_212 : i32 to vector<16xi32>
      %add3A_214 = arith.addi %broadcast_in_dim3A_86, %add3A_213 : vector<16xi32>
      %select_n3A_215 = arith.select %lt3A_211, %add3A_214, %broadcast_in_dim3A_86 : vector<16xi1>, vector<16xi32>
      %broadcast_in_dim3A_216 = vector.shape_cast %select_n3A_215 : vector<16xi32> to vector<16x1xi32>
      %gather3A_217 = vector.shape_cast %broadcast_in_dim3A_216 : vector<16x1xi32> to vector<16xi32>
      %gather3A_218 = tpu.dynamic_gather %mul3A_165[%gather3A_217] in [0] : vector<16xf32>, vector<16xi32> -> vector<16xf32>
      %lt3A_219 = arith.constant 0 : i32
      %lt3A_220 = vector.broadcast %lt3A_219 : i32 to vector<16xi32>
      %lt3A_221 = arith.cmpi slt, %broadcast_in_dim3A_86, %lt3A_220 : vector<16xi32>
      %add3A_222 = arith.constant 16 : i32
      %add3A_223 = vector.broadcast %add3A_222 : i32 to vector<16xi32>
      %add3A_224 = arith.addi %broadcast_in_dim3A_86, %add3A_223 : vector<16xi32>
      %select_n3A_225 = arith.select %lt3A_221, %add3A_224, %broadcast_in_dim3A_86 : vector<16xi1>, vector<16xi32>
      %broadcast_in_dim3A_226 = vector.shape_cast %select_n3A_225 : vector<16xi32> to vector<16x1xi32>
      %gather3A_227 = vector.shape_cast %broadcast_in_dim3A_226 : vector<16x1xi32> to vector<16xi32>
      %gather3A_228 = tpu.dynamic_gather %mul3A_171[%gather3A_227] in [0] : vector<16xf32>, vector<16xi32> -> vector<16xf32>
      %lt3A_229 = arith.constant 0 : i32
      %lt3A_230 = vector.broadcast %lt3A_229 : i32 to vector<16xi32>
      %lt3A_231 = arith.cmpi slt, %broadcast_in_dim3A_88, %lt3A_230 : vector<16xi32>
      %add3A_232 = arith.constant 16 : i32
      %add3A_233 = vector.broadcast %add3A_232 : i32 to vector<16xi32>
      %add3A_234 = arith.addi %broadcast_in_dim3A_88, %add3A_233 : vector<16xi32>
      %select_n3A_235 = arith.select %lt3A_231, %add3A_234, %broadcast_in_dim3A_88 : vector<16xi1>, vector<16xi32>
      %broadcast_in_dim3A_236 = vector.shape_cast %select_n3A_235 : vector<16xi32> to vector<16x1xi32>
      %gather3A_237 = vector.shape_cast %broadcast_in_dim3A_236 : vector<16x1xi32> to vector<16xi32>
      %gather3A_238 = tpu.dynamic_gather %mul3A_159[%gather3A_237] in [0] : vector<16xf32>, vector<16xi32> -> vector<16xf32>
      %lt3A_239 = arith.constant 0 : i32
      %lt3A_240 = vector.broadcast %lt3A_239 : i32 to vector<16xi32>
      %lt3A_241 = arith.cmpi slt, %broadcast_in_dim3A_88, %lt3A_240 : vector<16xi32>
      %add3A_242 = arith.constant 16 : i32
      %add3A_243 = vector.broadcast %add3A_242 : i32 to vector<16xi32>
      %add3A_244 = arith.addi %broadcast_in_dim3A_88, %add3A_243 : vector<16xi32>
      %select_n3A_245 = arith.select %lt3A_241, %add3A_244, %broadcast_in_dim3A_88 : vector<16xi1>, vector<16xi32>
      %broadcast_in_dim3A_246 = vector.shape_cast %select_n3A_245 : vector<16xi32> to vector<16x1xi32>
      %gather3A_247 = vector.shape_cast %broadcast_in_dim3A_246 : vector<16x1xi32> to vector<16xi32>
      %gather3A_248 = tpu.dynamic_gather %mul3A_165[%gather3A_247] in [0] : vector<16xf32>, vector<16xi32> -> vector<16xf32>
      %lt3A_249 = arith.constant 0 : i32
      %lt3A_250 = vector.broadcast %lt3A_249 : i32 to vector<16xi32>
      %lt3A_251 = arith.cmpi slt, %broadcast_in_dim3A_88, %lt3A_250 : vector<16xi32>
      %add3A_252 = arith.constant 16 : i32
      %add3A_253 = vector.broadcast %add3A_252 : i32 to vector<16xi32>
      %add3A_254 = arith.addi %broadcast_in_dim3A_88, %add3A_253 : vector<16xi32>
      %select_n3A_255 = arith.select %lt3A_251, %add3A_254, %broadcast_in_dim3A_88 : vector<16xi1>, vector<16xi32>
      %broadcast_in_dim3A_256 = vector.shape_cast %select_n3A_255 : vector<16xi32> to vector<16x1xi32>
      %gather3A_257 = vector.shape_cast %broadcast_in_dim3A_256 : vector<16x1xi32> to vector<16xi32>
      %gather3A_258 = tpu.dynamic_gather %mul3A_171[%gather3A_257] in [0] : vector<16xf32>, vector<16xi32> -> vector<16xf32>
      %lt3A_259 = arith.constant 0 : i32
      %lt3A_260 = vector.broadcast %lt3A_259 : i32 to vector<16xi32>
      %lt3A_261 = arith.cmpi slt, %broadcast_in_dim3A_90, %lt3A_260 : vector<16xi32>
      %add3A_262 = arith.constant 16 : i32
      %add3A_263 = vector.broadcast %add3A_262 : i32 to vector<16xi32>
      %add3A_264 = arith.addi %broadcast_in_dim3A_90, %add3A_263 : vector<16xi32>
      %select_n3A_265 = arith.select %lt3A_261, %add3A_264, %broadcast_in_dim3A_90 : vector<16xi1>, vector<16xi32>
      %broadcast_in_dim3A_266 = vector.shape_cast %select_n3A_265 : vector<16xi32> to vector<16x1xi32>
      %gather3A_267 = vector.shape_cast %broadcast_in_dim3A_266 : vector<16x1xi32> to vector<16xi32>
      %gather3A_268 = tpu.dynamic_gather %mul3A_159[%gather3A_267] in [0] : vector<16xf32>, vector<16xi32> -> vector<16xf32>
      %lt3A_269 = arith.constant 0 : i32
      %lt3A_270 = vector.broadcast %lt3A_269 : i32 to vector<16xi32>
      %lt3A_271 = arith.cmpi slt, %broadcast_in_dim3A_90, %lt3A_270 : vector<16xi32>
      %add3A_272 = arith.constant 16 : i32
      %add3A_273 = vector.broadcast %add3A_272 : i32 to vector<16xi32>
      %add3A_274 = arith.addi %broadcast_in_dim3A_90, %add3A_273 : vector<16xi32>
      %select_n3A_275 = arith.select %lt3A_271, %add3A_274, %broadcast_in_dim3A_90 : vector<16xi1>, vector<16xi32>
      %broadcast_in_dim3A_276 = vector.shape_cast %select_n3A_275 : vector<16xi32> to vector<16x1xi32>
      %gather3A_277 = vector.shape_cast %broadcast_in_dim3A_276 : vector<16x1xi32> to vector<16xi32>
      %gather3A_278 = tpu.dynamic_gather %mul3A_165[%gather3A_277] in [0] : vector<16xf32>, vector<16xi32> -> vector<16xf32>
      %lt3A_279 = arith.constant 0 : i32
      %lt3A_280 = vector.broadcast %lt3A_279 : i32 to vector<16xi32>
      %lt3A_281 = arith.cmpi slt, %broadcast_in_dim3A_90, %lt3A_280 : vector<16xi32>
      %add3A_282 = arith.constant 16 : i32
      %add3A_283 = vector.broadcast %add3A_282 : i32 to vector<16xi32>
      %add3A_284 = arith.addi %broadcast_in_dim3A_90, %add3A_283 : vector<16xi32>
      %select_n3A_285 = arith.select %lt3A_281, %add3A_284, %broadcast_in_dim3A_90 : vector<16xi1>, vector<16xi32>
      %broadcast_in_dim3A_286 = vector.shape_cast %select_n3A_285 : vector<16xi32> to vector<16x1xi32>
      %gather3A_287 = vector.shape_cast %broadcast_in_dim3A_286 : vector<16x1xi32> to vector<16xi32>
      %gather3A_288 = tpu.dynamic_gather %mul3A_171[%gather3A_287] in [0] : vector<16xf32>, vector<16xi32> -> vector<16xf32>
      %lt3A_289 = arith.constant 0 : i32
      %lt3A_290 = vector.broadcast %lt3A_289 : i32 to vector<16xi32>
      %lt3A_291 = arith.cmpi slt, %broadcast_in_dim3A_92, %lt3A_290 : vector<16xi32>
      %add3A_292 = arith.constant 16 : i32
      %add3A_293 = vector.broadcast %add3A_292 : i32 to vector<16xi32>
      %add3A_294 = arith.addi %broadcast_in_dim3A_92, %add3A_293 : vector<16xi32>
      %select_n3A_295 = arith.select %lt3A_291, %add3A_294, %broadcast_in_dim3A_92 : vector<16xi1>, vector<16xi32>
      %broadcast_in_dim3A_296 = vector.shape_cast %select_n3A_295 : vector<16xi32> to vector<16x1xi32>
      %gather3A_297 = vector.shape_cast %broadcast_in_dim3A_296 : vector<16x1xi32> to vector<16xi32>
      %gather3A_298 = tpu.dynamic_gather %mul3A_159[%gather3A_297] in [0] : vector<16xf32>, vector<16xi32> -> vector<16xf32>
      %lt3A_299 = arith.constant 0 : i32
      %lt3A_300 = vector.broadcast %lt3A_299 : i32 to vector<16xi32>
      %lt3A_301 = arith.cmpi slt, %broadcast_in_dim3A_92, %lt3A_300 : vector<16xi32>
      %add3A_302 = arith.constant 16 : i32
      %add3A_303 = vector.broadcast %add3A_302 : i32 to vector<16xi32>
      %add3A_304 = arith.addi %broadcast_in_dim3A_92, %add3A_303 : vector<16xi32>
      %select_n3A_305 = arith.select %lt3A_301, %add3A_304, %broadcast_in_dim3A_92 : vector<16xi1>, vector<16xi32>
      %broadcast_in_dim3A_306 = vector.shape_cast %select_n3A_305 : vector<16xi32> to vector<16x1xi32>
      %gather3A_307 = vector.shape_cast %broadcast_in_dim3A_306 : vector<16x1xi32> to vector<16xi32>
      %gather3A_308 = tpu.dynamic_gather %mul3A_165[%gather3A_307] in [0] : vector<16xf32>, vector<16xi32> -> vector<16xf32>
      %lt3A_309 = arith.constant 0 : i32
      %lt3A_310 = vector.broadcast %lt3A_309 : i32 to vector<16xi32>
      %lt3A_311 = arith.cmpi slt, %broadcast_in_dim3A_92, %lt3A_310 : vector<16xi32>
      %add3A_312 = arith.constant 16 : i32
      %add3A_313 = vector.broadcast %add3A_312 : i32 to vector<16xi32>
      %add3A_314 = arith.addi %broadcast_in_dim3A_92, %add3A_313 : vector<16xi32>
      %select_n3A_315 = arith.select %lt3A_311, %add3A_314, %broadcast_in_dim3A_92 : vector<16xi1>, vector<16xi32>
      %broadcast_in_dim3A_316 = vector.shape_cast %select_n3A_315 : vector<16xi32> to vector<16x1xi32>
      %gather3A_317 = vector.shape_cast %broadcast_in_dim3A_316 : vector<16x1xi32> to vector<16xi32>
      %gather3A_318 = tpu.dynamic_gather %mul3A_171[%gather3A_317] in [0] : vector<16xf32>, vector<16xi32> -> vector<16xf32>
      %lt3A_319 = arith.constant 0 : i32
      %lt3A_320 = vector.broadcast %lt3A_319 : i32 to vector<16xi32>
      %lt3A_321 = arith.cmpi slt, %broadcast_in_dim3A_94, %lt3A_320 : vector<16xi32>
      %add3A_322 = arith.constant 16 : i32
      %add3A_323 = vector.broadcast %add3A_322 : i32 to vector<16xi32>
      %add3A_324 = arith.addi %broadcast_in_dim3A_94, %add3A_323 : vector<16xi32>
      %select_n3A_325 = arith.select %lt3A_321, %add3A_324, %broadcast_in_dim3A_94 : vector<16xi1>, vector<16xi32>
      %broadcast_in_dim3A_326 = vector.shape_cast %select_n3A_325 : vector<16xi32> to vector<16x1xi32>
      %gather3A_327 = vector.shape_cast %broadcast_in_dim3A_326 : vector<16x1xi32> to vector<16xi32>
      %gather3A_328 = tpu.dynamic_gather %mul3A_159[%gather3A_327] in [0] : vector<16xf32>, vector<16xi32> -> vector<16xf32>
      %lt3A_329 = arith.constant 0 : i32
      %lt3A_330 = vector.broadcast %lt3A_329 : i32 to vector<16xi32>
      %lt3A_331 = arith.cmpi slt, %broadcast_in_dim3A_94, %lt3A_330 : vector<16xi32>
      %add3A_332 = arith.constant 16 : i32
      %add3A_333 = vector.broadcast %add3A_332 : i32 to vector<16xi32>
      %add3A_334 = arith.addi %broadcast_in_dim3A_94, %add3A_333 : vector<16xi32>
      %select_n3A_335 = arith.select %lt3A_331, %add3A_334, %broadcast_in_dim3A_94 : vector<16xi1>, vector<16xi32>
      %broadcast_in_dim3A_336 = vector.shape_cast %select_n3A_335 : vector<16xi32> to vector<16x1xi32>
      %gather3A_337 = vector.shape_cast %broadcast_in_dim3A_336 : vector<16x1xi32> to vector<16xi32>
      %gather3A_338 = tpu.dynamic_gather %mul3A_165[%gather3A_337] in [0] : vector<16xf32>, vector<16xi32> -> vector<16xf32>
      %lt3A_339 = arith.constant 0 : i32
      %lt3A_340 = vector.broadcast %lt3A_339 : i32 to vector<16xi32>
      %lt3A_341 = arith.cmpi slt, %broadcast_in_dim3A_94, %lt3A_340 : vector<16xi32>
      %add3A_342 = arith.constant 16 : i32
      %add3A_343 = vector.broadcast %add3A_342 : i32 to vector<16xi32>
      %add3A_344 = arith.addi %broadcast_in_dim3A_94, %add3A_343 : vector<16xi32>
      %select_n3A_345 = arith.select %lt3A_341, %add3A_344, %broadcast_in_dim3A_94 : vector<16xi1>, vector<16xi32>
      %broadcast_in_dim3A_346 = vector.shape_cast %select_n3A_345 : vector<16xi32> to vector<16x1xi32>
      %gather3A_347 = vector.shape_cast %broadcast_in_dim3A_346 : vector<16x1xi32> to vector<16xi32>
      %gather3A_348 = tpu.dynamic_gather %mul3A_171[%gather3A_347] in [0] : vector<16xf32>, vector<16xi32> -> vector<16xf32>
      %lt3A_349 = arith.constant 0 : i32
      %lt3A_350 = vector.broadcast %lt3A_349 : i32 to vector<16xi32>
      %lt3A_351 = arith.cmpi slt, %broadcast_in_dim3A_96, %lt3A_350 : vector<16xi32>
      %add3A_352 = arith.constant 16 : i32
      %add3A_353 = vector.broadcast %add3A_352 : i32 to vector<16xi32>
      %add3A_354 = arith.addi %broadcast_in_dim3A_96, %add3A_353 : vector<16xi32>
      %select_n3A_355 = arith.select %lt3A_351, %add3A_354, %broadcast_in_dim3A_96 : vector<16xi1>, vector<16xi32>
      %broadcast_in_dim3A_356 = vector.shape_cast %select_n3A_355 : vector<16xi32> to vector<16x1xi32>
      %gather3A_357 = vector.shape_cast %broadcast_in_dim3A_356 : vector<16x1xi32> to vector<16xi32>
      %gather3A_358 = tpu.dynamic_gather %mul3A_159[%gather3A_357] in [0] : vector<16xf32>, vector<16xi32> -> vector<16xf32>
      %lt3A_359 = arith.constant 0 : i32
      %lt3A_360 = vector.broadcast %lt3A_359 : i32 to vector<16xi32>
      %lt3A_361 = arith.cmpi slt, %broadcast_in_dim3A_96, %lt3A_360 : vector<16xi32>
      %add3A_362 = arith.constant 16 : i32
      %add3A_363 = vector.broadcast %add3A_362 : i32 to vector<16xi32>
      %add3A_364 = arith.addi %broadcast_in_dim3A_96, %add3A_363 : vector<16xi32>
      %select_n3A_365 = arith.select %lt3A_361, %add3A_364, %broadcast_in_dim3A_96 : vector<16xi1>, vector<16xi32>
      %broadcast_in_dim3A_366 = vector.shape_cast %select_n3A_365 : vector<16xi32> to vector<16x1xi32>
      %gather3A_367 = vector.shape_cast %broadcast_in_dim3A_366 : vector<16x1xi32> to vector<16xi32>
      %gather3A_368 = tpu.dynamic_gather %mul3A_165[%gather3A_367] in [0] : vector<16xf32>, vector<16xi32> -> vector<16xf32>
      %lt3A_369 = arith.constant 0 : i32
      %lt3A_370 = vector.broadcast %lt3A_369 : i32 to vector<16xi32>
      %lt3A_371 = arith.cmpi slt, %broadcast_in_dim3A_96, %lt3A_370 : vector<16xi32>
      %add3A_372 = arith.constant 16 : i32
      %add3A_373 = vector.broadcast %add3A_372 : i32 to vector<16xi32>
      %add3A_374 = arith.addi %broadcast_in_dim3A_96, %add3A_373 : vector<16xi32>
      %select_n3A_375 = arith.select %lt3A_371, %add3A_374, %broadcast_in_dim3A_96 : vector<16xi1>, vector<16xi32>
      %broadcast_in_dim3A_376 = vector.shape_cast %select_n3A_375 : vector<16xi32> to vector<16x1xi32>
      %gather3A_377 = vector.shape_cast %broadcast_in_dim3A_376 : vector<16x1xi32> to vector<16xi32>
      %gather3A_378 = tpu.dynamic_gather %mul3A_171[%gather3A_377] in [0] : vector<16xf32>, vector<16xi32> -> vector<16xf32>
      %lt3A_379 = arith.constant 0 : i32
      %lt3A_380 = vector.broadcast %lt3A_379 : i32 to vector<16xi32>
      %lt3A_381 = arith.cmpi slt, %broadcast_in_dim3A_98, %lt3A_380 : vector<16xi32>
      %add3A_382 = arith.constant 16 : i32
      %add3A_383 = vector.broadcast %add3A_382 : i32 to vector<16xi32>
      %add3A_384 = arith.addi %broadcast_in_dim3A_98, %add3A_383 : vector<16xi32>
      %select_n3A_385 = arith.select %lt3A_381, %add3A_384, %broadcast_in_dim3A_98 : vector<16xi1>, vector<16xi32>
      %broadcast_in_dim3A_386 = vector.shape_cast %select_n3A_385 : vector<16xi32> to vector<16x1xi32>
      %gather3A_387 = vector.shape_cast %broadcast_in_dim3A_386 : vector<16x1xi32> to vector<16xi32>
      %gather3A_388 = tpu.dynamic_gather %mul3A_159[%gather3A_387] in [0] : vector<16xf32>, vector<16xi32> -> vector<16xf32>
      %lt3A_389 = arith.constant 0 : i32
      %lt3A_390 = vector.broadcast %lt3A_389 : i32 to vector<16xi32>
      %lt3A_391 = arith.cmpi slt, %broadcast_in_dim3A_98, %lt3A_390 : vector<16xi32>
      %add3A_392 = arith.constant 16 : i32
      %add3A_393 = vector.broadcast %add3A_392 : i32 to vector<16xi32>
      %add3A_394 = arith.addi %broadcast_in_dim3A_98, %add3A_393 : vector<16xi32>
      %select_n3A_395 = arith.select %lt3A_391, %add3A_394, %broadcast_in_dim3A_98 : vector<16xi1>, vector<16xi32>
      %broadcast_in_dim3A_396 = vector.shape_cast %select_n3A_395 : vector<16xi32> to vector<16x1xi32>
      %gather3A_397 = vector.shape_cast %broadcast_in_dim3A_396 : vector<16x1xi32> to vector<16xi32>
      %gather3A_398 = tpu.dynamic_gather %mul3A_165[%gather3A_397] in [0] : vector<16xf32>, vector<16xi32> -> vector<16xf32>
      %lt3A_399 = arith.constant 0 : i32
      %lt3A_400 = vector.broadcast %lt3A_399 : i32 to vector<16xi32>
      %lt3A_401 = arith.cmpi slt, %broadcast_in_dim3A_98, %lt3A_400 : vector<16xi32>
      %add3A_402 = arith.constant 16 : i32
      %add3A_403 = vector.broadcast %add3A_402 : i32 to vector<16xi32>
      %add3A_404 = arith.addi %broadcast_in_dim3A_98, %add3A_403 : vector<16xi32>
      %select_n3A_405 = arith.select %lt3A_401, %add3A_404, %broadcast_in_dim3A_98 : vector<16xi1>, vector<16xi32>
      %broadcast_in_dim3A_406 = vector.shape_cast %select_n3A_405 : vector<16xi32> to vector<16x1xi32>
      %gather3A_407 = vector.shape_cast %broadcast_in_dim3A_406 : vector<16x1xi32> to vector<16xi32>
      %gather3A_408 = tpu.dynamic_gather %mul3A_171[%gather3A_407] in [0] : vector<16xf32>, vector<16xi32> -> vector<16xf32>
      %parallel_loop3A = arith.constant 0 : i32
      %parallel_loop3A_409 = arith.constant 256 : i32
      %parallel_loop3A_410 = arith.constant 1 : i32
      %parallel_loop3A_411:8 = scf.for %parallel_loop3A_1434 = %parallel_loop3A to %parallel_loop3A_409 step %parallel_loop3A_410 iter_args(%parallel_loop3A_1435 = %broadcast_in_dim3A_141, %parallel_loop3A_1436 = %broadcast_in_dim3A_141, %parallel_loop3A_1437 = %broadcast_in_dim3A_141, %parallel_loop3A_1438 = %broadcast_in_dim3A_141, %parallel_loop3A_1439 = %broadcast_in_dim3A_141, %parallel_loop3A_1440 = %broadcast_in_dim3A_141, %parallel_loop3A_1441 = %broadcast_in_dim3A_141, %parallel_loop3A_1442 = %broadcast_in_dim3A_141) -> (vector<16xf32>, vector<16xf32>, vector<16xf32>, vector<16xf32>, vector<16xf32>, vector<16xf32>, vector<16xf32>, vector<16xf32>)  : i32 {
        %parallel_loop3A_1443 = arith.constant 16 : i32
        %parallel_loop3A_1444 = arith.muli %parallel_loop3A_1434, %parallel_loop3A_1443 : i32
        %parallel_loop3A_1445 = arith.index_cast %parallel_loop3A_1444 : i32 to index
        %parallel_loop3A_1446 = tpu.vector_load %arg8[%parallel_loop3A_1445] {strides = array<i32>} : memref<4096xf32, #tpu.memory_space<vmem>>, vector<16xf32>,
        %parallel_loop3A_1447 = vector.shape_cast %parallel_loop3A_1446 : vector<16xf32> to vector<16xf32>
        %parallel_loop3A_1448 = arith.index_cast %parallel_loop3A_1444 : i32 to index
        %parallel_loop3A_1449 = tpu.vector_load %arg9[%parallel_loop3A_1448] {strides = array<i32>} : memref<4096xf32, #tpu.memory_space<vmem>>, vector<16xf32>,
        %parallel_loop3A_1450 = vector.shape_cast %parallel_loop3A_1449 : vector<16xf32> to vector<16xf32>
        %parallel_loop3A_1451 = arith.index_cast %parallel_loop3A_1444 : i32 to index
        %parallel_loop3A_1452 = tpu.vector_load %arg10[%parallel_loop3A_1451] {strides = array<i32>} : memref<4096xf32, #tpu.memory_space<vmem>>, vector<16xf32>,
        %parallel_loop3A_1453 = vector.shape_cast %parallel_loop3A_1452 : vector<16xf32> to vector<16xf32>
        %parallel_loop3A_1454 = arith.index_cast %parallel_loop3A_1444 : i32 to index
        %parallel_loop3A_1455 = tpu.vector_load %arg11[%parallel_loop3A_1454] {strides = array<i32>} : memref<4096xf32, #tpu.memory_space<vmem>>, vector<16xf32>,
        %parallel_loop3A_1456 = vector.shape_cast %parallel_loop3A_1455 : vector<16xf32> to vector<16xf32>
        %parallel_loop3A_1457 = arith.mulf %parallel_loop3A_1447, %gather3A_178 : vector<16xf32>
        %parallel_loop3A_1458 = arith.subf %parallel_loop3A_1456, %parallel_loop3A_1457 : vector<16xf32>
        %parallel_loop3A_1459 = arith.mulf %parallel_loop3A_1450, %gather3A_188 : vector<16xf32>
        %parallel_loop3A_1460 = arith.subf %parallel_loop3A_1458, %parallel_loop3A_1459 : vector<16xf32>
        %parallel_loop3A_1461 = arith.mulf %parallel_loop3A_1453, %gather3A_198 : vector<16xf32>
        %parallel_loop3A_1462 = arith.subf %parallel_loop3A_1460, %parallel_loop3A_1461 : vector<16xf32>
        %parallel_loop3A_1463 = arith.minimumf %parallel_loop3A_1435, %parallel_loop3A_1462 : vector<16xf32>
        %parallel_loop3A_1464 = arith.mulf %parallel_loop3A_1447, %gather3A_208 : vector<16xf32>
        %parallel_loop3A_1465 = arith.subf %parallel_loop3A_1456, %parallel_loop3A_1464 : vector<16xf32>
        %parallel_loop3A_1466 = arith.mulf %parallel_loop3A_1450, %gather3A_218 : vector<16xf32>
        %parallel_loop3A_1467 = arith.subf %parallel_loop3A_1465, %parallel_loop3A_1466 : vector<16xf32>
        %parallel_loop3A_1468 = arith.mulf %parallel_loop3A_1453, %gather3A_228 : vector<16xf32>
        %parallel_loop3A_1469 = arith.subf %parallel_loop3A_1467, %parallel_loop3A_1468 : vector<16xf32>
        %parallel_loop3A_1470 = arith.minimumf %parallel_loop3A_1436, %parallel_loop3A_1469 : vector<16xf32>
        %parallel_loop3A_1471 = arith.mulf %parallel_loop3A_1447, %gather3A_238 : vector<16xf32>
        %parallel_loop3A_1472 = arith.subf %parallel_loop3A_1456, %parallel_loop3A_1471 : vector<16xf32>
        %parallel_loop3A_1473 = arith.mulf %parallel_loop3A_1450, %gather3A_248 : vector<16xf32>
        %parallel_loop3A_1474 = arith.subf %parallel_loop3A_1472, %parallel_loop3A_1473 : vector<16xf32>
        %parallel_loop3A_1475 = arith.mulf %parallel_loop3A_1453, %gather3A_258 : vector<16xf32>
        %parallel_loop3A_1476 = arith.subf %parallel_loop3A_1474, %parallel_loop3A_1475 : vector<16xf32>
        %parallel_loop3A_1477 = arith.minimumf %parallel_loop3A_1437, %parallel_loop3A_1476 : vector<16xf32>
        %parallel_loop3A_1478 = arith.mulf %parallel_loop3A_1447, %gather3A_268 : vector<16xf32>
        %parallel_loop3A_1479 = arith.subf %parallel_loop3A_1456, %parallel_loop3A_1478 : vector<16xf32>
        %parallel_loop3A_1480 = arith.mulf %parallel_loop3A_1450, %gather3A_278 : vector<16xf32>
        %parallel_loop3A_1481 = arith.subf %parallel_loop3A_1479, %parallel_loop3A_1480 : vector<16xf32>
        %parallel_loop3A_1482 = arith.mulf %parallel_loop3A_1453, %gather3A_288 : vector<16xf32>
        %parallel_loop3A_1483 = arith.subf %parallel_loop3A_1481, %parallel_loop3A_1482 : vector<16xf32>
        %parallel_loop3A_1484 = arith.minimumf %parallel_loop3A_1438, %parallel_loop3A_1483 : vector<16xf32>
        %parallel_loop3A_1485 = arith.mulf %parallel_loop3A_1447, %gather3A_298 : vector<16xf32>
        %parallel_loop3A_1486 = arith.subf %parallel_loop3A_1456, %parallel_loop3A_1485 : vector<16xf32>
        %parallel_loop3A_1487 = arith.mulf %parallel_loop3A_1450, %gather3A_308 : vector<16xf32>
        %parallel_loop3A_1488 = arith.subf %parallel_loop3A_1486, %parallel_loop3A_1487 : vector<16xf32>
        %parallel_loop3A_1489 = arith.mulf %parallel_loop3A_1453, %gather3A_318 : vector<16xf32>
        %parallel_loop3A_1490 = arith.subf %parallel_loop3A_1488, %parallel_loop3A_1489 : vector<16xf32>
        %parallel_loop3A_1491 = arith.minimumf %parallel_loop3A_1439, %parallel_loop3A_1490 : vector<16xf32>
        %parallel_loop3A_1492 = arith.mulf %parallel_loop3A_1447, %gather3A_328 : vector<16xf32>
        %parallel_loop3A_1493 = arith.subf %parallel_loop3A_1456, %parallel_loop3A_1492 : vector<16xf32>
        %parallel_loop3A_1494 = arith.mulf %parallel_loop3A_1450, %gather3A_338 : vector<16xf32>
        %parallel_loop3A_1495 = arith.subf %parallel_loop3A_1493, %parallel_loop3A_1494 : vector<16xf32>
        %parallel_loop3A_1496 = arith.mulf %parallel_loop3A_1453, %gather3A_348 : vector<16xf32>
        %parallel_loop3A_1497 = arith.subf %parallel_loop3A_1495, %parallel_loop3A_1496 : vector<16xf32>
        %parallel_loop3A_1498 = arith.minimumf %parallel_loop3A_1440, %parallel_loop3A_1497 : vector<16xf32>
        %parallel_loop3A_1499 = arith.mulf %parallel_loop3A_1447, %gather3A_358 : vector<16xf32>
        %parallel_loop3A_1500 = arith.subf %parallel_loop3A_1456, %parallel_loop3A_1499 : vector<16xf32>
        %parallel_loop3A_1501 = arith.mulf %parallel_loop3A_1450, %gather3A_368 : vector<16xf32>
        %parallel_loop3A_1502 = arith.subf %parallel_loop3A_1500, %parallel_loop3A_1501 : vector<16xf32>
        %parallel_loop3A_1503 = arith.mulf %parallel_loop3A_1453, %gather3A_378 : vector<16xf32>
        %parallel_loop3A_1504 = arith.subf %parallel_loop3A_1502, %parallel_loop3A_1503 : vector<16xf32>
        %parallel_loop3A_1505 = arith.minimumf %parallel_loop3A_1441, %parallel_loop3A_1504 : vector<16xf32>
        %parallel_loop3A_1506 = arith.mulf %parallel_loop3A_1447, %gather3A_388 : vector<16xf32>
        %parallel_loop3A_1507 = arith.subf %parallel_loop3A_1456, %parallel_loop3A_1506 : vector<16xf32>
        %parallel_loop3A_1508 = arith.mulf %parallel_loop3A_1450, %gather3A_398 : vector<16xf32>
        %parallel_loop3A_1509 = arith.subf %parallel_loop3A_1507, %parallel_loop3A_1508 : vector<16xf32>
        %parallel_loop3A_1510 = arith.mulf %parallel_loop3A_1453, %gather3A_408 : vector<16xf32>
        %parallel_loop3A_1511 = arith.subf %parallel_loop3A_1509, %parallel_loop3A_1510 : vector<16xf32>
        %parallel_loop3A_1512 = arith.minimumf %parallel_loop3A_1442, %parallel_loop3A_1511 : vector<16xf32>
        scf.yield %parallel_loop3A_1463, %parallel_loop3A_1470, %parallel_loop3A_1477, %parallel_loop3A_1484, %parallel_loop3A_1491, %parallel_loop3A_1498, %parallel_loop3A_1505, %parallel_loop3A_1512 : vector<16xf32>, vector<16xf32>, vector<16xf32>, vector<16xf32>, vector<16xf32>, vector<16xf32>, vector<16xf32>, vector<16xf32>
      } {sc.loop_unroll_factor = 2 : i64, sc.parallel_access}
      %lt3A_412 = arith.constant 0 : i32
      %lt3A_413 = vector.broadcast %lt3A_412 : i32 to vector<16xi32>
      %lt3A_414 = arith.cmpi slt, %and3A_121, %lt3A_413 : vector<16xi32>
      %add3A_415 = arith.constant 16 : i32
      %add3A_416 = vector.broadcast %add3A_415 : i32 to vector<16xi32>
      %add3A_417 = arith.addi %and3A_121, %add3A_416 : vector<16xi32>
      %select_n3A_418 = arith.select %lt3A_414, %add3A_417, %and3A_121 : vector<16xi1>, vector<16xi32>
      %broadcast_in_dim3A_419 = vector.shape_cast %select_n3A_418 : vector<16xi32> to vector<16x1xi32>
      %gather3A_420 = vector.shape_cast %broadcast_in_dim3A_419 : vector<16x1xi32> to vector<16xi32>
      %gather3A_421 = tpu.dynamic_gather %parallel_loop3A_411#0[%gather3A_420] in [0] : vector<16xf32>, vector<16xi32> -> vector<16xf32>
      %min3A = arith.minimumf %parallel_loop3A_411#0, %gather3A_421 : vector<16xf32>
      %lt3A_422 = arith.constant 0 : i32
      %lt3A_423 = vector.broadcast %lt3A_422 : i32 to vector<16xi32>
      %lt3A_424 = arith.cmpi slt, %and3A_127, %lt3A_423 : vector<16xi32>
      %add3A_425 = arith.constant 16 : i32
      %add3A_426 = vector.broadcast %add3A_425 : i32 to vector<16xi32>
      %add3A_427 = arith.addi %and3A_127, %add3A_426 : vector<16xi32>
      %select_n3A_428 = arith.select %lt3A_424, %add3A_427, %and3A_127 : vector<16xi1>, vector<16xi32>
      %broadcast_in_dim3A_429 = vector.shape_cast %select_n3A_428 : vector<16xi32> to vector<16x1xi32>
      %gather3A_430 = vector.shape_cast %broadcast_in_dim3A_429 : vector<16x1xi32> to vector<16xi32>
      %gather3A_431 = tpu.dynamic_gather %min3A[%gather3A_430] in [0] : vector<16xf32>, vector<16xi32> -> vector<16xf32>
      %min3A_432 = arith.minimumf %min3A, %gather3A_431 : vector<16xf32>
      %lt3A_433 = arith.constant 0 : i32
      %lt3A_434 = vector.broadcast %lt3A_433 : i32 to vector<16xi32>
      %lt3A_435 = arith.cmpi slt, %and3A_133, %lt3A_434 : vector<16xi32>
      %add3A_436 = arith.constant 16 : i32
      %add3A_437 = vector.broadcast %add3A_436 : i32 to vector<16xi32>
      %add3A_438 = arith.addi %and3A_133, %add3A_437 : vector<16xi32>
      %select_n3A_439 = arith.select %lt3A_435, %add3A_438, %and3A_133 : vector<16xi1>, vector<16xi32>
      %broadcast_in_dim3A_440 = vector.shape_cast %select_n3A_439 : vector<16xi32> to vector<16x1xi32>
      %gather3A_441 = vector.shape_cast %broadcast_in_dim3A_440 : vector<16x1xi32> to vector<16xi32>
      %gather3A_442 = tpu.dynamic_gather %min3A_432[%gather3A_441] in [0] : vector<16xf32>, vector<16xi32> -> vector<16xf32>
      %min3A_443 = arith.minimumf %min3A_432, %gather3A_442 : vector<16xf32>
      %lt3A_444 = arith.constant 0 : i32
      %lt3A_445 = vector.broadcast %lt3A_444 : i32 to vector<16xi32>
      %lt3A_446 = arith.cmpi slt, %and3A_139, %lt3A_445 : vector<16xi32>
      %add3A_447 = arith.constant 16 : i32
      %add3A_448 = vector.broadcast %add3A_447 : i32 to vector<16xi32>
      %add3A_449 = arith.addi %and3A_139, %add3A_448 : vector<16xi32>
      %select_n3A_450 = arith.select %lt3A_446, %add3A_449, %and3A_139 : vector<16xi1>, vector<16xi32>
      %broadcast_in_dim3A_451 = vector.shape_cast %select_n3A_450 : vector<16xi32> to vector<16x1xi32>
      %gather3A_452 = vector.shape_cast %broadcast_in_dim3A_451 : vector<16x1xi32> to vector<16xi32>
      %gather3A_453 = tpu.dynamic_gather %min3A_443[%gather3A_452] in [0] : vector<16xf32>, vector<16xi32> -> vector<16xf32>
      %min3A_454 = arith.minimumf %min3A_443, %gather3A_453 : vector<16xf32>
      %eq3A = arith.constant 0 : i32
      %eq3A_455 = vector.broadcast %eq3A : i32 to vector<16xi32>
      %eq3A_456 = arith.cmpi eq, %iota3A_115, %eq3A_455 : vector<16xi32>
      %select_n3A_457 = arith.select %eq3A_456, %min3A_454, %broadcast_in_dim3A_141 : vector<16xi1>, vector<16xf32>
      %lt3A_458 = arith.constant 0 : i32
      %lt3A_459 = vector.broadcast %lt3A_458 : i32 to vector<16xi32>
      %lt3A_460 = arith.cmpi slt, %and3A_121, %lt3A_459 : vector<16xi32>
      %add3A_461 = arith.constant 16 : i32
      %add3A_462 = vector.broadcast %add3A_461 : i32 to vector<16xi32>
      %add3A_463 = arith.addi %and3A_121, %add3A_462 : vector<16xi32>
      %select_n3A_464 = arith.select %lt3A_460, %add3A_463, %and3A_121 : vector<16xi1>, vector<16xi32>
      %broadcast_in_dim3A_465 = vector.shape_cast %select_n3A_464 : vector<16xi32> to vector<16x1xi32>
      %gather3A_466 = vector.shape_cast %broadcast_in_dim3A_465 : vector<16x1xi32> to vector<16xi32>
      %gather3A_467 = tpu.dynamic_gather %parallel_loop3A_411#1[%gather3A_466] in [0] : vector<16xf32>, vector<16xi32> -> vector<16xf32>
      %min3A_468 = arith.minimumf %parallel_loop3A_411#1, %gather3A_467 : vector<16xf32>
      %lt3A_469 = arith.constant 0 : i32
      %lt3A_470 = vector.broadcast %lt3A_469 : i32 to vector<16xi32>
      %lt3A_471 = arith.cmpi slt, %and3A_127, %lt3A_470 : vector<16xi32>
      %add3A_472 = arith.constant 16 : i32
      %add3A_473 = vector.broadcast %add3A_472 : i32 to vector<16xi32>
      %add3A_474 = arith.addi %and3A_127, %add3A_473 : vector<16xi32>
      %select_n3A_475 = arith.select %lt3A_471, %add3A_474, %and3A_127 : vector<16xi1>, vector<16xi32>
      %broadcast_in_dim3A_476 = vector.shape_cast %select_n3A_475 : vector<16xi32> to vector<16x1xi32>
      %gather3A_477 = vector.shape_cast %broadcast_in_dim3A_476 : vector<16x1xi32> to vector<16xi32>
      %gather3A_478 = tpu.dynamic_gather %min3A_468[%gather3A_477] in [0] : vector<16xf32>, vector<16xi32> -> vector<16xf32>
      %min3A_479 = arith.minimumf %min3A_468, %gather3A_478 : vector<16xf32>
      %lt3A_480 = arith.constant 0 : i32
      %lt3A_481 = vector.broadcast %lt3A_480 : i32 to vector<16xi32>
      %lt3A_482 = arith.cmpi slt, %and3A_133, %lt3A_481 : vector<16xi32>
      %add3A_483 = arith.constant 16 : i32
      %add3A_484 = vector.broadcast %add3A_483 : i32 to vector<16xi32>
      %add3A_485 = arith.addi %and3A_133, %add3A_484 : vector<16xi32>
      %select_n3A_486 = arith.select %lt3A_482, %add3A_485, %and3A_133 : vector<16xi1>, vector<16xi32>
      %broadcast_in_dim3A_487 = vector.shape_cast %select_n3A_486 : vector<16xi32> to vector<16x1xi32>
      %gather3A_488 = vector.shape_cast %broadcast_in_dim3A_487 : vector<16x1xi32> to vector<16xi32>
      %gather3A_489 = tpu.dynamic_gather %min3A_479[%gather3A_488] in [0] : vector<16xf32>, vector<16xi32> -> vector<16xf32>
      %min3A_490 = arith.minimumf %min3A_479, %gather3A_489 : vector<16xf32>
      %lt3A_491 = arith.constant 0 : i32
      %lt3A_492 = vector.broadcast %lt3A_491 : i32 to vector<16xi32>
      %lt3A_493 = arith.cmpi slt, %and3A_139, %lt3A_492 : vector<16xi32>
      %add3A_494 = arith.constant 16 : i32
      %add3A_495 = vector.broadcast %add3A_494 : i32 to vector<16xi32>
      %add3A_496 = arith.addi %and3A_139, %add3A_495 : vector<16xi32>
      %select_n3A_497 = arith.select %lt3A_493, %add3A_496, %and3A_139 : vector<16xi1>, vector<16xi32>
      %broadcast_in_dim3A_498 = vector.shape_cast %select_n3A_497 : vector<16xi32> to vector<16x1xi32>
      %gather3A_499 = vector.shape_cast %broadcast_in_dim3A_498 : vector<16x1xi32> to vector<16xi32>
      %gather3A_500 = tpu.dynamic_gather %min3A_490[%gather3A_499] in [0] : vector<16xf32>, vector<16xi32> -> vector<16xf32>
      %min3A_501 = arith.minimumf %min3A_490, %gather3A_500 : vector<16xf32>
      %eq3A_502 = arith.constant 1 : i32
      %eq3A_503 = vector.broadcast %eq3A_502 : i32 to vector<16xi32>
      %eq3A_504 = arith.cmpi eq, %iota3A_115, %eq3A_503 : vector<16xi32>
      %select_n3A_505 = arith.select %eq3A_504, %min3A_501, %select_n3A_457 : vector<16xi1>, vector<16xf32>
      %lt3A_506 = arith.constant 0 : i32
      %lt3A_507 = vector.broadcast %lt3A_506 : i32 to vector<16xi32>
      %lt3A_508 = arith.cmpi slt, %and3A_121, %lt3A_507 : vector<16xi32>
      %add3A_509 = arith.constant 16 : i32
      %add3A_510 = vector.broadcast %add3A_509 : i32 to vector<16xi32>
      %add3A_511 = arith.addi %and3A_121, %add3A_510 : vector<16xi32>
      %select_n3A_512 = arith.select %lt3A_508, %add3A_511, %and3A_121 : vector<16xi1>, vector<16xi32>
      %broadcast_in_dim3A_513 = vector.shape_cast %select_n3A_512 : vector<16xi32> to vector<16x1xi32>
      %gather3A_514 = vector.shape_cast %broadcast_in_dim3A_513 : vector<16x1xi32> to vector<16xi32>
      %gather3A_515 = tpu.dynamic_gather %parallel_loop3A_411#2[%gather3A_514] in [0] : vector<16xf32>, vector<16xi32> -> vector<16xf32>
      %min3A_516 = arith.minimumf %parallel_loop3A_411#2, %gather3A_515 : vector<16xf32>
      %lt3A_517 = arith.constant 0 : i32
      %lt3A_518 = vector.broadcast %lt3A_517 : i32 to vector<16xi32>
      %lt3A_519 = arith.cmpi slt, %and3A_127, %lt3A_518 : vector<16xi32>
      %add3A_520 = arith.constant 16 : i32
      %add3A_521 = vector.broadcast %add3A_520 : i32 to vector<16xi32>
      %add3A_522 = arith.addi %and3A_127, %add3A_521 : vector<16xi32>
      %select_n3A_523 = arith.select %lt3A_519, %add3A_522, %and3A_127 : vector<16xi1>, vector<16xi32>
      %broadcast_in_dim3A_524 = vector.shape_cast %select_n3A_523 : vector<16xi32> to vector<16x1xi32>
      %gather3A_525 = vector.shape_cast %broadcast_in_dim3A_524 : vector<16x1xi32> to vector<16xi32>
      %gather3A_526 = tpu.dynamic_gather %min3A_516[%gather3A_525] in [0] : vector<16xf32>, vector<16xi32> -> vector<16xf32>
      %min3A_527 = arith.minimumf %min3A_516, %gather3A_526 : vector<16xf32>
      %lt3A_528 = arith.constant 0 : i32
      %lt3A_529 = vector.broadcast %lt3A_528 : i32 to vector<16xi32>
      %lt3A_530 = arith.cmpi slt, %and3A_133, %lt3A_529 : vector<16xi32>
      %add3A_531 = arith.constant 16 : i32
      %add3A_532 = vector.broadcast %add3A_531 : i32 to vector<16xi32>
      %add3A_533 = arith.addi %and3A_133, %add3A_532 : vector<16xi32>
      %select_n3A_534 = arith.select %lt3A_530, %add3A_533, %and3A_133 : vector<16xi1>, vector<16xi32>
      %broadcast_in_dim3A_535 = vector.shape_cast %select_n3A_534 : vector<16xi32> to vector<16x1xi32>
      %gather3A_536 = vector.shape_cast %broadcast_in_dim3A_535 : vector<16x1xi32> to vector<16xi32>
      %gather3A_537 = tpu.dynamic_gather %min3A_527[%gather3A_536] in [0] : vector<16xf32>, vector<16xi32> -> vector<16xf32>
      %min3A_538 = arith.minimumf %min3A_527, %gather3A_537 : vector<16xf32>
      %lt3A_539 = arith.constant 0 : i32
      %lt3A_540 = vector.broadcast %lt3A_539 : i32 to vector<16xi32>
      %lt3A_541 = arith.cmpi slt, %and3A_139, %lt3A_540 : vector<16xi32>
      %add3A_542 = arith.constant 16 : i32
      %add3A_543 = vector.broadcast %add3A_542 : i32 to vector<16xi32>
      %add3A_544 = arith.addi %and3A_139, %add3A_543 : vector<16xi32>
      %select_n3A_545 = arith.select %lt3A_541, %add3A_544, %and3A_139 : vector<16xi1>, vector<16xi32>
      %broadcast_in_dim3A_546 = vector.shape_cast %select_n3A_545 : vector<16xi32> to vector<16x1xi32>
      %gather3A_547 = vector.shape_cast %broadcast_in_dim3A_546 : vector<16x1xi32> to vector<16xi32>
      %gather3A_548 = tpu.dynamic_gather %min3A_538[%gather3A_547] in [0] : vector<16xf32>, vector<16xi32> -> vector<16xf32>
      %min3A_549 = arith.minimumf %min3A_538, %gather3A_548 : vector<16xf32>
      %eq3A_550 = arith.constant 2 : i32
      %eq3A_551 = vector.broadcast %eq3A_550 : i32 to vector<16xi32>
      %eq3A_552 = arith.cmpi eq, %iota3A_115, %eq3A_551 : vector<16xi32>
      %select_n3A_553 = arith.select %eq3A_552, %min3A_549, %select_n3A_505 : vector<16xi1>, vector<16xf32>
      %lt3A_554 = arith.constant 0 : i32
      %lt3A_555 = vector.broadcast %lt3A_554 : i32 to vector<16xi32>
      %lt3A_556 = arith.cmpi slt, %and3A_121, %lt3A_555 : vector<16xi32>
      %add3A_557 = arith.constant 16 : i32
      %add3A_558 = vector.broadcast %add3A_557 : i32 to vector<16xi32>
      %add3A_559 = arith.addi %and3A_121, %add3A_558 : vector<16xi32>
      %select_n3A_560 = arith.select %lt3A_556, %add3A_559, %and3A_121 : vector<16xi1>, vector<16xi32>
      %broadcast_in_dim3A_561 = vector.shape_cast %select_n3A_560 : vector<16xi32> to vector<16x1xi32>
      %gather3A_562 = vector.shape_cast %broadcast_in_dim3A_561 : vector<16x1xi32> to vector<16xi32>
      %gather3A_563 = tpu.dynamic_gather %parallel_loop3A_411#3[%gather3A_562] in [0] : vector<16xf32>, vector<16xi32> -> vector<16xf32>
      %min3A_564 = arith.minimumf %parallel_loop3A_411#3, %gather3A_563 : vector<16xf32>
      %lt3A_565 = arith.constant 0 : i32
      %lt3A_566 = vector.broadcast %lt3A_565 : i32 to vector<16xi32>
      %lt3A_567 = arith.cmpi slt, %and3A_127, %lt3A_566 : vector<16xi32>
      %add3A_568 = arith.constant 16 : i32
      %add3A_569 = vector.broadcast %add3A_568 : i32 to vector<16xi32>
      %add3A_570 = arith.addi %and3A_127, %add3A_569 : vector<16xi32>
      %select_n3A_571 = arith.select %lt3A_567, %add3A_570, %and3A_127 : vector<16xi1>, vector<16xi32>
      %broadcast_in_dim3A_572 = vector.shape_cast %select_n3A_571 : vector<16xi32> to vector<16x1xi32>
      %gather3A_573 = vector.shape_cast %broadcast_in_dim3A_572 : vector<16x1xi32> to vector<16xi32>
      %gather3A_574 = tpu.dynamic_gather %min3A_564[%gather3A_573] in [0] : vector<16xf32>, vector<16xi32> -> vector<16xf32>
      %min3A_575 = arith.minimumf %min3A_564, %gather3A_574 : vector<16xf32>
      %lt3A_576 = arith.constant 0 : i32
      %lt3A_577 = vector.broadcast %lt3A_576 : i32 to vector<16xi32>
      %lt3A_578 = arith.cmpi slt, %and3A_133, %lt3A_577 : vector<16xi32>
      %add3A_579 = arith.constant 16 : i32
      %add3A_580 = vector.broadcast %add3A_579 : i32 to vector<16xi32>
      %add3A_581 = arith.addi %and3A_133, %add3A_580 : vector<16xi32>
      %select_n3A_582 = arith.select %lt3A_578, %add3A_581, %and3A_133 : vector<16xi1>, vector<16xi32>
      %broadcast_in_dim3A_583 = vector.shape_cast %select_n3A_582 : vector<16xi32> to vector<16x1xi32>
      %gather3A_584 = vector.shape_cast %broadcast_in_dim3A_583 : vector<16x1xi32> to vector<16xi32>
      %gather3A_585 = tpu.dynamic_gather %min3A_575[%gather3A_584] in [0] : vector<16xf32>, vector<16xi32> -> vector<16xf32>
      %min3A_586 = arith.minimumf %min3A_575, %gather3A_585 : vector<16xf32>
      %lt3A_587 = arith.constant 0 : i32
      %lt3A_588 = vector.broadcast %lt3A_587 : i32 to vector<16xi32>
      %lt3A_589 = arith.cmpi slt, %and3A_139, %lt3A_588 : vector<16xi32>
      %add3A_590 = arith.constant 16 : i32
      %add3A_591 = vector.broadcast %add3A_590 : i32 to vector<16xi32>
      %add3A_592 = arith.addi %and3A_139, %add3A_591 : vector<16xi32>
      %select_n3A_593 = arith.select %lt3A_589, %add3A_592, %and3A_139 : vector<16xi1>, vector<16xi32>
      %broadcast_in_dim3A_594 = vector.shape_cast %select_n3A_593 : vector<16xi32> to vector<16x1xi32>
      %gather3A_595 = vector.shape_cast %broadcast_in_dim3A_594 : vector<16x1xi32> to vector<16xi32>
      %gather3A_596 = tpu.dynamic_gather %min3A_586[%gather3A_595] in [0] : vector<16xf32>, vector<16xi32> -> vector<16xf32>
      %min3A_597 = arith.minimumf %min3A_586, %gather3A_596 : vector<16xf32>
      %eq3A_598 = arith.constant 3 : i32
      %eq3A_599 = vector.broadcast %eq3A_598 : i32 to vector<16xi32>
      %eq3A_600 = arith.cmpi eq, %iota3A_115, %eq3A_599 : vector<16xi32>
      %select_n3A_601 = arith.select %eq3A_600, %min3A_597, %select_n3A_553 : vector<16xi1>, vector<16xf32>
      %lt3A_602 = arith.constant 0 : i32
      %lt3A_603 = vector.broadcast %lt3A_602 : i32 to vector<16xi32>
      %lt3A_604 = arith.cmpi slt, %and3A_121, %lt3A_603 : vector<16xi32>
      %add3A_605 = arith.constant 16 : i32
      %add3A_606 = vector.broadcast %add3A_605 : i32 to vector<16xi32>
      %add3A_607 = arith.addi %and3A_121, %add3A_606 : vector<16xi32>
      %select_n3A_608 = arith.select %lt3A_604, %add3A_607, %and3A_121 : vector<16xi1>, vector<16xi32>
      %broadcast_in_dim3A_609 = vector.shape_cast %select_n3A_608 : vector<16xi32> to vector<16x1xi32>
      %gather3A_610 = vector.shape_cast %broadcast_in_dim3A_609 : vector<16x1xi32> to vector<16xi32>
      %gather3A_611 = tpu.dynamic_gather %parallel_loop3A_411#4[%gather3A_610] in [0] : vector<16xf32>, vector<16xi32> -> vector<16xf32>
      %min3A_612 = arith.minimumf %parallel_loop3A_411#4, %gather3A_611 : vector<16xf32>
      %lt3A_613 = arith.constant 0 : i32
      %lt3A_614 = vector.broadcast %lt3A_613 : i32 to vector<16xi32>
      %lt3A_615 = arith.cmpi slt, %and3A_127, %lt3A_614 : vector<16xi32>
      %add3A_616 = arith.constant 16 : i32
      %add3A_617 = vector.broadcast %add3A_616 : i32 to vector<16xi32>
      %add3A_618 = arith.addi %and3A_127, %add3A_617 : vector<16xi32>
      %select_n3A_619 = arith.select %lt3A_615, %add3A_618, %and3A_127 : vector<16xi1>, vector<16xi32>
      %broadcast_in_dim3A_620 = vector.shape_cast %select_n3A_619 : vector<16xi32> to vector<16x1xi32>
      %gather3A_621 = vector.shape_cast %broadcast_in_dim3A_620 : vector<16x1xi32> to vector<16xi32>
      %gather3A_622 = tpu.dynamic_gather %min3A_612[%gather3A_621] in [0] : vector<16xf32>, vector<16xi32> -> vector<16xf32>
      %min3A_623 = arith.minimumf %min3A_612, %gather3A_622 : vector<16xf32>
      %lt3A_624 = arith.constant 0 : i32
      %lt3A_625 = vector.broadcast %lt3A_624 : i32 to vector<16xi32>
      %lt3A_626 = arith.cmpi slt, %and3A_133, %lt3A_625 : vector<16xi32>
      %add3A_627 = arith.constant 16 : i32
      %add3A_628 = vector.broadcast %add3A_627 : i32 to vector<16xi32>
      %add3A_629 = arith.addi %and3A_133, %add3A_628 : vector<16xi32>
      %select_n3A_630 = arith.select %lt3A_626, %add3A_629, %and3A_133 : vector<16xi1>, vector<16xi32>
      %broadcast_in_dim3A_631 = vector.shape_cast %select_n3A_630 : vector<16xi32> to vector<16x1xi32>
      %gather3A_632 = vector.shape_cast %broadcast_in_dim3A_631 : vector<16x1xi32> to vector<16xi32>
      %gather3A_633 = tpu.dynamic_gather %min3A_623[%gather3A_632] in [0] : vector<16xf32>, vector<16xi32> -> vector<16xf32>
      %min3A_634 = arith.minimumf %min3A_623, %gather3A_633 : vector<16xf32>
      %lt3A_635 = arith.constant 0 : i32
      %lt3A_636 = vector.broadcast %lt3A_635 : i32 to vector<16xi32>
      %lt3A_637 = arith.cmpi slt, %and3A_139, %lt3A_636 : vector<16xi32>
      %add3A_638 = arith.constant 16 : i32
      %add3A_639 = vector.broadcast %add3A_638 : i32 to vector<16xi32>
      %add3A_640 = arith.addi %and3A_139, %add3A_639 : vector<16xi32>
      %select_n3A_641 = arith.select %lt3A_637, %add3A_640, %and3A_139 : vector<16xi1>, vector<16xi32>
      %broadcast_in_dim3A_642 = vector.shape_cast %select_n3A_641 : vector<16xi32> to vector<16x1xi32>
      %gather3A_643 = vector.shape_cast %broadcast_in_dim3A_642 : vector<16x1xi32> to vector<16xi32>
      %gather3A_644 = tpu.dynamic_gather %min3A_634[%gather3A_643] in [0] : vector<16xf32>, vector<16xi32> -> vector<16xf32>
      %min3A_645 = arith.minimumf %min3A_634, %gather3A_644 : vector<16xf32>
      %eq3A_646 = arith.constant 4 : i32
      %eq3A_647 = vector.broadcast %eq3A_646 : i32 to vector<16xi32>
      %eq3A_648 = arith.cmpi eq, %iota3A_115, %eq3A_647 : vector<16xi32>
      %select_n3A_649 = arith.select %eq3A_648, %min3A_645, %select_n3A_601 : vector<16xi1>, vector<16xf32>
      %lt3A_650 = arith.constant 0 : i32
      %lt3A_651 = vector.broadcast %lt3A_650 : i32 to vector<16xi32>
      %lt3A_652 = arith.cmpi slt, %and3A_121, %lt3A_651 : vector<16xi32>
      %add3A_653 = arith.constant 16 : i32
      %add3A_654 = vector.broadcast %add3A_653 : i32 to vector<16xi32>
      %add3A_655 = arith.addi %and3A_121, %add3A_654 : vector<16xi32>
      %select_n3A_656 = arith.select %lt3A_652, %add3A_655, %and3A_121 : vector<16xi1>, vector<16xi32>
      %broadcast_in_dim3A_657 = vector.shape_cast %select_n3A_656 : vector<16xi32> to vector<16x1xi32>
      %gather3A_658 = vector.shape_cast %broadcast_in_dim3A_657 : vector<16x1xi32> to vector<16xi32>
      %gather3A_659 = tpu.dynamic_gather %parallel_loop3A_411#5[%gather3A_658] in [0] : vector<16xf32>, vector<16xi32> -> vector<16xf32>
      %min3A_660 = arith.minimumf %parallel_loop3A_411#5, %gather3A_659 : vector<16xf32>
      %lt3A_661 = arith.constant 0 : i32
      %lt3A_662 = vector.broadcast %lt3A_661 : i32 to vector<16xi32>
      %lt3A_663 = arith.cmpi slt, %and3A_127, %lt3A_662 : vector<16xi32>
      %add3A_664 = arith.constant 16 : i32
      %add3A_665 = vector.broadcast %add3A_664 : i32 to vector<16xi32>
      %add3A_666 = arith.addi %and3A_127, %add3A_665 : vector<16xi32>
      %select_n3A_667 = arith.select %lt3A_663, %add3A_666, %and3A_127 : vector<16xi1>, vector<16xi32>
      %broadcast_in_dim3A_668 = vector.shape_cast %select_n3A_667 : vector<16xi32> to vector<16x1xi32>
      %gather3A_669 = vector.shape_cast %broadcast_in_dim3A_668 : vector<16x1xi32> to vector<16xi32>
      %gather3A_670 = tpu.dynamic_gather %min3A_660[%gather3A_669] in [0] : vector<16xf32>, vector<16xi32> -> vector<16xf32>
      %min3A_671 = arith.minimumf %min3A_660, %gather3A_670 : vector<16xf32>
      %lt3A_672 = arith.constant 0 : i32
      %lt3A_673 = vector.broadcast %lt3A_672 : i32 to vector<16xi32>
      %lt3A_674 = arith.cmpi slt, %and3A_133, %lt3A_673 : vector<16xi32>
      %add3A_675 = arith.constant 16 : i32
      %add3A_676 = vector.broadcast %add3A_675 : i32 to vector<16xi32>
      %add3A_677 = arith.addi %and3A_133, %add3A_676 : vector<16xi32>
      %select_n3A_678 = arith.select %lt3A_674, %add3A_677, %and3A_133 : vector<16xi1>, vector<16xi32>
      %broadcast_in_dim3A_679 = vector.shape_cast %select_n3A_678 : vector<16xi32> to vector<16x1xi32>
      %gather3A_680 = vector.shape_cast %broadcast_in_dim3A_679 : vector<16x1xi32> to vector<16xi32>
      %gather3A_681 = tpu.dynamic_gather %min3A_671[%gather3A_680] in [0] : vector<16xf32>, vector<16xi32> -> vector<16xf32>
      %min3A_682 = arith.minimumf %min3A_671, %gather3A_681 : vector<16xf32>
      %lt3A_683 = arith.constant 0 : i32
      %lt3A_684 = vector.broadcast %lt3A_683 : i32 to vector<16xi32>
      %lt3A_685 = arith.cmpi slt, %and3A_139, %lt3A_684 : vector<16xi32>
      %add3A_686 = arith.constant 16 : i32
      %add3A_687 = vector.broadcast %add3A_686 : i32 to vector<16xi32>
      %add3A_688 = arith.addi %and3A_139, %add3A_687 : vector<16xi32>
      %select_n3A_689 = arith.select %lt3A_685, %add3A_688, %and3A_139 : vector<16xi1>, vector<16xi32>
      %broadcast_in_dim3A_690 = vector.shape_cast %select_n3A_689 : vector<16xi32> to vector<16x1xi32>
      %gather3A_691 = vector.shape_cast %broadcast_in_dim3A_690 : vector<16x1xi32> to vector<16xi32>
      %gather3A_692 = tpu.dynamic_gather %min3A_682[%gather3A_691] in [0] : vector<16xf32>, vector<16xi32> -> vector<16xf32>
      %min3A_693 = arith.minimumf %min3A_682, %gather3A_692 : vector<16xf32>
      %eq3A_694 = arith.constant 5 : i32
      %eq3A_695 = vector.broadcast %eq3A_694 : i32 to vector<16xi32>
      %eq3A_696 = arith.cmpi eq, %iota3A_115, %eq3A_695 : vector<16xi32>
      %select_n3A_697 = arith.select %eq3A_696, %min3A_693, %select_n3A_649 : vector<16xi1>, vector<16xf32>
      %lt3A_698 = arith.constant 0 : i32
      %lt3A_699 = vector.broadcast %lt3A_698 : i32 to vector<16xi32>
      %lt3A_700 = arith.cmpi slt, %and3A_121, %lt3A_699 : vector<16xi32>
      %add3A_701 = arith.constant 16 : i32
      %add3A_702 = vector.broadcast %add3A_701 : i32 to vector<16xi32>
      %add3A_703 = arith.addi %and3A_121, %add3A_702 : vector<16xi32>
      %select_n3A_704 = arith.select %lt3A_700, %add3A_703, %and3A_121 : vector<16xi1>, vector<16xi32>
      %broadcast_in_dim3A_705 = vector.shape_cast %select_n3A_704 : vector<16xi32> to vector<16x1xi32>
      %gather3A_706 = vector.shape_cast %broadcast_in_dim3A_705 : vector<16x1xi32> to vector<16xi32>
      %gather3A_707 = tpu.dynamic_gather %parallel_loop3A_411#6[%gather3A_706] in [0] : vector<16xf32>, vector<16xi32> -> vector<16xf32>
      %min3A_708 = arith.minimumf %parallel_loop3A_411#6, %gather3A_707 : vector<16xf32>
      %lt3A_709 = arith.constant 0 : i32
      %lt3A_710 = vector.broadcast %lt3A_709 : i32 to vector<16xi32>
      %lt3A_711 = arith.cmpi slt, %and3A_127, %lt3A_710 : vector<16xi32>
      %add3A_712 = arith.constant 16 : i32
      %add3A_713 = vector.broadcast %add3A_712 : i32 to vector<16xi32>
      %add3A_714 = arith.addi %and3A_127, %add3A_713 : vector<16xi32>
      %select_n3A_715 = arith.select %lt3A_711, %add3A_714, %and3A_127 : vector<16xi1>, vector<16xi32>
      %broadcast_in_dim3A_716 = vector.shape_cast %select_n3A_715 : vector<16xi32> to vector<16x1xi32>
      %gather3A_717 = vector.shape_cast %broadcast_in_dim3A_716 : vector<16x1xi32> to vector<16xi32>
      %gather3A_718 = tpu.dynamic_gather %min3A_708[%gather3A_717] in [0] : vector<16xf32>, vector<16xi32> -> vector<16xf32>
      %min3A_719 = arith.minimumf %min3A_708, %gather3A_718 : vector<16xf32>
      %lt3A_720 = arith.constant 0 : i32
      %lt3A_721 = vector.broadcast %lt3A_720 : i32 to vector<16xi32>
      %lt3A_722 = arith.cmpi slt, %and3A_133, %lt3A_721 : vector<16xi32>
      %add3A_723 = arith.constant 16 : i32
      %add3A_724 = vector.broadcast %add3A_723 : i32 to vector<16xi32>
      %add3A_725 = arith.addi %and3A_133, %add3A_724 : vector<16xi32>
      %select_n3A_726 = arith.select %lt3A_722, %add3A_725, %and3A_133 : vector<16xi1>, vector<16xi32>
      %broadcast_in_dim3A_727 = vector.shape_cast %select_n3A_726 : vector<16xi32> to vector<16x1xi32>
      %gather3A_728 = vector.shape_cast %broadcast_in_dim3A_727 : vector<16x1xi32> to vector<16xi32>
      %gather3A_729 = tpu.dynamic_gather %min3A_719[%gather3A_728] in [0] : vector<16xf32>, vector<16xi32> -> vector<16xf32>
      %min3A_730 = arith.minimumf %min3A_719, %gather3A_729 : vector<16xf32>
      %lt3A_731 = arith.constant 0 : i32
      %lt3A_732 = vector.broadcast %lt3A_731 : i32 to vector<16xi32>
      %lt3A_733 = arith.cmpi slt, %and3A_139, %lt3A_732 : vector<16xi32>
      %add3A_734 = arith.constant 16 : i32
      %add3A_735 = vector.broadcast %add3A_734 : i32 to vector<16xi32>
      %add3A_736 = arith.addi %and3A_139, %add3A_735 : vector<16xi32>
      %select_n3A_737 = arith.select %lt3A_733, %add3A_736, %and3A_139 : vector<16xi1>, vector<16xi32>
      %broadcast_in_dim3A_738 = vector.shape_cast %select_n3A_737 : vector<16xi32> to vector<16x1xi32>
      %gather3A_739 = vector.shape_cast %broadcast_in_dim3A_738 : vector<16x1xi32> to vector<16xi32>
      %gather3A_740 = tpu.dynamic_gather %min3A_730[%gather3A_739] in [0] : vector<16xf32>, vector<16xi32> -> vector<16xf32>
      %min3A_741 = arith.minimumf %min3A_730, %gather3A_740 : vector<16xf32>
      %eq3A_742 = arith.constant 6 : i32
      %eq3A_743 = vector.broadcast %eq3A_742 : i32 to vector<16xi32>
      %eq3A_744 = arith.cmpi eq, %iota3A_115, %eq3A_743 : vector<16xi32>
      %select_n3A_745 = arith.select %eq3A_744, %min3A_741, %select_n3A_697 : vector<16xi1>, vector<16xf32>
      %lt3A_746 = arith.constant 0 : i32
      %lt3A_747 = vector.broadcast %lt3A_746 : i32 to vector<16xi32>
      %lt3A_748 = arith.cmpi slt, %and3A_121, %lt3A_747 : vector<16xi32>
      %add3A_749 = arith.constant 16 : i32
      %add3A_750 = vector.broadcast %add3A_749 : i32 to vector<16xi32>
      %add3A_751 = arith.addi %and3A_121, %add3A_750 : vector<16xi32>
      %select_n3A_752 = arith.select %lt3A_748, %add3A_751, %and3A_121 : vector<16xi1>, vector<16xi32>
      %broadcast_in_dim3A_753 = vector.shape_cast %select_n3A_752 : vector<16xi32> to vector<16x1xi32>
      %gather3A_754 = vector.shape_cast %broadcast_in_dim3A_753 : vector<16x1xi32> to vector<16xi32>
      %gather3A_755 = tpu.dynamic_gather %parallel_loop3A_411#7[%gather3A_754] in [0] : vector<16xf32>, vector<16xi32> -> vector<16xf32>
      %min3A_756 = arith.minimumf %parallel_loop3A_411#7, %gather3A_755 : vector<16xf32>
      %lt3A_757 = arith.constant 0 : i32
      %lt3A_758 = vector.broadcast %lt3A_757 : i32 to vector<16xi32>
      %lt3A_759 = arith.cmpi slt, %and3A_127, %lt3A_758 : vector<16xi32>
      %add3A_760 = arith.constant 16 : i32
      %add3A_761 = vector.broadcast %add3A_760 : i32 to vector<16xi32>
      %add3A_762 = arith.addi %and3A_127, %add3A_761 : vector<16xi32>
      %select_n3A_763 = arith.select %lt3A_759, %add3A_762, %and3A_127 : vector<16xi1>, vector<16xi32>
      %broadcast_in_dim3A_764 = vector.shape_cast %select_n3A_763 : vector<16xi32> to vector<16x1xi32>
      %gather3A_765 = vector.shape_cast %broadcast_in_dim3A_764 : vector<16x1xi32> to vector<16xi32>
      %gather3A_766 = tpu.dynamic_gather %min3A_756[%gather3A_765] in [0] : vector<16xf32>, vector<16xi32> -> vector<16xf32>
      %min3A_767 = arith.minimumf %min3A_756, %gather3A_766 : vector<16xf32>
      %lt3A_768 = arith.constant 0 : i32
      %lt3A_769 = vector.broadcast %lt3A_768 : i32 to vector<16xi32>
      %lt3A_770 = arith.cmpi slt, %and3A_133, %lt3A_769 : vector<16xi32>
      %add3A_771 = arith.constant 16 : i32
      %add3A_772 = vector.broadcast %add3A_771 : i32 to vector<16xi32>
      %add3A_773 = arith.addi %and3A_133, %add3A_772 : vector<16xi32>
      %select_n3A_774 = arith.select %lt3A_770, %add3A_773, %and3A_133 : vector<16xi1>, vector<16xi32>
      %broadcast_in_dim3A_775 = vector.shape_cast %select_n3A_774 : vector<16xi32> to vector<16x1xi32>
      %gather3A_776 = vector.shape_cast %broadcast_in_dim3A_775 : vector<16x1xi32> to vector<16xi32>
      %gather3A_777 = tpu.dynamic_gather %min3A_767[%gather3A_776] in [0] : vector<16xf32>, vector<16xi32> -> vector<16xf32>
      %min3A_778 = arith.minimumf %min3A_767, %gather3A_777 : vector<16xf32>
      %lt3A_779 = arith.constant 0 : i32
      %lt3A_780 = vector.broadcast %lt3A_779 : i32 to vector<16xi32>
      %lt3A_781 = arith.cmpi slt, %and3A_139, %lt3A_780 : vector<16xi32>
      %add3A_782 = arith.constant 16 : i32
      %add3A_783 = vector.broadcast %add3A_782 : i32 to vector<16xi32>
      %add3A_784 = arith.addi %and3A_139, %add3A_783 : vector<16xi32>
      %select_n3A_785 = arith.select %lt3A_781, %add3A_784, %and3A_139 : vector<16xi1>, vector<16xi32>
      %broadcast_in_dim3A_786 = vector.shape_cast %select_n3A_785 : vector<16xi32> to vector<16x1xi32>
      %gather3A_787 = vector.shape_cast %broadcast_in_dim3A_786 : vector<16x1xi32> to vector<16xi32>
      %gather3A_788 = tpu.dynamic_gather %min3A_778[%gather3A_787] in [0] : vector<16xf32>, vector<16xi32> -> vector<16xf32>
      %min3A_789 = arith.minimumf %min3A_778, %gather3A_788 : vector<16xf32>
      %eq3A_790 = arith.constant 7 : i32
      %eq3A_791 = vector.broadcast %eq3A_790 : i32 to vector<16xi32>
      %eq3A_792 = arith.cmpi eq, %iota3A_115, %eq3A_791 : vector<16xi32>
      %select_n3A_793 = arith.select %eq3A_792, %min3A_789, %select_n3A_745 : vector<16xi1>, vector<16xf32>
      %lt3A_794 = arith.constant 0 : i32
      %lt3A_795 = vector.broadcast %lt3A_794 : i32 to vector<16xi32>
      %lt3A_796 = arith.cmpi slt, %broadcast_in_dim3A_100, %lt3A_795 : vector<16xi32>
      %add3A_797 = arith.constant 16 : i32
      %add3A_798 = vector.broadcast %add3A_797 : i32 to vector<16xi32>
      %add3A_799 = arith.addi %broadcast_in_dim3A_100, %add3A_798 : vector<16xi32>
      %select_n3A_800 = arith.select %lt3A_796, %add3A_799, %broadcast_in_dim3A_100 : vector<16xi1>, vector<16xi32>
      %broadcast_in_dim3A_801 = vector.shape_cast %select_n3A_800 : vector<16xi32> to vector<16x1xi32>
      %gather3A_802 = vector.shape_cast %broadcast_in_dim3A_801 : vector<16x1xi32> to vector<16xi32>
      %gather3A_803 = tpu.dynamic_gather %mul3A_159[%gather3A_802] in [0] : vector<16xf32>, vector<16xi32> -> vector<16xf32>
      %lt3A_804 = arith.constant 0 : i32
      %lt3A_805 = vector.broadcast %lt3A_804 : i32 to vector<16xi32>
      %lt3A_806 = arith.cmpi slt, %broadcast_in_dim3A_100, %lt3A_805 : vector<16xi32>
      %add3A_807 = arith.constant 16 : i32
      %add3A_808 = vector.broadcast %add3A_807 : i32 to vector<16xi32>
      %add3A_809 = arith.addi %broadcast_in_dim3A_100, %add3A_808 : vector<16xi32>
      %select_n3A_810 = arith.select %lt3A_806, %add3A_809, %broadcast_in_dim3A_100 : vector<16xi1>, vector<16xi32>
      %broadcast_in_dim3A_811 = vector.shape_cast %select_n3A_810 : vector<16xi32> to vector<16x1xi32>
      %gather3A_812 = vector.shape_cast %broadcast_in_dim3A_811 : vector<16x1xi32> to vector<16xi32>
      %gather3A_813 = tpu.dynamic_gather %mul3A_165[%gather3A_812] in [0] : vector<16xf32>, vector<16xi32> -> vector<16xf32>
      %lt3A_814 = arith.constant 0 : i32
      %lt3A_815 = vector.broadcast %lt3A_814 : i32 to vector<16xi32>
      %lt3A_816 = arith.cmpi slt, %broadcast_in_dim3A_100, %lt3A_815 : vector<16xi32>
      %add3A_817 = arith.constant 16 : i32
      %add3A_818 = vector.broadcast %add3A_817 : i32 to vector<16xi32>
      %add3A_819 = arith.addi %broadcast_in_dim3A_100, %add3A_818 : vector<16xi32>
      %select_n3A_820 = arith.select %lt3A_816, %add3A_819, %broadcast_in_dim3A_100 : vector<16xi1>, vector<16xi32>
      %broadcast_in_dim3A_821 = vector.shape_cast %select_n3A_820 : vector<16xi32> to vector<16x1xi32>
      %gather3A_822 = vector.shape_cast %broadcast_in_dim3A_821 : vector<16x1xi32> to vector<16xi32>
      %gather3A_823 = tpu.dynamic_gather %mul3A_171[%gather3A_822] in [0] : vector<16xf32>, vector<16xi32> -> vector<16xf32>
      %lt3A_824 = arith.constant 0 : i32
      %lt3A_825 = vector.broadcast %lt3A_824 : i32 to vector<16xi32>
      %lt3A_826 = arith.cmpi slt, %broadcast_in_dim3A_102, %lt3A_825 : vector<16xi32>
      %add3A_827 = arith.constant 16 : i32
      %add3A_828 = vector.broadcast %add3A_827 : i32 to vector<16xi32>
      %add3A_829 = arith.addi %broadcast_in_dim3A_102, %add3A_828 : vector<16xi32>
      %select_n3A_830 = arith.select %lt3A_826, %add3A_829, %broadcast_in_dim3A_102 : vector<16xi1>, vector<16xi32>
      %broadcast_in_dim3A_831 = vector.shape_cast %select_n3A_830 : vector<16xi32> to vector<16x1xi32>
      %gather3A_832 = vector.shape_cast %broadcast_in_dim3A_831 : vector<16x1xi32> to vector<16xi32>
      %gather3A_833 = tpu.dynamic_gather %mul3A_159[%gather3A_832] in [0] : vector<16xf32>, vector<16xi32> -> vector<16xf32>
      %lt3A_834 = arith.constant 0 : i32
      %lt3A_835 = vector.broadcast %lt3A_834 : i32 to vector<16xi32>
      %lt3A_836 = arith.cmpi slt, %broadcast_in_dim3A_102, %lt3A_835 : vector<16xi32>
      %add3A_837 = arith.constant 16 : i32
      %add3A_838 = vector.broadcast %add3A_837 : i32 to vector<16xi32>
      %add3A_839 = arith.addi %broadcast_in_dim3A_102, %add3A_838 : vector<16xi32>
      %select_n3A_840 = arith.select %lt3A_836, %add3A_839, %broadcast_in_dim3A_102 : vector<16xi1>, vector<16xi32>
      %broadcast_in_dim3A_841 = vector.shape_cast %select_n3A_840 : vector<16xi32> to vector<16x1xi32>
      %gather3A_842 = vector.shape_cast %broadcast_in_dim3A_841 : vector<16x1xi32> to vector<16xi32>
      %gather3A_843 = tpu.dynamic_gather %mul3A_165[%gather3A_842] in [0] : vector<16xf32>, vector<16xi32> -> vector<16xf32>
      %lt3A_844 = arith.constant 0 : i32
      %lt3A_845 = vector.broadcast %lt3A_844 : i32 to vector<16xi32>
      %lt3A_846 = arith.cmpi slt, %broadcast_in_dim3A_102, %lt3A_845 : vector<16xi32>
      %add3A_847 = arith.constant 16 : i32
      %add3A_848 = vector.broadcast %add3A_847 : i32 to vector<16xi32>
      %add3A_849 = arith.addi %broadcast_in_dim3A_102, %add3A_848 : vector<16xi32>
      %select_n3A_850 = arith.select %lt3A_846, %add3A_849, %broadcast_in_dim3A_102 : vector<16xi1>, vector<16xi32>
      %broadcast_in_dim3A_851 = vector.shape_cast %select_n3A_850 : vector<16xi32> to vector<16x1xi32>
      %gather3A_852 = vector.shape_cast %broadcast_in_dim3A_851 : vector<16x1xi32> to vector<16xi32>
      %gather3A_853 = tpu.dynamic_gather %mul3A_171[%gather3A_852] in [0] : vector<16xf32>, vector<16xi32> -> vector<16xf32>
      %lt3A_854 = arith.constant 0 : i32
      %lt3A_855 = vector.broadcast %lt3A_854 : i32 to vector<16xi32>
      %lt3A_856 = arith.cmpi slt, %broadcast_in_dim3A_104, %lt3A_855 : vector<16xi32>
      %add3A_857 = arith.constant 16 : i32
      %add3A_858 = vector.broadcast %add3A_857 : i32 to vector<16xi32>
      %add3A_859 = arith.addi %broadcast_in_dim3A_104, %add3A_858 : vector<16xi32>
      %select_n3A_860 = arith.select %lt3A_856, %add3A_859, %broadcast_in_dim3A_104 : vector<16xi1>, vector<16xi32>
      %broadcast_in_dim3A_861 = vector.shape_cast %select_n3A_860 : vector<16xi32> to vector<16x1xi32>
      %gather3A_862 = vector.shape_cast %broadcast_in_dim3A_861 : vector<16x1xi32> to vector<16xi32>
      %gather3A_863 = tpu.dynamic_gather %mul3A_159[%gather3A_862] in [0] : vector<16xf32>, vector<16xi32> -> vector<16xf32>
      %lt3A_864 = arith.constant 0 : i32
      %lt3A_865 = vector.broadcast %lt3A_864 : i32 to vector<16xi32>
      %lt3A_866 = arith.cmpi slt, %broadcast_in_dim3A_104, %lt3A_865 : vector<16xi32>
      %add3A_867 = arith.constant 16 : i32
      %add3A_868 = vector.broadcast %add3A_867 : i32 to vector<16xi32>
      %add3A_869 = arith.addi %broadcast_in_dim3A_104, %add3A_868 : vector<16xi32>
      %select_n3A_870 = arith.select %lt3A_866, %add3A_869, %broadcast_in_dim3A_104 : vector<16xi1>, vector<16xi32>
      %broadcast_in_dim3A_871 = vector.shape_cast %select_n3A_870 : vector<16xi32> to vector<16x1xi32>
      %gather3A_872 = vector.shape_cast %broadcast_in_dim3A_871 : vector<16x1xi32> to vector<16xi32>
      %gather3A_873 = tpu.dynamic_gather %mul3A_165[%gather3A_872] in [0] : vector<16xf32>, vector<16xi32> -> vector<16xf32>
      %lt3A_874 = arith.constant 0 : i32
      %lt3A_875 = vector.broadcast %lt3A_874 : i32 to vector<16xi32>
      %lt3A_876 = arith.cmpi slt, %broadcast_in_dim3A_104, %lt3A_875 : vector<16xi32>
      %add3A_877 = arith.constant 16 : i32
      %add3A_878 = vector.broadcast %add3A_877 : i32 to vector<16xi32>
      %add3A_879 = arith.addi %broadcast_in_dim3A_104, %add3A_878 : vector<16xi32>
      %select_n3A_880 = arith.select %lt3A_876, %add3A_879, %broadcast_in_dim3A_104 : vector<16xi1>, vector<16xi32>
      %broadcast_in_dim3A_881 = vector.shape_cast %select_n3A_880 : vector<16xi32> to vector<16x1xi32>
      %gather3A_882 = vector.shape_cast %broadcast_in_dim3A_881 : vector<16x1xi32> to vector<16xi32>
      %gather3A_883 = tpu.dynamic_gather %mul3A_171[%gather3A_882] in [0] : vector<16xf32>, vector<16xi32> -> vector<16xf32>
      %lt3A_884 = arith.constant 0 : i32
      %lt3A_885 = vector.broadcast %lt3A_884 : i32 to vector<16xi32>
      %lt3A_886 = arith.cmpi slt, %broadcast_in_dim3A_106, %lt3A_885 : vector<16xi32>
      %add3A_887 = arith.constant 16 : i32
      %add3A_888 = vector.broadcast %add3A_887 : i32 to vector<16xi32>
      %add3A_889 = arith.addi %broadcast_in_dim3A_106, %add3A_888 : vector<16xi32>
      %select_n3A_890 = arith.select %lt3A_886, %add3A_889, %broadcast_in_dim3A_106 : vector<16xi1>, vector<16xi32>
      %broadcast_in_dim3A_891 = vector.shape_cast %select_n3A_890 : vector<16xi32> to vector<16x1xi32>
      %gather3A_892 = vector.shape_cast %broadcast_in_dim3A_891 : vector<16x1xi32> to vector<16xi32>
      %gather3A_893 = tpu.dynamic_gather %mul3A_159[%gather3A_892] in [0] : vector<16xf32>, vector<16xi32> -> vector<16xf32>
      %lt3A_894 = arith.constant 0 : i32
      %lt3A_895 = vector.broadcast %lt3A_894 : i32 to vector<16xi32>
      %lt3A_896 = arith.cmpi slt, %broadcast_in_dim3A_106, %lt3A_895 : vector<16xi32>
      %add3A_897 = arith.constant 16 : i32
      %add3A_898 = vector.broadcast %add3A_897 : i32 to vector<16xi32>
      %add3A_899 = arith.addi %broadcast_in_dim3A_106, %add3A_898 : vector<16xi32>
      %select_n3A_900 = arith.select %lt3A_896, %add3A_899, %broadcast_in_dim3A_106 : vector<16xi1>, vector<16xi32>
      %broadcast_in_dim3A_901 = vector.shape_cast %select_n3A_900 : vector<16xi32> to vector<16x1xi32>
      %gather3A_902 = vector.shape_cast %broadcast_in_dim3A_901 : vector<16x1xi32> to vector<16xi32>
      %gather3A_903 = tpu.dynamic_gather %mul3A_165[%gather3A_902] in [0] : vector<16xf32>, vector<16xi32> -> vector<16xf32>
      %lt3A_904 = arith.constant 0 : i32
      %lt3A_905 = vector.broadcast %lt3A_904 : i32 to vector<16xi32>
      %lt3A_906 = arith.cmpi slt, %broadcast_in_dim3A_106, %lt3A_905 : vector<16xi32>
      %add3A_907 = arith.constant 16 : i32
      %add3A_908 = vector.broadcast %add3A_907 : i32 to vector<16xi32>
      %add3A_909 = arith.addi %broadcast_in_dim3A_106, %add3A_908 : vector<16xi32>
      %select_n3A_910 = arith.select %lt3A_906, %add3A_909, %broadcast_in_dim3A_106 : vector<16xi1>, vector<16xi32>
      %broadcast_in_dim3A_911 = vector.shape_cast %select_n3A_910 : vector<16xi32> to vector<16x1xi32>
      %gather3A_912 = vector.shape_cast %broadcast_in_dim3A_911 : vector<16x1xi32> to vector<16xi32>
      %gather3A_913 = tpu.dynamic_gather %mul3A_171[%gather3A_912] in [0] : vector<16xf32>, vector<16xi32> -> vector<16xf32>
      %lt3A_914 = arith.constant 0 : i32
      %lt3A_915 = vector.broadcast %lt3A_914 : i32 to vector<16xi32>
      %lt3A_916 = arith.cmpi slt, %broadcast_in_dim3A_108, %lt3A_915 : vector<16xi32>
      %add3A_917 = arith.constant 16 : i32
      %add3A_918 = vector.broadcast %add3A_917 : i32 to vector<16xi32>
      %add3A_919 = arith.addi %broadcast_in_dim3A_108, %add3A_918 : vector<16xi32>
      %select_n3A_920 = arith.select %lt3A_916, %add3A_919, %broadcast_in_dim3A_108 : vector<16xi1>, vector<16xi32>
      %broadcast_in_dim3A_921 = vector.shape_cast %select_n3A_920 : vector<16xi32> to vector<16x1xi32>
      %gather3A_922 = vector.shape_cast %broadcast_in_dim3A_921 : vector<16x1xi32> to vector<16xi32>
      %gather3A_923 = tpu.dynamic_gather %mul3A_159[%gather3A_922] in [0] : vector<16xf32>, vector<16xi32> -> vector<16xf32>
      %lt3A_924 = arith.constant 0 : i32
      %lt3A_925 = vector.broadcast %lt3A_924 : i32 to vector<16xi32>
      %lt3A_926 = arith.cmpi slt, %broadcast_in_dim3A_108, %lt3A_925 : vector<16xi32>
      %add3A_927 = arith.constant 16 : i32
      %add3A_928 = vector.broadcast %add3A_927 : i32 to vector<16xi32>
      %add3A_929 = arith.addi %broadcast_in_dim3A_108, %add3A_928 : vector<16xi32>
      %select_n3A_930 = arith.select %lt3A_926, %add3A_929, %broadcast_in_dim3A_108 : vector<16xi1>, vector<16xi32>
      %broadcast_in_dim3A_931 = vector.shape_cast %select_n3A_930 : vector<16xi32> to vector<16x1xi32>
      %gather3A_932 = vector.shape_cast %broadcast_in_dim3A_931 : vector<16x1xi32> to vector<16xi32>
      %gather3A_933 = tpu.dynamic_gather %mul3A_165[%gather3A_932] in [0] : vector<16xf32>, vector<16xi32> -> vector<16xf32>
      %lt3A_934 = arith.constant 0 : i32
      %lt3A_935 = vector.broadcast %lt3A_934 : i32 to vector<16xi32>
      %lt3A_936 = arith.cmpi slt, %broadcast_in_dim3A_108, %lt3A_935 : vector<16xi32>
      %add3A_937 = arith.constant 16 : i32
      %add3A_938 = vector.broadcast %add3A_937 : i32 to vector<16xi32>
      %add3A_939 = arith.addi %broadcast_in_dim3A_108, %add3A_938 : vector<16xi32>
      %select_n3A_940 = arith.select %lt3A_936, %add3A_939, %broadcast_in_dim3A_108 : vector<16xi1>, vector<16xi32>
      %broadcast_in_dim3A_941 = vector.shape_cast %select_n3A_940 : vector<16xi32> to vector<16x1xi32>
      %gather3A_942 = vector.shape_cast %broadcast_in_dim3A_941 : vector<16x1xi32> to vector<16xi32>
      %gather3A_943 = tpu.dynamic_gather %mul3A_171[%gather3A_942] in [0] : vector<16xf32>, vector<16xi32> -> vector<16xf32>
      %lt3A_944 = arith.constant 0 : i32
      %lt3A_945 = vector.broadcast %lt3A_944 : i32 to vector<16xi32>
      %lt3A_946 = arith.cmpi slt, %broadcast_in_dim3A_110, %lt3A_945 : vector<16xi32>
      %add3A_947 = arith.constant 16 : i32
      %add3A_948 = vector.broadcast %add3A_947 : i32 to vector<16xi32>
      %add3A_949 = arith.addi %broadcast_in_dim3A_110, %add3A_948 : vector<16xi32>
      %select_n3A_950 = arith.select %lt3A_946, %add3A_949, %broadcast_in_dim3A_110 : vector<16xi1>, vector<16xi32>
      %broadcast_in_dim3A_951 = vector.shape_cast %select_n3A_950 : vector<16xi32> to vector<16x1xi32>
      %gather3A_952 = vector.shape_cast %broadcast_in_dim3A_951 : vector<16x1xi32> to vector<16xi32>
      %gather3A_953 = tpu.dynamic_gather %mul3A_159[%gather3A_952] in [0] : vector<16xf32>, vector<16xi32> -> vector<16xf32>
      %lt3A_954 = arith.constant 0 : i32
      %lt3A_955 = vector.broadcast %lt3A_954 : i32 to vector<16xi32>
      %lt3A_956 = arith.cmpi slt, %broadcast_in_dim3A_110, %lt3A_955 : vector<16xi32>
      %add3A_957 = arith.constant 16 : i32
      %add3A_958 = vector.broadcast %add3A_957 : i32 to vector<16xi32>
      %add3A_959 = arith.addi %broadcast_in_dim3A_110, %add3A_958 : vector<16xi32>
      %select_n3A_960 = arith.select %lt3A_956, %add3A_959, %broadcast_in_dim3A_110 : vector<16xi1>, vector<16xi32>
      %broadcast_in_dim3A_961 = vector.shape_cast %select_n3A_960 : vector<16xi32> to vector<16x1xi32>
      %gather3A_962 = vector.shape_cast %broadcast_in_dim3A_961 : vector<16x1xi32> to vector<16xi32>
      %gather3A_963 = tpu.dynamic_gather %mul3A_165[%gather3A_962] in [0] : vector<16xf32>, vector<16xi32> -> vector<16xf32>
      %lt3A_964 = arith.constant 0 : i32
      %lt3A_965 = vector.broadcast %lt3A_964 : i32 to vector<16xi32>
      %lt3A_966 = arith.cmpi slt, %broadcast_in_dim3A_110, %lt3A_965 : vector<16xi32>
      %add3A_967 = arith.constant 16 : i32
      %add3A_968 = vector.broadcast %add3A_967 : i32 to vector<16xi32>
      %add3A_969 = arith.addi %broadcast_in_dim3A_110, %add3A_968 : vector<16xi32>
      %select_n3A_970 = arith.select %lt3A_966, %add3A_969, %broadcast_in_dim3A_110 : vector<16xi1>, vector<16xi32>
      %broadcast_in_dim3A_971 = vector.shape_cast %select_n3A_970 : vector<16xi32> to vector<16x1xi32>
      %gather3A_972 = vector.shape_cast %broadcast_in_dim3A_971 : vector<16x1xi32> to vector<16xi32>
      %gather3A_973 = tpu.dynamic_gather %mul3A_171[%gather3A_972] in [0] : vector<16xf32>, vector<16xi32> -> vector<16xf32>
      %lt3A_974 = arith.constant 0 : i32
      %lt3A_975 = vector.broadcast %lt3A_974 : i32 to vector<16xi32>
      %lt3A_976 = arith.cmpi slt, %broadcast_in_dim3A_112, %lt3A_975 : vector<16xi32>
      %add3A_977 = arith.constant 16 : i32
      %add3A_978 = vector.broadcast %add3A_977 : i32 to vector<16xi32>
      %add3A_979 = arith.addi %broadcast_in_dim3A_112, %add3A_978 : vector<16xi32>
      %select_n3A_980 = arith.select %lt3A_976, %add3A_979, %broadcast_in_dim3A_112 : vector<16xi1>, vector<16xi32>
      %broadcast_in_dim3A_981 = vector.shape_cast %select_n3A_980 : vector<16xi32> to vector<16x1xi32>
      %gather3A_982 = vector.shape_cast %broadcast_in_dim3A_981 : vector<16x1xi32> to vector<16xi32>
      %gather3A_983 = tpu.dynamic_gather %mul3A_159[%gather3A_982] in [0] : vector<16xf32>, vector<16xi32> -> vector<16xf32>
      %lt3A_984 = arith.constant 0 : i32
      %lt3A_985 = vector.broadcast %lt3A_984 : i32 to vector<16xi32>
      %lt3A_986 = arith.cmpi slt, %broadcast_in_dim3A_112, %lt3A_985 : vector<16xi32>
      %add3A_987 = arith.constant 16 : i32
      %add3A_988 = vector.broadcast %add3A_987 : i32 to vector<16xi32>
      %add3A_989 = arith.addi %broadcast_in_dim3A_112, %add3A_988 : vector<16xi32>
      %select_n3A_990 = arith.select %lt3A_986, %add3A_989, %broadcast_in_dim3A_112 : vector<16xi1>, vector<16xi32>
      %broadcast_in_dim3A_991 = vector.shape_cast %select_n3A_990 : vector<16xi32> to vector<16x1xi32>
      %gather3A_992 = vector.shape_cast %broadcast_in_dim3A_991 : vector<16x1xi32> to vector<16xi32>
      %gather3A_993 = tpu.dynamic_gather %mul3A_165[%gather3A_992] in [0] : vector<16xf32>, vector<16xi32> -> vector<16xf32>
      %lt3A_994 = arith.constant 0 : i32
      %lt3A_995 = vector.broadcast %lt3A_994 : i32 to vector<16xi32>
      %lt3A_996 = arith.cmpi slt, %broadcast_in_dim3A_112, %lt3A_995 : vector<16xi32>
      %add3A_997 = arith.constant 16 : i32
      %add3A_998 = vector.broadcast %add3A_997 : i32 to vector<16xi32>
      %add3A_999 = arith.addi %broadcast_in_dim3A_112, %add3A_998 : vector<16xi32>
      %select_n3A_1000 = arith.select %lt3A_996, %add3A_999, %broadcast_in_dim3A_112 : vector<16xi1>, vector<16xi32>
      %broadcast_in_dim3A_1001 = vector.shape_cast %select_n3A_1000 : vector<16xi32> to vector<16x1xi32>
      %gather3A_1002 = vector.shape_cast %broadcast_in_dim3A_1001 : vector<16x1xi32> to vector<16xi32>
      %gather3A_1003 = tpu.dynamic_gather %mul3A_171[%gather3A_1002] in [0] : vector<16xf32>, vector<16xi32> -> vector<16xf32>
      %lt3A_1004 = arith.constant 0 : i32
      %lt3A_1005 = vector.broadcast %lt3A_1004 : i32 to vector<16xi32>
      %lt3A_1006 = arith.cmpi slt, %broadcast_in_dim3A_114, %lt3A_1005 : vector<16xi32>
      %add3A_1007 = arith.constant 16 : i32
      %add3A_1008 = vector.broadcast %add3A_1007 : i32 to vector<16xi32>
      %add3A_1009 = arith.addi %broadcast_in_dim3A_114, %add3A_1008 : vector<16xi32>
      %select_n3A_1010 = arith.select %lt3A_1006, %add3A_1009, %broadcast_in_dim3A_114 : vector<16xi1>, vector<16xi32>
      %broadcast_in_dim3A_1011 = vector.shape_cast %select_n3A_1010 : vector<16xi32> to vector<16x1xi32>
      %gather3A_1012 = vector.shape_cast %broadcast_in_dim3A_1011 : vector<16x1xi32> to vector<16xi32>
      %gather3A_1013 = tpu.dynamic_gather %mul3A_159[%gather3A_1012] in [0] : vector<16xf32>, vector<16xi32> -> vector<16xf32>
      %lt3A_1014 = arith.constant 0 : i32
      %lt3A_1015 = vector.broadcast %lt3A_1014 : i32 to vector<16xi32>
      %lt3A_1016 = arith.cmpi slt, %broadcast_in_dim3A_114, %lt3A_1015 : vector<16xi32>
      %add3A_1017 = arith.constant 16 : i32
      %add3A_1018 = vector.broadcast %add3A_1017 : i32 to vector<16xi32>
      %add3A_1019 = arith.addi %broadcast_in_dim3A_114, %add3A_1018 : vector<16xi32>
      %select_n3A_1020 = arith.select %lt3A_1016, %add3A_1019, %broadcast_in_dim3A_114 : vector<16xi1>, vector<16xi32>
      %broadcast_in_dim3A_1021 = vector.shape_cast %select_n3A_1020 : vector<16xi32> to vector<16x1xi32>
      %gather3A_1022 = vector.shape_cast %broadcast_in_dim3A_1021 : vector<16x1xi32> to vector<16xi32>
      %gather3A_1023 = tpu.dynamic_gather %mul3A_165[%gather3A_1022] in [0] : vector<16xf32>, vector<16xi32> -> vector<16xf32>
      %lt3A_1024 = arith.constant 0 : i32
      %lt3A_1025 = vector.broadcast %lt3A_1024 : i32 to vector<16xi32>
      %lt3A_1026 = arith.cmpi slt, %broadcast_in_dim3A_114, %lt3A_1025 : vector<16xi32>
      %add3A_1027 = arith.constant 16 : i32
      %add3A_1028 = vector.broadcast %add3A_1027 : i32 to vector<16xi32>
      %add3A_1029 = arith.addi %broadcast_in_dim3A_114, %add3A_1028 : vector<16xi32>
      %select_n3A_1030 = arith.select %lt3A_1026, %add3A_1029, %broadcast_in_dim3A_114 : vector<16xi1>, vector<16xi32>
      %broadcast_in_dim3A_1031 = vector.shape_cast %select_n3A_1030 : vector<16xi32> to vector<16x1xi32>
      %gather3A_1032 = vector.shape_cast %broadcast_in_dim3A_1031 : vector<16x1xi32> to vector<16xi32>
      %gather3A_1033 = tpu.dynamic_gather %mul3A_171[%gather3A_1032] in [0] : vector<16xf32>, vector<16xi32> -> vector<16xf32>
      %parallel_loop3A_1034 = arith.constant 0 : i32
      %parallel_loop3A_1035 = arith.constant 256 : i32
      %parallel_loop3A_1036 = arith.constant 1 : i32
      %parallel_loop3A_1037:8 = scf.for %parallel_loop3A_1434 = %parallel_loop3A_1034 to %parallel_loop3A_1035 step %parallel_loop3A_1036 iter_args(%parallel_loop3A_1435 = %broadcast_in_dim3A_141, %parallel_loop3A_1436 = %broadcast_in_dim3A_141, %parallel_loop3A_1437 = %broadcast_in_dim3A_141, %parallel_loop3A_1438 = %broadcast_in_dim3A_141, %parallel_loop3A_1439 = %broadcast_in_dim3A_141, %parallel_loop3A_1440 = %broadcast_in_dim3A_141, %parallel_loop3A_1441 = %broadcast_in_dim3A_141, %parallel_loop3A_1442 = %broadcast_in_dim3A_141) -> (vector<16xf32>, vector<16xf32>, vector<16xf32>, vector<16xf32>, vector<16xf32>, vector<16xf32>, vector<16xf32>, vector<16xf32>)  : i32 {
        %parallel_loop3A_1443 = arith.constant 16 : i32
        %parallel_loop3A_1444 = arith.muli %parallel_loop3A_1434, %parallel_loop3A_1443 : i32
        %parallel_loop3A_1445 = arith.index_cast %parallel_loop3A_1444 : i32 to index
        %parallel_loop3A_1446 = tpu.vector_load %arg8[%parallel_loop3A_1445] {strides = array<i32>} : memref<4096xf32, #tpu.memory_space<vmem>>, vector<16xf32>,
        %parallel_loop3A_1447 = vector.shape_cast %parallel_loop3A_1446 : vector<16xf32> to vector<16xf32>
        %parallel_loop3A_1448 = arith.index_cast %parallel_loop3A_1444 : i32 to index
        %parallel_loop3A_1449 = tpu.vector_load %arg9[%parallel_loop3A_1448] {strides = array<i32>} : memref<4096xf32, #tpu.memory_space<vmem>>, vector<16xf32>,
        %parallel_loop3A_1450 = vector.shape_cast %parallel_loop3A_1449 : vector<16xf32> to vector<16xf32>
        %parallel_loop3A_1451 = arith.index_cast %parallel_loop3A_1444 : i32 to index
        %parallel_loop3A_1452 = tpu.vector_load %arg10[%parallel_loop3A_1451] {strides = array<i32>} : memref<4096xf32, #tpu.memory_space<vmem>>, vector<16xf32>,
        %parallel_loop3A_1453 = vector.shape_cast %parallel_loop3A_1452 : vector<16xf32> to vector<16xf32>
        %parallel_loop3A_1454 = arith.index_cast %parallel_loop3A_1444 : i32 to index
        %parallel_loop3A_1455 = tpu.vector_load %arg11[%parallel_loop3A_1454] {strides = array<i32>} : memref<4096xf32, #tpu.memory_space<vmem>>, vector<16xf32>,
        %parallel_loop3A_1456 = vector.shape_cast %parallel_loop3A_1455 : vector<16xf32> to vector<16xf32>
        %parallel_loop3A_1457 = arith.mulf %parallel_loop3A_1447, %gather3A_803 : vector<16xf32>
        %parallel_loop3A_1458 = arith.subf %parallel_loop3A_1456, %parallel_loop3A_1457 : vector<16xf32>
        %parallel_loop3A_1459 = arith.mulf %parallel_loop3A_1450, %gather3A_813 : vector<16xf32>
        %parallel_loop3A_1460 = arith.subf %parallel_loop3A_1458, %parallel_loop3A_1459 : vector<16xf32>
        %parallel_loop3A_1461 = arith.mulf %parallel_loop3A_1453, %gather3A_823 : vector<16xf32>
        %parallel_loop3A_1462 = arith.subf %parallel_loop3A_1460, %parallel_loop3A_1461 : vector<16xf32>
        %parallel_loop3A_1463 = arith.minimumf %parallel_loop3A_1435, %parallel_loop3A_1462 : vector<16xf32>
        %parallel_loop3A_1464 = arith.mulf %parallel_loop3A_1447, %gather3A_833 : vector<16xf32>
        %parallel_loop3A_1465 = arith.subf %parallel_loop3A_1456, %parallel_loop3A_1464 : vector<16xf32>
        %parallel_loop3A_1466 = arith.mulf %parallel_loop3A_1450, %gather3A_843 : vector<16xf32>
        %parallel_loop3A_1467 = arith.subf %parallel_loop3A_1465, %parallel_loop3A_1466 : vector<16xf32>
        %parallel_loop3A_1468 = arith.mulf %parallel_loop3A_1453, %gather3A_853 : vector<16xf32>
        %parallel_loop3A_1469 = arith.subf %parallel_loop3A_1467, %parallel_loop3A_1468 : vector<16xf32>
        %parallel_loop3A_1470 = arith.minimumf %parallel_loop3A_1436, %parallel_loop3A_1469 : vector<16xf32>
        %parallel_loop3A_1471 = arith.mulf %parallel_loop3A_1447, %gather3A_863 : vector<16xf32>
        %parallel_loop3A_1472 = arith.subf %parallel_loop3A_1456, %parallel_loop3A_1471 : vector<16xf32>
        %parallel_loop3A_1473 = arith.mulf %parallel_loop3A_1450, %gather3A_873 : vector<16xf32>
        %parallel_loop3A_1474 = arith.subf %parallel_loop3A_1472, %parallel_loop3A_1473 : vector<16xf32>
        %parallel_loop3A_1475 = arith.mulf %parallel_loop3A_1453, %gather3A_883 : vector<16xf32>
        %parallel_loop3A_1476 = arith.subf %parallel_loop3A_1474, %parallel_loop3A_1475 : vector<16xf32>
        %parallel_loop3A_1477 = arith.minimumf %parallel_loop3A_1437, %parallel_loop3A_1476 : vector<16xf32>
        %parallel_loop3A_1478 = arith.mulf %parallel_loop3A_1447, %gather3A_893 : vector<16xf32>
        %parallel_loop3A_1479 = arith.subf %parallel_loop3A_1456, %parallel_loop3A_1478 : vector<16xf32>
        %parallel_loop3A_1480 = arith.mulf %parallel_loop3A_1450, %gather3A_903 : vector<16xf32>
        %parallel_loop3A_1481 = arith.subf %parallel_loop3A_1479, %parallel_loop3A_1480 : vector<16xf32>
        %parallel_loop3A_1482 = arith.mulf %parallel_loop3A_1453, %gather3A_913 : vector<16xf32>
        %parallel_loop3A_1483 = arith.subf %parallel_loop3A_1481, %parallel_loop3A_1482 : vector<16xf32>
        %parallel_loop3A_1484 = arith.minimumf %parallel_loop3A_1438, %parallel_loop3A_1483 : vector<16xf32>
        %parallel_loop3A_1485 = arith.mulf %parallel_loop3A_1447, %gather3A_923 : vector<16xf32>
        %parallel_loop3A_1486 = arith.subf %parallel_loop3A_1456, %parallel_loop3A_1485 : vector<16xf32>
        %parallel_loop3A_1487 = arith.mulf %parallel_loop3A_1450, %gather3A_933 : vector<16xf32>
        %parallel_loop3A_1488 = arith.subf %parallel_loop3A_1486, %parallel_loop3A_1487 : vector<16xf32>
        %parallel_loop3A_1489 = arith.mulf %parallel_loop3A_1453, %gather3A_943 : vector<16xf32>
        %parallel_loop3A_1490 = arith.subf %parallel_loop3A_1488, %parallel_loop3A_1489 : vector<16xf32>
        %parallel_loop3A_1491 = arith.minimumf %parallel_loop3A_1439, %parallel_loop3A_1490 : vector<16xf32>
        %parallel_loop3A_1492 = arith.mulf %parallel_loop3A_1447, %gather3A_953 : vector<16xf32>
        %parallel_loop3A_1493 = arith.subf %parallel_loop3A_1456, %parallel_loop3A_1492 : vector<16xf32>
        %parallel_loop3A_1494 = arith.mulf %parallel_loop3A_1450, %gather3A_963 : vector<16xf32>
        %parallel_loop3A_1495 = arith.subf %parallel_loop3A_1493, %parallel_loop3A_1494 : vector<16xf32>
        %parallel_loop3A_1496 = arith.mulf %parallel_loop3A_1453, %gather3A_973 : vector<16xf32>
        %parallel_loop3A_1497 = arith.subf %parallel_loop3A_1495, %parallel_loop3A_1496 : vector<16xf32>
        %parallel_loop3A_1498 = arith.minimumf %parallel_loop3A_1440, %parallel_loop3A_1497 : vector<16xf32>
        %parallel_loop3A_1499 = arith.mulf %parallel_loop3A_1447, %gather3A_983 : vector<16xf32>
        %parallel_loop3A_1500 = arith.subf %parallel_loop3A_1456, %parallel_loop3A_1499 : vector<16xf32>
        %parallel_loop3A_1501 = arith.mulf %parallel_loop3A_1450, %gather3A_993 : vector<16xf32>
        %parallel_loop3A_1502 = arith.subf %parallel_loop3A_1500, %parallel_loop3A_1501 : vector<16xf32>
        %parallel_loop3A_1503 = arith.mulf %parallel_loop3A_1453, %gather3A_1003 : vector<16xf32>
        %parallel_loop3A_1504 = arith.subf %parallel_loop3A_1502, %parallel_loop3A_1503 : vector<16xf32>
        %parallel_loop3A_1505 = arith.minimumf %parallel_loop3A_1441, %parallel_loop3A_1504 : vector<16xf32>
        %parallel_loop3A_1506 = arith.mulf %parallel_loop3A_1447, %gather3A_1013 : vector<16xf32>
        %parallel_loop3A_1507 = arith.subf %parallel_loop3A_1456, %parallel_loop3A_1506 : vector<16xf32>
        %parallel_loop3A_1508 = arith.mulf %parallel_loop3A_1450, %gather3A_1023 : vector<16xf32>
        %parallel_loop3A_1509 = arith.subf %parallel_loop3A_1507, %parallel_loop3A_1508 : vector<16xf32>
        %parallel_loop3A_1510 = arith.mulf %parallel_loop3A_1453, %gather3A_1033 : vector<16xf32>
        %parallel_loop3A_1511 = arith.subf %parallel_loop3A_1509, %parallel_loop3A_1510 : vector<16xf32>
        %parallel_loop3A_1512 = arith.minimumf %parallel_loop3A_1442, %parallel_loop3A_1511 : vector<16xf32>
        scf.yield %parallel_loop3A_1463, %parallel_loop3A_1470, %parallel_loop3A_1477, %parallel_loop3A_1484, %parallel_loop3A_1491, %parallel_loop3A_1498, %parallel_loop3A_1505, %parallel_loop3A_1512 : vector<16xf32>, vector<16xf32>, vector<16xf32>, vector<16xf32>, vector<16xf32>, vector<16xf32>, vector<16xf32>, vector<16xf32>
      } {sc.loop_unroll_factor = 2 : i64, sc.parallel_access}
      %lt3A_1038 = arith.constant 0 : i32
      %lt3A_1039 = vector.broadcast %lt3A_1038 : i32 to vector<16xi32>
      %lt3A_1040 = arith.cmpi slt, %and3A_121, %lt3A_1039 : vector<16xi32>
      %add3A_1041 = arith.constant 16 : i32
      %add3A_1042 = vector.broadcast %add3A_1041 : i32 to vector<16xi32>
      %add3A_1043 = arith.addi %and3A_121, %add3A_1042 : vector<16xi32>
      %select_n3A_1044 = arith.select %lt3A_1040, %add3A_1043, %and3A_121 : vector<16xi1>, vector<16xi32>
      %broadcast_in_dim3A_1045 = vector.shape_cast %select_n3A_1044 : vector<16xi32> to vector<16x1xi32>
      %gather3A_1046 = vector.shape_cast %broadcast_in_dim3A_1045 : vector<16x1xi32> to vector<16xi32>
      %gather3A_1047 = tpu.dynamic_gather %parallel_loop3A_1037#0[%gather3A_1046] in [0] : vector<16xf32>, vector<16xi32> -> vector<16xf32>
      %min3A_1048 = arith.minimumf %parallel_loop3A_1037#0, %gather3A_1047 : vector<16xf32>
      %lt3A_1049 = arith.constant 0 : i32
      %lt3A_1050 = vector.broadcast %lt3A_1049 : i32 to vector<16xi32>
      %lt3A_1051 = arith.cmpi slt, %and3A_127, %lt3A_1050 : vector<16xi32>
      %add3A_1052 = arith.constant 16 : i32
      %add3A_1053 = vector.broadcast %add3A_1052 : i32 to vector<16xi32>
      %add3A_1054 = arith.addi %and3A_127, %add3A_1053 : vector<16xi32>
      %select_n3A_1055 = arith.select %lt3A_1051, %add3A_1054, %and3A_127 : vector<16xi1>, vector<16xi32>
      %broadcast_in_dim3A_1056 = vector.shape_cast %select_n3A_1055 : vector<16xi32> to vector<16x1xi32>
      %gather3A_1057 = vector.shape_cast %broadcast_in_dim3A_1056 : vector<16x1xi32> to vector<16xi32>
      %gather3A_1058 = tpu.dynamic_gather %min3A_1048[%gather3A_1057] in [0] : vector<16xf32>, vector<16xi32> -> vector<16xf32>
      %min3A_1059 = arith.minimumf %min3A_1048, %gather3A_1058 : vector<16xf32>
      %lt3A_1060 = arith.constant 0 : i32
      %lt3A_1061 = vector.broadcast %lt3A_1060 : i32 to vector<16xi32>
      %lt3A_1062 = arith.cmpi slt, %and3A_133, %lt3A_1061 : vector<16xi32>
      %add3A_1063 = arith.constant 16 : i32
      %add3A_1064 = vector.broadcast %add3A_1063 : i32 to vector<16xi32>
      %add3A_1065 = arith.addi %and3A_133, %add3A_1064 : vector<16xi32>
      %select_n3A_1066 = arith.select %lt3A_1062, %add3A_1065, %and3A_133 : vector<16xi1>, vector<16xi32>
      %broadcast_in_dim3A_1067 = vector.shape_cast %select_n3A_1066 : vector<16xi32> to vector<16x1xi32>
      %gather3A_1068 = vector.shape_cast %broadcast_in_dim3A_1067 : vector<16x1xi32> to vector<16xi32>
      %gather3A_1069 = tpu.dynamic_gather %min3A_1059[%gather3A_1068] in [0] : vector<16xf32>, vector<16xi32> -> vector<16xf32>
      %min3A_1070 = arith.minimumf %min3A_1059, %gather3A_1069 : vector<16xf32>
      %lt3A_1071 = arith.constant 0 : i32
      %lt3A_1072 = vector.broadcast %lt3A_1071 : i32 to vector<16xi32>
      %lt3A_1073 = arith.cmpi slt, %and3A_139, %lt3A_1072 : vector<16xi32>
      %add3A_1074 = arith.constant 16 : i32
      %add3A_1075 = vector.broadcast %add3A_1074 : i32 to vector<16xi32>
      %add3A_1076 = arith.addi %and3A_139, %add3A_1075 : vector<16xi32>
      %select_n3A_1077 = arith.select %lt3A_1073, %add3A_1076, %and3A_139 : vector<16xi1>, vector<16xi32>
      %broadcast_in_dim3A_1078 = vector.shape_cast %select_n3A_1077 : vector<16xi32> to vector<16x1xi32>
      %gather3A_1079 = vector.shape_cast %broadcast_in_dim3A_1078 : vector<16x1xi32> to vector<16xi32>
      %gather3A_1080 = tpu.dynamic_gather %min3A_1070[%gather3A_1079] in [0] : vector<16xf32>, vector<16xi32> -> vector<16xf32>
      %min3A_1081 = arith.minimumf %min3A_1070, %gather3A_1080 : vector<16xf32>
      %eq3A_1082 = arith.constant 8 : i32
      %eq3A_1083 = vector.broadcast %eq3A_1082 : i32 to vector<16xi32>
      %eq3A_1084 = arith.cmpi eq, %iota3A_115, %eq3A_1083 : vector<16xi32>
      %select_n3A_1085 = arith.select %eq3A_1084, %min3A_1081, %select_n3A_793 : vector<16xi1>, vector<16xf32>
      %lt3A_1086 = arith.constant 0 : i32
      %lt3A_1087 = vector.broadcast %lt3A_1086 : i32 to vector<16xi32>
      %lt3A_1088 = arith.cmpi slt, %and3A_121, %lt3A_1087 : vector<16xi32>
      %add3A_1089 = arith.constant 16 : i32
      %add3A_1090 = vector.broadcast %add3A_1089 : i32 to vector<16xi32>
      %add3A_1091 = arith.addi %and3A_121, %add3A_1090 : vector<16xi32>
      %select_n3A_1092 = arith.select %lt3A_1088, %add3A_1091, %and3A_121 : vector<16xi1>, vector<16xi32>
      %broadcast_in_dim3A_1093 = vector.shape_cast %select_n3A_1092 : vector<16xi32> to vector<16x1xi32>
      %gather3A_1094 = vector.shape_cast %broadcast_in_dim3A_1093 : vector<16x1xi32> to vector<16xi32>
      %gather3A_1095 = tpu.dynamic_gather %parallel_loop3A_1037#1[%gather3A_1094] in [0] : vector<16xf32>, vector<16xi32> -> vector<16xf32>
      %min3A_1096 = arith.minimumf %parallel_loop3A_1037#1, %gather3A_1095 : vector<16xf32>
      %lt3A_1097 = arith.constant 0 : i32
      %lt3A_1098 = vector.broadcast %lt3A_1097 : i32 to vector<16xi32>
      %lt3A_1099 = arith.cmpi slt, %and3A_127, %lt3A_1098 : vector<16xi32>
      %add3A_1100 = arith.constant 16 : i32
      %add3A_1101 = vector.broadcast %add3A_1100 : i32 to vector<16xi32>
      %add3A_1102 = arith.addi %and3A_127, %add3A_1101 : vector<16xi32>
      %select_n3A_1103 = arith.select %lt3A_1099, %add3A_1102, %and3A_127 : vector<16xi1>, vector<16xi32>
      %broadcast_in_dim3A_1104 = vector.shape_cast %select_n3A_1103 : vector<16xi32> to vector<16x1xi32>
      %gather3A_1105 = vector.shape_cast %broadcast_in_dim3A_1104 : vector<16x1xi32> to vector<16xi32>
      %gather3A_1106 = tpu.dynamic_gather %min3A_1096[%gather3A_1105] in [0] : vector<16xf32>, vector<16xi32> -> vector<16xf32>
      %min3A_1107 = arith.minimumf %min3A_1096, %gather3A_1106 : vector<16xf32>
      %lt3A_1108 = arith.constant 0 : i32
      %lt3A_1109 = vector.broadcast %lt3A_1108 : i32 to vector<16xi32>
      %lt3A_1110 = arith.cmpi slt, %and3A_133, %lt3A_1109 : vector<16xi32>
      %add3A_1111 = arith.constant 16 : i32
      %add3A_1112 = vector.broadcast %add3A_1111 : i32 to vector<16xi32>
      %add3A_1113 = arith.addi %and3A_133, %add3A_1112 : vector<16xi32>
      %select_n3A_1114 = arith.select %lt3A_1110, %add3A_1113, %and3A_133 : vector<16xi1>, vector<16xi32>
      %broadcast_in_dim3A_1115 = vector.shape_cast %select_n3A_1114 : vector<16xi32> to vector<16x1xi32>
      %gather3A_1116 = vector.shape_cast %broadcast_in_dim3A_1115 : vector<16x1xi32> to vector<16xi32>
      %gather3A_1117 = tpu.dynamic_gather %min3A_1107[%gather3A_1116] in [0] : vector<16xf32>, vector<16xi32> -> vector<16xf32>
      %min3A_1118 = arith.minimumf %min3A_1107, %gather3A_1117 : vector<16xf32>
      %lt3A_1119 = arith.constant 0 : i32
      %lt3A_1120 = vector.broadcast %lt3A_1119 : i32 to vector<16xi32>
      %lt3A_1121 = arith.cmpi slt, %and3A_139, %lt3A_1120 : vector<16xi32>
      %add3A_1122 = arith.constant 16 : i32
      %add3A_1123 = vector.broadcast %add3A_1122 : i32 to vector<16xi32>
      %add3A_1124 = arith.addi %and3A_139, %add3A_1123 : vector<16xi32>
      %select_n3A_1125 = arith.select %lt3A_1121, %add3A_1124, %and3A_139 : vector<16xi1>, vector<16xi32>
      %broadcast_in_dim3A_1126 = vector.shape_cast %select_n3A_1125 : vector<16xi32> to vector<16x1xi32>
      %gather3A_1127 = vector.shape_cast %broadcast_in_dim3A_1126 : vector<16x1xi32> to vector<16xi32>
      %gather3A_1128 = tpu.dynamic_gather %min3A_1118[%gather3A_1127] in [0] : vector<16xf32>, vector<16xi32> -> vector<16xf32>
      %min3A_1129 = arith.minimumf %min3A_1118, %gather3A_1128 : vector<16xf32>
      %eq3A_1130 = arith.constant 9 : i32
      %eq3A_1131 = vector.broadcast %eq3A_1130 : i32 to vector<16xi32>
      %eq3A_1132 = arith.cmpi eq, %iota3A_115, %eq3A_1131 : vector<16xi32>
      %select_n3A_1133 = arith.select %eq3A_1132, %min3A_1129, %select_n3A_1085 : vector<16xi1>, vector<16xf32>
      %lt3A_1134 = arith.constant 0 : i32
      %lt3A_1135 = vector.broadcast %lt3A_1134 : i32 to vector<16xi32>
      %lt3A_1136 = arith.cmpi slt, %and3A_121, %lt3A_1135 : vector<16xi32>
      %add3A_1137 = arith.constant 16 : i32
      %add3A_1138 = vector.broadcast %add3A_1137 : i32 to vector<16xi32>
      %add3A_1139 = arith.addi %and3A_121, %add3A_1138 : vector<16xi32>
      %select_n3A_1140 = arith.select %lt3A_1136, %add3A_1139, %and3A_121 : vector<16xi1>, vector<16xi32>
      %broadcast_in_dim3A_1141 = vector.shape_cast %select_n3A_1140 : vector<16xi32> to vector<16x1xi32>
      %gather3A_1142 = vector.shape_cast %broadcast_in_dim3A_1141 : vector<16x1xi32> to vector<16xi32>
      %gather3A_1143 = tpu.dynamic_gather %parallel_loop3A_1037#2[%gather3A_1142] in [0] : vector<16xf32>, vector<16xi32> -> vector<16xf32>
      %min3A_1144 = arith.minimumf %parallel_loop3A_1037#2, %gather3A_1143 : vector<16xf32>
      %lt3A_1145 = arith.constant 0 : i32
      %lt3A_1146 = vector.broadcast %lt3A_1145 : i32 to vector<16xi32>
      %lt3A_1147 = arith.cmpi slt, %and3A_127, %lt3A_1146 : vector<16xi32>
      %add3A_1148 = arith.constant 16 : i32
      %add3A_1149 = vector.broadcast %add3A_1148 : i32 to vector<16xi32>
      %add3A_1150 = arith.addi %and3A_127, %add3A_1149 : vector<16xi32>
      %select_n3A_1151 = arith.select %lt3A_1147, %add3A_1150, %and3A_127 : vector<16xi1>, vector<16xi32>
      %broadcast_in_dim3A_1152 = vector.shape_cast %select_n3A_1151 : vector<16xi32> to vector<16x1xi32>
      %gather3A_1153 = vector.shape_cast %broadcast_in_dim3A_1152 : vector<16x1xi32> to vector<16xi32>
      %gather3A_1154 = tpu.dynamic_gather %min3A_1144[%gather3A_1153] in [0] : vector<16xf32>, vector<16xi32> -> vector<16xf32>
      %min3A_1155 = arith.minimumf %min3A_1144, %gather3A_1154 : vector<16xf32>
      %lt3A_1156 = arith.constant 0 : i32
      %lt3A_1157 = vector.broadcast %lt3A_1156 : i32 to vector<16xi32>
      %lt3A_1158 = arith.cmpi slt, %and3A_133, %lt3A_1157 : vector<16xi32>
      %add3A_1159 = arith.constant 16 : i32
      %add3A_1160 = vector.broadcast %add3A_1159 : i32 to vector<16xi32>
      %add3A_1161 = arith.addi %and3A_133, %add3A_1160 : vector<16xi32>
      %select_n3A_1162 = arith.select %lt3A_1158, %add3A_1161, %and3A_133 : vector<16xi1>, vector<16xi32>
      %broadcast_in_dim3A_1163 = vector.shape_cast %select_n3A_1162 : vector<16xi32> to vector<16x1xi32>
      %gather3A_1164 = vector.shape_cast %broadcast_in_dim3A_1163 : vector<16x1xi32> to vector<16xi32>
      %gather3A_1165 = tpu.dynamic_gather %min3A_1155[%gather3A_1164] in [0] : vector<16xf32>, vector<16xi32> -> vector<16xf32>
      %min3A_1166 = arith.minimumf %min3A_1155, %gather3A_1165 : vector<16xf32>
      %lt3A_1167 = arith.constant 0 : i32
      %lt3A_1168 = vector.broadcast %lt3A_1167 : i32 to vector<16xi32>
      %lt3A_1169 = arith.cmpi slt, %and3A_139, %lt3A_1168 : vector<16xi32>
      %add3A_1170 = arith.constant 16 : i32
      %add3A_1171 = vector.broadcast %add3A_1170 : i32 to vector<16xi32>
      %add3A_1172 = arith.addi %and3A_139, %add3A_1171 : vector<16xi32>
      %select_n3A_1173 = arith.select %lt3A_1169, %add3A_1172, %and3A_139 : vector<16xi1>, vector<16xi32>
      %broadcast_in_dim3A_1174 = vector.shape_cast %select_n3A_1173 : vector<16xi32> to vector<16x1xi32>
      %gather3A_1175 = vector.shape_cast %broadcast_in_dim3A_1174 : vector<16x1xi32> to vector<16xi32>
      %gather3A_1176 = tpu.dynamic_gather %min3A_1166[%gather3A_1175] in [0] : vector<16xf32>, vector<16xi32> -> vector<16xf32>
      %min3A_1177 = arith.minimumf %min3A_1166, %gather3A_1176 : vector<16xf32>
      %eq3A_1178 = arith.constant 10 : i32
      %eq3A_1179 = vector.broadcast %eq3A_1178 : i32 to vector<16xi32>
      %eq3A_1180 = arith.cmpi eq, %iota3A_115, %eq3A_1179 : vector<16xi32>
      %select_n3A_1181 = arith.select %eq3A_1180, %min3A_1177, %select_n3A_1133 : vector<16xi1>, vector<16xf32>
      %lt3A_1182 = arith.constant 0 : i32
      %lt3A_1183 = vector.broadcast %lt3A_1182 : i32 to vector<16xi32>
      %lt3A_1184 = arith.cmpi slt, %and3A_121, %lt3A_1183 : vector<16xi32>
      %add3A_1185 = arith.constant 16 : i32
      %add3A_1186 = vector.broadcast %add3A_1185 : i32 to vector<16xi32>
      %add3A_1187 = arith.addi %and3A_121, %add3A_1186 : vector<16xi32>
      %select_n3A_1188 = arith.select %lt3A_1184, %add3A_1187, %and3A_121 : vector<16xi1>, vector<16xi32>
      %broadcast_in_dim3A_1189 = vector.shape_cast %select_n3A_1188 : vector<16xi32> to vector<16x1xi32>
      %gather3A_1190 = vector.shape_cast %broadcast_in_dim3A_1189 : vector<16x1xi32> to vector<16xi32>
      %gather3A_1191 = tpu.dynamic_gather %parallel_loop3A_1037#3[%gather3A_1190] in [0] : vector<16xf32>, vector<16xi32> -> vector<16xf32>
      %min3A_1192 = arith.minimumf %parallel_loop3A_1037#3, %gather3A_1191 : vector<16xf32>
      %lt3A_1193 = arith.constant 0 : i32
      %lt3A_1194 = vector.broadcast %lt3A_1193 : i32 to vector<16xi32>
      %lt3A_1195 = arith.cmpi slt, %and3A_127, %lt3A_1194 : vector<16xi32>
      %add3A_1196 = arith.constant 16 : i32
      %add3A_1197 = vector.broadcast %add3A_1196 : i32 to vector<16xi32>
      %add3A_1198 = arith.addi %and3A_127, %add3A_1197 : vector<16xi32>
      %select_n3A_1199 = arith.select %lt3A_1195, %add3A_1198, %and3A_127 : vector<16xi1>, vector<16xi32>
      %broadcast_in_dim3A_1200 = vector.shape_cast %select_n3A_1199 : vector<16xi32> to vector<16x1xi32>
      %gather3A_1201 = vector.shape_cast %broadcast_in_dim3A_1200 : vector<16x1xi32> to vector<16xi32>
      %gather3A_1202 = tpu.dynamic_gather %min3A_1192[%gather3A_1201] in [0] : vector<16xf32>, vector<16xi32> -> vector<16xf32>
      %min3A_1203 = arith.minimumf %min3A_1192, %gather3A_1202 : vector<16xf32>
      %lt3A_1204 = arith.constant 0 : i32
      %lt3A_1205 = vector.broadcast %lt3A_1204 : i32 to vector<16xi32>
      %lt3A_1206 = arith.cmpi slt, %and3A_133, %lt3A_1205 : vector<16xi32>
      %add3A_1207 = arith.constant 16 : i32
      %add3A_1208 = vector.broadcast %add3A_1207 : i32 to vector<16xi32>
      %add3A_1209 = arith.addi %and3A_133, %add3A_1208 : vector<16xi32>
      %select_n3A_1210 = arith.select %lt3A_1206, %add3A_1209, %and3A_133 : vector<16xi1>, vector<16xi32>
      %broadcast_in_dim3A_1211 = vector.shape_cast %select_n3A_1210 : vector<16xi32> to vector<16x1xi32>
      %gather3A_1212 = vector.shape_cast %broadcast_in_dim3A_1211 : vector<16x1xi32> to vector<16xi32>
      %gather3A_1213 = tpu.dynamic_gather %min3A_1203[%gather3A_1212] in [0] : vector<16xf32>, vector<16xi32> -> vector<16xf32>
      %min3A_1214 = arith.minimumf %min3A_1203, %gather3A_1213 : vector<16xf32>
      %lt3A_1215 = arith.constant 0 : i32
      %lt3A_1216 = vector.broadcast %lt3A_1215 : i32 to vector<16xi32>
      %lt3A_1217 = arith.cmpi slt, %and3A_139, %lt3A_1216 : vector<16xi32>
      %add3A_1218 = arith.constant 16 : i32
      %add3A_1219 = vector.broadcast %add3A_1218 : i32 to vector<16xi32>
      %add3A_1220 = arith.addi %and3A_139, %add3A_1219 : vector<16xi32>
      %select_n3A_1221 = arith.select %lt3A_1217, %add3A_1220, %and3A_139 : vector<16xi1>, vector<16xi32>
      %broadcast_in_dim3A_1222 = vector.shape_cast %select_n3A_1221 : vector<16xi32> to vector<16x1xi32>
      %gather3A_1223 = vector.shape_cast %broadcast_in_dim3A_1222 : vector<16x1xi32> to vector<16xi32>
      %gather3A_1224 = tpu.dynamic_gather %min3A_1214[%gather3A_1223] in [0] : vector<16xf32>, vector<16xi32> -> vector<16xf32>
      %min3A_1225 = arith.minimumf %min3A_1214, %gather3A_1224 : vector<16xf32>
      %eq3A_1226 = arith.constant 11 : i32
      %eq3A_1227 = vector.broadcast %eq3A_1226 : i32 to vector<16xi32>
      %eq3A_1228 = arith.cmpi eq, %iota3A_115, %eq3A_1227 : vector<16xi32>
      %select_n3A_1229 = arith.select %eq3A_1228, %min3A_1225, %select_n3A_1181 : vector<16xi1>, vector<16xf32>
      %lt3A_1230 = arith.constant 0 : i32
      %lt3A_1231 = vector.broadcast %lt3A_1230 : i32 to vector<16xi32>
      %lt3A_1232 = arith.cmpi slt, %and3A_121, %lt3A_1231 : vector<16xi32>
      %add3A_1233 = arith.constant 16 : i32
      %add3A_1234 = vector.broadcast %add3A_1233 : i32 to vector<16xi32>
      %add3A_1235 = arith.addi %and3A_121, %add3A_1234 : vector<16xi32>
      %select_n3A_1236 = arith.select %lt3A_1232, %add3A_1235, %and3A_121 : vector<16xi1>, vector<16xi32>
      %broadcast_in_dim3A_1237 = vector.shape_cast %select_n3A_1236 : vector<16xi32> to vector<16x1xi32>
      %gather3A_1238 = vector.shape_cast %broadcast_in_dim3A_1237 : vector<16x1xi32> to vector<16xi32>
      %gather3A_1239 = tpu.dynamic_gather %parallel_loop3A_1037#4[%gather3A_1238] in [0] : vector<16xf32>, vector<16xi32> -> vector<16xf32>
      %min3A_1240 = arith.minimumf %parallel_loop3A_1037#4, %gather3A_1239 : vector<16xf32>
      %lt3A_1241 = arith.constant 0 : i32
      %lt3A_1242 = vector.broadcast %lt3A_1241 : i32 to vector<16xi32>
      %lt3A_1243 = arith.cmpi slt, %and3A_127, %lt3A_1242 : vector<16xi32>
      %add3A_1244 = arith.constant 16 : i32
      %add3A_1245 = vector.broadcast %add3A_1244 : i32 to vector<16xi32>
      %add3A_1246 = arith.addi %and3A_127, %add3A_1245 : vector<16xi32>
      %select_n3A_1247 = arith.select %lt3A_1243, %add3A_1246, %and3A_127 : vector<16xi1>, vector<16xi32>
      %broadcast_in_dim3A_1248 = vector.shape_cast %select_n3A_1247 : vector<16xi32> to vector<16x1xi32>
      %gather3A_1249 = vector.shape_cast %broadcast_in_dim3A_1248 : vector<16x1xi32> to vector<16xi32>
      %gather3A_1250 = tpu.dynamic_gather %min3A_1240[%gather3A_1249] in [0] : vector<16xf32>, vector<16xi32> -> vector<16xf32>
      %min3A_1251 = arith.minimumf %min3A_1240, %gather3A_1250 : vector<16xf32>
      %lt3A_1252 = arith.constant 0 : i32
      %lt3A_1253 = vector.broadcast %lt3A_1252 : i32 to vector<16xi32>
      %lt3A_1254 = arith.cmpi slt, %and3A_133, %lt3A_1253 : vector<16xi32>
      %add3A_1255 = arith.constant 16 : i32
      %add3A_1256 = vector.broadcast %add3A_1255 : i32 to vector<16xi32>
      %add3A_1257 = arith.addi %and3A_133, %add3A_1256 : vector<16xi32>
      %select_n3A_1258 = arith.select %lt3A_1254, %add3A_1257, %and3A_133 : vector<16xi1>, vector<16xi32>
      %broadcast_in_dim3A_1259 = vector.shape_cast %select_n3A_1258 : vector<16xi32> to vector<16x1xi32>
      %gather3A_1260 = vector.shape_cast %broadcast_in_dim3A_1259 : vector<16x1xi32> to vector<16xi32>
      %gather3A_1261 = tpu.dynamic_gather %min3A_1251[%gather3A_1260] in [0] : vector<16xf32>, vector<16xi32> -> vector<16xf32>
      %min3A_1262 = arith.minimumf %min3A_1251, %gather3A_1261 : vector<16xf32>
      %lt3A_1263 = arith.constant 0 : i32
      %lt3A_1264 = vector.broadcast %lt3A_1263 : i32 to vector<16xi32>
      %lt3A_1265 = arith.cmpi slt, %and3A_139, %lt3A_1264 : vector<16xi32>
      %add3A_1266 = arith.constant 16 : i32
      %add3A_1267 = vector.broadcast %add3A_1266 : i32 to vector<16xi32>
      %add3A_1268 = arith.addi %and3A_139, %add3A_1267 : vector<16xi32>
      %select_n3A_1269 = arith.select %lt3A_1265, %add3A_1268, %and3A_139 : vector<16xi1>, vector<16xi32>
      %broadcast_in_dim3A_1270 = vector.shape_cast %select_n3A_1269 : vector<16xi32> to vector<16x1xi32>
      %gather3A_1271 = vector.shape_cast %broadcast_in_dim3A_1270 : vector<16x1xi32> to vector<16xi32>
      %gather3A_1272 = tpu.dynamic_gather %min3A_1262[%gather3A_1271] in [0] : vector<16xf32>, vector<16xi32> -> vector<16xf32>
      %min3A_1273 = arith.minimumf %min3A_1262, %gather3A_1272 : vector<16xf32>
      %eq3A_1274 = arith.constant 12 : i32
      %eq3A_1275 = vector.broadcast %eq3A_1274 : i32 to vector<16xi32>
      %eq3A_1276 = arith.cmpi eq, %iota3A_115, %eq3A_1275 : vector<16xi32>
      %select_n3A_1277 = arith.select %eq3A_1276, %min3A_1273, %select_n3A_1229 : vector<16xi1>, vector<16xf32>
      %lt3A_1278 = arith.constant 0 : i32
      %lt3A_1279 = vector.broadcast %lt3A_1278 : i32 to vector<16xi32>
      %lt3A_1280 = arith.cmpi slt, %and3A_121, %lt3A_1279 : vector<16xi32>
      %add3A_1281 = arith.constant 16 : i32
      %add3A_1282 = vector.broadcast %add3A_1281 : i32 to vector<16xi32>
      %add3A_1283 = arith.addi %and3A_121, %add3A_1282 : vector<16xi32>
      %select_n3A_1284 = arith.select %lt3A_1280, %add3A_1283, %and3A_121 : vector<16xi1>, vector<16xi32>
      %broadcast_in_dim3A_1285 = vector.shape_cast %select_n3A_1284 : vector<16xi32> to vector<16x1xi32>
      %gather3A_1286 = vector.shape_cast %broadcast_in_dim3A_1285 : vector<16x1xi32> to vector<16xi32>
      %gather3A_1287 = tpu.dynamic_gather %parallel_loop3A_1037#5[%gather3A_1286] in [0] : vector<16xf32>, vector<16xi32> -> vector<16xf32>
      %min3A_1288 = arith.minimumf %parallel_loop3A_1037#5, %gather3A_1287 : vector<16xf32>
      %lt3A_1289 = arith.constant 0 : i32
      %lt3A_1290 = vector.broadcast %lt3A_1289 : i32 to vector<16xi32>
      %lt3A_1291 = arith.cmpi slt, %and3A_127, %lt3A_1290 : vector<16xi32>
      %add3A_1292 = arith.constant 16 : i32
      %add3A_1293 = vector.broadcast %add3A_1292 : i32 to vector<16xi32>
      %add3A_1294 = arith.addi %and3A_127, %add3A_1293 : vector<16xi32>
      %select_n3A_1295 = arith.select %lt3A_1291, %add3A_1294, %and3A_127 : vector<16xi1>, vector<16xi32>
      %broadcast_in_dim3A_1296 = vector.shape_cast %select_n3A_1295 : vector<16xi32> to vector<16x1xi32>
      %gather3A_1297 = vector.shape_cast %broadcast_in_dim3A_1296 : vector<16x1xi32> to vector<16xi32>
      %gather3A_1298 = tpu.dynamic_gather %min3A_1288[%gather3A_1297] in [0] : vector<16xf32>, vector<16xi32> -> vector<16xf32>
      %min3A_1299 = arith.minimumf %min3A_1288, %gather3A_1298 : vector<16xf32>
      %lt3A_1300 = arith.constant 0 : i32
      %lt3A_1301 = vector.broadcast %lt3A_1300 : i32 to vector<16xi32>
      %lt3A_1302 = arith.cmpi slt, %and3A_133, %lt3A_1301 : vector<16xi32>
      %add3A_1303 = arith.constant 16 : i32
      %add3A_1304 = vector.broadcast %add3A_1303 : i32 to vector<16xi32>
      %add3A_1305 = arith.addi %and3A_133, %add3A_1304 : vector<16xi32>
      %select_n3A_1306 = arith.select %lt3A_1302, %add3A_1305, %and3A_133 : vector<16xi1>, vector<16xi32>
      %broadcast_in_dim3A_1307 = vector.shape_cast %select_n3A_1306 : vector<16xi32> to vector<16x1xi32>
      %gather3A_1308 = vector.shape_cast %broadcast_in_dim3A_1307 : vector<16x1xi32> to vector<16xi32>
      %gather3A_1309 = tpu.dynamic_gather %min3A_1299[%gather3A_1308] in [0] : vector<16xf32>, vector<16xi32> -> vector<16xf32>
      %min3A_1310 = arith.minimumf %min3A_1299, %gather3A_1309 : vector<16xf32>
      %lt3A_1311 = arith.constant 0 : i32
      %lt3A_1312 = vector.broadcast %lt3A_1311 : i32 to vector<16xi32>
      %lt3A_1313 = arith.cmpi slt, %and3A_139, %lt3A_1312 : vector<16xi32>
      %add3A_1314 = arith.constant 16 : i32
      %add3A_1315 = vector.broadcast %add3A_1314 : i32 to vector<16xi32>
      %add3A_1316 = arith.addi %and3A_139, %add3A_1315 : vector<16xi32>
      %select_n3A_1317 = arith.select %lt3A_1313, %add3A_1316, %and3A_139 : vector<16xi1>, vector<16xi32>
      %broadcast_in_dim3A_1318 = vector.shape_cast %select_n3A_1317 : vector<16xi32> to vector<16x1xi32>
      %gather3A_1319 = vector.shape_cast %broadcast_in_dim3A_1318 : vector<16x1xi32> to vector<16xi32>
      %gather3A_1320 = tpu.dynamic_gather %min3A_1310[%gather3A_1319] in [0] : vector<16xf32>, vector<16xi32> -> vector<16xf32>
      %min3A_1321 = arith.minimumf %min3A_1310, %gather3A_1320 : vector<16xf32>
      %eq3A_1322 = arith.constant 13 : i32
      %eq3A_1323 = vector.broadcast %eq3A_1322 : i32 to vector<16xi32>
      %eq3A_1324 = arith.cmpi eq, %iota3A_115, %eq3A_1323 : vector<16xi32>
      %select_n3A_1325 = arith.select %eq3A_1324, %min3A_1321, %select_n3A_1277 : vector<16xi1>, vector<16xf32>
      %lt3A_1326 = arith.constant 0 : i32
      %lt3A_1327 = vector.broadcast %lt3A_1326 : i32 to vector<16xi32>
      %lt3A_1328 = arith.cmpi slt, %and3A_121, %lt3A_1327 : vector<16xi32>
      %add3A_1329 = arith.constant 16 : i32
      %add3A_1330 = vector.broadcast %add3A_1329 : i32 to vector<16xi32>
      %add3A_1331 = arith.addi %and3A_121, %add3A_1330 : vector<16xi32>
      %select_n3A_1332 = arith.select %lt3A_1328, %add3A_1331, %and3A_121 : vector<16xi1>, vector<16xi32>
      %broadcast_in_dim3A_1333 = vector.shape_cast %select_n3A_1332 : vector<16xi32> to vector<16x1xi32>
      %gather3A_1334 = vector.shape_cast %broadcast_in_dim3A_1333 : vector<16x1xi32> to vector<16xi32>
      %gather3A_1335 = tpu.dynamic_gather %parallel_loop3A_1037#6[%gather3A_1334] in [0] : vector<16xf32>, vector<16xi32> -> vector<16xf32>
      %min3A_1336 = arith.minimumf %parallel_loop3A_1037#6, %gather3A_1335 : vector<16xf32>
      %lt3A_1337 = arith.constant 0 : i32
      %lt3A_1338 = vector.broadcast %lt3A_1337 : i32 to vector<16xi32>
      %lt3A_1339 = arith.cmpi slt, %and3A_127, %lt3A_1338 : vector<16xi32>
      %add3A_1340 = arith.constant 16 : i32
      %add3A_1341 = vector.broadcast %add3A_1340 : i32 to vector<16xi32>
      %add3A_1342 = arith.addi %and3A_127, %add3A_1341 : vector<16xi32>
      %select_n3A_1343 = arith.select %lt3A_1339, %add3A_1342, %and3A_127 : vector<16xi1>, vector<16xi32>
      %broadcast_in_dim3A_1344 = vector.shape_cast %select_n3A_1343 : vector<16xi32> to vector<16x1xi32>
      %gather3A_1345 = vector.shape_cast %broadcast_in_dim3A_1344 : vector<16x1xi32> to vector<16xi32>
      %gather3A_1346 = tpu.dynamic_gather %min3A_1336[%gather3A_1345] in [0] : vector<16xf32>, vector<16xi32> -> vector<16xf32>
      %min3A_1347 = arith.minimumf %min3A_1336, %gather3A_1346 : vector<16xf32>
      %lt3A_1348 = arith.constant 0 : i32
      %lt3A_1349 = vector.broadcast %lt3A_1348 : i32 to vector<16xi32>
      %lt3A_1350 = arith.cmpi slt, %and3A_133, %lt3A_1349 : vector<16xi32>
      %add3A_1351 = arith.constant 16 : i32
      %add3A_1352 = vector.broadcast %add3A_1351 : i32 to vector<16xi32>
      %add3A_1353 = arith.addi %and3A_133, %add3A_1352 : vector<16xi32>
      %select_n3A_1354 = arith.select %lt3A_1350, %add3A_1353, %and3A_133 : vector<16xi1>, vector<16xi32>
      %broadcast_in_dim3A_1355 = vector.shape_cast %select_n3A_1354 : vector<16xi32> to vector<16x1xi32>
      %gather3A_1356 = vector.shape_cast %broadcast_in_dim3A_1355 : vector<16x1xi32> to vector<16xi32>
      %gather3A_1357 = tpu.dynamic_gather %min3A_1347[%gather3A_1356] in [0] : vector<16xf32>, vector<16xi32> -> vector<16xf32>
      %min3A_1358 = arith.minimumf %min3A_1347, %gather3A_1357 : vector<16xf32>
      %lt3A_1359 = arith.constant 0 : i32
      %lt3A_1360 = vector.broadcast %lt3A_1359 : i32 to vector<16xi32>
      %lt3A_1361 = arith.cmpi slt, %and3A_139, %lt3A_1360 : vector<16xi32>
      %add3A_1362 = arith.constant 16 : i32
      %add3A_1363 = vector.broadcast %add3A_1362 : i32 to vector<16xi32>
      %add3A_1364 = arith.addi %and3A_139, %add3A_1363 : vector<16xi32>
      %select_n3A_1365 = arith.select %lt3A_1361, %add3A_1364, %and3A_139 : vector<16xi1>, vector<16xi32>
      %broadcast_in_dim3A_1366 = vector.shape_cast %select_n3A_1365 : vector<16xi32> to vector<16x1xi32>
      %gather3A_1367 = vector.shape_cast %broadcast_in_dim3A_1366 : vector<16x1xi32> to vector<16xi32>
      %gather3A_1368 = tpu.dynamic_gather %min3A_1358[%gather3A_1367] in [0] : vector<16xf32>, vector<16xi32> -> vector<16xf32>
      %min3A_1369 = arith.minimumf %min3A_1358, %gather3A_1368 : vector<16xf32>
      %eq3A_1370 = arith.constant 14 : i32
      %eq3A_1371 = vector.broadcast %eq3A_1370 : i32 to vector<16xi32>
      %eq3A_1372 = arith.cmpi eq, %iota3A_115, %eq3A_1371 : vector<16xi32>
      %select_n3A_1373 = arith.select %eq3A_1372, %min3A_1369, %select_n3A_1325 : vector<16xi1>, vector<16xf32>
      %lt3A_1374 = arith.constant 0 : i32
      %lt3A_1375 = vector.broadcast %lt3A_1374 : i32 to vector<16xi32>
      %lt3A_1376 = arith.cmpi slt, %and3A_121, %lt3A_1375 : vector<16xi32>
      %add3A_1377 = arith.constant 16 : i32
      %add3A_1378 = vector.broadcast %add3A_1377 : i32 to vector<16xi32>
      %add3A_1379 = arith.addi %and3A_121, %add3A_1378 : vector<16xi32>
      %select_n3A_1380 = arith.select %lt3A_1376, %add3A_1379, %and3A_121 : vector<16xi1>, vector<16xi32>
      %broadcast_in_dim3A_1381 = vector.shape_cast %select_n3A_1380 : vector<16xi32> to vector<16x1xi32>
      %gather3A_1382 = vector.shape_cast %broadcast_in_dim3A_1381 : vector<16x1xi32> to vector<16xi32>
      %gather3A_1383 = tpu.dynamic_gather %parallel_loop3A_1037#7[%gather3A_1382] in [0] : vector<16xf32>, vector<16xi32> -> vector<16xf32>
      %min3A_1384 = arith.minimumf %parallel_loop3A_1037#7, %gather3A_1383 : vector<16xf32>
      %lt3A_1385 = arith.constant 0 : i32
      %lt3A_1386 = vector.broadcast %lt3A_1385 : i32 to vector<16xi32>
      %lt3A_1387 = arith.cmpi slt, %and3A_127, %lt3A_1386 : vector<16xi32>
      %add3A_1388 = arith.constant 16 : i32
      %add3A_1389 = vector.broadcast %add3A_1388 : i32 to vector<16xi32>
      %add3A_1390 = arith.addi %and3A_127, %add3A_1389 : vector<16xi32>
      %select_n3A_1391 = arith.select %lt3A_1387, %add3A_1390, %and3A_127 : vector<16xi1>, vector<16xi32>
      %broadcast_in_dim3A_1392 = vector.shape_cast %select_n3A_1391 : vector<16xi32> to vector<16x1xi32>
      %gather3A_1393 = vector.shape_cast %broadcast_in_dim3A_1392 : vector<16x1xi32> to vector<16xi32>
      %gather3A_1394 = tpu.dynamic_gather %min3A_1384[%gather3A_1393] in [0] : vector<16xf32>, vector<16xi32> -> vector<16xf32>
      %min3A_1395 = arith.minimumf %min3A_1384, %gather3A_1394 : vector<16xf32>
      %lt3A_1396 = arith.constant 0 : i32
      %lt3A_1397 = vector.broadcast %lt3A_1396 : i32 to vector<16xi32>
      %lt3A_1398 = arith.cmpi slt, %and3A_133, %lt3A_1397 : vector<16xi32>
      %add3A_1399 = arith.constant 16 : i32
      %add3A_1400 = vector.broadcast %add3A_1399 : i32 to vector<16xi32>
      %add3A_1401 = arith.addi %and3A_133, %add3A_1400 : vector<16xi32>
      %select_n3A_1402 = arith.select %lt3A_1398, %add3A_1401, %and3A_133 : vector<16xi1>, vector<16xi32>
      %broadcast_in_dim3A_1403 = vector.shape_cast %select_n3A_1402 : vector<16xi32> to vector<16x1xi32>
      %gather3A_1404 = vector.shape_cast %broadcast_in_dim3A_1403 : vector<16x1xi32> to vector<16xi32>
      %gather3A_1405 = tpu.dynamic_gather %min3A_1395[%gather3A_1404] in [0] : vector<16xf32>, vector<16xi32> -> vector<16xf32>
      %min3A_1406 = arith.minimumf %min3A_1395, %gather3A_1405 : vector<16xf32>
      %lt3A_1407 = arith.constant 0 : i32
      %lt3A_1408 = vector.broadcast %lt3A_1407 : i32 to vector<16xi32>
      %lt3A_1409 = arith.cmpi slt, %and3A_139, %lt3A_1408 : vector<16xi32>
      %add3A_1410 = arith.constant 16 : i32
      %add3A_1411 = vector.broadcast %add3A_1410 : i32 to vector<16xi32>
      %add3A_1412 = arith.addi %and3A_139, %add3A_1411 : vector<16xi32>
      %select_n3A_1413 = arith.select %lt3A_1409, %add3A_1412, %and3A_139 : vector<16xi1>, vector<16xi32>
      %broadcast_in_dim3A_1414 = vector.shape_cast %select_n3A_1413 : vector<16xi32> to vector<16x1xi32>
      %gather3A_1415 = vector.shape_cast %broadcast_in_dim3A_1414 : vector<16x1xi32> to vector<16xi32>
      %gather3A_1416 = tpu.dynamic_gather %min3A_1406[%gather3A_1415] in [0] : vector<16xf32>, vector<16xi32> -> vector<16xf32>
      %min3A_1417 = arith.minimumf %min3A_1406, %gather3A_1416 : vector<16xf32>
      %eq3A_1418 = arith.constant 15 : i32
      %eq3A_1419 = vector.broadcast %eq3A_1418 : i32 to vector<16xi32>
      %eq3A_1420 = arith.cmpi eq, %iota3A_115, %eq3A_1419 : vector<16xi32>
      %select_n3A_1421 = arith.select %eq3A_1420, %min3A_1417, %select_n3A_1373 : vector<16xi1>, vector<16xf32>
      %get3A_1422 = arith.index_cast %add3A_154 : i32 to index
      %get3A_1423 = tpu.vector_load %arg15[%get3A_1422] {strides = array<i32>} : memref<4096xf32, #tpu.memory_space<vmem>>, vector<16xf32>,
      %get3A_1424 = vector.shape_cast %get3A_1423 : vector<16xf32> to vector<16xf32>
      %add3A_1425 = arith.addf %select_n3A_1421, %get3A_1424 : vector<16xf32>
      %max3A = arith.constant 0.000000e+00 : f32
      %max3A_1426 = vector.broadcast %max3A : f32 to vector<16xf32>
      %max3A_1427 = arith.maximumf %add3A_1425, %max3A_1426 : vector<16xf32>
      %mul3A_1428 = arith.constant 16 : i32
      %mul3A_1429 = arith.muli %scan3A_150, %mul3A_1428 : i32
      %swap3A = arith.index_cast %mul3A_1429 : i32 to index
      %swap3A_1430 = tpu.vector_load %arg17[%swap3A] {strides = array<i32>} : memref<128xf32, #tpu.memory_space<vmem>>, vector<16xf32>,
      %swap3A_1431 = vector.shape_cast %swap3A_1430 : vector<16xf32> to vector<16xf32>
      %swap3A_1432 = vector.shape_cast %max3A_1427 : vector<16xf32> to vector<16xf32>
      tpu.vector_store %arg17[%swap3A], %swap3A_1432 {strides = array<i32>} : memref<128xf32, #tpu.memory_space<vmem>>, vector<16xf32>,
      %scan3A_1433 = arith.constant 0 : i32
      scf.yield %scan3A_1433 : i32
    }
    %scan3A_148 = arith.constant 8 : i32
    %run_scoped3A_149 = arith.constant 0 : i32
    "tpu.region"() ({
      %run_scoped3A_150 = tpu.sem_alloc : memref<!tpu.dma_semaphore, #tpu.memory_space<semaphore_mem>>
      %dma_start3A = tpu.memref_slice %arg5[%run_scoped3A_149, %mul3A_82] : memref<1x4096xf32, #tpu.memory_space<hbm>> -> memref<1x128xf32, #tpu.memory_space<hbm>>
      %dma_start3A_151 = tpu.memref_squeeze %dma_start3A : memref<1x128xf32, #tpu.memory_space<hbm>> -> memref<128xf32, #tpu.memory_space<hbm>>
      %dma_start3A_152 = tpu.memref_slice %arg5[%run_scoped3A_149, %mul3A_82] : memref<1x4096xf32, #tpu.memory_space<hbm>> -> memref<1x128xf32, #tpu.memory_space<hbm>>
      %dma_start3A_153 = tpu.memref_squeeze %dma_start3A_152 : memref<1x128xf32, #tpu.memory_space<hbm>> -> memref<128xf32, #tpu.memory_space<hbm>>
      tpu.enqueue_dma source(%arg17 : memref<128xf32, #tpu.memory_space<vmem>>) target(%dma_start3A_153 : memref<128xf32, #tpu.memory_space<hbm>>) target_semaphore(%run_scoped3A_150 : memref<!tpu.dma_semaphore, #tpu.memory_space<semaphore_mem>>)
      %dma_wait3A = tpu.memref_slice %arg5[%run_scoped3A_149, %mul3A_82] : memref<1x4096xf32, #tpu.memory_space<hbm>> -> memref<1x128xf32, #tpu.memory_space<hbm>>
      %dma_wait3A_154 = tpu.memref_squeeze %dma_wait3A : memref<1x128xf32, #tpu.memory_space<hbm>> -> memref<128xf32, #tpu.memory_space<hbm>>
      %dma_wait3A_155 = tpu.memref_slice %arg5[%run_scoped3A_149, %mul3A_82] : memref<1x4096xf32, #tpu.memory_space<hbm>> -> memref<1x128xf32, #tpu.memory_space<hbm>>
      %dma_wait3A_156 = tpu.memref_squeeze %dma_wait3A_155 : memref<1x128xf32, #tpu.memory_space<hbm>> -> memref<128xf32, #tpu.memory_space<hbm>>
      tpu.wait_dma2 semaphore(%run_scoped3A_150 : memref<!tpu.dma_semaphore, #tpu.memory_space<semaphore_mem>>) src(%arg17 : memref<128xf32, #tpu.memory_space<vmem>>) dst(%dma_wait3A_156 : memref<128xf32, #tpu.memory_space<hbm>>)
      tpu.yield
    }) : () -> ()
    return
  }
}

module attributes {stable_mosaic.version = 14 : i64} {
  func.func @_tc_body(%arg0: i32, %arg1: i32, %arg2: memref<1x512x3xf32, #tpu.memory_space<vmem>>, %arg3: memref<1x3x4096xf32, #tpu.memory_space<vmem>>, %arg4: memref<1x1x512xf32, #tpu.memory_space<vmem>>, %arg5: memref<1x1x4096xf32, #tpu.memory_space<vmem>>) attributes {dimension_semantics = [#tpu.dimension_semantics<arbitrary>, #tpu.dimension_semantics<arbitrary>], iteration_bounds = array<i64: 7, 8>, scalar_prefetch = 0 : i64, scratch_operands = 0 : i64, tpu.core_type = #tpu.core_type<tc>, window_params = [{transform_indices = @transform_0, window_bounds = array<i64: 1, 512, 3>}, {transform_indices = @transform_1, window_bounds = array<i64: 1, 3, 4096>}, {transform_indices = @transform_2, window_bounds = array<i64: 1, 1, 512>}, {transform_indices = @transform_3, window_bounds = array<i64: 1, 1, 4096>}]} {
    %get3A = arith.constant 0 : index
    %get3A_0 = arith.constant 0 : index
    %get3A_1 = arith.constant 0 : index
    %get3A_2 = vector.load %arg2[%get3A, %get3A_0, %get3A_1] : memref<1x512x3xf32, #tpu.memory_space<vmem>>, vector<1x512x3xf32>
    %get3A_3 = vector.shape_cast %get3A_2 : vector<1x512x3xf32> to vector<512x3xf32>
    %get3A_4 = arith.constant 0 : index
    %get3A_5 = arith.constant 0 : index
    %get3A_6 = arith.constant 0 : index
    %get3A_7 = vector.load %arg3[%get3A_4, %get3A_5, %get3A_6] : memref<1x3x4096xf32, #tpu.memory_space<vmem>>, vector<1x3x4096xf32>
    %get3A_8 = vector.shape_cast %get3A_7 : vector<1x3x4096xf32> to vector<3x4096xf32>
    %mul3A = arith.mulf %get3A_3, %get3A_3 : vector<512x3xf32>
    %reduce_sum3A = arith.constant dense<0.000000e+00> : vector<512xf32>
    %reduce_sum3A_9 = vector.multi_reduction <add>, %mul3A, %reduce_sum3A [1] : vector<512x3xf32> to vector<512xf32>
    %broadcast_in_dim3A = vector.shape_cast %reduce_sum3A_9 : vector<512xf32> to vector<512x1xf32>
    %convert_element_type3A = arith.truncf %broadcast_in_dim3A : vector<512x1xf32> to vector<512x1xbf16>
    %convert_element_type3A_10 = arith.extf %convert_element_type3A : vector<512x1xbf16> to vector<512x1xf32>
    %sub3A = arith.subf %broadcast_in_dim3A, %convert_element_type3A_10 : vector<512x1xf32>
    %convert_element_type3A_11 = arith.truncf %sub3A : vector<512x1xf32> to vector<512x1xbf16>
    %mul3A_12 = arith.constant -2.000000e+00 : f32
    %mul3A_13 = vector.broadcast %mul3A_12 : f32 to vector<512x3xf32>
    %mul3A_14 = arith.mulf %mul3A_13, %get3A_3 : vector<512x3xf32>
    %convert_element_type3A_15 = arith.truncf %mul3A_14 : vector<512x3xf32> to vector<512x3xbf16>
    %broadcast_in_dim3A_16 = arith.constant 1.000000e+00 : bf16
    %broadcast_in_dim3A_17 = vector.broadcast %broadcast_in_dim3A_16 : bf16 to vector<512x2xbf16>
    %broadcast_in_dim3A_18 = arith.constant 0.000000e+00 : bf16
    %broadcast_in_dim3A_19 = vector.broadcast %broadcast_in_dim3A_18 : bf16 to vector<512x1xbf16>
    %concatenate3A = tpu.concatenate %convert_element_type3A_15, %convert_element_type3A, %convert_element_type3A_11, %broadcast_in_dim3A_17, %broadcast_in_dim3A_19 in 1 : vector<512x3xbf16>, vector<512x1xbf16>, vector<512x1xbf16>, vector<512x2xbf16>, vector<512x1xbf16> -> vector<512x8xbf16>
    %mul3A_20 = arith.mulf %get3A_8, %get3A_8 : vector<3x4096xf32>
    %reduce_sum3A_21 = arith.constant dense<0.000000e+00> : vector<4096xf32>
    %reduce_sum3A_22 = vector.multi_reduction <add>, %mul3A_20, %reduce_sum3A_21 [0] : vector<3x4096xf32> to vector<4096xf32>
    %broadcast_in_dim3A_23 = vector.shape_cast %reduce_sum3A_22 : vector<4096xf32> to vector<1x4096xf32>
    %convert_element_type3A_24 = arith.truncf %broadcast_in_dim3A_23 : vector<1x4096xf32> to vector<1x4096xbf16>
    %convert_element_type3A_25 = arith.extf %convert_element_type3A_24 : vector<1x4096xbf16> to vector<1x4096xf32>
    %sub3A_26 = arith.subf %broadcast_in_dim3A_23, %convert_element_type3A_25 : vector<1x4096xf32>
    %convert_element_type3A_27 = arith.truncf %sub3A_26 : vector<1x4096xf32> to vector<1x4096xbf16>
    %convert_element_type3A_28 = arith.truncf %get3A_8 : vector<3x4096xf32> to vector<3x4096xbf16>
    %broadcast_in_dim3A_29 = arith.constant 1.000000e+00 : bf16
    %broadcast_in_dim3A_30 = vector.broadcast %broadcast_in_dim3A_29 : bf16 to vector<2x4096xbf16>
    %broadcast_in_dim3A_31 = arith.constant 0.000000e+00 : bf16
    %broadcast_in_dim3A_32 = vector.broadcast %broadcast_in_dim3A_31 : bf16 to vector<1x4096xbf16>
    %concatenate3A_33 = tpu.concatenate %convert_element_type3A_28, %broadcast_in_dim3A_30, %convert_element_type3A_24, %convert_element_type3A_27, %broadcast_in_dim3A_32 in 0 : vector<3x4096xbf16>, vector<2x4096xbf16>, vector<1x4096xbf16>, vector<1x4096xbf16>, vector<1x4096xbf16> -> vector<8x4096xbf16>
    %dot_general3A = arith.constant dense<0.000000e+00> : vector<512x4096xf32>
    %dot_general3A_34 = tpu.matmul %concatenate3A, %concatenate3A_33, %dot_general3A {dimension_numbers = #tpu.dot_dimension_numbers<[1], [0], [0], [1], [0, 0, 1, 1], [], []>, transpose_lhs_hint = false} : vector<512x8xbf16>, vector<8x4096xbf16>, vector<512x4096xf32> -> vector<512x4096xf32>
    %reduce_min3A = arith.constant dense<0x7F800000> : vector<512xf32>
    %reduce_min3A_35 = vector.multi_reduction <minimumf>, %dot_general3A_34, %reduce_min3A [1] : vector<512x4096xf32> to vector<512xf32>
    %max3A = arith.constant 0.000000e+00 : f32
    %max3A_36 = vector.broadcast %max3A : f32 to vector<512xf32>
    %max3A_37 = arith.maximumf %reduce_min3A_35, %max3A_36 : vector<512xf32>
    %swap3A = arith.constant 0 : index
    %swap3A_38 = arith.constant 0 : index
    %swap3A_39 = arith.constant 0 : index
    %swap3A_40 = vector.load %arg4[%swap3A, %swap3A_38, %swap3A_39] : memref<1x1x512xf32, #tpu.memory_space<vmem>>, vector<1x1x512xf32>
    %swap3A_41 = vector.shape_cast %swap3A_40 : vector<1x1x512xf32> to vector<512xf32>
    %swap3A_42 = vector.shape_cast %max3A_37 : vector<512xf32> to vector<1x1x512xf32>
    tpu.vector_store %arg4[%swap3A, %swap3A_38, %swap3A_39], %swap3A_42 {strides = array<i32>} : memref<1x1x512xf32, #tpu.memory_space<vmem>>, vector<1x1x512xf32>,
    %reduce_min3A_43 = arith.constant dense<0x7F800000> : vector<4096xf32>
    %reduce_min3A_44 = vector.multi_reduction <minimumf>, %dot_general3A_34, %reduce_min3A_43 [0] : vector<512x4096xf32> to vector<4096xf32>
    %max3A_45 = arith.constant 0.000000e+00 : f32
    %max3A_46 = vector.broadcast %max3A_45 : f32 to vector<4096xf32>
    %max3A_47 = arith.maximumf %reduce_min3A_44, %max3A_46 : vector<4096xf32>
    %eq3A = arith.constant 0 : i32
    %eq3A_48 = arith.cmpi eq, %arg1, %eq3A : i32
    %convert_element_type3A_49 = arith.extui %eq3A_48 : i1 to i32
    %cond3A = arith.constant 0 : i32
    %cond3A_50 = arith.cmpi ne, %convert_element_type3A_49, %cond3A : i32
    scf.if %cond3A_50 {
      %swap3A_55 = arith.constant 0 : index
      %swap3A_56 = arith.constant 0 : index
      %swap3A_57 = arith.constant 0 : index
      %swap3A_58 = vector.load %arg5[%swap3A_55, %swap3A_56, %swap3A_57] : memref<1x1x4096xf32, #tpu.memory_space<vmem>>, vector<1x1x4096xf32>
      %swap3A_59 = vector.shape_cast %swap3A_58 : vector<1x1x4096xf32> to vector<4096xf32>
      %swap3A_60 = vector.shape_cast %max3A_47 : vector<4096xf32> to vector<1x1x4096xf32>
      tpu.vector_store %arg5[%swap3A_55, %swap3A_56, %swap3A_57], %swap3A_60 {strides = array<i32>} : memref<1x1x4096xf32, #tpu.memory_space<vmem>>, vector<1x1x4096xf32>,
    } else {
    }
    %gt3A = arith.constant 0 : i32
    %gt3A_51 = arith.cmpi sgt, %arg1, %gt3A : i32
    %convert_element_type3A_52 = arith.extui %gt3A_51 : i1 to i32
    %cond3A_53 = arith.constant 0 : i32
    %cond3A_54 = arith.cmpi ne, %convert_element_type3A_52, %cond3A_53 : i32
    scf.if %cond3A_54 {
      %get3A_55 = arith.constant 0 : index
      %get3A_56 = arith.constant 0 : index
      %get3A_57 = arith.constant 0 : index
      %get3A_58 = vector.load %arg5[%get3A_55, %get3A_56, %get3A_57] : memref<1x1x4096xf32, #tpu.memory_space<vmem>>, vector<1x1x4096xf32>
      %get3A_59 = vector.shape_cast %get3A_58 : vector<1x1x4096xf32> to vector<4096xf32>
      %min3A = arith.minimumf %get3A_59, %max3A_47 : vector<4096xf32>
      %swap3A_60 = arith.constant 0 : index
      %swap3A_61 = arith.constant 0 : index
      %swap3A_62 = arith.constant 0 : index
      %swap3A_63 = vector.load %arg5[%swap3A_60, %swap3A_61, %swap3A_62] : memref<1x1x4096xf32, #tpu.memory_space<vmem>>, vector<1x1x4096xf32>
      %swap3A_64 = vector.shape_cast %swap3A_63 : vector<1x1x4096xf32> to vector<4096xf32>
      %swap3A_65 = vector.shape_cast %min3A : vector<4096xf32> to vector<1x1x4096xf32>
      tpu.vector_store %arg5[%swap3A_60, %swap3A_61, %swap3A_62], %swap3A_65 {strides = array<i32>} : memref<1x1x4096xf32, #tpu.memory_space<vmem>>, vector<1x1x4096xf32>,
    } else {
    }
    return
  }
  func.func @transform_0(%arg0: i32, %arg1: i32) -> (i32, i32, i32) {
    %c0_i32 = arith.constant 0 : i32
    %c0_i32_0 = arith.constant 0 : i32
    return %arg0, %arg1, %c0_i32 : i32, i32, i32
  }
  func.func @transform_1(%arg0: i32, %arg1: i32) -> (i32, i32, i32) {
    %c0_i32 = arith.constant 0 : i32
    %c0_i32_0 = arith.constant 0 : i32
    %c0_i32_1 = arith.constant 0 : i32
    return %arg0, %c0_i32, %c0_i32_0 : i32, i32, i32
  }
  func.func @transform_2(%arg0: i32, %arg1: i32) -> (i32, i32, i32) {
    %mul3A = arith.constant 8 : i32
    %mul3A_0 = arith.muli %arg0, %mul3A : i32
    %add3A = arith.addi %mul3A_0, %arg1 : i32
    %c0_i32 = arith.constant 0 : i32
    %c0_i32_1 = arith.constant 0 : i32
    %c0_i32_2 = arith.constant 0 : i32
    return %add3A, %c0_i32, %c0_i32_1 : i32, i32, i32
  }
  func.func @transform_3(%arg0: i32, %arg1: i32) -> (i32, i32, i32) {
    %c0_i32 = arith.constant 0 : i32
    %c0_i32_0 = arith.constant 0 : i32
    %c0_i32_1 = arith.constant 0 : i32
    return %arg0, %c0_i32, %c0_i32_0 : i32, i32, i32
  }
}

</mosaic_0001>

<sc_bundles>
// kernel: kernel.4.cloned.1.call-start
scs
__scs_entry_jumppad:
0x0: {  	(pc) =	sbr.rel $0x88, $3  }
0x1: {  	(tag) =	ssettag $0x0;
	lr =	simm.s32 $0x1  }
0x2: {  	[smem:$0x3F9F] =	sst lr;
	_ =	strace $0xD0000000  }
0x3: {  	_ = 	snop  }
0x4: {  	_ = 	snop  }
0x5: {  	_ = 	snop  }
0x6: {  	_ = 	snop  }
0x7: {  	_ = 	snop  }
__scs_overlays_trampoline_lowered:
0x8: {  	[smem:$0x3FAE] =	sst s0  }
0x9: {  	[smem:$0x3FAF] =	sst s1  }
0xa: {  	[smem:$0x3FB0] =	sst s2  }
0xb: {  	[smem:$0x3FB1] =	sst s3  }
0xc: {  	[smem:$0x3FB2] =	sst s4  }
0xd: {  	[smem:$0x3FB3] =	sst s5  }
0xe: {  	[smem:$0x3FB4] =	sst s6  }
0xf: {  	[smem:$0x3FB5] =	sst s7  }
0x10: {  	[smem:$0x3FB6] =	sst s8  }
0x11: {  	[smem:$0x3FB7] =	sst s9;
	s0 =	simm.s32 @!p0 $0x0  }
0x12: {  	s1 =	sld [smem:$0x3F9D];
	s0 =	simm.s32 @p0 $0x1  }
0x13: {  	[smem:$0x3FB8] =	sst s0;
	s0 =	simm.s32 @!p1 $0x0  }
0x14: {  	s2 =	sld [smem:$0x3F9C];
	s0 =	simm.s32 @p1 $0x1  }
0x15: {  	[smem:$0x3FB9] =	sst s0;
	s0 =	simm.s32 @!p2 $0x0  }
0x16: {  	s3 =	sld [smem:$0x3FDB];
	s0 =	simm.s32 @p2 $0x1  }
0x17: {  	s4 =	simm.s32 $0x1BF5;
	[smem:$0x3FBB] =	sst s0  }
0x18: {  	s0 =	sld [smem:$0x3F9E];
	_ =	swait.ge [sflag:s4], $0x0  }
0x19: {  	s7 =	sld [smem:$0x3F9F]  }
0x1a: {  	s8 =	sadd.s32 $0xFFFFE003, lr  }
0x1b: {  	s9 =	sadd.s32 $0xFFFFFEF7, lr;
	s5 =	simm.s32 $0xFFFFFFFF;
	p2 =	slt.u32 s8, $0xFFFFF086  }
0x1c: {  	p1 =	slt.u32 s9, $0xF7A;
	s5 =	simm.s32 @!p2 $0x0  }
0x1d: {  	s5 =	simm.s32 @p1 $0x1;
	p0 =	seq.s32 s7, s2  }
0x1e: {  	s7 =	smul.u32 @!p0 $0xF7A, s2;
	p2 =	seq.s32 @!p0 s5, $0x0  }
0x1f: {  	s9 =	smul.u32 $0xF7A, s1;
	s8 =	simm.s32 @!p0 $0x1BF5;
	p2 =	por !p2, p0  }
0x20: {  	[sflag:s8] =	ssyncset.s32 @!p0 $0xFFFFF086;
	s6 =	sadd.s32 @!p0 s3, s7;
	s7 =	simm.s32 @!p0 $0x108  }
0x21: {  	s3 =	sadd.s32 s3, s9;
	s6 =	sadd.s32 @!p0 $0x88, s6;
	s7 =	simm.s32 @p2 $0x1082  }
0x22: {  	[simem:s7], [sflag:s8] =	dma.local @!p0 [hbm:s6], $0xF7A  }
0x23: {  	s9 =	sor.u32 $0xD0000000, s2;
	s6 =	simm.s32 $0x108;
	_ =	swait.ge @!p0 [sflag:s8], $0x0  }
0x24: {  	s3 =	sadd.s32 $0x88, s3;
	s6 =	simm.s32 @!p1 $0x1082;
	[sflag:s4] =	ssyncset.s32 $0xFFFFF086  }
0x25: {  	[simem:s6], [sflag:s4] =	dma.local [hbm:s3], $0xF7A  }
0x26: {  	[smem:$0x3F9F] =	sst s1;
	(tag) =	ssettag s2;
	_ =	strace s9  }
0x27: {  	s1 =	sld [smem:$0x3FAF]  }
0x28: {  	s2 =	sld [smem:$0x3FB0]  }
0x29: {  	s4 =	sld [smem:$0x3FB2]  }
0x2a: {  	p0 =	seq.s32 s5, $0x0;
	s5 =	sld [smem:$0x3FB3]  }
0x2b: {  	s6 =	sld [smem:$0x3FB4]  }
0x2c: {  	s7 =	sld [smem:$0x3FB5]  }
0x2d: {  	s3 =	simm.s32 $0x108;
	s8 =	sld [smem:$0x3FB6]  }
0x2e: {  	s3 =	simm.s32 @!p0 $0x1082;
	s9 =	sld [smem:$0x3FB7]  }
0x2f: {  	lr =	sadd.s32 s0, s3;
	s0 =	sld [smem:$0x3FAE]  }
0x30: {  	s3 =	sld [smem:$0x3FB1]  }
0x31: {  	[smem:$0x3FBA] =	sst s10  }
0x32: {  	s10 =	sld [smem:$0x3FB8];
	_ =	sdelay $0x3  }
0x33: {  	p0 =	seq.s32 s10, $0x1;
	s10 =	sld [smem:$0x3FBA];
	_ =	sdelay $0x3  }
0x34: {  	[smem:$0x3FBA] =	sst s10  }
0x35: {  	s10 =	sld [smem:$0x3FB9];
	_ =	sdelay $0x3  }
0x36: {  	p1 =	seq.s32 s10, $0x1;
	s10 =	sld [smem:$0x3FBA];
	_ =	sdelay $0x3  }
0x37: {  	[smem:$0x3FBA] =	sst s10  }
0x38: {  	s10 =	sld [smem:$0x3FBB]  }
0x39: {  	_ = 	snop;
	(pc) =	sbr.ind lr, $3  }
0x3a: {  	_ = 	snop  }
0x3b: {  	_ = 	snop  }
0x3c: {  	p2 =	seq.s32 s10, $0x1;
	s10 =	sld [smem:$0x3FBA]  }
0x3d: {  	_ =	shalt  }
0x3e: {  	_ =	shalt  }
0x3f: {  	_ =	shalt  }
0x40: {  	_ =	shalt  }
0x41: {  	_ =	shalt  }
0x42: {  	_ =	shalt  }
0x43: {  	_ =	shalt  }
0x44: {  	_ =	shalt  }
0x45: {  	_ =	shalt  }
0x46: {  	_ =	shalt  }
0x47: {  	_ =	shalt  }
0x48: {  	_ =	shalt  }
0x49: {  	_ =	shalt  }
0x4a: {  	_ =	shalt  }
0x4b: {  	_ =	shalt  }
0x4c: {  	_ =	shalt  }
0x4d: {  	_ =	shalt  }
0x4e: {  	_ =	shalt  }
0x4f: {  	_ =	shalt  }
0x50: {  	_ =	shalt  }
0x51: {  	_ =	shalt  }
0x52: {  	_ =	shalt  }
0x53: {  	_ =	shalt  }
0x54: {  	_ =	shalt  }
0x55: {  	_ =	shalt  }
0x56: {  	_ =	shalt  }
0x57: {  	_ =	shalt  }
0x58: {  	_ =	shalt  }
0x59: {  	_ =	shalt  }
0x5a: {  	_ =	shalt  }
0x5b: {  	_ =	shalt  }
0x5c: {  	_ =	shalt  }
0x5d: {  	_ =	shalt  }
0x5e: {  	_ =	shalt  }
0x5f: {  	_ =	shalt  }
0x60: {  	_ =	shalt  }
0x61: {  	_ =	shalt  }
0x62: {  	_ =	shalt  }
0x63: {  	_ =	shalt  }
0x64: {  	_ =	shalt  }
0x65: {  	_ =	shalt  }
0x66: {  	_ =	shalt  }
0x67: {  	_ =	shalt  }
0x68: {  	_ =	shalt  }
0x69: {  	_ =	shalt  }
0x6a: {  	_ =	shalt  }
0x6b: {  	_ =	shalt  }
0x6c: {  	_ =	shalt  }
0x6d: {  	_ =	shalt  }
0x6e: {  	_ =	shalt  }
0x6f: {  	_ =	shalt  }
0x70: {  	_ =	shalt  }
0x71: {  	_ =	shalt  }
0x72: {  	_ =	shalt  }
0x73: {  	_ =	shalt  }
0x74: {  	_ =	shalt  }
0x75: {  	_ =	shalt  }
0x76: {  	_ =	shalt  }
0x77: {  	_ =	shalt  }
0x78: {  	_ =	shalt  }
0x79: {  	_ =	shalt  }
0x7a: {  	_ =	shalt  }
0x7b: {  	_ =	shalt  }
0x7c: {  	_ =	shalt  }
0x7d: {  	_ =	shalt  }
0x7e: {  	_ =	shalt  }
0x7f: {  	_ =	shalt  }
0x80: {  	_ =	shalt  }
0x81: {  	_ =	shalt  }
0x82: {  	_ =	shalt  }
0x83: {  	_ =	shalt  }
0x84: {  	_ =	shalt  }
0x85: {  	_ =	shalt  }
0x86: {  	_ =	shalt  }
0x87: {  	_ =	shalt  }
.Lfunc_end0:
.L_simem_size_0:
called_computation_lowered:
.L_overlay_start_0:
0x88: {  	s2 =	sld [smem:$0x3FD9]  }
0x89: {  	s3 =	sld [smem:$0x3FFE];
	_ =	sdelay $0x1  }
0x8a: {  	s1 =	srdreg.scid  }
0x8b: {  	s0 =	sand.u32 $0x1, s1  }
0x8c: {  	s14 =	sshll.u32 s0, $0xA;
	s2 =	sadd.s32 s3, s2  }
0x8d: {  	s2 =	sadd.s32 s2, s14  }
0x8e: {  	[smem:$0x3FC6] =	sst s2  }
0x8f: {  	_ = 	snop  }
0x90: {  	s2 =	sld [smem:$0x3FD0];
	_ =	sdelay $0x2  }
0x91: {  	s15 =	simm.s32 $0xA;
	s4 =	simm.s32 $0x10  }
0x92: {  	[smem:s4], [sflag:s15] =	dma.local [hbm:s2], $0x1  }
0x93: {  	_ =	swait.eq [sflag:s15], $0x1  }
0x94: {  	[sflag:s15] =	ssyncset.done $0x0  }
0x95: {  	s16 =	sld [smem:$0x10];
	[sflag:s15] =	ssyncadd.s32 $0xFFFFFFFF  }
0x96: {  	s17 =	sld [smem:$0x11];
	(tm) =	ssettm $0x1  }
0x97: {  	s18 =	sld [smem:$0x3FFB];
	_ =	sdelay $0x3  }
0x98: {  	_ =	strace s18  }
0x99: {  	s4 =	sld [smem:$0x3FFC];
	_ =	sdelay $0x3  }
0x9a: {  	_ =	strace s4  }
0x9b: {  	s4 =	sld [smem:$0x3FFD];
	_ =	sdelay $0x3  }
0x9c: {  	_ =	strace s4  }
0x9d: {  	_ =	strace $0x8FFFFFFF  }
0x9e: {  	s19 =	sld [smem:$0x3FDB];
	_ =	sdelay $0x1  }
0x9f: {  	s5 =	simm.s32 $_scs_section_size  }
0xa0: {  	s6 =	simm.s32 $_size__tile_overlayer_lowered;
	s7 =	simm.s32 $_tile_overlayer_lowered  }
0xa1: {  	s22 =	simm.s32 $0x1BFF;
	s21 =	sshll.u32 s7, $0x1;
	s4 =	sadd.s32 s5, s19  }
0xa2: {  	s8 =	simm.s32 $0x0;
	s20 =	sshll.u32 s6, $0x1;
	s6 =	sadd.s32 s21, s4  }
0xa3: {  	[timem:s8], [sflag:s22] =	dma.local [hbm:s6], s20  }
0xa4: {  	_ =	swait.ge [sflag:s22], s20  }
0xa5: {  	s5 =	ssub.s32 $0x0, s20;
	[sflag:s22] =	ssyncset.done $0x0  }
0xa6: {  	[sflag:s22] =	ssyncadd.s32 s5;
	_ =	sdelay $0x1  }
0xa7: {  	s23 =	simm.s32 $0x1B8B  }
0xa8: {  	_ =	swait.ge [sflag:s23], $0x1  }
0xa9: {  	[sflag:s23] =	ssyncset.done $0x0  }
0xaa: {  	s25 =	simm.s32 $0x1B8E;
	s24 =	sld [smem:$0x3FFE];
	[sflag:s23] =	ssyncadd.s32 $0xFFFFFFFF  }
0xab: {  	s26 =	simm.s32 $execute0_lowered;
	[smem:$0x3FD2] =	sst s25  }
0xac: {  	s6 =	sshll.u32 s26, $0x1;
	_ =	strace $0x80000046;
	[dreg:$0x1] =	wrdreg $0xFFFFFFFF  }
0xad: {  	s28 =	simm.s32 $_size_execute0_lowered;
	s4 =	sadd.s32 s4, s6;
	[dreg:$0x0] =	wrdreg $0x0  }
0xae: {  	s6 =	sshll.u32 s28, $0x1;
	[dreg:$0x2] =	wrdreg s4  }
0xaf: {  	[dreg:$0x3] =	wrdreg s6  }
0xb0: {  	[dreg:$0x4] =	wrdreg $0xC0  }
0xb1: {  	_ =	task [dreg:s8], $0x5FFFF  }
0xb2: {  	[dreg:$0x1] =	wrdreg $0xFFFFFFFF  }
0xb3: {  	[dreg:$0x0] =	wrdreg $0x60  }
0xb4: {  	[dreg:$0x2] =	wrdreg s17  }
0xb5: {  	[dreg:$0x3] =	wrdreg s16  }
0xb6: {  	[dreg:$0x4] =	wrdreg s24  }
0xb7: {  	[dreg:$0x5] =	wrdreg $0x9  }
0xb8: {  	_ =	task.clear_ibuf [dreg:s8], $0x6FFFF;
	_ =	strace $0x90000046  }
0xb9: {  	s29 =	simm.s32 $0x9;
	_ =	strace $0x80000048  }
0xba: {  	_ =	swait.ge [sflag:s29], $0x1  }
0xbb: {  	[sflag:s29] =	ssyncadd.s32 $0xFFFFFFFF  }
0xbc: {  	_ =	strace $0x90000048  }
0xbd: {  	_ =	sfence  }
0xbe: {  	s30 =	sld [smem:$0x0];
	_ =	sdelay $0x2  }
0xbf: {  	s31 =	sshll.u32 s1, $0xD;
	s1 =	sshrl.u32 s1, $0x2  }
0xc0: {  	s3 =	sand.u32 $0x4000, s31;
	s1 =	sadd.s32 s1, s30  }
0xc1: {  	s0 =	sor.u32 s3, s0;
	s1 =	sshll.u32 s1, $0x11  }
0xc2: {  	s0 =	sor.u32 s1, s0  }
0xc3: {  	s0 =	sadd.s32 $0x8F2B, s0  }
0xc4: {  	[sflag:s0] =	ssyncadd.remote.s32 $0x1  }
0xc5: {  	_ =	sfence.sel $0xFFFF  }
0xc6: {  	[dreg:$0x0] =	wrdreg $0xFFFFFFFF;
	(pc) =	sbr.abs _section_cstart, $3  }
0xc7: {  	[dreg:$0x1] =	wrdreg $0xFFFFFFFF  }
0xc8: {  	_ =	task.clear_ibuf [dreg:s8], $0x2FFFF;
	_ =	strace $0x9FFFFFFF  }
0xc9: {  	(tm) =	ssettm $0x7FFFFFFF  }
tec
execute0_lowered:
.L_overlay_start_1:
0x0: {  	(tag) =	ssettag $0x1  }
0x1: {  	v0 =	vimm.s32 $0x76543210;
	v1 =	vimm.s32 $0xFEDCBA98  }
0x2: {  	v2 =	vimm.s32 $0x3210FEDC;
	v3 =	vimm.s32 $0xBA987654;
	v4 =	vimm.s32 $0x10FEDCBA  }
0x3: {  	v5 =	vimm.s32 $0x98765432;
	v6 =	vimm.s32 $0xFEDCBA9;
	v7 =	vimm.s32 $0x87654321  }
0x4: {  	vm0 =	vmmov $0x1;
	vm1 =	vmmov $0x3;
	vm2 =	vmmov $0x7  }
0x5: {  	vm3 =	vmmov $0xf;
	vm4 =	vmmov $0x1f;
	vm5 =	vmmov $0x3f  }
0x6: {  	vm6 =	vmmov $0x7f;
	vm7 =	vmmov $0xff;
	vm8 =	vmmov $0x1ff  }
0x7: {  	s0 =	rddreg [dreg:$0x0];
	vm9 =	vmmov $0x3ff;
	vm10 =	vmmov $0x7ff;
	vm11 =	vmmov $0xfff  }
0x8: {  	s3 =	srdreg.scid;
	s2 =	rddreg [dreg:$0x1];
	v0 =	vunpack.c.l.s4.s8 v0;
	v1 =	vunpack.c.l.s4.s8 v1;
	v2 =	vunpack.c.l.s4.s8 v2  }
0x9: {  	s1 =	stileid.u32;
	s7 =	rddreg [dreg:$0x2];
	v3 =	vunpack.c.l.s4.s8 v3;
	v4 =	vunpack.c.l.s4.s8 v4;
	v5 =	vunpack.c.l.s4.s8 v5  }
0xa: {  	s4 =	simm.s32 $0x0;
	s9 =	simm.s32 $0x1;
	s10 =	simm.s32 $0x4000;
	v6 =	vunpack.c.l.s4.s8 v6;
	v7 =	vunpack.c.l.s4.s8 v7;
	v2 =	vunpack.c.0.s8.s32 v2  }
0xb: {  	s11 =	simm.s32 $0x10000;
	s12 =	simm.s32 $0x10080;
	s6 =	sand.u32 $0x1, s3;
	v3 =	vunpack.c.0.s8.s32 v3;
	v4 =	vunpack.c.0.s8.s32 v4;
	v5 =	vunpack.c.0.s8.s32 v5  }
0xc: {  	s13 =	simm.s32 $0x0;
	s5 =	sshll.u32 s1, $0x8;
	s8 =	sshll.u32 s6, $0x7;
	v1 =	vunpack.c.0.s8.s32 v1;
	v6 =	vunpack.c.0.s8.s32 v6;
	v7 =	vunpack.c.0.s8.s32 v7  }
0xd: {  	vm12 =	vmmov $0x1fff;
	s3 =	rddreg [dreg:$0x3];
	s6 =	ssub.s32 $0x2, s6;
	s5 =	sor.u32 s8, s5;
	v0 =	vunpack.c.0.s8.s32 v0;
	v2 =	vcombine.low v3, v2  }
0xe: {  	[smem:$0x7FF] =	sst s4;
	s31 =	sshrl.u32 s6, $0x1;
	s8 =	sshrl.u32 s5, $0x3;
	v62 =	vcombine.low v5, v4;
	v1 =	vand.u32 $0xF, v1;
	v63 =	vcombine.low v7, v6  }
0xf: {  	vm13 =	vmmov $0x3fff;
	vm14 =	vmmov $0x7fff;
	_ =	strace $0x80000047;
	s7 =	sadd.s32 s8, s7;
	s8 =	ssub.s32 s6, s31;
	v8 =	vcombine.low v1, v0  }
0x10: {  	s6 =	sadd.s32 $0x600, s7;
	s7 =	sadd.s32 $0x800, s7;
	s8 =	smax.u32 s8, $0x1;
	v9 =	vand.u32 $0xF, v2;
	v10 =	vand.u32 $0xF, v62;
	v11 =	vand.u32 $0xF, v63  }
.LBB2_1:
0x11: {  	[tilespmem:s4], [sflag:$0x1] =	stream.linear.gather [hbm4b:s0+s4], $0x4000, $0x38;
	[tilespmem:$0x10100] =	vst v63  }
0x12: {  	_ =	swait.ge [sflag:s9], $0x4000  }
0x13: {  	[sflag:s9] =	ssyncset.done $0x0  }
0x14: {  	s14 =	sand.u32 $0x70, s4;
	s15 =	sand.u32 $0x3E00, s4;
	[sflag:s9] =	ssyncadd.s32 $0xFFFFC000  }
0x15: {  	[tilespmem:s10], [sflag:$0x1] =	stream.linear.gather [hbm4b:s2+s4], $0x4000, $0x38;
	[tilespmem:$0x10100] =	vst v63  }
0x16: {  	s16 =	simm.s32 $0x10;
	s19 =	simm.s32 $0x40;
	_ =	swait.ge [sflag:s9], $0x4000  }
0x17: {  	s20 =	simm.s32 $0x20;
	s18 =	sor.u32 s14, s15;
	[sflag:s9] =	ssyncset.done $0x0  }
0x18: {  	s30 =	sand.u32 $0x70, s16;
	s31 =	sand.u32 $0x3E00, s19;
	[sflag:s9] =	ssyncadd.s32 $0xFFFFC000  }
0x19: {  	s17 =	simm.s32 $0x0;
	s15 =	simm.s32 $0x40;
	s16 =	sor.u32 s30, s31;
	v0 =	vld [tilespmem:s18+$0x80]  }
.LBB2_2:
0x1a: {  	p0 =	sne.s32 s20, $0xFF0  }
0x1b: {  	s19 =	sadd.s32 $0x40, s19;
	v1 =	vld [tilespmem:s18+$0x0];
	s14 =	smov.u32 s20;
	s20 =	sadd.s32 $0x10, s20  }
0x1c: {  	v2 =	vld [tilespmem:s18+$0x100];
	s18 =	smov.u32 s16  }
0x1d: {  	s14 =	sand.u32 $0x70, s14;
	s16 =	sand.u32 $0x3E00, s19  }
0x1e: {  	s16 =	sor.u32 s14, s16  }
0x1f: {  	v3 =	vshrl.u32 v0, $0x10;
	v4 =	vmul.f32 v0, v0  }
0x20: {  	v5 =	vshrl.u32 v1, $0x10;
	v3 =	vand.u32 $0x1, v3;
	v6 =	vmul.f32 v1, v1  }
0x21: {  	v5 =	vand.u32 $0x1, v5;
	v0 =	vadd.s32 v3, v0;
	v3 =	vshrl.u32 v2, $0x10  }
0x22: {  	v7 =	vmul.f32 v2, v2;
	v0 =	vadd.s32 $0x7FFF, v0;
	v3 =	vand.u32 $0x1, v3  }
0x23: {  	v0 =	vand.u32 $0xFFFF0000, v0;
	v2 =	vadd.s32 v3, v2;
	v3 =	vadd.f32 v4, v6  }
0x24: {  	v1 =	vadd.s32 v5, v1;
	v0 =	vadd.f32 v0, v0;
	v2 =	vadd.s32 $0x7FFF, v2  }
0x25: {  	s14 =	sshra.s32 s17, $0x2;
	s17 =	smov.u32 s15;
	s15 =	smov.u32 s19;
	v1 =	vadd.s32 $0x7FFF, v1;
	v2 =	vand.u32 $0xFFFF0000, v2;
	v3 =	vadd.f32 v7, v3  }
.Ltmp0:
0x26: {  	v1 =	vand.u32 $0xFFFF0000, v1;
	[tilespmem:s14+$0x9000] =	vst v0;
	v0 =	vadd.f32 v2, v2;
	(pc) =	sbr.rel @p0 .LBB2_2-.Ltmp0, $4  }
0x27: {  	v1 =	vadd.f32 v1, v1;
	[tilespmem:s14+$0xB000] =	vst v3  }
0x28: {  	[tilespmem:s14+$0xA000] =	vst v0  }
0x29: {  	[tilespmem:s14+$0x8000] =	vst v1  }
0x2a: {  	s14 =	simm.s32 $0x0;
	v0 =	vld [tilespmem:s18+$0x80]  }
0x2b: {  	v1 =	vld [tilespmem:s18+$0x0]  }
0x2c: {  	v2 =	vld [tilespmem:s18+$0x100];
	_ =	sdelay $0x3  }
0x2d: {  	v3 =	vshrl.u32 v0, $0x10;
	v4 =	vmul.f32 v0, v0;
	v5 =	vshrl.u32 v1, $0x10  }
0x2e: {  	v3 =	vand.u32 $0x1, v3;
	v6 =	vmul.f32 v1, v1;
	v7 =	vmul.f32 v2, v2  }
0x2f: {  	v5 =	vand.u32 $0x1, v5;
	v0 =	vadd.s32 v3, v0;
	v3 =	vshrl.u32 v2, $0x10  }
0x30: {  	v0 =	vadd.s32 $0x7FFF, v0;
	v3 =	vand.u32 $0x1, v3;
	v1 =	vadd.s32 v5, v1  }
0x31: {  	v0 =	vand.u32 $0xFFFF0000, v0;
	v2 =	vadd.s32 v3, v2;
	v3 =	vadd.f32 v4, v6  }
0x32: {  	v1 =	vadd.s32 $0x7FFF, v1;
	v0 =	vadd.f32 v0, v0  }
0x33: {  	s17 =	sshra.s32 s17, $0x2;
	v2 =	vadd.s32 $0x7FFF, v2;
	v1 =	vand.u32 $0xFFFF0000, v1;
	v3 =	vadd.f32 v7, v3  }
0x34: {  	v2 =	vand.u32 $0xFFFF0000, v2;
	v1 =	vadd.f32 v1, v1;
	[tilespmem:s17+$0x9000] =	vst v0  }
0x35: {  	v0 =	vadd.f32 v2, v2;
	[tilespmem:s17+$0xB000] =	vst v3  }
0x36: {  	[tilespmem:s17+$0x8000] =	vst v1  }
0x37: {  	[tilespmem:s17+$0xA000] =	vst v0  }
0x38: {  	v0 =	vld [tilespmem:s16+$0x80]  }
0x39: {  	v1 =	vld [tilespmem:s16+$0x0]  }
0x3a: {  	v2 =	vld [tilespmem:s16+$0x100];
	_ =	sdelay $0x3  }
0x3b: {  	v3 =	vshrl.u32 v0, $0x10;
	v62 =	vmul.f32 v0, v0;
	v63 =	vshrl.u32 v1, $0x10  }
0x3c: {  	v6 =	vmul.f32 v1, v1;
	v7 =	vmul.f32 v2, v2;
	v3 =	vand.u32 $0x1, v3  }
0x3d: {  	v5 =	vand.u32 $0x1, v63;
	v0 =	vadd.s32 v3, v0;
	v3 =	vshrl.u32 v2, $0x10  }
0x3e: {  	v1 =	vadd.s32 v5, v1;
	v0 =	vadd.s32 $0x7FFF, v0;
	v3 =	vand.u32 $0x1, v3  }
0x3f: {  	v1 =	vadd.s32 $0x7FFF, v1;
	v0 =	vand.u32 $0xFFFF0000, v0;
	v2 =	vadd.s32 v3, v2  }
0x40: {  	v3 =	vadd.f32 v62, v6;
	v1 =	vand.u32 $0xFFFF0000, v1;
	v0 =	vadd.f32 v0, v0  }
0x41: {  	s15 =	sshra.s32 s15, $0x2;
	v2 =	vadd.s32 $0x7FFF, v2;
	v1 =	vadd.f32 v1, v1  }
0x42: {  	v2 =	vand.u32 $0xFFFF0000, v2;
	v3 =	vadd.f32 v7, v3;
	[tilespmem:s15+$0x9000] =	vst v0  }
0x43: {  	v0 =	vadd.f32 v2, v2;
	[tilespmem:s15+$0x8000] =	vst v1  }
0x44: {  	s29 =	sand.u32 $0x70, s14;
	s30 =	sand.u32 $0x3E00, s14;
	[tilespmem:s15+$0xB000] =	vst v3  }
0x45: {  	s31 =	sor.u32 s29, s30;
	[tilespmem:s15+$0xA000] =	vst v0  }
0x46: {  	v0 =	vld [tilespmem:s31+$0x4000]  }
0x47: {  	v2 =	vld [tilespmem:s31+$0x4080]  }
0x48: {  	s17 =	simm.s32 $0x0;
	s16 =	simm.s32 $0x10;
	s15 =	simm.s32 $0x0;
	v1 =	vld [tilespmem:s31+$0x4100]  }
.LBB2_4:
0x49: {  	p0 =	sne.s32 s16, $0xFF0  }
0x4a: {  	s17 =	sadd.s32 $0x40, s17;
	s18 =	smov.u32 s16;
	s16 =	sadd.s32 $0x10, s16  }
0x4b: {  	v3 =	vshrl.u32 v0, $0x10;
	v4 =	vmul.f32 v0, v0  }
0x4c: {  	s18 =	sand.u32 $0x70, s18;
	s19 =	sand.u32 $0x3E00, s17;
	v3 =	vand.u32 $0x1, v3;
	v5 =	vshrl.u32 v2, $0x10;
	v6 =	vmul.f32 v2, v2  }
0x4d: {  	s18 =	sor.u32 s18, s19;
	v5 =	vand.u32 $0x1, v5;
	v7 =	vshrl.u32 v1, $0x10;
	v12 =	vmul.f32 v1, v1  }
0x4e: {  	v2 =	vadd.s32 v5, v2;
	v5 =	vand.u32 $0x1, v7;
	v4 =	vadd.f32 v6, v4  }
0x4f: {  	v0 =	vadd.s32 v3, v0;
	v2 =	vadd.s32 $0x7FFF, v2;
	v1 =	vadd.s32 v5, v1  }
0x50: {  	v2 =	vand.u32 $0xFFFF0000, v2;
	v1 =	vadd.s32 $0x7FFF, v1;
	v3 =	vadd.f32 v12, v4  }
0x51: {  	s19 =	sshra.s32 s15, $0x2;
	s15 =	smov.u32 s17;
	v0 =	vadd.s32 $0x7FFF, v0;
	v2 =	vadd.f32 v2, v2;
	v1 =	vand.u32 $0xFFFF0000, v1  }
0x52: {  	v0 =	vand.u32 $0xFFFF0000, v0;
	v1 =	vadd.f32 v1, v1;
	[tilespmem:s19+$0xF000] =	vst v3  }
0x53: {  	v0 =	vadd.f32 v0, v0;
	[tilespmem:s19+$0xD000] =	vst v2  }
.Ltmp1:
0x54: {  	[tilespmem:s19+$0xE000] =	vst v1;
	(pc) =	sbr.rel @p0 .LBB2_4-.Ltmp1, $4  }
0x55: {  	[tilespmem:s19+$0xC000] =	vst v0  }
0x56: {  	v0 =	vld [tilespmem:s18+$0x4000]  }
0x57: {  	v2 =	vld [tilespmem:s18+$0x4080]  }
0x58: {  	v1 =	vld [tilespmem:s18+$0x4100]  }
0x59: {  	_ =	sdelay $0x1  }
0x5a: {  	v3 =	vshrl.u32 v0, $0x10;
	v4 =	vmul.f32 v0, v0  }
0x5b: {  	v3 =	vand.u32 $0x1, v3;
	v5 =	vshrl.u32 v2, $0x10;
	v6 =	vmul.f32 v2, v2  }
0x5c: {  	v5 =	vand.u32 $0x1, v5;
	v7 =	vshrl.u32 v1, $0x10;
	v12 =	vmul.f32 v1, v1  }
0x5d: {  	v61 =	vadd.s32 v3, v0;
	v59 =	vadd.s32 v5, v2;
	v4 =	vadd.f32 v6, v4  }
0x5e: {  	v60 =	vand.u32 $0x1, v7;
	v0 =	vadd.s32 $0x7FFF, v61;
	v2 =	vadd.s32 $0x7FFF, v59  }
0x5f: {  	v62 =	vadd.s32 v60, v1;
	v0 =	vand.u32 $0xFFFF0000, v0;
	v63 =	vadd.f32 v12, v4  }
0x60: {  	s15 =	sshra.s32 s15, $0x2;
	v2 =	vand.u32 $0xFFFF0000, v2;
	v1 =	vadd.s32 $0x7FFF, v62;
	v0 =	vadd.f32 v0, v0  }
0x61: {  	v2 =	vadd.f32 v2, v2;
	v1 =	vand.u32 $0xFFFF0000, v1;
	[tilespmem:s15+$0xF000] =	vst v63  }
0x62: {  	v1 =	vadd.f32 v1, v1;
	[tilespmem:s15+$0xC000] =	vst v0  }
0x63: {  	[tilespmem:s15+$0xD000] =	vst v2  }
0x64: {  	[tilespmem:s15+$0xE000] =	vst v1  }
.LBB2_6:
0x65: {  	s15 =	sshll.u32 s14, $0x4  }
0x66: {  	s16 =	sor.u32 s5, s15  }
0x67: {  	v0 =	vld [tilespmem:s16+$0x8000]  }
0x68: {  	v1 =	vld [tilespmem:s16+$0x9000]  }
0x69: {  	v2 =	vld [tilespmem:s16+$0xA000];
	_ =	sdelay $0x3  }
0x6a: {  	v20 =	vmul.f32 $5.000000000e-01, v0  }
0x6b: {  	v21 =	vmul.f32 $5.000000000e-01, v1;
	v22 =	vmul.f32 $5.000000000e-01, v2;
	v0 =	vimm.s32 $0x0  }
0x6c: {  	v37 =	vperm.xlane v20, v0  }
0x6d: {  	v1 =	vimm.s32 $0x5;
	v31 =	vperm.xlane v21, v0;
	v23 =	vperm.xlane v22, v0  }
0x6e: {  	v0 =	vimm.s32 $0x1;
	v42 =	vperm.xlane v20, v1;
	v35 =	vperm.xlane v21, v1  }
0x6f: {  	v3 =	vimm.s32 $0x6;
	v28 =	vperm.xlane v22, v1;
	v38 =	vperm.xlane v20, v0  }
0x70: {  	v32 =	vperm.xlane v21, v0;
	v24 =	vperm.xlane v22, v0;
	v0 =	vimm.s32 $0x2  }
0x71: {  	v43 =	vperm.xlane v20, v3;
	v39 =	vperm.xlane v20, v0  }
0x72: {  	v33 =	vperm.xlane v21, v0;
	v25 =	vperm.xlane v22, v0;
	v0 =	vimm.s32 $0x3  }
0x73: {  	s17 =	simm.s32 $0x0;
	v36 =	vperm.xlane v21, v3;
	v40 =	vperm.xlane v20, v0  }
0x74: {  	v1 =	vld [tilespmem:s17+$0xD000];
	v34 =	vperm.xlane v21, v0;
	v26 =	vperm.xlane v22, v0;
	v0 =	vimm.s32 $0x4  }
0x75: {  	v29 =	vperm.xlane v22, v3;
	v41 =	vperm.xlane v20, v0  }
0x76: {  	v3 =	vimm.s32 $0x7;
	v30 =	vperm.xlane v21, v0;
	v27 =	vperm.xlane v22, v0;
	v0 =	vld [tilespmem:s17+$0xC000]  }
0x77: {  	v45 =	vperm.xlane v21, v3  }
0x78: {  	v46 =	vperm.xlane v20, v3  }
0x79: {  	v2 =	vld [tilespmem:s17+$0xF000];
	v44 =	vperm.xlane v22, v3;
	v12 =	vmul.f32 v1, v45  }
0x7a: {  	v15 =	vmul.f32 v1, v31;
	v16 =	vmul.f32 v1, v32  }
0x7b: {  	v3 =	vmul.f32 v0, v37;
	v4 =	vmul.f32 v0, v46  }
0x7c: {  	v48 =	vimm.f32 $3.000000010e+38;
	v49 =	vld [tilespmem:s17+$0xE000];
	v5 =	vmul.f32 v0, v38;
	v6 =	vmul.f32 v0, v39  }
0x7d: {  	v50 =	vimm.f32 $3.000000010e+38;
	v7 =	vmul.f32 v0, v40;
	v13 =	vmul.f32 v0, v41  }
0x7e: {  	v14 =	vmul.f32 v0, v42;
	v4 =	vsub.f32 v2, v4;
	v3 =	vsub.f32 v2, v3  }
0x7f: {  	v0 =	vmul.f32 v0, v43;
	v5 =	vsub.f32 v2, v5;
	v6 =	vsub.f32 v2, v6  }
0x80: {  	v17 =	vsub.f32 v2, v7;
	v7 =	vmul.f32 v1, v33;
	v18 =	vsub.f32 v2, v14  }
0x81: {  	v0 =	vsub.f32 v2, v0;
	v4 =	vsub.f32 v4, v12;
	v12 =	vmul.f32 v49, v44  }
0x82: {  	v14 =	vsub.f32 v5, v16;
	v7 =	vsub.f32 v6, v7;
	v16 =	vmul.f32 v49, v23  }
0x83: {  	v4 =	vsub.f32 v4, v12;
	v12 =	vsub.f32 v2, v13;
	v13 =	vmul.f32 v1, v34  }
0x84: {  	v2 =	vsub.f32 v3, v15;
	v3 =	vmul.f32 v1, v30;
	v15 =	vmul.f32 v49, v24  }
0x85: {  	v47 =	vmin.f32 v48, v4;
	v4 =	vmul.f32 v1, v35;
	v13 =	vsub.f32 v17, v13  }
0x86: {  	v1 =	vmul.f32 v1, v36;
	v6 =	vsub.f32 v12, v3;
	v51 =	vsub.f32 v2, v16  }
0x87: {  	v16 =	vmul.f32 v49, v25;
	v17 =	vmul.f32 v49, v26;
	v3 =	vimm.f32 $3.000000010e+38  }
0x88: {  	v2 =	vimm.f32 $3.000000010e+38;
	v12 =	vsub.f32 v18, v4;
	v5 =	vsub.f32 v0, v1  }
0x89: {  	s18 =	simm.s32 $0x10;
	s17 =	simm.s32 $0x80;
	v4 =	vimm.f32 $3.000000010e+38;
	v1 =	vimm.f32 $3.000000010e+38;
	v0 =	vimm.f32 $3.000000010e+38  }
.LBB2_7:
0x8a: {  	p0 =	sne.s32 s17, $0x3FC0;
	v18 =	vld [tilespmem:s18+$0xC000];
	v14 =	vsub.f32 v14, v15;
	v15 =	vmul.f32 v49, v27;
	v52 =	vmul.f32 v49, v28  }
0x8b: {  	v53 =	vld [tilespmem:s18+$0xD000];
	v7 =	vsub.f32 v7, v16;
	v13 =	vsub.f32 v13, v17;
	v16 =	vmul.f32 v49, v29  }
0x8c: {  	v48 =	vmin.f32 v48, v51;
	v17 =	vld [tilespmem:s18+$0xF000];
	v6 =	vsub.f32 v6, v15;
	v12 =	vsub.f32 v12, v52  }
0x8d: {  	v3 =	vmin.f32 v3, v14;
	v4 =	vmin.f32 v4, v7;
	v5 =	vsub.f32 v5, v16  }
0x8e: {  	v1 =	vmin.f32 v1, v13;
	v49 =	vld [tilespmem:s18+$0xE000];
	v50 =	vmin.f32 v50, v6;
	v2 =	vmin.f32 v2, v12  }
0x8f: {  	v6 =	vmul.f32 v18, v37;
	v7 =	vmul.f32 v18, v46;
	v0 =	vmin.f32 v0, v5  }
0x90: {  	v5 =	vmul.f32 v18, v38;
	v12 =	vmul.f32 v18, v39  }
0x91: {  	v13 =	vmul.f32 v18, v40;
	v14 =	vmul.f32 v53, v45;
	v7 =	vsub.f32 v17, v7  }
0x92: {  	v15 =	vmul.f32 v18, v41;
	v16 =	vmul.f32 v18, v42;
	v6 =	vsub.f32 v17, v6  }
0x93: {  	v18 =	vmul.f32 v18, v43;
	v7 =	vsub.f32 v7, v14;
	v14 =	vmul.f32 v49, v44  }
0x94: {  	v51 =	vmul.f32 v53, v31;
	v5 =	vsub.f32 v17, v5;
	v12 =	vsub.f32 v17, v12  }
0x95: {  	v52 =	vmul.f32 v53, v32;
	v13 =	vsub.f32 v17, v13;
	v7 =	vsub.f32 v7, v14  }
0x96: {  	v54 =	vmul.f32 v53, v33;
	v15 =	vsub.f32 v17, v15;
	v16 =	vsub.f32 v17, v16  }
0x97: {  	v55 =	vmul.f32 v53, v34;
	v17 =	vsub.f32 v17, v18;
	v47 =	vmin.f32 v47, v7  }
.Ltmp2:
0x98: {  	v18 =	vsub.f32 v6, v51;
	v6 =	vmul.f32 v53, v30;
	v51 =	vmul.f32 v53, v35;
	(pc) =	sbr.rel @p0 .LBB2_7-.Ltmp2, $4  }
0x99: {  	v14 =	vsub.f32 v5, v52;
	v5 =	vmul.f32 v53, v36;
	v7 =	vsub.f32 v12, v54  }
0x9a: {  	v13 =	vsub.f32 v13, v55;
	v52 =	vmul.f32 v49, v23;
	v6 =	vsub.f32 v15, v6  }
0x9b: {  	v15 =	vmul.f32 v49, v24;
	v12 =	vsub.f32 v16, v51;
	v5 =	vsub.f32 v17, v5  }
0x9c: {  	s18 =	sshra.s32 s17, $0x2;
	s17 =	sadd.s32 $0x40, s17;
	v51 =	vsub.f32 v18, v52;
	v16 =	vmul.f32 v49, v25;
	v17 =	vmul.f32 v49, v26  }
0x9d: {  	v18 =	vld [tilespmem:s18+$0xC000]  }
0x9e: {  	v14 =	vsub.f32 v14, v15;
	v15 =	vmul.f32 v49, v27  }
0x9f: {  	v52 =	vmul.f32 v49, v28;
	v7 =	vsub.f32 v7, v16;
	v13 =	vsub.f32 v13, v17  }
0xa0: {  	v53 =	vld [tilespmem:s18+$0xD000];
	v16 =	vmul.f32 v49, v29;
	v48 =	vmin.f32 v48, v51;
	v6 =	vsub.f32 v6, v15  }
0xa1: {  	v17 =	vld [tilespmem:s18+$0xF000];
	v12 =	vsub.f32 v12, v52;
	v3 =	vmin.f32 v3, v14;
	v4 =	vmin.f32 v4, v7  }
0xa2: {  	v5 =	vsub.f32 v5, v16;
	v1 =	vmin.f32 v1, v13;
	v13 =	vmul.f32 v18, v37  }
0xa3: {  	v2 =	vmin.f32 v2, v12;
	v12 =	vmul.f32 v18, v46;
	v14 =	vmul.f32 v18, v38  }
0xa4: {  	v7 =	vld [tilespmem:s18+$0xE000];
	v0 =	vmin.f32 v0, v5;
	v5 =	vmul.f32 v18, v39;
	v15 =	vmul.f32 v18, v40  }
0xa5: {  	v6 =	vmin.f32 v50, v6;
	v16 =	vmul.f32 v53, v45;
	v60 =	vmul.f32 v18, v41  }
0xa6: {  	v61 =	vmul.f32 v18, v42;
	v18 =	vmul.f32 v18, v43;
	v12 =	vsub.f32 v17, v12  }
0xa7: {  	v31 =	vmul.f32 v53, v31;
	v13 =	vsub.f32 v17, v13;
	v14 =	vsub.f32 v17, v14  }
0xa8: {  	v32 =	vmul.f32 v53, v32;
	v5 =	vsub.f32 v17, v5;
	v15 =	vsub.f32 v17, v15  }
0xa9: {  	v62 =	vsub.f32 v17, v60;
	v12 =	vsub.f32 v12, v16;
	v16 =	vmul.f32 v7, v44  }
0xaa: {  	v34 =	vmul.f32 v53, v34;
	v63 =	vsub.f32 v17, v61;
	v17 =	vsub.f32 v17, v18  }
0xab: {  	v18 =	vmul.f32 v53, v30;
	v12 =	vsub.f32 v12, v16;
	v16 =	vmul.f32 v53, v33  }
0xac: {  	v23 =	vmul.f32 v7, v23;
	v24 =	vmul.f32 v7, v24;
	v13 =	vsub.f32 v13, v31  }
0xad: {  	v14 =	vsub.f32 v14, v32;
	v5 =	vsub.f32 v5, v16;
	v16 =	vmul.f32 v53, v36  }
0xae: {  	v30 =	vmul.f32 v53, v35;
	v15 =	vsub.f32 v15, v34;
	v13 =	vsub.f32 v13, v23  }
0xaf: {  	v14 =	vsub.f32 v14, v24;
	v16 =	vsub.f32 v17, v16;
	v17 =	vmul.f32 v7, v25  }
0xb0: {  	v18 =	vsub.f32 v62, v18;
	v23 =	vmul.f32 v7, v26;
	v13 =	vmin.f32 v48, v13  }
0xb1: {  	v3 =	vmin.f32 v3, v14;
	v14 =	vperm.xlane v13, v8;
	v5 =	vsub.f32 v5, v17  }
0xb2: {  	v24 =	vmul.f32 v7, v27;
	v15 =	vsub.f32 v15, v23;
	v25 =	vmul.f32 v7, v28  }
0xb3: {  	v13 =	vmin.f32 v13, v14;
	v4 =	vmin.f32 v4, v5;
	v5 =	vperm.xlane v3, v8  }
0xb4: {  	v1 =	vmin.f32 v1, v15;
	v17 =	vsub.f32 v18, v24;
	v15 =	vperm.xlane v13, v9  }
0xb5: {  	v7 =	vmul.f32 v7, v29;
	v14 =	vperm.xlane v4, v8;
	v3 =	vmin.f32 v3, v5  }
0xb6: {  	v13 =	vmin.f32 v13, v15;
	v5 =	vmin.f32 v6, v17;
	v6 =	vperm.xlane v3, v9  }
0xb7: {  	v7 =	vsub.f32 v16, v7;
	v15 =	vperm.xlane v13, v10;
	v4 =	vmin.f32 v4, v14  }
0xb8: {  	v14 =	vperm.xlane v4, v9;
	v3 =	vmin.f32 v3, v6;
	v6 =	vperm.xlane v1, v8  }
0xb9: {  	v0 =	vmin.f32 v0, v7;
	v23 =	vmin.f32 v13, v15;
	v7 =	vperm.xlane v3, v10  }
0xba: {  	v4 =	vmin.f32 v4, v14;
	v1 =	vmin.f32 v1, v6;
	v6 =	vperm.xlane v23, v11  }
0xbb: {  	v30 =	vsub.f32 v63, v30;
	v13 =	vperm.xlane v4, v10;
	v26 =	vmin.f32 v3, v7  }
0xbc: {  	[tilespmem:$0x1FFC0] =	vst v6;
	v6 =	vperm.xlane v26, v11  }
0xbd: {  	v18 =	vsub.f32 v30, v25;
	v24 =	vmin.f32 v4, v13  }
0xbe: {  	v4 =	vperm.xlane v5, v8;
	[tilespmem:$0x1FFD0] =	vst v6;
	v6 =	vperm.xlane v24, v11  }
0xbf: {  	v12 =	vmin.f32 v47, v12;
	v2 =	vmin.f32 v2, v18;
	v3 =	vperm.xlane v1, v9  }
0xc0: {  	v4 =	vmin.f32 v5, v4;
	v5 =	vperm.xlane v0, v8;
	[tilespmem:$0x1FFE0] =	vst v6;
	v6 =	vperm.xlane v12, v8  }
0xc1: {  	v1 =	vmin.f32 v1, v3;
	v3 =	vperm.xlane v2, v8;
	v13 =	vperm.xlane v4, v9  }
0xc2: {  	v7 =	vperm.xlane v1, v10;
	v0 =	vmin.f32 v0, v5;
	v5 =	vmin.f32 v12, v6  }
0xc3: {  	v2 =	vmin.f32 v2, v3;
	v4 =	vmin.f32 v4, v13;
	v12 =	vperm.xlane v5, v9  }
0xc4: {  	v33 =	vmin.f32 v1, v7;
	v6 =	vperm.xlane v0, v9;
	v1 =	vperm.xlane v4, v10  }
0xc5: {  	v3 =	vperm.xlane v2, v9;
	v5 =	vmin.f32 v5, v12  }
0xc6: {  	v0 =	vmin.f32 v0, v6;
	v34 =	vmin.f32 v4, v1;
	v4 =	vperm.xlane v5, v10  }
0xc7: {  	v2 =	vmin.f32 v2, v3;
	v1 =	vperm.xlane v0, v10  }
0xc8: {  	v3 =	vperm.xlane v2, v10;
	v28 =	vmin.f32 v5, v4  }
0xc9: {  	v31 =	vmin.f32 v0, v1;
	v0 =	vperm.xlane v28, v11  }
0xca: {  	v38 =	vperm.xlane v33, v11;
	v35 =	vmin.f32 v2, v3;
	v3 =	vimm.s32 $0xE  }
0xcb: {  	v37 =	vperm.xlane v34, v11;
	v59 =	vperm.xlane v20, v3;
	[tilespmem:$0x1FFF0] =	vst v0;
	v0 =	vimm.s32 $0x8  }
0xcc: {  	v52 =	vperm.xlane v21, v3;
	v1 =	vimm.s32 $0xD;
	v53 =	vperm.xlane v20, v0  }
0xcd: {  	v49 =	vperm.xlane v21, v0;
	v39 =	vperm.xlane v22, v0;
	v0 =	vimm.s32 $0x9  }
0xce: {  	v58 =	vperm.xlane v20, v1;
	v54 =	vperm.xlane v20, v0  }
0xcf: {  	v46 =	vperm.xlane v21, v0;
	v40 =	vperm.xlane v22, v0;
	v0 =	vimm.s32 $0xA  }
0xd0: {  	v51 =	vperm.xlane v21, v1;
	v55 =	vperm.xlane v20, v0  }
0xd1: {  	v47 =	vperm.xlane v21, v0;
	v41 =	vperm.xlane v22, v0;
	v0 =	vimm.s32 $0xB  }
0xd2: {  	s17 =	simm.s32 $0x0;
	v44 =	vperm.xlane v22, v1;
	v56 =	vperm.xlane v20, v0  }
0xd3: {  	v1 =	vld [tilespmem:s17+$0xD000];
	v48 =	vperm.xlane v21, v0;
	v42 =	vperm.xlane v22, v0;
	v0 =	vimm.s32 $0xC  }
0xd4: {  	v45 =	vperm.xlane v22, v3;
	v57 =	vperm.xlane v20, v0  }
0xd5: {  	v3 =	vimm.s32 $0xF;
	v50 =	vperm.xlane v21, v0;
	v43 =	vperm.xlane v22, v0;
	v0 =	vld [tilespmem:s17+$0xC000]  }
0xd6: {  	v36 =	vperm.xlane v35, v11;
	v60 =	vperm.xlane v20, v3  }
0xd7: {  	v32 =	vperm.xlane v31, v11;
	v21 =	vperm.xlane v21, v3  }
0xd8: {  	v2 =	vld [tilespmem:s17+$0xF000];
	v15 =	vmul.f32 v1, v49;
	v16 =	vmul.f32 v1, v46  }
0xd9: {  	v20 =	vperm.xlane v22, v3;
	v12 =	vmul.f32 v1, v21  }
0xda: {  	v3 =	vmul.f32 v0, v53;
	v4 =	vmul.f32 v0, v60  }
0xdb: {  	v61 =	vimm.f32 $3.000000010e+38;
	v62 =	vld [tilespmem:s17+$0xE000];
	v5 =	vmul.f32 v0, v54;
	v6 =	vmul.f32 v0, v55  }
0xdc: {  	v63 =	vimm.f32 $3.000000010e+38;
	v7 =	vmul.f32 v0, v56;
	v13 =	vmul.f32 v0, v57  }
0xdd: {  	v14 =	vmul.f32 v0, v58;
	v4 =	vsub.f32 v2, v4;
	v3 =	vsub.f32 v2, v3  }
0xde: {  	v0 =	vmul.f32 v0, v59;
	v5 =	vsub.f32 v2, v5;
	v6 =	vsub.f32 v2, v6  }
0xdf: {  	v17 =	vsub.f32 v2, v7;
	v7 =	vmul.f32 v1, v47;
	v18 =	vsub.f32 v2, v14  }
0xe0: {  	v0 =	vsub.f32 v2, v0;
	v4 =	vsub.f32 v4, v12;
	v12 =	vmul.f32 v62, v20  }
0xe1: {  	v14 =	vsub.f32 v5, v16;
	v7 =	vsub.f32 v6, v7;
	v16 =	vmul.f32 v62, v40  }
0xe2: {  	v4 =	vsub.f32 v4, v12;
	v12 =	vsub.f32 v2, v13;
	v13 =	vmul.f32 v1, v48  }
0xe3: {  	v2 =	vsub.f32 v3, v15;
	v3 =	vmul.f32 v1, v50;
	v15 =	vmul.f32 v62, v39  }
0xe4: {  	v22 =	vmin.f32 v61, v4;
	v4 =	vmul.f32 v1, v51;
	v13 =	vsub.f32 v17, v13  }
0xe5: {  	v1 =	vmul.f32 v1, v52;
	v6 =	vsub.f32 v12, v3;
	v15 =	vsub.f32 v2, v15  }
0xe6: {  	v17 =	vmul.f32 v62, v42;
	v3 =	vimm.f32 $3.000000010e+38;
	v2 =	vimm.f32 $3.000000010e+38  }
0xe7: {  	v12 =	vsub.f32 v18, v4;
	v5 =	vsub.f32 v0, v1;
	v18 =	vmul.f32 v62, v41  }
0xe8: {  	s18 =	simm.s32 $0x10;
	s17 =	simm.s32 $0x80;
	v4 =	vimm.f32 $3.000000010e+38;
	v1 =	vimm.f32 $3.000000010e+38;
	v0 =	vimm.f32 $3.000000010e+38  }
.LBB2_9:
0xe9: {  	p0 =	sne.s32 s17, $0x3FC0;
	v19 =	vld [tilespmem:s18+$0xC000];
	v14 =	vsub.f32 v14, v16;
	v16 =	vmul.f32 v62, v43;
	v25 =	vmul.f32 v62, v44  }
0xea: {  	v27 =	vld [tilespmem:s18+$0xD000];
	v7 =	vsub.f32 v7, v18;
	v13 =	vsub.f32 v13, v17;
	v17 =	vmul.f32 v62, v45  }
0xeb: {  	v61 =	vmin.f32 v61, v15;
	v18 =	vld [tilespmem:s18+$0xF000];
	v6 =	vsub.f32 v6, v16;
	v12 =	vsub.f32 v12, v25  }
0xec: {  	v4 =	vmin.f32 v4, v14;
	v3 =	vmin.f32 v3, v7;
	v5 =	vsub.f32 v5, v17  }
0xed: {  	v63 =	vmin.f32 v63, v13;
	v62 =	vld [tilespmem:s18+$0xE000];
	v1 =	vmin.f32 v1, v6;
	v2 =	vmin.f32 v2, v12  }
0xee: {  	v6 =	vmul.f32 v19, v53;
	v7 =	vmul.f32 v19, v60;
	v0 =	vmin.f32 v0, v5  }
0xef: {  	v5 =	vmul.f32 v19, v54;
	v12 =	vmul.f32 v19, v55  }
0xf0: {  	v13 =	vmul.f32 v19, v56;
	v14 =	vmul.f32 v27, v21;
	v7 =	vsub.f32 v18, v7  }
0xf1: {  	v15 =	vmul.f32 v19, v57;
	v16 =	vmul.f32 v19, v58;
	v6 =	vsub.f32 v18, v6  }
0xf2: {  	v17 =	vmul.f32 v19, v59;
	v7 =	vsub.f32 v7, v14;
	v14 =	vmul.f32 v62, v20  }
0xf3: {  	v19 =	vmul.f32 v27, v49;
	v5 =	vsub.f32 v18, v5;
	v12 =	vsub.f32 v18, v12  }
0xf4: {  	v25 =	vmul.f32 v27, v46;
	v13 =	vsub.f32 v18, v13;
	v7 =	vsub.f32 v7, v14  }
0xf5: {  	v29 =	vmul.f32 v27, v47;
	v15 =	vsub.f32 v18, v15;
	v30 =	vsub.f32 v18, v16  }
0xf6: {  	v16 =	vmul.f32 v27, v48;
	v17 =	vsub.f32 v18, v17;
	v22 =	vmin.f32 v22, v7  }
.Ltmp3:
0xf7: {  	v18 =	vsub.f32 v6, v19;
	v6 =	vmul.f32 v27, v50;
	v19 =	vmul.f32 v27, v51;
	(pc) =	sbr.rel @p0 .LBB2_9-.Ltmp3, $4  }
0xf8: {  	v14 =	vsub.f32 v5, v25;
	v5 =	vmul.f32 v27, v52;
	v7 =	vsub.f32 v12, v29  }
0xf9: {  	v13 =	vsub.f32 v13, v16;
	v25 =	vmul.f32 v62, v39;
	v6 =	vsub.f32 v15, v6  }
0xfa: {  	v16 =	vmul.f32 v62, v40;
	v12 =	vsub.f32 v30, v19;
	v5 =	vsub.f32 v17, v5  }
0xfb: {  	s18 =	sshra.s32 s17, $0x2;
	s17 =	sadd.s32 $0x40, s17;
	v15 =	vsub.f32 v18, v25;
	v18 =	vmul.f32 v62, v41;
	v17 =	vmul.f32 v62, v42  }
0xfc: {  	v19 =	vld [tilespmem:s18+$0xC000];
	v14 =	vsub.f32 v14, v16  }
0xfd: {  	v25 =	vld [tilespmem:s18+$0xD000];
	v29 =	vmul.f32 v62, v43;
	v30 =	vmul.f32 v62, v44;
	v33 =	vmin.f32 v33, v38  }
0xfe: {  	v34 =	vmin.f32 v34, v37;
	v37 =	vmin.f32 v35, v36;
	v7 =	vsub.f32 v7, v18  }
0xff: {  	v13 =	vsub.f32 v13, v17;
	v15 =	vmin.f32 v61, v15;
	v6 =	vsub.f32 v6, v29  }
0x100: {  	v17 =	vld [tilespmem:s18+$0xE000];
	v12 =	vsub.f32 v12, v30;
	v4 =	vmin.f32 v4, v14;
	v29 =	vmul.f32 v62, v45  }
0x101: {  	v27 =	vld [tilespmem:s18+$0xF000];
	v3 =	vmin.f32 v3, v7;
	v13 =	vmin.f32 v63, v13;
	v61 =	vmul.f32 v19, v60  }
0x102: {  	v5 =	vsub.f32 v5, v29;
	v30 =	vmul.f32 v25, v21;
	v60 =	vmul.f32 v19, v53  }
0x103: {  	v1 =	vmin.f32 v1, v6;
	v62 =	vmul.f32 v19, v56;
	v63 =	vmul.f32 v19, v57  }
0x104: {  	v2 =	vmin.f32 v2, v12;
	v29 =	vmul.f32 v19, v58;
	v46 =	vmul.f32 v25, v46  }
0x105: {  	v53 =	vmul.f32 v25, v48;
	v0 =	vmin.f32 v0, v5;
	v56 =	vmul.f32 v17, v39  }
0x106: {  	v57 =	vmul.f32 v17, v40;
	v58 =	vmul.f32 v17, v41;
	v7 =	vsub.f32 v27, v61  }
0x107: {  	v40 =	vmin.f32 v31, v32;
	v5 =	vsub.f32 v27, v60;
	v14 =	vsub.f32 v27, v62  }
0x108: {  	v61 =	vmul.f32 v19, v54;
	v16 =	vsub.f32 v27, v63;
	v18 =	vsub.f32 v27, v29  }
0x109: {  	v54 =	vmul.f32 v25, v50;
	v60 =	vmul.f32 v17, v43;
	v6 =	vsub.f32 v7, v30  }
0x10a: {  	v7 =	vmul.f32 v17, v20;
	v12 =	vsub.f32 v27, v61;
	v30 =	vmul.f32 v25, v49  }
0x10b: {  	v49 =	vmul.f32 v25, v47;
	v14 =	vsub.f32 v14, v53;
	v16 =	vsub.f32 v16, v54  }
0x10c: {  	v61 =	vmul.f32 v17, v44;
	v6 =	vsub.f32 v6, v7;
	v7 =	vmul.f32 v19, v55  }
0x10d: {  	v19 =	vmul.f32 v19, v59;
	v5 =	vsub.f32 v5, v30;
	v55 =	vmul.f32 v25, v51  }
0x10e: {  	v29 =	vld [tilespmem:$0x1FFE0];
	v12 =	vsub.f32 v12, v46;
	v25 =	vmul.f32 v25, v52;
	v59 =	vmul.f32 v17, v42  }
0x10f: {  	v43 =	vld [tilespmem:$0x1FFF0];
	v17 =	vmul.f32 v17, v45;
	v62 =	vsub.f32 v16, v60;
	v19 =	vsub.f32 v27, v19  }
0x110: {  	v7 =	vsub.f32 v27, v7;
	v6 =	vmin.f32 v22, v6;
	v18 =	vsub.f32 v18, v55;
	v27 =	vld [tilespmem:$0x1FFD0]  }
0x111: {  	v5 =	vsub.f32 v5, v56;
	v1 =	vmin.f32 v1, v62;
	v19 =	vsub.f32 v19, v25;
	v25 =	vld [tilespmem:$0x1FFC0]  }
0x112: {  	v12 =	vsub.f32 v12, v57;
	v14 =	vsub.f32 v14, v59;
	v50 =	vperm.xlane v1, v8  }
0x113: {  	v7 =	vsub.f32 v7, v49;
	v5 =	vmin.f32 v15, v5;
	v63 =	vsub.f32 v18, v61  }
0x114: {  	v4 =	vmin.f32 v4, v12;
	v12 =	vmin.f32 v24, v29;
	v30 =	vperm.xlane v5, v8  }
0x115: {  	v13 =	vmin.f32 v13, v14;
	v15 =	vmin.f32 v28, v43;
	v7 =	vsub.f32 v7, v58  }
0x116: {  	v20 =	vmin.f32 v26, v27;
	v5 =	vmin.f32 v5, v30;
	v18 =	vmin.f32 v23, v25  }
0x117: {  	v3 =	vmin.f32 v3, v7;
	v7 =	vsel vm0, v18, v20;
	v18 =	vperm.xlane v5, v9  }
0x118: {  	v38 =	vperm.xlane v4, v8;
	v45 =	vperm.xlane v13, v8;
	v1 =	vmin.f32 v1, v50  }
0x119: {  	v17 =	vsub.f32 v19, v17;
	v2 =	vmin.f32 v2, v63;
	v5 =	vmin.f32 v5, v18  }
0x11a: {  	v52 =	vperm.xlane v1, v9;
	v7 =	vsel vm1, v7, v12;
	v39 =	vperm.xlane v5, v10  }
0x11b: {  	v4 =	vmin.f32 v4, v38;
	v53 =	vperm.xlane v2, v8;
	v7 =	vsel vm2, v7, v33  }
0x11c: {  	v41 =	vperm.xlane v4, v9;
	v7 =	vsel vm3, v7, v34;
	v5 =	vmin.f32 v5, v39  }
0x11d: {  	v12 =	vmin.f32 v13, v45;
	v7 =	vsel vm4, v7, v37;
	v44 =	vperm.xlane v5, v11  }
0x11e: {  	v42 =	vperm.xlane v3, v8;
	v13 =	vperm.xlane v12, v9;
	v7 =	vsel vm5, v7, v40  }
0x11f: {  	v0 =	vmin.f32 v0, v17;
	v7 =	vsel vm6, v7, v15;
	v5 =	vmin.f32 v5, v44  }
0x120: {  	v3 =	vmin.f32 v3, v42;
	v5 =	vsel vm7, v7, v5;
	v7 =	vmin.f32 v12, v13  }
0x121: {  	v4 =	vmin.f32 v4, v41;
	v47 =	vperm.xlane v3, v9;
	v12 =	vperm.xlane v7, v10  }
0x122: {  	v1 =	vmin.f32 v1, v52;
	v55 =	vperm.xlane v0, v8;
	v46 =	vperm.xlane v4, v10  }
0x123: {  	v2 =	vmin.f32 v2, v53;
	v3 =	vmin.f32 v3, v47;
	v51 =	vmin.f32 v7, v12  }
0x124: {  	v4 =	vmin.f32 v4, v46;
	v48 =	vperm.xlane v3, v10;
	v7 =	vperm.xlane v51, v11  }
0x125: {  	v56 =	vperm.xlane v2, v9;
	v0 =	vmin.f32 v0, v55;
	v14 =	vperm.xlane v4, v11  }
0x126: {  	v3 =	vmin.f32 v3, v48;
	v54 =	vmin.f32 v51, v7;
	v7 =	vperm.xlane v6, v8  }
0x127: {  	v2 =	vmin.f32 v2, v56;
	v4 =	vmin.f32 v4, v14;
	v49 =	vperm.xlane v3, v11  }
0x128: {  	v4 =	vsel vm8, v5, v4;
	v6 =	vmin.f32 v6, v7;
	v7 =	vperm.xlane v0, v9  }
0x129: {  	v3 =	vmin.f32 v3, v49;
	v12 =	vperm.xlane v1, v10;
	v57 =	vperm.xlane v6, v9  }
0x12a: {  	v3 =	vsel vm9, v4, v3;
	v0 =	vmin.f32 v0, v7;
	v7 =	vperm.xlane v2, v10  }
0x12b: {  	v1 =	vmin.f32 v1, v12;
	v58 =	vmin.f32 v6, v57;
	v59 =	vperm.xlane v0, v10  }
0x12c: {  	v12 =	vperm.xlane v1, v11;
	v2 =	vmin.f32 v2, v7;
	v6 =	vperm.xlane v58, v10  }
0x12d: {  	v3 =	vsel vm10, v3, v54;
	v0 =	vmin.f32 v0, v59;
	v60 =	vperm.xlane v2, v11  }
0x12e: {  	v1 =	vmin.f32 v1, v12;
	v61 =	vperm.xlane v0, v11;
	v4 =	vmin.f32 v58, v6;
	v6 =	vld [tilespmem:s16+$0xB000]  }
0x12f: {  	v1 =	vsel vm11, v3, v1;
	v2 =	vmin.f32 v2, v60;
	v62 =	vperm.xlane v4, v11  }
0x130: {  	s14 =	sadd.s32 $0x1, s14;
	v1 =	vsel vm12, v1, v2;
	v0 =	vmin.f32 v0, v61  }
0x131: {  	p0 =	sne.s32 s14, $0x8;
	v0 =	vsel vm13, v1, v0;
	v63 =	vmin.f32 v4, v62  }
.Ltmp4:
0x132: {  	v0 =	vsel vm14, v0, v63;
	(pc) =	sbr.rel @p0 .LBB2_6-.Ltmp4, $3  }
0x133: {  	v0 =	vadd.f32 v0, v6;
	_ =	sdelay $0x1  }
0x134: {  	v0 =	vmax.f32 v0, $0.0e+00  }
0x135: {  	[tilespmem:s15+$0x10000] =	vst v0  }
0x136: {  	s14 =	simm.s32 $0x0  }
0x137: {  	[hbm4b:s6+s14] =	stream.linear.scatter [tilespmem:s11], [sflag:$0x1], $0x80, $0x38;
	[tilespmem:$0x10100] =	vst v63  }
0x138: {  	_ =	swait.ge [sflag:s9], $0x80  }
0x139: {  	[sflag:s9] =	ssyncset.done $0x0  }
0x13a: {  	[sflag:s9] =	ssyncadd.s32 $0xFFFFFF80  }
.LBB2_12:
0x13b: {  	s15 =	sshll.u32 s14, $0x4  }
0x13c: {  	s16 =	sor.u32 s5, s15  }
0x13d: {  	v0 =	vld [tilespmem:s16+$0xC000]  }
0x13e: {  	v1 =	vld [tilespmem:s16+$0xD000]  }
0x13f: {  	v2 =	vld [tilespmem:s16+$0xE000];
	_ =	sdelay $0x3  }
0x140: {  	v20 =	vmul.f32 $5.000000000e-01, v0  }
0x141: {  	v21 =	vmul.f32 $5.000000000e-01, v1;
	v22 =	vmul.f32 $5.000000000e-01, v2;
	v0 =	vimm.s32 $0x0  }
0x142: {  	v37 =	vperm.xlane v20, v0  }
0x143: {  	v1 =	vimm.s32 $0x5;
	v31 =	vperm.xlane v21, v0;
	v23 =	vperm.xlane v22, v0  }
0x144: {  	v0 =	vimm.s32 $0x1;
	v42 =	vperm.xlane v20, v1;
	v35 =	vperm.xlane v21, v1  }
0x145: {  	v3 =	vimm.s32 $0x6;
	v28 =	vperm.xlane v22, v1;
	v38 =	vperm.xlane v20, v0  }
0x146: {  	v32 =	vperm.xlane v21, v0;
	v24 =	vperm.xlane v22, v0;
	v0 =	vimm.s32 $0x2  }
0x147: {  	v43 =	vperm.xlane v20, v3;
	v39 =	vperm.xlane v20, v0  }
0x148: {  	v33 =	vperm.xlane v21, v0;
	v25 =	vperm.xlane v22, v0;
	v0 =	vimm.s32 $0x3  }
0x149: {  	s17 =	simm.s32 $0x0;
	v36 =	vperm.xlane v21, v3;
	v40 =	vperm.xlane v20, v0  }
0x14a: {  	v1 =	vld [tilespmem:s17+$0x9000];
	v34 =	vperm.xlane v21, v0;
	v26 =	vperm.xlane v22, v0;
	v0 =	vimm.s32 $0x4  }
0x14b: {  	v29 =	vperm.xlane v22, v3;
	v41 =	vperm.xlane v20, v0  }
0x14c: {  	v3 =	vimm.s32 $0x7;
	v30 =	vperm.xlane v21, v0;
	v27 =	vperm.xlane v22, v0;
	v0 =	vld [tilespmem:s17+$0x8000]  }
0x14d: {  	v45 =	vperm.xlane v21, v3  }
0x14e: {  	v46 =	vperm.xlane v20, v3  }
0x14f: {  	v2 =	vld [tilespmem:s17+$0xB000];
	v44 =	vperm.xlane v22, v3;
	v12 =	vmul.f32 v1, v45  }
0x150: {  	v15 =	vmul.f32 v1, v31;
	v16 =	vmul.f32 v1, v32  }
0x151: {  	v3 =	vmul.f32 v0, v37;
	v4 =	vmul.f32 v0, v46  }
0x152: {  	v48 =	vimm.f32 $3.000000010e+38;
	v49 =	vld [tilespmem:s17+$0xA000];
	v5 =	vmul.f32 v0, v38;
	v6 =	vmul.f32 v0, v39  }
0x153: {  	v50 =	vimm.f32 $3.000000010e+38;
	v7 =	vmul.f32 v0, v40;
	v13 =	vmul.f32 v0, v41  }
0x154: {  	v14 =	vmul.f32 v0, v42;
	v4 =	vsub.f32 v2, v4;
	v3 =	vsub.f32 v2, v3  }
0x155: {  	v0 =	vmul.f32 v0, v43;
	v5 =	vsub.f32 v2, v5;
	v6 =	vsub.f32 v2, v6  }
0x156: {  	v17 =	vsub.f32 v2, v7;
	v7 =	vmul.f32 v1, v33;
	v18 =	vsub.f32 v2, v14  }
0x157: {  	v0 =	vsub.f32 v2, v0;
	v4 =	vsub.f32 v4, v12;
	v12 =	vmul.f32 v49, v44  }
0x158: {  	v14 =	vsub.f32 v5, v16;
	v7 =	vsub.f32 v6, v7;
	v16 =	vmul.f32 v49, v24  }
0x159: {  	v4 =	vsub.f32 v4, v12;
	v12 =	vsub.f32 v2, v13;
	v13 =	vmul.f32 v1, v34  }
0x15a: {  	v2 =	vsub.f32 v3, v15;
	v3 =	vmul.f32 v1, v30;
	v15 =	vmul.f32 v49, v23  }
0x15b: {  	v47 =	vmin.f32 v48, v4;
	v4 =	vmul.f32 v1, v35;
	v13 =	vsub.f32 v17, v13  }
0x15c: {  	v1 =	vmul.f32 v1, v36;
	v6 =	vsub.f32 v12, v3;
	v15 =	vsub.f32 v2, v15  }
0x15d: {  	v17 =	vmul.f32 v49, v25;
	v3 =	vimm.f32 $3.000000010e+38;
	v2 =	vimm.f32 $3.000000010e+38  }
0x15e: {  	v12 =	vsub.f32 v18, v4;
	v5 =	vsub.f32 v0, v1;
	v18 =	vmul.f32 v49, v26  }
0x15f: {  	s18 =	simm.s32 $0x10;
	s17 =	simm.s32 $0x80;
	v4 =	vimm.f32 $3.000000010e+38;
	v1 =	vimm.f32 $3.000000010e+38;
	v0 =	vimm.f32 $3.000000010e+38  }
.LBB2_13:
0x160: {  	p0 =	sne.s32 s17, $0x3FC0;
	v19 =	vld [tilespmem:s18+$0x8000];
	v14 =	vsub.f32 v14, v16;
	v16 =	vmul.f32 v49, v27;
	v51 =	vmul.f32 v49, v28  }
0x161: {  	v52 =	vld [tilespmem:s18+$0x9000];
	v7 =	vsub.f32 v7, v17;
	v13 =	vsub.f32 v13, v18;
	v17 =	vmul.f32 v49, v29  }
0x162: {  	v48 =	vmin.f32 v48, v15;
	v18 =	vld [tilespmem:s18+$0xB000];
	v6 =	vsub.f32 v6, v16;
	v12 =	vsub.f32 v12, v51  }
0x163: {  	v3 =	vmin.f32 v3, v14;
	v4 =	vmin.f32 v4, v7;
	v5 =	vsub.f32 v5, v17  }
0x164: {  	v1 =	vmin.f32 v1, v13;
	v49 =	vld [tilespmem:s18+$0xA000];
	v50 =	vmin.f32 v50, v6;
	v2 =	vmin.f32 v2, v12  }
0x165: {  	v6 =	vmul.f32 v19, v37;
	v7 =	vmul.f32 v19, v46;
	v0 =	vmin.f32 v0, v5  }
0x166: {  	v5 =	vmul.f32 v19, v38;
	v12 =	vmul.f32 v19, v39  }
0x167: {  	v13 =	vmul.f32 v19, v40;
	v14 =	vmul.f32 v52, v45;
	v7 =	vsub.f32 v18, v7  }
0x168: {  	v15 =	vmul.f32 v19, v41;
	v16 =	vmul.f32 v19, v42;
	v6 =	vsub.f32 v18, v6  }
0x169: {  	v17 =	vmul.f32 v19, v43;
	v7 =	vsub.f32 v7, v14;
	v14 =	vmul.f32 v49, v44  }
0x16a: {  	v19 =	vmul.f32 v52, v31;
	v5 =	vsub.f32 v18, v5;
	v12 =	vsub.f32 v18, v12  }
0x16b: {  	v51 =	vmul.f32 v52, v32;
	v13 =	vsub.f32 v18, v13;
	v7 =	vsub.f32 v7, v14  }
0x16c: {  	v53 =	vmul.f32 v52, v33;
	v15 =	vsub.f32 v18, v15;
	v54 =	vsub.f32 v18, v16  }
0x16d: {  	v16 =	vmul.f32 v52, v34;
	v17 =	vsub.f32 v18, v17;
	v47 =	vmin.f32 v47, v7  }
.Ltmp5:
0x16e: {  	v18 =	vsub.f32 v6, v19;
	v6 =	vmul.f32 v52, v30;
	v19 =	vmul.f32 v52, v35;
	(pc) =	sbr.rel @p0 .LBB2_13-.Ltmp5, $4  }
0x16f: {  	v14 =	vsub.f32 v5, v51;
	v5 =	vmul.f32 v52, v36;
	v7 =	vsub.f32 v12, v53  }
0x170: {  	v13 =	vsub.f32 v13, v16;
	v51 =	vmul.f32 v49, v23;
	v6 =	vsub.f32 v15, v6  }
0x171: {  	v16 =	vmul.f32 v49, v24;
	v12 =	vsub.f32 v54, v19;
	v5 =	vsub.f32 v17, v5  }
0x172: {  	s18 =	sshra.s32 s17, $0x2;
	s17 =	sadd.s32 $0x40, s17;
	v15 =	vsub.f32 v18, v51;
	v17 =	vmul.f32 v49, v25;
	v18 =	vmul.f32 v49, v26  }
0x173: {  	v19 =	vld [tilespmem:s18+$0x8000]  }
0x174: {  	v14 =	vsub.f32 v14, v16;
	v51 =	vmul.f32 v49, v28  }
0x175: {  	v52 =	vld [tilespmem:s18+$0x9000];
	v7 =	vsub.f32 v7, v17;
	v13 =	vsub.f32 v13, v18;
	v17 =	vmul.f32 v49, v29  }
0x176: {  	v16 =	vmul.f32 v49, v27;
	v12 =	vsub.f32 v12, v51  }
0x177: {  	v18 =	vld [tilespmem:s18+$0xB000];
	v3 =	vmin.f32 v3, v14;
	v5 =	vsub.f32 v5, v17;
	v1 =	vmin.f32 v1, v13  }
0x178: {  	v2 =	vmin.f32 v2, v12;
	v13 =	vmul.f32 v19, v37;
	v12 =	vmul.f32 v19, v46  }
0x179: {  	v14 =	vmul.f32 v19, v38;
	v0 =	vmin.f32 v0, v5;
	v5 =	vmul.f32 v19, v39  }
0x17a: {  	v6 =	vsub.f32 v6, v16;
	v16 =	vmul.f32 v19, v40;
	v17 =	vmul.f32 v52, v45  }
0x17b: {  	v4 =	vmin.f32 v4, v7;
	v7 =	vld [tilespmem:s18+$0xA000];
	v60 =	vmul.f32 v19, v41;
	v61 =	vmul.f32 v19, v42  }
0x17c: {  	v19 =	vmul.f32 v19, v43;
	v12 =	vsub.f32 v18, v12;
	v13 =	vsub.f32 v18, v13  }
0x17d: {  	v31 =	vmul.f32 v52, v31;
	v14 =	vsub.f32 v18, v14;
	v5 =	vsub.f32 v18, v5  }
0x17e: {  	v32 =	vmul.f32 v52, v32;
	v16 =	vsub.f32 v18, v16;
	v62 =	vsub.f32 v18, v60  }
0x17f: {  	v34 =	vmul.f32 v52, v34;
	v63 =	vsub.f32 v18, v61;
	v18 =	vsub.f32 v18, v19  }
0x180: {  	v19 =	vmul.f32 v52, v30;
	v12 =	vsub.f32 v12, v17;
	v17 =	vmul.f32 v7, v44  }
0x181: {  	v30 =	vmul.f32 v52, v35;
	v23 =	vmul.f32 v7, v23  }
0x182: {  	v13 =	vsub.f32 v13, v31;
	v12 =	vsub.f32 v12, v17;
	v17 =	vmul.f32 v52, v33  }
0x183: {  	v24 =	vmul.f32 v7, v24;
	v14 =	vsub.f32 v14, v32;
	v16 =	vsub.f32 v16, v34  }
0x184: {  	v19 =	vsub.f32 v62, v19;
	v5 =	vsub.f32 v5, v17;
	v17 =	vmul.f32 v52, v36  }
0x185: {  	v15 =	vmin.f32 v48, v15;
	v30 =	vsub.f32 v63, v30;
	v13 =	vsub.f32 v13, v23  }
0x186: {  	v14 =	vsub.f32 v14, v24;
	v17 =	vsub.f32 v18, v17;
	v18 =	vmul.f32 v7, v25  }
0x187: {  	v23 =	vmul.f32 v7, v26;
	v24 =	vmul.f32 v7, v27;
	v13 =	vmin.f32 v15, v13  }
0x188: {  	v3 =	vmin.f32 v3, v14;
	v14 =	vperm.xlane v13, v8;
	v5 =	vsub.f32 v5, v18  }
0x189: {  	v6 =	vmin.f32 v50, v6;
	v16 =	vsub.f32 v16, v23;
	v15 =	vsub.f32 v19, v24  }
0x18a: {  	v13 =	vmin.f32 v13, v14;
	v4 =	vmin.f32 v4, v5;
	v5 =	vperm.xlane v3, v8  }
0x18b: {  	v25 =	vmul.f32 v7, v28;
	v1 =	vmin.f32 v1, v16;
	v16 =	vperm.xlane v13, v9  }
0x18c: {  	v7 =	vmul.f32 v7, v29;
	v14 =	vperm.xlane v4, v8;
	v3 =	vmin.f32 v3, v5  }
0x18d: {  	v13 =	vmin.f32 v13, v16;
	v5 =	vmin.f32 v6, v15;
	v6 =	vperm.xlane v3, v9  }
0x18e: {  	v7 =	vsub.f32 v17, v7;
	v15 =	vperm.xlane v13, v10;
	v4 =	vmin.f32 v4, v14  }
0x18f: {  	v14 =	vperm.xlane v4, v9;
	v3 =	vmin.f32 v3, v6;
	v6 =	vperm.xlane v1, v8  }
0x190: {  	v0 =	vmin.f32 v0, v7;
	v23 =	vmin.f32 v13, v15;
	v7 =	vperm.xlane v3, v10  }
0x191: {  	v4 =	vmin.f32 v4, v14;
	v1 =	vmin.f32 v1, v6;
	v6 =	vperm.xlane v23, v11  }
0x192: {  	v18 =	vsub.f32 v30, v25;
	v13 =	vperm.xlane v4, v10;
	v25 =	vmin.f32 v3, v7  }
0x193: {  	[tilespmem:$0x1FF80] =	vst v6;
	v6 =	vperm.xlane v25, v11  }
0x194: {  	v26 =	vmin.f32 v4, v13  }
0x195: {  	v4 =	vperm.xlane v5, v8;
	[tilespmem:$0x1FF90] =	vst v6;
	v6 =	vperm.xlane v26, v11  }
0x196: {  	v12 =	vmin.f32 v47, v12;
	v2 =	vmin.f32 v2, v18;
	v3 =	vperm.xlane v1, v9  }
0x197: {  	v4 =	vmin.f32 v5, v4;
	v5 =	vperm.xlane v0, v8;
	[tilespmem:$0x1FFA0] =	vst v6;
	v6 =	vperm.xlane v12, v8  }
0x198: {  	v1 =	vmin.f32 v1, v3;
	v3 =	vperm.xlane v2, v8;
	v13 =	vperm.xlane v4, v9  }
0x199: {  	v7 =	vperm.xlane v1, v10;
	v0 =	vmin.f32 v0, v5;
	v5 =	vmin.f32 v12, v6  }
0x19a: {  	v2 =	vmin.f32 v2, v3;
	v4 =	vmin.f32 v4, v13;
	v12 =	vperm.xlane v5, v9  }
0x19b: {  	v32 =	vmin.f32 v1, v7;
	v6 =	vperm.xlane v0, v9;
	v1 =	vperm.xlane v4, v10  }
0x19c: {  	v3 =	vperm.xlane v2, v9;
	v5 =	vmin.f32 v5, v12  }
0x19d: {  	v0 =	vmin.f32 v0, v6;
	v34 =	vmin.f32 v4, v1;
	v4 =	vperm.xlane v5, v10  }
0x19e: {  	v2 =	vmin.f32 v2, v3;
	v1 =	vperm.xlane v0, v10  }
0x19f: {  	v3 =	vperm.xlane v2, v10;
	v29 =	vmin.f32 v5, v4  }
0x1a0: {  	v31 =	vmin.f32 v0, v1;
	v0 =	vperm.xlane v29, v11  }
0x1a1: {  	v38 =	vperm.xlane v32, v11;
	v35 =	vmin.f32 v2, v3;
	v3 =	vimm.s32 $0xE  }
0x1a2: {  	v37 =	vperm.xlane v34, v11;
	v59 =	vperm.xlane v20, v3;
	[tilespmem:$0x1FFB0] =	vst v0;
	v0 =	vimm.s32 $0x8  }
0x1a3: {  	v52 =	vperm.xlane v21, v3;
	v1 =	vimm.s32 $0xD;
	v53 =	vperm.xlane v20, v0  }
0x1a4: {  	v46 =	vperm.xlane v21, v0;
	v39 =	vperm.xlane v22, v0;
	v0 =	vimm.s32 $0x9  }
0x1a5: {  	v58 =	vperm.xlane v20, v1;
	v54 =	vperm.xlane v20, v0  }
0x1a6: {  	v47 =	vperm.xlane v21, v0;
	v40 =	vperm.xlane v22, v0;
	v0 =	vimm.s32 $0xA  }
0x1a7: {  	v51 =	vperm.xlane v21, v1;
	v55 =	vperm.xlane v20, v0  }
0x1a8: {  	v48 =	vperm.xlane v21, v0;
	v41 =	vperm.xlane v22, v0;
	v0 =	vimm.s32 $0xB  }
0x1a9: {  	s17 =	simm.s32 $0x0;
	v44 =	vperm.xlane v22, v1;
	v56 =	vperm.xlane v20, v0  }
0x1aa: {  	v1 =	vld [tilespmem:s17+$0x9000];
	v49 =	vperm.xlane v21, v0;
	v42 =	vperm.xlane v22, v0;
	v0 =	vimm.s32 $0xC  }
0x1ab: {  	v45 =	vperm.xlane v22, v3;
	v57 =	vperm.xlane v20, v0  }
0x1ac: {  	v3 =	vimm.s32 $0xF;
	v50 =	vperm.xlane v21, v0;
	v43 =	vperm.xlane v22, v0;
	v0 =	vld [tilespmem:s17+$0x8000]  }
0x1ad: {  	v36 =	vperm.xlane v35, v11;
	v60 =	vperm.xlane v20, v3  }
0x1ae: {  	v33 =	vperm.xlane v31, v11;
	v21 =	vperm.xlane v21, v3  }
0x1af: {  	v2 =	vld [tilespmem:s17+$0xB000];
	v15 =	vmul.f32 v1, v46;
	v16 =	vmul.f32 v1, v47  }
0x1b0: {  	v20 =	vperm.xlane v22, v3;
	v12 =	vmul.f32 v1, v21  }
0x1b1: {  	v3 =	vmul.f32 v0, v53;
	v4 =	vmul.f32 v0, v60  }
0x1b2: {  	v61 =	vimm.f32 $3.000000010e+38;
	v62 =	vld [tilespmem:s17+$0xA000];
	v5 =	vmul.f32 v0, v54;
	v6 =	vmul.f32 v0, v55  }
0x1b3: {  	v63 =	vimm.f32 $3.000000010e+38;
	v7 =	vmul.f32 v0, v56;
	v13 =	vmul.f32 v0, v57  }
0x1b4: {  	v14 =	vmul.f32 v0, v58;
	v4 =	vsub.f32 v2, v4;
	v3 =	vsub.f32 v2, v3  }
0x1b5: {  	v0 =	vmul.f32 v0, v59;
	v5 =	vsub.f32 v2, v5;
	v6 =	vsub.f32 v2, v6  }
0x1b6: {  	v17 =	vsub.f32 v2, v7;
	v7 =	vmul.f32 v1, v48;
	v18 =	vsub.f32 v2, v14  }
0x1b7: {  	v0 =	vsub.f32 v2, v0;
	v4 =	vsub.f32 v4, v12;
	v12 =	vmul.f32 v62, v20  }
0x1b8: {  	v14 =	vsub.f32 v5, v16;
	v7 =	vsub.f32 v6, v7;
	v16 =	vmul.f32 v62, v40  }
0x1b9: {  	v4 =	vsub.f32 v4, v12;
	v12 =	vsub.f32 v2, v13;
	v13 =	vmul.f32 v1, v49  }
0x1ba: {  	v2 =	vsub.f32 v3, v15;
	v3 =	vmul.f32 v1, v50;
	v15 =	vmul.f32 v62, v39  }
0x1bb: {  	v22 =	vmin.f32 v61, v4;
	v4 =	vmul.f32 v1, v51;
	v13 =	vsub.f32 v17, v13  }
0x1bc: {  	v1 =	vmul.f32 v1, v52;
	v6 =	vsub.f32 v12, v3;
	v15 =	vsub.f32 v2, v15  }
0x1bd: {  	v17 =	vmul.f32 v62, v42;
	v2 =	vimm.f32 $3.000000010e+38;
	v3 =	vimm.f32 $3.000000010e+38  }
0x1be: {  	v12 =	vsub.f32 v18, v4;
	v5 =	vsub.f32 v0, v1;
	v18 =	vmul.f32 v62, v41  }
0x1bf: {  	s18 =	simm.s32 $0x10;
	s17 =	simm.s32 $0x80;
	v4 =	vimm.f32 $3.000000010e+38;
	v0 =	vimm.f32 $3.000000010e+38;
	v1 =	vimm.f32 $3.000000010e+38  }
.LBB2_15:
0x1c0: {  	p0 =	sne.s32 s17, $0x3FC0;
	v19 =	vld [tilespmem:s18+$0x8000];
	v14 =	vsub.f32 v14, v16;
	v16 =	vmul.f32 v62, v43;
	v24 =	vmul.f32 v62, v44  }
0x1c1: {  	v27 =	vld [tilespmem:s18+$0x9000];
	v7 =	vsub.f32 v7, v18;
	v13 =	vsub.f32 v13, v17;
	v17 =	vmul.f32 v62, v45  }
0x1c2: {  	v61 =	vmin.f32 v61, v15;
	v18 =	vld [tilespmem:s18+$0xB000];
	v6 =	vsub.f32 v6, v16;
	v12 =	vsub.f32 v12, v24  }
0x1c3: {  	v4 =	vmin.f32 v4, v14;
	v2 =	vmin.f32 v2, v7;
	v5 =	vsub.f32 v5, v17  }
0x1c4: {  	v0 =	vmin.f32 v0, v13;
	v62 =	vld [tilespmem:s18+$0xA000];
	v3 =	vmin.f32 v3, v6;
	v1 =	vmin.f32 v1, v12  }
0x1c5: {  	v6 =	vmul.f32 v19, v53;
	v7 =	vmul.f32 v19, v60;
	v63 =	vmin.f32 v63, v5  }
0x1c6: {  	v5 =	vmul.f32 v19, v54;
	v12 =	vmul.f32 v19, v55  }
0x1c7: {  	v13 =	vmul.f32 v19, v56;
	v14 =	vmul.f32 v27, v21;
	v7 =	vsub.f32 v18, v7  }
0x1c8: {  	v15 =	vmul.f32 v19, v57;
	v16 =	vmul.f32 v19, v58;
	v6 =	vsub.f32 v18, v6  }
0x1c9: {  	v17 =	vmul.f32 v19, v59;
	v7 =	vsub.f32 v7, v14;
	v14 =	vmul.f32 v62, v20  }
0x1ca: {  	v19 =	vmul.f32 v27, v46;
	v5 =	vsub.f32 v18, v5;
	v12 =	vsub.f32 v18, v12  }
0x1cb: {  	v24 =	vmul.f32 v27, v47;
	v13 =	vsub.f32 v18, v13;
	v7 =	vsub.f32 v7, v14  }
0x1cc: {  	v28 =	vmul.f32 v27, v48;
	v15 =	vsub.f32 v18, v15;
	v30 =	vsub.f32 v18, v16  }
0x1cd: {  	v16 =	vmul.f32 v27, v49;
	v17 =	vsub.f32 v18, v17;
	v22 =	vmin.f32 v22, v7  }
.Ltmp6:
0x1ce: {  	v18 =	vsub.f32 v6, v19;
	v6 =	vmul.f32 v27, v50;
	v19 =	vmul.f32 v27, v51;
	(pc) =	sbr.rel @p0 .LBB2_15-.Ltmp6, $4  }
0x1cf: {  	v14 =	vsub.f32 v5, v24;
	v5 =	vmul.f32 v27, v52;
	v7 =	vsub.f32 v12, v28  }
0x1d0: {  	v13 =	vsub.f32 v13, v16;
	v24 =	vmul.f32 v62, v39;
	v6 =	vsub.f32 v15, v6  }
0x1d1: {  	v16 =	vmul.f32 v62, v40;
	v12 =	vsub.f32 v30, v19;
	v5 =	vsub.f32 v17, v5  }
0x1d2: {  	s18 =	sshra.s32 s17, $0x2;
	s17 =	sadd.s32 $0x40, s17;
	v15 =	vsub.f32 v18, v24;
	v18 =	vmul.f32 v62, v41;
	v17 =	vmul.f32 v62, v42  }
0x1d3: {  	v19 =	vld [tilespmem:s18+$0x8000]  }
0x1d4: {  	v24 =	vld [tilespmem:s18+$0x9000];
	v14 =	vsub.f32 v14, v16  }
0x1d5: {  	v16 =	vmul.f32 v62, v43;
	v28 =	vmul.f32 v62, v44;
	v34 =	vmin.f32 v34, v37  }
0x1d6: {  	v7 =	vsub.f32 v7, v18;
	v13 =	vsub.f32 v13, v17;
	v15 =	vmin.f32 v61, v15  }
0x1d7: {  	v6 =	vsub.f32 v6, v16;
	v12 =	vsub.f32 v12, v28;
	v28 =	vmul.f32 v62, v45  }
0x1d8: {  	v18 =	vld [tilespmem:s18+$0xA000];
	v4 =	vmin.f32 v4, v14;
	v2 =	vmin.f32 v2, v7;
	v61 =	vmul.f32 v19, v60  }
0x1d9: {  	v27 =	vld [tilespmem:s18+$0xB000];
	v0 =	vmin.f32 v0, v13;
	v60 =	vmul.f32 v24, v21;
	v62 =	vmul.f32 v19, v54  }
0x1da: {  	v5 =	vsub.f32 v5, v28;
	v21 =	vmul.f32 v19, v56;
	v28 =	vmul.f32 v19, v57  }
0x1db: {  	v3 =	vmin.f32 v3, v6;
	v46 =	vmul.f32 v24, v46;
	v47 =	vmul.f32 v24, v47  }
0x1dc: {  	v1 =	vmin.f32 v1, v12;
	v48 =	vmul.f32 v24, v48;
	v54 =	vmul.f32 v24, v50  }
0x1dd: {  	v56 =	vmul.f32 v24, v52;
	v7 =	vmul.f32 v18, v20;
	v5 =	vmin.f32 v63, v5  }
0x1de: {  	v57 =	vmul.f32 v18, v39;
	v30 =	vsub.f32 v27, v61;
	v13 =	vsub.f32 v27, v62  }
0x1df: {  	v61 =	vmul.f32 v19, v53;
	v14 =	vsub.f32 v27, v21;
	v16 =	vsub.f32 v27, v28  }
0x1e0: {  	v53 =	vmul.f32 v24, v49;
	v62 =	vmul.f32 v18, v44;
	v6 =	vsub.f32 v30, v60  }
0x1e1: {  	v12 =	vsub.f32 v27, v61;
	v30 =	vmul.f32 v19, v58;
	v13 =	vsub.f32 v13, v47  }
0x1e2: {  	v14 =	vsub.f32 v14, v53;
	v16 =	vsub.f32 v16, v54;
	v58 =	vmul.f32 v18, v40  }
0x1e3: {  	v60 =	vmul.f32 v18, v42;
	v61 =	vmul.f32 v18, v43;
	v6 =	vsub.f32 v6, v7  }
0x1e4: {  	v7 =	vmul.f32 v19, v55;
	v19 =	vmul.f32 v19, v59;
	v17 =	vsub.f32 v27, v30  }
0x1e5: {  	v28 =	vld [tilespmem:$0x1FFA0];
	v12 =	vsub.f32 v12, v46;
	v55 =	vmul.f32 v24, v51;
	v59 =	vmul.f32 v18, v41  }
0x1e6: {  	v13 =	vsub.f32 v13, v58;
	v14 =	vsub.f32 v14, v60;
	v18 =	vmul.f32 v18, v45  }
0x1e7: {  	v63 =	vsub.f32 v16, v61;
	v30 =	vmin.f32 v32, v38;
	v38 =	vmin.f32 v35, v36  }
0x1e8: {  	v43 =	vld [tilespmem:$0x1FFB0];
	v41 =	vmin.f32 v31, v33;
	v7 =	vsub.f32 v27, v7;
	v19 =	vsub.f32 v27, v19  }
0x1e9: {  	v24 =	vld [tilespmem:$0x1FF80];
	v6 =	vmin.f32 v22, v6;
	v17 =	vsub.f32 v17, v55;
	v12 =	vsub.f32 v12, v57  }
0x1ea: {  	v4 =	vmin.f32 v4, v13;
	v0 =	vmin.f32 v0, v14;
	v14 =	vmin.f32 v26, v28  }
0x1eb: {  	v3 =	vmin.f32 v3, v63;
	v37 =	vperm.xlane v4, v8;
	v45 =	vperm.xlane v0, v8  }
0x1ec: {  	v27 =	vld [tilespmem:$0x1FF90];
	v51 =	vperm.xlane v3, v8;
	v54 =	vperm.xlane v6, v8;
	v7 =	vsub.f32 v7, v48  }
0x1ed: {  	v19 =	vsub.f32 v19, v56;
	v12 =	vmin.f32 v15, v12;
	v22 =	vsub.f32 v17, v62  }
0x1ee: {  	v15 =	vmin.f32 v29, v43;
	v13 =	vmin.f32 v23, v24;
	v32 =	vperm.xlane v12, v8  }
0x1ef: {  	v4 =	vmin.f32 v4, v37;
	v0 =	vmin.f32 v0, v45;
	v3 =	vmin.f32 v3, v51  }
0x1f0: {  	v7 =	vsub.f32 v7, v59;
	v40 =	vperm.xlane v4, v9;
	v48 =	vperm.xlane v0, v9  }
0x1f1: {  	v1 =	vmin.f32 v1, v22;
	v53 =	vperm.xlane v3, v9;
	v17 =	vmin.f32 v25, v27  }
0x1f2: {  	v12 =	vmin.f32 v12, v32;
	v52 =	vperm.xlane v1, v8;
	v2 =	vmin.f32 v2, v7  }
0x1f3: {  	v7 =	vsub.f32 v19, v18;
	v13 =	vsel vm0, v13, v17;
	v17 =	vperm.xlane v12, v9  }
0x1f4: {  	v4 =	vmin.f32 v4, v40;
	v0 =	vmin.f32 v0, v48;
	v39 =	vperm.xlane v2, v8  }
0x1f5: {  	v3 =	vmin.f32 v3, v53;
	v13 =	vsel vm1, v13, v14;
	v44 =	vperm.xlane v4, v10  }
0x1f6: {  	v50 =	vperm.xlane v0, v10;
	v1 =	vmin.f32 v1, v52;
	v2 =	vmin.f32 v2, v39  }
0x1f7: {  	v13 =	vsel vm2, v13, v30;
	v12 =	vmin.f32 v12, v17;
	v42 =	vperm.xlane v2, v9  }
0x1f8: {  	v5 =	vmin.f32 v5, v7;
	v13 =	vsel vm3, v13, v34;
	v17 =	vperm.xlane v12, v10  }
0x1f9: {  	v4 =	vmin.f32 v4, v44;
	v0 =	vmin.f32 v0, v50;
	v2 =	vmin.f32 v2, v42  }
0x1fa: {  	v7 =	vperm.xlane v5, v8;
	v12 =	vmin.f32 v12, v17;
	v46 =	vperm.xlane v2, v10  }
0x1fb: {  	v13 =	vsel vm4, v13, v38;
	v47 =	vperm.xlane v4, v11;
	v17 =	vperm.xlane v12, v11  }
0x1fc: {  	v55 =	vperm.xlane v0, v11;
	v13 =	vsel vm5, v13, v41;
	v2 =	vmin.f32 v2, v46  }
0x1fd: {  	v13 =	vsel vm6, v13, v15;
	v12 =	vmin.f32 v12, v17;
	v49 =	vperm.xlane v2, v11  }
0x1fe: {  	v5 =	vmin.f32 v5, v7;
	v4 =	vmin.f32 v4, v47;
	v12 =	vsel vm7, v13, v12  }
0x1ff: {  	v7 =	vperm.xlane v1, v9;
	v4 =	vsel vm8, v12, v4;
	v2 =	vmin.f32 v2, v49  }
0x200: {  	v56 =	vperm.xlane v5, v9;
	v2 =	vsel vm9, v4, v2;
	v4 =	vmin.f32 v6, v54  }
0x201: {  	v1 =	vmin.f32 v1, v7;
	v6 =	vperm.xlane v3, v10;
	v7 =	vperm.xlane v4, v9  }
0x202: {  	v0 =	vmin.f32 v0, v55;
	v5 =	vmin.f32 v5, v56;
	v57 =	vperm.xlane v1, v10  }
0x203: {  	v3 =	vmin.f32 v3, v6;
	v6 =	vperm.xlane v5, v10;
	v4 =	vmin.f32 v4, v7  }
0x204: {  	v1 =	vmin.f32 v1, v57;
	v7 =	vperm.xlane v3, v11;
	v58 =	vperm.xlane v4, v10  }
0x205: {  	v60 =	vperm.xlane v1, v11;
	v0 =	vsel vm10, v2, v0;
	v59 =	vmin.f32 v5, v6  }
0x206: {  	v3 =	vmin.f32 v3, v7;
	v6 =	vperm.xlane v59, v11;
	v7 =	vld [tilespmem:s16+$0xF000];
	v4 =	vmin.f32 v4, v58  }
0x207: {  	v1 =	vmin.f32 v1, v60;
	v0 =	vsel vm11, v0, v3;
	v61 =	vperm.xlane v4, v11  }
0x208: {  	s14 =	sadd.s32 $0x1, s14;
	v0 =	vsel vm12, v0, v1;
	v62 =	vmin.f32 v59, v6  }
0x209: {  	p0 =	sne.s32 s14, $0x8;
	v0 =	vsel vm13, v0, v62;
	v63 =	vmin.f32 v4, v61  }
.Ltmp7:
0x20a: {  	v0 =	vsel vm14, v0, v63;
	(pc) =	sbr.rel @p0 .LBB2_12-.Ltmp7, $3  }
0x20b: {  	v0 =	vadd.f32 v0, v7;
	_ =	sdelay $0x1  }
0x20c: {  	v0 =	vmax.f32 v0, $0.0e+00  }
0x20d: {  	[tilespmem:s15+$0x10080] =	vst v0  }
0x20e: {  	s13 =	sadd.s32 $0x1, s13  }
0x20f: {  	p0 =	sne.s32 s13, s8  }
.Ltmp8:
0x210: {  	_ = 	snop;
	(pc) =	sbr.rel @p0 .LBB2_1-.Ltmp8, $4  }
0x211: {  	[hbm4b:s7+s4] =	stream.linear.scatter [tilespmem:s12], [sflag:$0x1], $0x80, $0x38;
	[tilespmem:$0x10100] =	vst v63  }
0x212: {  	_ =	swait.ge [sflag:s9], $0x80  }
0x213: {  	[sflag:s9] =	ssyncset.done $0x0  }
0x214: {  	[sflag:s9] =	ssyncadd.s32 $0xFFFFFF80  }
0x215: {  	_ =	sfence.sel $0x180000  }
0x216: {  	[bflag:$0x0] =	sbarrier.arrive $0xFFFF  }
0x217: {  	p0 =	sne.s32 s1, $0x0;
	_ =	strace $0x90000047  }
0x218: {  	s0 =	sadd.s32 @!p0 $0x100000, s3;
	[bflag:$0x2] =	sbarrier.arrive $0xFFFF  }
0x219: {  	[sflag:s0] =	ssyncadd.tile.s32 @!p0 $0x1;
	_ =	shalt  }
.Lfunc_end2:
_tile_overlayer_lowered:
.L_overlay_start_2:
0x21a: {  	(tag) =	ssettag $0x2  }
0x21b: {  	s0 =	rddreg [dreg:$0x0];
	s2 =	stileid.u32  }
0x21c: {  	s1 =	rddreg [dreg:$0x1];
	p0 =	sne.s32 s2, $0x0  }
0x21d: {  	s3 =	rddreg [dreg:$0x2];
	[bflag:$0x3] =	sbarrier.arrive $0xFFFF;
	s2 =	simm.s32 @!p0 $0x1C01  }
0x21e: {  	[timem:s3], [sflag:s2] =	dma.local @!p0 [hbm:s0], s1  }
0x21f: {  	s0 =	simm.s32 @!p0 $0x1  }
0x220: {  	_ =	swait.ge @!p0 [sflag:s0], s1  }
0x221: {  	s1 =	ssub.s32 @!p0 $0x0, s1;
	[sflag:s0] =	ssyncset.done @!p0 $0x0  }
0x222: {  	[sflag:s0] =	ssyncadd.s32 @!p0 s1  }
0x223: {  	[bflag:$0x3] =	sbarrier.arrive $0xFFFF  }
0x224: {  	_ =	shalt  }

</sc_bundles>
